<compile_context>
chip_gen: v7x
topology: tpu7x:2x2x1
jax: 0.10.2.dev20260603
libtpu: 0.0.44.dev20260713+nightly
codegen_flags: <defaults>
</compile_context>

<pallas_src>
import functools

import jax
import jax.numpy as jnp
from jax import lax
from jax.experimental import pallas as pl
from jax.experimental.pallas import tpu as pltpu
from jax.experimental.pallas import tpu_sc as plsc

NC = 2
NS = 16
NW = NC * NS


def _row_split(n):
    rtb = (n // (NS * 8)) * 8
    tail = n - rtb * NS
    return rtb, tail



def _copy_rows(src, dst, s, rtb, tail, ns_base):
    pltpu.sync_copy(src.at[pl.ds(s * rtb, rtb)], dst.at[pl.ds(s * rtb, rtb)])
    if tail:
        @pl.when(s == NS - 1)
        def _():
            pltpu.sync_copy(src.at[pl.ds(ns_base, tail)],
                            dst.at[pl.ds(ns_base, tail)])


def _deg_body(n, nchunk, chunk, ring, dst_hbm, ones_hbm, zeros_hbm, out_hbm,
              *rest):
    idx = rest[0:ring]
    ones_v = rest[ring]
    sem_i = rest[ring + 1:2 * ring + 1]
    cnt_sh = rest[2 * ring + 1]
    rtb, tail = _row_split(n)
    c = lax.axis_index("c")
    s = lax.axis_index("s")
    wid = s * NC + c
    ebase = wid * (nchunk * chunk)

    def idx_issue(g, q):
        off = pl.multiple_of(ebase + g * chunk, 8)
        pltpu.async_copy(dst_hbm.at[pl.ds(off, chunk)], idx[q], sem_i[q])

    def idx_wait(g, q):
        off = pl.multiple_of(ebase + g * chunk, 8)
        pltpu.make_async_copy(dst_hbm.at[pl.ds(off, chunk)], idx[q],
                              sem_i[q]).wait()

    pltpu.sync_copy(ones_hbm, ones_v)
    for q in range(ring):
        idx_issue(q, q)
    _copy_rows(zeros_hbm, cnt_sh, s, rtb, tail, NS * rtb)
    plsc.subcore_barrier()

    def outer(i, carry):
        for b in range(ring):
            g = i * ring + b
            idx_wait(g, b)
            pltpu.sync_copy(ones_v, cnt_sh.at[idx[b]], add=True)

            @pl.when(g + ring < nchunk)
            def _():
                idx_issue(g + ring, b)
        return carry

    lax.fori_loop(0, nchunk // ring, outer, 0)
    plsc.subcore_barrier()
    _copy_rows(cnt_sh, out_hbm.at[c], s, rtb, tail, NS * rtb)


def _agg_body(n, nchunk, chunk, ring, hp_hbm, src_hbm, dst_hbm, zeros_hbm,
              out_hbm, rows_v, *rest):
    k = ring - 1
    nq = 2 * ring
    sidx_v = rest[0:nq]
    didx_v = rest[nq:2 * nq]
    rest = rest[2 * nq:]
    sem_si = rest[0:nq]
    sem_di = rest[nq:2 * nq]
    sem_g = rest[2 * nq:2 * nq + ring]
    sem_sc = rest[2 * nq + ring:2 * nq + 2 * ring]
    acc_sh = rest[2 * nq + 2 * ring]
    rtb, tail = _row_split(n)
    c = lax.axis_index("c")
    s = lax.axis_index("s")
    wid = s * NC + c
    ebase = wid * (nchunk * chunk)

    def idx_issue(g, q):
        off = pl.multiple_of(ebase + g * chunk, 8)
        pltpu.async_copy(src_hbm.at[pl.ds(off, chunk)], sidx_v[q], sem_si[q])
        pltpu.async_copy(dst_hbm.at[pl.ds(off, chunk)], didx_v[q], sem_di[q])

    def si_wait(g, q):
        off = pl.multiple_of(ebase + g * chunk, 8)
        pltpu.make_async_copy(src_hbm.at[pl.ds(off, chunk)], sidx_v[q],
                              sem_si[q]).wait()

    def di_wait(g, q):
        off = pl.multiple_of(ebase + g * chunk, 8)
        pltpu.make_async_copy(dst_hbm.at[pl.ds(off, chunk)], didx_v[q],
                              sem_di[q]).wait()

    def gather_issue(qi, qr):
        pltpu.async_copy(hp_hbm.at[sidx_v[qi]], rows_v.at[qr], sem_g[qr])

    def gather_wait(qi, qr):
        pltpu.make_async_copy(hp_hbm.at[sidx_v[qi]], rows_v.at[qr],
                              sem_g[qr]).wait()

    def scatter_issue(qi, qr):
        pltpu.async_copy(rows_v.at[qr], acc_sh.at[didx_v[qi]], sem_sc[qr],
                         add=True)

    def scatter_wait(qi, qr):
        pltpu.make_async_copy(rows_v.at[qr], acc_sh.at[didx_v[qi]],
                              sem_sc[qr]).wait()

    for q in range(nq - 1):
        idx_issue(q, q)
    _copy_rows(zeros_hbm, acc_sh, s, rtb, tail, NS * rtb)
    plsc.subcore_barrier()
    for g in range(k):
        si_wait(g, g)
        gather_issue(g % nq, g % ring)

    def outer(i, carry):
        for b in range(nq):
            g = i * nq + b
            br = b % ring
            qp = (b - 1) % nq
            qpr = (b - 1) % ring
            qk = (b + k) % nq
            qkr = (b + k) % ring

            @pl.when(g >= 1)
            def _():
                scatter_wait(qp, qpr)

            @pl.when(g + nq - 1 < nchunk)
            def _():
                idx_issue(g + nq - 1, qp)

            @pl.when(g + k < nchunk)
            def _():
                si_wait(g + k, qk)
                gather_issue(qk, qkr)

            gather_wait(b, br)
            di_wait(g, b)
            scatter_issue(b, br)
        return carry

    lax.fori_loop(0, nchunk // nq, outer, 0)
    scatter_wait((nchunk - 1) % nq, (nchunk - 1) % ring)
    plsc.subcore_barrier()
    _copy_rows(acc_sh, out_hbm.at[c], s, rtb, tail, NS * rtb)


def _sc_deg(dst, n, d, zeros_nd, chunk=40, ring=5):
    e = dst.shape[0]
    nchunk = e // (NW * chunk)
    mesh = plsc.VectorSubcoreMesh(core_axis_name="c", subcore_axis_name="s")
    ones = jnp.ones((chunk, d), jnp.float32)
    f = functools.partial(
        pl.kernel,
        out_type=jax.ShapeDtypeStruct((NC, n, d), jnp.float32),
        mesh=mesh,
        scratch_types=(
            [pltpu.VMEM((chunk,), jnp.int32)] * ring
            + [pltpu.VMEM((chunk, d), jnp.float32)]
            + [pltpu.SemaphoreType.DMA] * ring
            + [pltpu.VMEM_SHARED((n, d), jnp.float32)]
        ),
    )(functools.partial(_deg_body, n, nchunk, chunk, ring))
    return f(dst, ones, zeros_nd)


def _sc_agg(hp, src, dst, zeros_nd, chunk=40, ring=5):
    n, d = hp.shape
    e = src.shape[0]
    nchunk = e // (NW * chunk)
    mesh = plsc.VectorSubcoreMesh(core_axis_name="c", subcore_axis_name="s")
    f = functools.partial(
        pl.kernel,
        out_type=jax.ShapeDtypeStruct((NC, n, d), jnp.float32),
        mesh=mesh,
        scratch_types=(
            [pltpu.VMEM((ring, chunk, d), jnp.float32)]
            + [pltpu.VMEM((chunk,), jnp.int32)] * (4 * ring)
            + [pltpu.SemaphoreType.DMA] * (6 * ring)
            + [pltpu.VMEM_SHARED((n, d), jnp.float32)]
        ),
    )(functools.partial(_agg_body, n, nchunk, chunk, ring))
    return f(hp, src, dst, zeros_nd)



def _dis_of(cnt_ref):
    cnt = cnt_ref[0] + cnt_ref[1]
    return lax.rsqrt(cnt + 1.0)[:, 0:1]


def _l1_body(x_ref, w_ref, cnt_ref, hp_ref):
    dis = _dis_of(cnt_ref)
    hp_ref[...] = jnp.dot(x_ref[...], w_ref[...],
                          preferred_element_type=jnp.float32) * dis


def _l2_body(parts_ref, hp1_ref, cnt_ref, b1_ref, w2_ref, hp2_ref):
    dis = _dis_of(cnt_ref)
    h1 = dis * (parts_ref[0] + parts_ref[1] + hp1_ref[...]) + b1_ref[...]
    h1 = jnp.maximum(h1, 0.0)
    hp2_ref[...] = jnp.dot(h1, w2_ref[...],
                           preferred_element_type=jnp.float32) * dis


def _fin_body(parts_ref, hp2_ref, cnt_ref, b2_ref, seg_ref, wout_ref, bout_ref,
              out_ref):
    g = out_ref.shape[0]
    n = hp2_ref.shape[0]
    dis = _dis_of(cnt_ref)
    h2 = dis * (parts_ref[0] + parts_ref[1] + hp2_ref[...]) + b2_ref[...]
    gids = lax.broadcasted_iota(jnp.int32, (g, n), 0)
    onehot = (gids == seg_ref[...]).astype(jnp.float32)
    sums = jnp.dot(onehot, h2, preferred_element_type=jnp.float32)
    cnts = jnp.sum(onehot, axis=1, keepdims=True)
    pooled = sums / jnp.maximum(cnts, 1.0)
    out_ref[...] = jnp.dot(pooled, wout_ref[...],
                           preferred_element_type=jnp.float32) + bout_ref[...]


def _tc(body, out_shape):
    return pl.pallas_call(body, out_shape=out_shape)



def kernel(x, edge_index, batch_seg, W1, b1, W2, b2, W_out, b_out):
    n, d = x.shape
    chunk = 40
    e = edge_index.shape[1]
    nchunk = e // (NW * chunk)
    src = edge_index[0]
    dst = edge_index[1]
    zeros_nd = jnp.zeros((n, d), jnp.float32)

    cnt_parts = _sc_deg(dst, n, d, zeros_nd, chunk)

    hp1 = _tc(_l1_body, jax.ShapeDtypeStruct((n, d), jnp.float32))(
        x, W1, cnt_parts)
    parts1 = _sc_agg(hp1, src, dst, zeros_nd, chunk)

    hp2 = _tc(_l2_body, jax.ShapeDtypeStruct((n, d), jnp.float32))(
        parts1, hp1, cnt_parts, b1, W2)
    parts2 = _sc_agg(hp2, src, dst, zeros_nd, chunk)

    seg2d = batch_seg.reshape(1, n)
    ng = 64
    out = _tc(_fin_body, jax.ShapeDtypeStruct((ng, W_out.shape[1]), jnp.float32))(
        parts2, hp2, cnt_parts, b2, seg2d, W_out, b_out)
    return out

# --- scband reference (transcript-rebuilt; emitter-appended) ---
"""Pipeline reference for scband-spectra-gnn-40450001994134 (READ-ONLY COPY).

The authoritative reference and input builder live on the scoring server;
editing this copy changes nothing except your own understanding.
"""

import jax, jax.numpy as jnp
import numpy as np

N = 10000
E = 320000
D = 128
G = 64
T = 8


def setup_inputs(seed: int = 0) -> dict:
    key = jax.random.key(seed)
    ks = jax.random.split(key, 10)
    x = jax.random.normal(ks[0], (N, D), dtype=jnp.float32)
    edge_index = jax.random.randint(ks[1], (2, E), 0, N, dtype=jnp.int32)
    batch_seg = jnp.sort(jax.random.randint(ks[2], (N,), 0, G, dtype=jnp.int32))
    s1 = 1.0 / np.sqrt(D)
    W1 = jax.random.normal(ks[3], (D, D), dtype=jnp.float32) * s1
    b1 = jnp.zeros((D,), dtype=jnp.float32)
    W2 = jax.random.normal(ks[4], (D, D), dtype=jnp.float32) * s1
    b2 = jnp.zeros((D,), dtype=jnp.float32)
    W_out = jax.random.normal(ks[5], (D, T), dtype=jnp.float32) * s1
    b_out = jnp.zeros((T,), dtype=jnp.float32)
    return {"x": x, "edge_index": edge_index, "batch_seg": batch_seg,
            "W1": W1, "b1": b1, "W2": W2, "b2": b2,
            "W_out": W_out, "b_out": b_out}


def reference(x, edge_index, batch_seg, W1, b1, W2, b2, W_out, b_out):
    n = x.shape[0]
    loop = jnp.arange(n, dtype=edge_index.dtype)
    src = jnp.concatenate([edge_index[0], loop])
    dst = jnp.concatenate([edge_index[1], loop])
    # GCN symmetric normalization with self-loops (gcn_norm)
    deg = jnp.zeros((n,), x.dtype).at[dst].add(1.0)
    dis = jnp.where(deg > 0, jax.lax.rsqrt(jnp.maximum(deg, 1e-12)), 0.0)
    norm = dis[src] * dis[dst]

    def gcn_conv(h, W, b):
        h = h @ W
        msg = h[src] * norm[:, None]
        agg = jnp.zeros((n, W.shape[1]), h.dtype).at[dst].add(msg)
        return agg + b

    h = gcn_conv(x, W1, b1)
    h = jax.nn.relu(h)
    # dropout is identity in eval mode
    h = gcn_conv(h, W2, b2)
    # global mean pool over batch segments
    sums = jax.ops.segment_sum(h, batch_seg, num_segments=G)
    cnts = jax.ops.segment_sum(jnp.ones((n,), h.dtype), batch_seg, num_segments=G)
    pooled = sums / jnp.maximum(cnts, 1.0)[:, None]
    out = pooled @ W_out + b_out
    return out

if __name__ == "__main__":
    import jax
    _d = setup_inputs()
    print(jax.jit(kernel)(*tuple(_d.values())))

</pallas_src>

<mosaic_0001>
#map = affine_map<(d0, d1) -> (0, 0)>
#map1 = affine_map<(d0, d1) -> (0)>
#map2 = affine_map<(d0, d1) -> (0, 0, 0)>
module attributes {stable_mosaic.version = 14 : i64} {
  func.func @_agg_body(%arg0: i32, %arg1: i32, %arg2: memref<10000x128xf32, #tpu.memory_space<hbm>>, %arg3: memref<320000xi32, #tpu.memory_space<hbm>>, %arg4: memref<320000xi32, #tpu.memory_space<hbm>>, %arg5: memref<10000x128xf32, #tpu.memory_space<hbm>>, %arg6: memref<2x10000x128xf32, #tpu.memory_space<hbm>>, %arg7: memref<5x40x128xf32, #tpu.memory_space<vmem>>, %arg8: memref<40xi32, #tpu.memory_space<vmem>>, %arg9: memref<40xi32, #tpu.memory_space<vmem>>, %arg10: memref<40xi32, #tpu.memory_space<vmem>>, %arg11: memref<40xi32, #tpu.memory_space<vmem>>, %arg12: memref<40xi32, #tpu.memory_space<vmem>>, %arg13: memref<40xi32, #tpu.memory_space<vmem>>, %arg14: memref<40xi32, #tpu.memory_space<vmem>>, %arg15: memref<40xi32, #tpu.memory_space<vmem>>, %arg16: memref<40xi32, #tpu.memory_space<vmem>>, %arg17: memref<40xi32, #tpu.memory_space<vmem>>, %arg18: memref<40xi32, #tpu.memory_space<vmem>>, %arg19: memref<40xi32, #tpu.memory_space<vmem>>, %arg20: memref<40xi32, #tpu.memory_space<vmem>>, %arg21: memref<40xi32, #tpu.memory_space<vmem>>, %arg22: memref<40xi32, #tpu.memory_space<vmem>>, %arg23: memref<40xi32, #tpu.memory_space<vmem>>, %arg24: memref<40xi32, #tpu.memory_space<vmem>>, %arg25: memref<40xi32, #tpu.memory_space<vmem>>, %arg26: memref<40xi32, #tpu.memory_space<vmem>>, %arg27: memref<40xi32, #tpu.memory_space<vmem>>, %arg28: memref<!tpu.dma_semaphore, #tpu.memory_space<semaphore_mem>>, %arg29: memref<!tpu.dma_semaphore, #tpu.memory_space<semaphore_mem>>, %arg30: memref<!tpu.dma_semaphore, #tpu.memory_space<semaphore_mem>>, %arg31: memref<!tpu.dma_semaphore, #tpu.memory_space<semaphore_mem>>, %arg32: memref<!tpu.dma_semaphore, #tpu.memory_space<semaphore_mem>>, %arg33: memref<!tpu.dma_semaphore, #tpu.memory_space<semaphore_mem>>, %arg34: memref<!tpu.dma_semaphore, #tpu.memory_space<semaphore_mem>>, %arg35: memref<!tpu.dma_semaphore, #tpu.memory_space<semaphore_mem>>, %arg36: memref<!tpu.dma_semaphore, #tpu.memory_space<semaphore_mem>>, %arg37: memref<!tpu.dma_semaphore, #tpu.memory_space<semaphore_mem>>, %arg38: memref<!tpu.dma_semaphore, #tpu.memory_space<semaphore_mem>>, %arg39: memref<!tpu.dma_semaphore, #tpu.memory_space<semaphore_mem>>, %arg40: memref<!tpu.dma_semaphore, #tpu.memory_space<semaphore_mem>>, %arg41: memref<!tpu.dma_semaphore, #tpu.memory_space<semaphore_mem>>, %arg42: memref<!tpu.dma_semaphore, #tpu.memory_space<semaphore_mem>>, %arg43: memref<!tpu.dma_semaphore, #tpu.memory_space<semaphore_mem>>, %arg44: memref<!tpu.dma_semaphore, #tpu.memory_space<semaphore_mem>>, %arg45: memref<!tpu.dma_semaphore, #tpu.memory_space<semaphore_mem>>, %arg46: memref<!tpu.dma_semaphore, #tpu.memory_space<semaphore_mem>>, %arg47: memref<!tpu.dma_semaphore, #tpu.memory_space<semaphore_mem>>, %arg48: memref<!tpu.dma_semaphore, #tpu.memory_space<semaphore_mem>>, %arg49: memref<!tpu.dma_semaphore, #tpu.memory_space<semaphore_mem>>, %arg50: memref<!tpu.dma_semaphore, #tpu.memory_space<semaphore_mem>>, %arg51: memref<!tpu.dma_semaphore, #tpu.memory_space<semaphore_mem>>, %arg52: memref<!tpu.dma_semaphore, #tpu.memory_space<semaphore_mem>>, %arg53: memref<!tpu.dma_semaphore, #tpu.memory_space<semaphore_mem>>, %arg54: memref<!tpu.dma_semaphore, #tpu.memory_space<semaphore_mem>>, %arg55: memref<!tpu.dma_semaphore, #tpu.memory_space<semaphore_mem>>, %arg56: memref<!tpu.dma_semaphore, #tpu.memory_space<semaphore_mem>>, %arg57: memref<!tpu.dma_semaphore, #tpu.memory_space<semaphore_mem>>, %arg58: memref<10000x128xf32, #tpu.memory_space<vmem_shared>>) attributes {dimension_semantics = [#tpu.dimension_semantics<core_parallel>, #tpu.dimension_semantics<subcore_parallel>], iteration_bounds = array<i64: 2, 16>, scalar_prefetch = 0 : i64, scratch_operands = 52 : i64, tpu.core_type = #tpu.core_type<sc_vector_subcore>, window_params = [{transform_indices = #map}, {transform_indices = #map1}, {transform_indices = #map1}, {transform_indices = #map}, {transform_indices = #map2}]} {
    %mul3A = arith.constant 2 : i32
    %mul3A_0 = arith.muli %arg1, %mul3A : i32
    %add3A = arith.addi %mul3A_0, %arg0 : i32
    %mul3A_1 = arith.constant 10000 : i32
    %mul3A_2 = arith.muli %add3A, %mul3A_1 : i32
    %add3A_3 = arith.constant 0 : i32
    %add3A_4 = arith.addi %mul3A_2, %add3A_3 : i32
    %multiple_of3A = tpu.assume_multiple %add3A_4, 8 : i32
    %dma_start3A = tpu.memref_slice %arg3[%multiple_of3A] : memref<320000xi32, #tpu.memory_space<hbm>> -> memref<40xi32, #tpu.memory_space<hbm>>
    %dma_start3A_5 = tpu.memref_slice %arg3[%multiple_of3A] : memref<320000xi32, #tpu.memory_space<hbm>> -> memref<40xi32, #tpu.memory_space<hbm>>
    tpu.enqueue_dma source(%dma_start3A_5 : memref<40xi32, #tpu.memory_space<hbm>>) target(%arg8 : memref<40xi32, #tpu.memory_space<vmem>>) target_semaphore(%arg28 : memref<!tpu.dma_semaphore, #tpu.memory_space<semaphore_mem>>)
    %dma_start3A_6 = tpu.memref_slice %arg4[%multiple_of3A] : memref<320000xi32, #tpu.memory_space<hbm>> -> memref<40xi32, #tpu.memory_space<hbm>>
    %dma_start3A_7 = tpu.memref_slice %arg4[%multiple_of3A] : memref<320000xi32, #tpu.memory_space<hbm>> -> memref<40xi32, #tpu.memory_space<hbm>>
    tpu.enqueue_dma source(%dma_start3A_7 : memref<40xi32, #tpu.memory_space<hbm>>) target(%arg18 : memref<40xi32, #tpu.memory_space<vmem>>) target_semaphore(%arg38 : memref<!tpu.dma_semaphore, #tpu.memory_space<semaphore_mem>>)
    %add3A_8 = arith.constant 40 : i32
    %add3A_9 = arith.addi %mul3A_2, %add3A_8 : i32
    %multiple_of3A_10 = tpu.assume_multiple %add3A_9, 8 : i32
    %dma_start3A_11 = tpu.memref_slice %arg3[%multiple_of3A_10] : memref<320000xi32, #tpu.memory_space<hbm>> -> memref<40xi32, #tpu.memory_space<hbm>>
    %dma_start3A_12 = tpu.memref_slice %arg3[%multiple_of3A_10] : memref<320000xi32, #tpu.memory_space<hbm>> -> memref<40xi32, #tpu.memory_space<hbm>>
    tpu.enqueue_dma source(%dma_start3A_12 : memref<40xi32, #tpu.memory_space<hbm>>) target(%arg9 : memref<40xi32, #tpu.memory_space<vmem>>) target_semaphore(%arg29 : memref<!tpu.dma_semaphore, #tpu.memory_space<semaphore_mem>>)
    %dma_start3A_13 = tpu.memref_slice %arg4[%multiple_of3A_10] : memref<320000xi32, #tpu.memory_space<hbm>> -> memref<40xi32, #tpu.memory_space<hbm>>
    %dma_start3A_14 = tpu.memref_slice %arg4[%multiple_of3A_10] : memref<320000xi32, #tpu.memory_space<hbm>> -> memref<40xi32, #tpu.memory_space<hbm>>
    tpu.enqueue_dma source(%dma_start3A_14 : memref<40xi32, #tpu.memory_space<hbm>>) target(%arg19 : memref<40xi32, #tpu.memory_space<vmem>>) target_semaphore(%arg39 : memref<!tpu.dma_semaphore, #tpu.memory_space<semaphore_mem>>)
    %add3A_15 = arith.constant 80 : i32
    %add3A_16 = arith.addi %mul3A_2, %add3A_15 : i32
    %multiple_of3A_17 = tpu.assume_multiple %add3A_16, 8 : i32
    %dma_start3A_18 = tpu.memref_slice %arg3[%multiple_of3A_17] : memref<320000xi32, #tpu.memory_space<hbm>> -> memref<40xi32, #tpu.memory_space<hbm>>
    %dma_start3A_19 = tpu.memref_slice %arg3[%multiple_of3A_17] : memref<320000xi32, #tpu.memory_space<hbm>> -> memref<40xi32, #tpu.memory_space<hbm>>
    tpu.enqueue_dma source(%dma_start3A_19 : memref<40xi32, #tpu.memory_space<hbm>>) target(%arg10 : memref<40xi32, #tpu.memory_space<vmem>>) target_semaphore(%arg30 : memref<!tpu.dma_semaphore, #tpu.memory_space<semaphore_mem>>)
    %dma_start3A_20 = tpu.memref_slice %arg4[%multiple_of3A_17] : memref<320000xi32, #tpu.memory_space<hbm>> -> memref<40xi32, #tpu.memory_space<hbm>>
    %dma_start3A_21 = tpu.memref_slice %arg4[%multiple_of3A_17] : memref<320000xi32, #tpu.memory_space<hbm>> -> memref<40xi32, #tpu.memory_space<hbm>>
    tpu.enqueue_dma source(%dma_start3A_21 : memref<40xi32, #tpu.memory_space<hbm>>) target(%arg20 : memref<40xi32, #tpu.memory_space<vmem>>) target_semaphore(%arg40 : memref<!tpu.dma_semaphore, #tpu.memory_space<semaphore_mem>>)
    %add3A_22 = arith.constant 120 : i32
    %add3A_23 = arith.addi %mul3A_2, %add3A_22 : i32
    %multiple_of3A_24 = tpu.assume_multiple %add3A_23, 8 : i32
    %dma_start3A_25 = tpu.memref_slice %arg3[%multiple_of3A_24] : memref<320000xi32, #tpu.memory_space<hbm>> -> memref<40xi32, #tpu.memory_space<hbm>>
    %dma_start3A_26 = tpu.memref_slice %arg3[%multiple_of3A_24] : memref<320000xi32, #tpu.memory_space<hbm>> -> memref<40xi32, #tpu.memory_space<hbm>>
    tpu.enqueue_dma source(%dma_start3A_26 : memref<40xi32, #tpu.memory_space<hbm>>) target(%arg11 : memref<40xi32, #tpu.memory_space<vmem>>) target_semaphore(%arg31 : memref<!tpu.dma_semaphore, #tpu.memory_space<semaphore_mem>>)
    %dma_start3A_27 = tpu.memref_slice %arg4[%multiple_of3A_24] : memref<320000xi32, #tpu.memory_space<hbm>> -> memref<40xi32, #tpu.memory_space<hbm>>
    %dma_start3A_28 = tpu.memref_slice %arg4[%multiple_of3A_24] : memref<320000xi32, #tpu.memory_space<hbm>> -> memref<40xi32, #tpu.memory_space<hbm>>
    tpu.enqueue_dma source(%dma_start3A_28 : memref<40xi32, #tpu.memory_space<hbm>>) target(%arg21 : memref<40xi32, #tpu.memory_space<vmem>>) target_semaphore(%arg41 : memref<!tpu.dma_semaphore, #tpu.memory_space<semaphore_mem>>)
    %add3A_29 = arith.constant 160 : i32
    %add3A_30 = arith.addi %mul3A_2, %add3A_29 : i32
    %multiple_of3A_31 = tpu.assume_multiple %add3A_30, 8 : i32
    %dma_start3A_32 = tpu.memref_slice %arg3[%multiple_of3A_31] : memref<320000xi32, #tpu.memory_space<hbm>> -> memref<40xi32, #tpu.memory_space<hbm>>
    %dma_start3A_33 = tpu.memref_slice %arg3[%multiple_of3A_31] : memref<320000xi32, #tpu.memory_space<hbm>> -> memref<40xi32, #tpu.memory_space<hbm>>
    tpu.enqueue_dma source(%dma_start3A_33 : memref<40xi32, #tpu.memory_space<hbm>>) target(%arg12 : memref<40xi32, #tpu.memory_space<vmem>>) target_semaphore(%arg32 : memref<!tpu.dma_semaphore, #tpu.memory_space<semaphore_mem>>)
    %dma_start3A_34 = tpu.memref_slice %arg4[%multiple_of3A_31] : memref<320000xi32, #tpu.memory_space<hbm>> -> memref<40xi32, #tpu.memory_space<hbm>>
    %dma_start3A_35 = tpu.memref_slice %arg4[%multiple_of3A_31] : memref<320000xi32, #tpu.memory_space<hbm>> -> memref<40xi32, #tpu.memory_space<hbm>>
    tpu.enqueue_dma source(%dma_start3A_35 : memref<40xi32, #tpu.memory_space<hbm>>) target(%arg22 : memref<40xi32, #tpu.memory_space<vmem>>) target_semaphore(%arg42 : memref<!tpu.dma_semaphore, #tpu.memory_space<semaphore_mem>>)
    %add3A_36 = arith.constant 200 : i32
    %add3A_37 = arith.addi %mul3A_2, %add3A_36 : i32
    %multiple_of3A_38 = tpu.assume_multiple %add3A_37, 8 : i32
    %dma_start3A_39 = tpu.memref_slice %arg3[%multiple_of3A_38] : memref<320000xi32, #tpu.memory_space<hbm>> -> memref<40xi32, #tpu.memory_space<hbm>>
    %dma_start3A_40 = tpu.memref_slice %arg3[%multiple_of3A_38] : memref<320000xi32, #tpu.memory_space<hbm>> -> memref<40xi32, #tpu.memory_space<hbm>>
    tpu.enqueue_dma source(%dma_start3A_40 : memref<40xi32, #tpu.memory_space<hbm>>) target(%arg13 : memref<40xi32, #tpu.memory_space<vmem>>) target_semaphore(%arg33 : memref<!tpu.dma_semaphore, #tpu.memory_space<semaphore_mem>>)
    %dma_start3A_41 = tpu.memref_slice %arg4[%multiple_of3A_38] : memref<320000xi32, #tpu.memory_space<hbm>> -> memref<40xi32, #tpu.memory_space<hbm>>
    %dma_start3A_42 = tpu.memref_slice %arg4[%multiple_of3A_38] : memref<320000xi32, #tpu.memory_space<hbm>> -> memref<40xi32, #tpu.memory_space<hbm>>
    tpu.enqueue_dma source(%dma_start3A_42 : memref<40xi32, #tpu.memory_space<hbm>>) target(%arg23 : memref<40xi32, #tpu.memory_space<vmem>>) target_semaphore(%arg43 : memref<!tpu.dma_semaphore, #tpu.memory_space<semaphore_mem>>)
    %add3A_43 = arith.constant 240 : i32
    %add3A_44 = arith.addi %mul3A_2, %add3A_43 : i32
    %multiple_of3A_45 = tpu.assume_multiple %add3A_44, 8 : i32
    %dma_start3A_46 = tpu.memref_slice %arg3[%multiple_of3A_45] : memref<320000xi32, #tpu.memory_space<hbm>> -> memref<40xi32, #tpu.memory_space<hbm>>
    %dma_start3A_47 = tpu.memref_slice %arg3[%multiple_of3A_45] : memref<320000xi32, #tpu.memory_space<hbm>> -> memref<40xi32, #tpu.memory_space<hbm>>
    tpu.enqueue_dma source(%dma_start3A_47 : memref<40xi32, #tpu.memory_space<hbm>>) target(%arg14 : memref<40xi32, #tpu.memory_space<vmem>>) target_semaphore(%arg34 : memref<!tpu.dma_semaphore, #tpu.memory_space<semaphore_mem>>)
    %dma_start3A_48 = tpu.memref_slice %arg4[%multiple_of3A_45] : memref<320000xi32, #tpu.memory_space<hbm>> -> memref<40xi32, #tpu.memory_space<hbm>>
    %dma_start3A_49 = tpu.memref_slice %arg4[%multiple_of3A_45] : memref<320000xi32, #tpu.memory_space<hbm>> -> memref<40xi32, #tpu.memory_space<hbm>>
    tpu.enqueue_dma source(%dma_start3A_49 : memref<40xi32, #tpu.memory_space<hbm>>) target(%arg24 : memref<40xi32, #tpu.memory_space<vmem>>) target_semaphore(%arg44 : memref<!tpu.dma_semaphore, #tpu.memory_space<semaphore_mem>>)
    %add3A_50 = arith.constant 280 : i32
    %add3A_51 = arith.addi %mul3A_2, %add3A_50 : i32
    %multiple_of3A_52 = tpu.assume_multiple %add3A_51, 8 : i32
    %dma_start3A_53 = tpu.memref_slice %arg3[%multiple_of3A_52] : memref<320000xi32, #tpu.memory_space<hbm>> -> memref<40xi32, #tpu.memory_space<hbm>>
    %dma_start3A_54 = tpu.memref_slice %arg3[%multiple_of3A_52] : memref<320000xi32, #tpu.memory_space<hbm>> -> memref<40xi32, #tpu.memory_space<hbm>>
    tpu.enqueue_dma source(%dma_start3A_54 : memref<40xi32, #tpu.memory_space<hbm>>) target(%arg15 : memref<40xi32, #tpu.memory_space<vmem>>) target_semaphore(%arg35 : memref<!tpu.dma_semaphore, #tpu.memory_space<semaphore_mem>>)
    %dma_start3A_55 = tpu.memref_slice %arg4[%multiple_of3A_52] : memref<320000xi32, #tpu.memory_space<hbm>> -> memref<40xi32, #tpu.memory_space<hbm>>
    %dma_start3A_56 = tpu.memref_slice %arg4[%multiple_of3A_52] : memref<320000xi32, #tpu.memory_space<hbm>> -> memref<40xi32, #tpu.memory_space<hbm>>
    tpu.enqueue_dma source(%dma_start3A_56 : memref<40xi32, #tpu.memory_space<hbm>>) target(%arg25 : memref<40xi32, #tpu.memory_space<vmem>>) target_semaphore(%arg45 : memref<!tpu.dma_semaphore, #tpu.memory_space<semaphore_mem>>)
    %add3A_57 = arith.constant 320 : i32
    %add3A_58 = arith.addi %mul3A_2, %add3A_57 : i32
    %multiple_of3A_59 = tpu.assume_multiple %add3A_58, 8 : i32
    %dma_start3A_60 = tpu.memref_slice %arg3[%multiple_of3A_59] : memref<320000xi32, #tpu.memory_space<hbm>> -> memref<40xi32, #tpu.memory_space<hbm>>
    %dma_start3A_61 = tpu.memref_slice %arg3[%multiple_of3A_59] : memref<320000xi32, #tpu.memory_space<hbm>> -> memref<40xi32, #tpu.memory_space<hbm>>
    tpu.enqueue_dma source(%dma_start3A_61 : memref<40xi32, #tpu.memory_space<hbm>>) target(%arg16 : memref<40xi32, #tpu.memory_space<vmem>>) target_semaphore(%arg36 : memref<!tpu.dma_semaphore, #tpu.memory_space<semaphore_mem>>)
    %dma_start3A_62 = tpu.memref_slice %arg4[%multiple_of3A_59] : memref<320000xi32, #tpu.memory_space<hbm>> -> memref<40xi32, #tpu.memory_space<hbm>>
    %dma_start3A_63 = tpu.memref_slice %arg4[%multiple_of3A_59] : memref<320000xi32, #tpu.memory_space<hbm>> -> memref<40xi32, #tpu.memory_space<hbm>>
    tpu.enqueue_dma source(%dma_start3A_63 : memref<40xi32, #tpu.memory_space<hbm>>) target(%arg26 : memref<40xi32, #tpu.memory_space<vmem>>) target_semaphore(%arg46 : memref<!tpu.dma_semaphore, #tpu.memory_space<semaphore_mem>>)
    %mul3A_64 = arith.constant 624 : i32
    %mul3A_65 = arith.muli %arg1, %mul3A_64 : i32
    %mul3A_66 = arith.constant 624 : i32
    %mul3A_67 = arith.muli %arg1, %mul3A_66 : i32
    "tpu.region"() ({
      %run_scoped3A = tpu.sem_alloc : memref<!tpu.dma_semaphore, #tpu.memory_space<semaphore_mem>>
      %dma_start3A_144 = arith.constant 0 : i32
      %dma_start3A_145 = tpu.memref_slice %arg58[%mul3A_67, %dma_start3A_144] : memref<10000x128xf32, #tpu.memory_space<vmem_shared>> -> memref<624x128xf32, #tpu.memory_space<vmem_shared>>
      %dma_start3A_146 = arith.constant 0 : i32
      %dma_start3A_147 = tpu.memref_slice %arg5[%mul3A_65, %dma_start3A_146] : memref<10000x128xf32, #tpu.memory_space<hbm>> -> memref<624x128xf32, #tpu.memory_space<hbm>>
      tpu.enqueue_dma source(%dma_start3A_147 : memref<624x128xf32, #tpu.memory_space<hbm>>) target(%dma_start3A_145 : memref<624x128xf32, #tpu.memory_space<vmem_shared>>) target_semaphore(%run_scoped3A : memref<!tpu.dma_semaphore, #tpu.memory_space<semaphore_mem>>)
      %dma_wait3A_148 = arith.constant 0 : i32
      %dma_wait3A_149 = tpu.memref_slice %arg58[%mul3A_67, %dma_wait3A_148] : memref<10000x128xf32, #tpu.memory_space<vmem_shared>> -> memref<624x128xf32, #tpu.memory_space<vmem_shared>>
      %dma_wait3A_150 = arith.constant 0 : i32
      %dma_wait3A_151 = tpu.memref_slice %arg5[%mul3A_65, %dma_wait3A_150] : memref<10000x128xf32, #tpu.memory_space<hbm>> -> memref<624x128xf32, #tpu.memory_space<hbm>>
      tpu.wait_dma2 semaphore(%run_scoped3A : memref<!tpu.dma_semaphore, #tpu.memory_space<semaphore_mem>>) src(%dma_wait3A_151 : memref<624x128xf32, #tpu.memory_space<hbm>>) dst(%dma_wait3A_149 : memref<624x128xf32, #tpu.memory_space<vmem_shared>>)
      tpu.yield
    }) : () -> ()
    %eq3A = arith.constant 15 : i32
    %eq3A_68 = arith.cmpi eq, %arg1, %eq3A : i32
    %convert_element_type3A = arith.extui %eq3A_68 : i1 to i32
    %cond3A = arith.constant 0 : i32
    %cond3A_69 = arith.cmpi ne, %convert_element_type3A, %cond3A : i32
    scf.if %cond3A_69 {
      "tpu.region"() ({
        %run_scoped3A = tpu.sem_alloc : memref<!tpu.dma_semaphore, #tpu.memory_space<semaphore_mem>>
        %dma_start3A_144 = arith.constant 9984 : i32
        %dma_start3A_145 = arith.constant 0 : i32
        %dma_start3A_146 = tpu.memref_slice %arg58[%dma_start3A_144, %dma_start3A_145] : memref<10000x128xf32, #tpu.memory_space<vmem_shared>> -> memref<16x128xf32, #tpu.memory_space<vmem_shared>>
        %dma_start3A_147 = arith.constant 9984 : i32
        %dma_start3A_148 = arith.constant 0 : i32
        %dma_start3A_149 = tpu.memref_slice %arg5[%dma_start3A_147, %dma_start3A_148] : memref<10000x128xf32, #tpu.memory_space<hbm>> -> memref<16x128xf32, #tpu.memory_space<hbm>>
        tpu.enqueue_dma source(%dma_start3A_149 : memref<16x128xf32, #tpu.memory_space<hbm>>) target(%dma_start3A_146 : memref<16x128xf32, #tpu.memory_space<vmem_shared>>) target_semaphore(%run_scoped3A : memref<!tpu.dma_semaphore, #tpu.memory_space<semaphore_mem>>)
        %dma_wait3A_150 = arith.constant 9984 : i32
        %dma_wait3A_151 = arith.constant 0 : i32
        %dma_wait3A_152 = tpu.memref_slice %arg58[%dma_wait3A_150, %dma_wait3A_151] : memref<10000x128xf32, #tpu.memory_space<vmem_shared>> -> memref<16x128xf32, #tpu.memory_space<vmem_shared>>
        %dma_wait3A_153 = arith.constant 9984 : i32
        %dma_wait3A_154 = arith.constant 0 : i32
        %dma_wait3A_155 = tpu.memref_slice %arg5[%dma_wait3A_153, %dma_wait3A_154] : memref<10000x128xf32, #tpu.memory_space<hbm>> -> memref<16x128xf32, #tpu.memory_space<hbm>>
        tpu.wait_dma2 semaphore(%run_scoped3A : memref<!tpu.dma_semaphore, #tpu.memory_space<semaphore_mem>>) src(%dma_wait3A_155 : memref<16x128xf32, #tpu.memory_space<hbm>>) dst(%dma_wait3A_152 : memref<16x128xf32, #tpu.memory_space<vmem_shared>>)
        tpu.yield
      }) : () -> ()
    } else {
    }
    %barrier3A = arith.constant 0 : index
    tpu.barrier barrier_id(%barrier3A)
    %add3A_70 = arith.constant 0 : i32
    %add3A_71 = arith.addi %mul3A_2, %add3A_70 : i32
    %multiple_of3A_72 = tpu.assume_multiple %add3A_71, 8 : i32
    %dma_wait3A = tpu.memref_slice %arg3[%multiple_of3A_72] : memref<320000xi32, #tpu.memory_space<hbm>> -> memref<40xi32, #tpu.memory_space<hbm>>
    %dma_wait3A_73 = tpu.memref_slice %arg3[%multiple_of3A_72] : memref<320000xi32, #tpu.memory_space<hbm>> -> memref<40xi32, #tpu.memory_space<hbm>>
    tpu.wait_dma2 semaphore(%arg28 : memref<!tpu.dma_semaphore, #tpu.memory_space<semaphore_mem>>) src(%dma_wait3A_73 : memref<40xi32, #tpu.memory_space<hbm>>) dst(%arg8 : memref<40xi32, #tpu.memory_space<vmem>>)
    %dma_start3A_74 = arith.constant 0 : i32
    %dma_start3A_75 = arith.constant 0 : i32
    %dma_start3A_76 = arith.constant 0 : i32
    %dma_start3A_77 = tpu.memref_slice %arg7[%dma_start3A_74, %dma_start3A_75, %dma_start3A_76] : memref<5x40x128xf32, #tpu.memory_space<vmem>> -> memref<1x40x128xf32, #tpu.memory_space<vmem>>
    %dma_start3A_78 = tpu.memref_squeeze %dma_start3A_77 : memref<1x40x128xf32, #tpu.memory_space<vmem>> -> memref<40x128xf32, #tpu.memory_space<vmem>>
    %dma_start3A_79 = arith.constant 0 : i32
    %dma_start3A_80 = arith.constant 0 : i32
    %dma_start3A_81 = tpu.memref_slice %arg2[%dma_start3A_79, %dma_start3A_80] : memref<10000x128xf32, #tpu.memory_space<hbm>> -> memref<10000x128xf32, #tpu.memory_space<hbm>>
    tpu.enqueue_indirect_dma source(%dma_start3A_81 : memref<10000x128xf32, #tpu.memory_space<hbm>>) target(%dma_start3A_78 : memref<40x128xf32, #tpu.memory_space<vmem>>) offsets(%arg8 : memref<40xi32, #tpu.memory_space<vmem>>) semaphore(%arg48 : memref<!tpu.dma_semaphore, #tpu.memory_space<semaphore_mem>>)
    %add3A_82 = arith.constant 40 : i32
    %add3A_83 = arith.addi %mul3A_2, %add3A_82 : i32
    %multiple_of3A_84 = tpu.assume_multiple %add3A_83, 8 : i32
    %dma_wait3A_85 = tpu.memref_slice %arg3[%multiple_of3A_84] : memref<320000xi32, #tpu.memory_space<hbm>> -> memref<40xi32, #tpu.memory_space<hbm>>
    %dma_wait3A_86 = tpu.memref_slice %arg3[%multiple_of3A_84] : memref<320000xi32, #tpu.memory_space<hbm>> -> memref<40xi32, #tpu.memory_space<hbm>>
    tpu.wait_dma2 semaphore(%arg29 : memref<!tpu.dma_semaphore, #tpu.memory_space<semaphore_mem>>) src(%dma_wait3A_86 : memref<40xi32, #tpu.memory_space<hbm>>) dst(%arg9 : memref<40xi32, #tpu.memory_space<vmem>>)
    %dma_start3A_87 = arith.constant 1 : i32
    %dma_start3A_88 = arith.constant 0 : i32
    %dma_start3A_89 = arith.constant 0 : i32
    %dma_start3A_90 = tpu.memref_slice %arg7[%dma_start3A_87, %dma_start3A_88, %dma_start3A_89] : memref<5x40x128xf32, #tpu.memory_space<vmem>> -> memref<1x40x128xf32, #tpu.memory_space<vmem>>
    %dma_start3A_91 = tpu.memref_squeeze %dma_start3A_90 : memref<1x40x128xf32, #tpu.memory_space<vmem>> -> memref<40x128xf32, #tpu.memory_space<vmem>>
    %dma_start3A_92 = arith.constant 0 : i32
    %dma_start3A_93 = arith.constant 0 : i32
    %dma_start3A_94 = tpu.memref_slice %arg2[%dma_start3A_92, %dma_start3A_93] : memref<10000x128xf32, #tpu.memory_space<hbm>> -> memref<10000x128xf32, #tpu.memory_space<hbm>>
    tpu.enqueue_indirect_dma source(%dma_start3A_94 : memref<10000x128xf32, #tpu.memory_space<hbm>>) target(%dma_start3A_91 : memref<40x128xf32, #tpu.memory_space<vmem>>) offsets(%arg9 : memref<40xi32, #tpu.memory_space<vmem>>) semaphore(%arg49 : memref<!tpu.dma_semaphore, #tpu.memory_space<semaphore_mem>>)
    %add3A_95 = arith.constant 80 : i32
    %add3A_96 = arith.addi %mul3A_2, %add3A_95 : i32
    %multiple_of3A_97 = tpu.assume_multiple %add3A_96, 8 : i32
    %dma_wait3A_98 = tpu.memref_slice %arg3[%multiple_of3A_97] : memref<320000xi32, #tpu.memory_space<hbm>> -> memref<40xi32, #tpu.memory_space<hbm>>
    %dma_wait3A_99 = tpu.memref_slice %arg3[%multiple_of3A_97] : memref<320000xi32, #tpu.memory_space<hbm>> -> memref<40xi32, #tpu.memory_space<hbm>>
    tpu.wait_dma2 semaphore(%arg30 : memref<!tpu.dma_semaphore, #tpu.memory_space<semaphore_mem>>) src(%dma_wait3A_99 : memref<40xi32, #tpu.memory_space<hbm>>) dst(%arg10 : memref<40xi32, #tpu.memory_space<vmem>>)
    %dma_start3A_100 = arith.constant 2 : i32
    %dma_start3A_101 = arith.constant 0 : i32
    %dma_start3A_102 = arith.constant 0 : i32
    %dma_start3A_103 = tpu.memref_slice %arg7[%dma_start3A_100, %dma_start3A_101, %dma_start3A_102] : memref<5x40x128xf32, #tpu.memory_space<vmem>> -> memref<1x40x128xf32, #tpu.memory_space<vmem>>
    %dma_start3A_104 = tpu.memref_squeeze %dma_start3A_103 : memref<1x40x128xf32, #tpu.memory_space<vmem>> -> memref<40x128xf32, #tpu.memory_space<vmem>>
    %dma_start3A_105 = arith.constant 0 : i32
    %dma_start3A_106 = arith.constant 0 : i32
    %dma_start3A_107 = tpu.memref_slice %arg2[%dma_start3A_105, %dma_start3A_106] : memref<10000x128xf32, #tpu.memory_space<hbm>> -> memref<10000x128xf32, #tpu.memory_space<hbm>>
    tpu.enqueue_indirect_dma source(%dma_start3A_107 : memref<10000x128xf32, #tpu.memory_space<hbm>>) target(%dma_start3A_104 : memref<40x128xf32, #tpu.memory_space<vmem>>) offsets(%arg10 : memref<40xi32, #tpu.memory_space<vmem>>) semaphore(%arg50 : memref<!tpu.dma_semaphore, #tpu.memory_space<semaphore_mem>>)
    %add3A_108 = arith.constant 120 : i32
    %add3A_109 = arith.addi %mul3A_2, %add3A_108 : i32
    %multiple_of3A_110 = tpu.assume_multiple %add3A_109, 8 : i32
    %dma_wait3A_111 = tpu.memref_slice %arg3[%multiple_of3A_110] : memref<320000xi32, #tpu.memory_space<hbm>> -> memref<40xi32, #tpu.memory_space<hbm>>
    %dma_wait3A_112 = tpu.memref_slice %arg3[%multiple_of3A_110] : memref<320000xi32, #tpu.memory_space<hbm>> -> memref<40xi32, #tpu.memory_space<hbm>>
    tpu.wait_dma2 semaphore(%arg31 : memref<!tpu.dma_semaphore, #tpu.memory_space<semaphore_mem>>) src(%dma_wait3A_112 : memref<40xi32, #tpu.memory_space<hbm>>) dst(%arg11 : memref<40xi32, #tpu.memory_space<vmem>>)
    %dma_start3A_113 = arith.constant 3 : i32
    %dma_start3A_114 = arith.constant 0 : i32
    %dma_start3A_115 = arith.constant 0 : i32
    %dma_start3A_116 = tpu.memref_slice %arg7[%dma_start3A_113, %dma_start3A_114, %dma_start3A_115] : memref<5x40x128xf32, #tpu.memory_space<vmem>> -> memref<1x40x128xf32, #tpu.memory_space<vmem>>
    %dma_start3A_117 = tpu.memref_squeeze %dma_start3A_116 : memref<1x40x128xf32, #tpu.memory_space<vmem>> -> memref<40x128xf32, #tpu.memory_space<vmem>>
    %dma_start3A_118 = arith.constant 0 : i32
    %dma_start3A_119 = arith.constant 0 : i32
    %dma_start3A_120 = tpu.memref_slice %arg2[%dma_start3A_118, %dma_start3A_119] : memref<10000x128xf32, #tpu.memory_space<hbm>> -> memref<10000x128xf32, #tpu.memory_space<hbm>>
    tpu.enqueue_indirect_dma source(%dma_start3A_120 : memref<10000x128xf32, #tpu.memory_space<hbm>>) target(%dma_start3A_117 : memref<40x128xf32, #tpu.memory_space<vmem>>) offsets(%arg11 : memref<40xi32, #tpu.memory_space<vmem>>) semaphore(%arg51 : memref<!tpu.dma_semaphore, #tpu.memory_space<semaphore_mem>>)
    %scan3A = arith.constant 0 : i32
    %scan3A_121 = arith.constant 0 : i32
    %scan3A_122 = arith.constant 25 : i32
    %scan3A_123 = arith.addi %scan3A_121, %scan3A_122 : i32
    %scan3A_124 = arith.constant 1 : i32
    scf.for %scan3A_144 = %scan3A_121 to %scan3A_123 step %scan3A_124  : i32 {
      %mul3A_145 = arith.constant 10 : i32
      %mul3A_146 = arith.muli %scan3A_144, %mul3A_145 : i32
      %add3A_147 = arith.constant 0 : i32
      %add3A_148 = arith.addi %mul3A_146, %add3A_147 : i32
      %ge3A = arith.constant 1 : i32
      %ge3A_149 = arith.cmpi sge, %add3A_148, %ge3A : i32
      %convert_element_type3A_150 = arith.extui %ge3A_149 : i1 to i32
      %cond3A_151 = arith.constant 0 : i32
      %cond3A_152 = arith.cmpi ne, %convert_element_type3A_150, %cond3A_151 : i32
      scf.if %cond3A_152 {
        %dma_wait3A_612 = arith.constant 4 : i32
        %dma_wait3A_613 = arith.constant 0 : i32
        %dma_wait3A_614 = arith.constant 0 : i32
        %dma_wait3A_615 = tpu.memref_slice %arg7[%dma_wait3A_612, %dma_wait3A_613, %dma_wait3A_614] : memref<5x40x128xf32, #tpu.memory_space<vmem>> -> memref<1x40x128xf32, #tpu.memory_space<vmem>>
        %dma_wait3A_616 = tpu.memref_squeeze %dma_wait3A_615 : memref<1x40x128xf32, #tpu.memory_space<vmem>> -> memref<40x128xf32, #tpu.memory_space<vmem>>
        %dma_wait3A_617 = arith.constant 0 : i32
        %dma_wait3A_618 = arith.constant 0 : i32
        %dma_wait3A_619 = tpu.memref_slice %arg58[%dma_wait3A_617, %dma_wait3A_618] : memref<10000x128xf32, #tpu.memory_space<vmem_shared>> -> memref<10000x128xf32, #tpu.memory_space<vmem_shared>>
        tpu.wait_indirect_dma semaphore(%arg57 : memref<!tpu.dma_semaphore, #tpu.memory_space<semaphore_mem>>) src(%dma_wait3A_616 : memref<40x128xf32, #tpu.memory_space<vmem>>) dst(%dma_wait3A_619 : memref<10000x128xf32, #tpu.memory_space<vmem_shared>>)
      } else {
      }
      %add3A_153 = arith.constant 10 : i32
      %add3A_154 = arith.addi %add3A_148, %add3A_153 : i32
      %sub3A = arith.constant 1 : i32
      %sub3A_155 = arith.subi %add3A_154, %sub3A : i32
      %lt3A = arith.constant 250 : i32
      %lt3A_156 = arith.cmpi slt, %sub3A_155, %lt3A : i32
      %convert_element_type3A_157 = arith.extui %lt3A_156 : i1 to i32
      %cond3A_158 = arith.constant 0 : i32
      %cond3A_159 = arith.cmpi ne, %convert_element_type3A_157, %cond3A_158 : i32
      scf.if %cond3A_159 {
        %add3A_612 = arith.constant 10 : i32
        %add3A_613 = arith.addi %add3A_148, %add3A_612 : i32
        %sub3A_614 = arith.constant 1 : i32
        %sub3A_615 = arith.subi %add3A_613, %sub3A_614 : i32
        %mul3A_616 = arith.constant 40 : i32
        %mul3A_617 = arith.muli %sub3A_615, %mul3A_616 : i32
        %add3A_618 = arith.addi %mul3A_2, %mul3A_617 : i32
        %multiple_of3A_619 = tpu.assume_multiple %add3A_618, 8 : i32
        %dma_start3A_620 = tpu.memref_slice %arg3[%multiple_of3A_619] : memref<320000xi32, #tpu.memory_space<hbm>> -> memref<40xi32, #tpu.memory_space<hbm>>
        %dma_start3A_621 = tpu.memref_slice %arg3[%multiple_of3A_619] : memref<320000xi32, #tpu.memory_space<hbm>> -> memref<40xi32, #tpu.memory_space<hbm>>
        tpu.enqueue_dma source(%dma_start3A_621 : memref<40xi32, #tpu.memory_space<hbm>>) target(%arg17 : memref<40xi32, #tpu.memory_space<vmem>>) target_semaphore(%arg37 : memref<!tpu.dma_semaphore, #tpu.memory_space<semaphore_mem>>)
        %dma_start3A_622 = tpu.memref_slice %arg4[%multiple_of3A_619] : memref<320000xi32, #tpu.memory_space<hbm>> -> memref<40xi32, #tpu.memory_space<hbm>>
        %dma_start3A_623 = tpu.memref_slice %arg4[%multiple_of3A_619] : memref<320000xi32, #tpu.memory_space<hbm>> -> memref<40xi32, #tpu.memory_space<hbm>>
        tpu.enqueue_dma source(%dma_start3A_623 : memref<40xi32, #tpu.memory_space<hbm>>) target(%arg27 : memref<40xi32, #tpu.memory_space<vmem>>) target_semaphore(%arg47 : memref<!tpu.dma_semaphore, #tpu.memory_space<semaphore_mem>>)
      } else {
      }
      %add3A_160 = arith.constant 4 : i32
      %add3A_161 = arith.addi %add3A_148, %add3A_160 : i32
      %lt3A_162 = arith.constant 250 : i32
      %lt3A_163 = arith.cmpi slt, %add3A_161, %lt3A_162 : i32
      %convert_element_type3A_164 = arith.extui %lt3A_163 : i1 to i32
      %cond3A_165 = arith.constant 0 : i32
      %cond3A_166 = arith.cmpi ne, %convert_element_type3A_164, %cond3A_165 : i32
      scf.if %cond3A_166 {
        %add3A_612 = arith.constant 4 : i32
        %add3A_613 = arith.addi %add3A_148, %add3A_612 : i32
        %mul3A_614 = arith.constant 40 : i32
        %mul3A_615 = arith.muli %add3A_613, %mul3A_614 : i32
        %add3A_616 = arith.addi %mul3A_2, %mul3A_615 : i32
        %multiple_of3A_617 = tpu.assume_multiple %add3A_616, 8 : i32
        %dma_wait3A_618 = tpu.memref_slice %arg3[%multiple_of3A_617] : memref<320000xi32, #tpu.memory_space<hbm>> -> memref<40xi32, #tpu.memory_space<hbm>>
        %dma_wait3A_619 = tpu.memref_slice %arg3[%multiple_of3A_617] : memref<320000xi32, #tpu.memory_space<hbm>> -> memref<40xi32, #tpu.memory_space<hbm>>
        tpu.wait_dma2 semaphore(%arg32 : memref<!tpu.dma_semaphore, #tpu.memory_space<semaphore_mem>>) src(%dma_wait3A_619 : memref<40xi32, #tpu.memory_space<hbm>>) dst(%arg12 : memref<40xi32, #tpu.memory_space<vmem>>)
        %dma_start3A_620 = arith.constant 4 : i32
        %dma_start3A_621 = arith.constant 0 : i32
        %dma_start3A_622 = arith.constant 0 : i32
        %dma_start3A_623 = tpu.memref_slice %arg7[%dma_start3A_620, %dma_start3A_621, %dma_start3A_622] : memref<5x40x128xf32, #tpu.memory_space<vmem>> -> memref<1x40x128xf32, #tpu.memory_space<vmem>>
        %dma_start3A_624 = tpu.memref_squeeze %dma_start3A_623 : memref<1x40x128xf32, #tpu.memory_space<vmem>> -> memref<40x128xf32, #tpu.memory_space<vmem>>
        %dma_start3A_625 = arith.constant 0 : i32
        %dma_start3A_626 = arith.constant 0 : i32
        %dma_start3A_627 = tpu.memref_slice %arg2[%dma_start3A_625, %dma_start3A_626] : memref<10000x128xf32, #tpu.memory_space<hbm>> -> memref<10000x128xf32, #tpu.memory_space<hbm>>
        tpu.enqueue_indirect_dma source(%dma_start3A_627 : memref<10000x128xf32, #tpu.memory_space<hbm>>) target(%dma_start3A_624 : memref<40x128xf32, #tpu.memory_space<vmem>>) offsets(%arg12 : memref<40xi32, #tpu.memory_space<vmem>>) semaphore(%arg52 : memref<!tpu.dma_semaphore, #tpu.memory_space<semaphore_mem>>)
      } else {
      }
      %dma_wait3A_167 = arith.constant 0 : i32
      %dma_wait3A_168 = arith.constant 0 : i32
      %dma_wait3A_169 = arith.constant 0 : i32
      %dma_wait3A_170 = tpu.memref_slice %arg7[%dma_wait3A_167, %dma_wait3A_168, %dma_wait3A_169] : memref<5x40x128xf32, #tpu.memory_space<vmem>> -> memref<1x40x128xf32, #tpu.memory_space<vmem>>
      %dma_wait3A_171 = tpu.memref_squeeze %dma_wait3A_170 : memref<1x40x128xf32, #tpu.memory_space<vmem>> -> memref<40x128xf32, #tpu.memory_space<vmem>>
      %dma_wait3A_172 = arith.constant 0 : i32
      %dma_wait3A_173 = arith.constant 0 : i32
      %dma_wait3A_174 = tpu.memref_slice %arg2[%dma_wait3A_172, %dma_wait3A_173] : memref<10000x128xf32, #tpu.memory_space<hbm>> -> memref<10000x128xf32, #tpu.memory_space<hbm>>
      tpu.wait_indirect_dma semaphore(%arg48 : memref<!tpu.dma_semaphore, #tpu.memory_space<semaphore_mem>>) src(%dma_wait3A_174 : memref<10000x128xf32, #tpu.memory_space<hbm>>) dst(%dma_wait3A_171 : memref<40x128xf32, #tpu.memory_space<vmem>>)
      %mul3A_175 = arith.constant 40 : i32
      %mul3A_176 = arith.muli %add3A_148, %mul3A_175 : i32
      %add3A_177 = arith.addi %mul3A_2, %mul3A_176 : i32
      %multiple_of3A_178 = tpu.assume_multiple %add3A_177, 8 : i32
      %dma_wait3A_179 = tpu.memref_slice %arg4[%multiple_of3A_178] : memref<320000xi32, #tpu.memory_space<hbm>> -> memref<40xi32, #tpu.memory_space<hbm>>
      %dma_wait3A_180 = tpu.memref_slice %arg4[%multiple_of3A_178] : memref<320000xi32, #tpu.memory_space<hbm>> -> memref<40xi32, #tpu.memory_space<hbm>>
      tpu.wait_dma2 semaphore(%arg38 : memref<!tpu.dma_semaphore, #tpu.memory_space<semaphore_mem>>) src(%dma_wait3A_180 : memref<40xi32, #tpu.memory_space<hbm>>) dst(%arg18 : memref<40xi32, #tpu.memory_space<vmem>>)
      %dma_start3A_181 = arith.constant 0 : i32
      %dma_start3A_182 = arith.constant 0 : i32
      %dma_start3A_183 = arith.constant 0 : i32
      %dma_start3A_184 = tpu.memref_slice %arg7[%dma_start3A_181, %dma_start3A_182, %dma_start3A_183] : memref<5x40x128xf32, #tpu.memory_space<vmem>> -> memref<1x40x128xf32, #tpu.memory_space<vmem>>
      %dma_start3A_185 = tpu.memref_squeeze %dma_start3A_184 : memref<1x40x128xf32, #tpu.memory_space<vmem>> -> memref<40x128xf32, #tpu.memory_space<vmem>>
      %dma_start3A_186 = arith.constant 0 : i32
      %dma_start3A_187 = arith.constant 0 : i32
      %dma_start3A_188 = tpu.memref_slice %arg58[%dma_start3A_186, %dma_start3A_187] : memref<10000x128xf32, #tpu.memory_space<vmem_shared>> -> memref<10000x128xf32, #tpu.memory_space<vmem_shared>>
      tpu.enqueue_indirect_dma source(%dma_start3A_185 : memref<40x128xf32, #tpu.memory_space<vmem>>) target(%dma_start3A_188 : memref<10000x128xf32, #tpu.memory_space<vmem_shared>>) offsets(%arg18 : memref<40xi32, #tpu.memory_space<vmem>>) semaphore(%arg53 : memref<!tpu.dma_semaphore, #tpu.memory_space<semaphore_mem>>) {add = true}
      %mul3A_189 = arith.constant 10 : i32
      %mul3A_190 = arith.muli %scan3A_144, %mul3A_189 : i32
      %add3A_191 = arith.constant 1 : i32
      %add3A_192 = arith.addi %mul3A_190, %add3A_191 : i32
      %ge3A_193 = arith.constant 1 : i32
      %ge3A_194 = arith.cmpi sge, %add3A_192, %ge3A_193 : i32
      %convert_element_type3A_195 = arith.extui %ge3A_194 : i1 to i32
      %cond3A_196 = arith.constant 0 : i32
      %cond3A_197 = arith.cmpi ne, %convert_element_type3A_195, %cond3A_196 : i32
      scf.if %cond3A_197 {
        %dma_wait3A_612 = arith.constant 0 : i32
        %dma_wait3A_613 = arith.constant 0 : i32
        %dma_wait3A_614 = arith.constant 0 : i32
        %dma_wait3A_615 = tpu.memref_slice %arg7[%dma_wait3A_612, %dma_wait3A_613, %dma_wait3A_614] : memref<5x40x128xf32, #tpu.memory_space<vmem>> -> memref<1x40x128xf32, #tpu.memory_space<vmem>>
        %dma_wait3A_616 = tpu.memref_squeeze %dma_wait3A_615 : memref<1x40x128xf32, #tpu.memory_space<vmem>> -> memref<40x128xf32, #tpu.memory_space<vmem>>
        %dma_wait3A_617 = arith.constant 0 : i32
        %dma_wait3A_618 = arith.constant 0 : i32
        %dma_wait3A_619 = tpu.memref_slice %arg58[%dma_wait3A_617, %dma_wait3A_618] : memref<10000x128xf32, #tpu.memory_space<vmem_shared>> -> memref<10000x128xf32, #tpu.memory_space<vmem_shared>>
        tpu.wait_indirect_dma semaphore(%arg53 : memref<!tpu.dma_semaphore, #tpu.memory_space<semaphore_mem>>) src(%dma_wait3A_616 : memref<40x128xf32, #tpu.memory_space<vmem>>) dst(%dma_wait3A_619 : memref<10000x128xf32, #tpu.memory_space<vmem_shared>>)
      } else {
      }
      %add3A_198 = arith.constant 10 : i32
      %add3A_199 = arith.addi %add3A_192, %add3A_198 : i32
      %sub3A_200 = arith.constant 1 : i32
      %sub3A_201 = arith.subi %add3A_199, %sub3A_200 : i32
      %lt3A_202 = arith.constant 250 : i32
      %lt3A_203 = arith.cmpi slt, %sub3A_201, %lt3A_202 : i32
      %convert_element_type3A_204 = arith.extui %lt3A_203 : i1 to i32
      %cond3A_205 = arith.constant 0 : i32
      %cond3A_206 = arith.cmpi ne, %convert_element_type3A_204, %cond3A_205 : i32
      scf.if %cond3A_206 {
        %add3A_612 = arith.constant 10 : i32
        %add3A_613 = arith.addi %add3A_192, %add3A_612 : i32
        %sub3A_614 = arith.constant 1 : i32
        %sub3A_615 = arith.subi %add3A_613, %sub3A_614 : i32
        %mul3A_616 = arith.constant 40 : i32
        %mul3A_617 = arith.muli %sub3A_615, %mul3A_616 : i32
        %add3A_618 = arith.addi %mul3A_2, %mul3A_617 : i32
        %multiple_of3A_619 = tpu.assume_multiple %add3A_618, 8 : i32
        %dma_start3A_620 = tpu.memref_slice %arg3[%multiple_of3A_619] : memref<320000xi32, #tpu.memory_space<hbm>> -> memref<40xi32, #tpu.memory_space<hbm>>
        %dma_start3A_621 = tpu.memref_slice %arg3[%multiple_of3A_619] : memref<320000xi32, #tpu.memory_space<hbm>> -> memref<40xi32, #tpu.memory_space<hbm>>
        tpu.enqueue_dma source(%dma_start3A_621 : memref<40xi32, #tpu.memory_space<hbm>>) target(%arg8 : memref<40xi32, #tpu.memory_space<vmem>>) target_semaphore(%arg28 : memref<!tpu.dma_semaphore, #tpu.memory_space<semaphore_mem>>)
        %dma_start3A_622 = tpu.memref_slice %arg4[%multiple_of3A_619] : memref<320000xi32, #tpu.memory_space<hbm>> -> memref<40xi32, #tpu.memory_space<hbm>>
        %dma_start3A_623 = tpu.memref_slice %arg4[%multiple_of3A_619] : memref<320000xi32, #tpu.memory_space<hbm>> -> memref<40xi32, #tpu.memory_space<hbm>>
        tpu.enqueue_dma source(%dma_start3A_623 : memref<40xi32, #tpu.memory_space<hbm>>) target(%arg18 : memref<40xi32, #tpu.memory_space<vmem>>) target_semaphore(%arg38 : memref<!tpu.dma_semaphore, #tpu.memory_space<semaphore_mem>>)
      } else {
      }
      %add3A_207 = arith.constant 4 : i32
      %add3A_208 = arith.addi %add3A_192, %add3A_207 : i32
      %lt3A_209 = arith.constant 250 : i32
      %lt3A_210 = arith.cmpi slt, %add3A_208, %lt3A_209 : i32
      %convert_element_type3A_211 = arith.extui %lt3A_210 : i1 to i32
      %cond3A_212 = arith.constant 0 : i32
      %cond3A_213 = arith.cmpi ne, %convert_element_type3A_211, %cond3A_212 : i32
      scf.if %cond3A_213 {
        %add3A_612 = arith.constant 4 : i32
        %add3A_613 = arith.addi %add3A_192, %add3A_612 : i32
        %mul3A_614 = arith.constant 40 : i32
        %mul3A_615 = arith.muli %add3A_613, %mul3A_614 : i32
        %add3A_616 = arith.addi %mul3A_2, %mul3A_615 : i32
        %multiple_of3A_617 = tpu.assume_multiple %add3A_616, 8 : i32
        %dma_wait3A_618 = tpu.memref_slice %arg3[%multiple_of3A_617] : memref<320000xi32, #tpu.memory_space<hbm>> -> memref<40xi32, #tpu.memory_space<hbm>>
        %dma_wait3A_619 = tpu.memref_slice %arg3[%multiple_of3A_617] : memref<320000xi32, #tpu.memory_space<hbm>> -> memref<40xi32, #tpu.memory_space<hbm>>
        tpu.wait_dma2 semaphore(%arg33 : memref<!tpu.dma_semaphore, #tpu.memory_space<semaphore_mem>>) src(%dma_wait3A_619 : memref<40xi32, #tpu.memory_space<hbm>>) dst(%arg13 : memref<40xi32, #tpu.memory_space<vmem>>)
        %dma_start3A_620 = arith.constant 0 : i32
        %dma_start3A_621 = arith.constant 0 : i32
        %dma_start3A_622 = arith.constant 0 : i32
        %dma_start3A_623 = tpu.memref_slice %arg7[%dma_start3A_620, %dma_start3A_621, %dma_start3A_622] : memref<5x40x128xf32, #tpu.memory_space<vmem>> -> memref<1x40x128xf32, #tpu.memory_space<vmem>>
        %dma_start3A_624 = tpu.memref_squeeze %dma_start3A_623 : memref<1x40x128xf32, #tpu.memory_space<vmem>> -> memref<40x128xf32, #tpu.memory_space<vmem>>
        %dma_start3A_625 = arith.constant 0 : i32
        %dma_start3A_626 = arith.constant 0 : i32
        %dma_start3A_627 = tpu.memref_slice %arg2[%dma_start3A_625, %dma_start3A_626] : memref<10000x128xf32, #tpu.memory_space<hbm>> -> memref<10000x128xf32, #tpu.memory_space<hbm>>
        tpu.enqueue_indirect_dma source(%dma_start3A_627 : memref<10000x128xf32, #tpu.memory_space<hbm>>) target(%dma_start3A_624 : memref<40x128xf32, #tpu.memory_space<vmem>>) offsets(%arg13 : memref<40xi32, #tpu.memory_space<vmem>>) semaphore(%arg48 : memref<!tpu.dma_semaphore, #tpu.memory_space<semaphore_mem>>)
      } else {
      }
      %dma_wait3A_214 = arith.constant 1 : i32
      %dma_wait3A_215 = arith.constant 0 : i32
      %dma_wait3A_216 = arith.constant 0 : i32
      %dma_wait3A_217 = tpu.memref_slice %arg7[%dma_wait3A_214, %dma_wait3A_215, %dma_wait3A_216] : memref<5x40x128xf32, #tpu.memory_space<vmem>> -> memref<1x40x128xf32, #tpu.memory_space<vmem>>
      %dma_wait3A_218 = tpu.memref_squeeze %dma_wait3A_217 : memref<1x40x128xf32, #tpu.memory_space<vmem>> -> memref<40x128xf32, #tpu.memory_space<vmem>>
      %dma_wait3A_219 = arith.constant 0 : i32
      %dma_wait3A_220 = arith.constant 0 : i32
      %dma_wait3A_221 = tpu.memref_slice %arg2[%dma_wait3A_219, %dma_wait3A_220] : memref<10000x128xf32, #tpu.memory_space<hbm>> -> memref<10000x128xf32, #tpu.memory_space<hbm>>
      tpu.wait_indirect_dma semaphore(%arg49 : memref<!tpu.dma_semaphore, #tpu.memory_space<semaphore_mem>>) src(%dma_wait3A_221 : memref<10000x128xf32, #tpu.memory_space<hbm>>) dst(%dma_wait3A_218 : memref<40x128xf32, #tpu.memory_space<vmem>>)
      %mul3A_222 = arith.constant 40 : i32
      %mul3A_223 = arith.muli %add3A_192, %mul3A_222 : i32
      %add3A_224 = arith.addi %mul3A_2, %mul3A_223 : i32
      %multiple_of3A_225 = tpu.assume_multiple %add3A_224, 8 : i32
      %dma_wait3A_226 = tpu.memref_slice %arg4[%multiple_of3A_225] : memref<320000xi32, #tpu.memory_space<hbm>> -> memref<40xi32, #tpu.memory_space<hbm>>
      %dma_wait3A_227 = tpu.memref_slice %arg4[%multiple_of3A_225] : memref<320000xi32, #tpu.memory_space<hbm>> -> memref<40xi32, #tpu.memory_space<hbm>>
      tpu.wait_dma2 semaphore(%arg39 : memref<!tpu.dma_semaphore, #tpu.memory_space<semaphore_mem>>) src(%dma_wait3A_227 : memref<40xi32, #tpu.memory_space<hbm>>) dst(%arg19 : memref<40xi32, #tpu.memory_space<vmem>>)
      %dma_start3A_228 = arith.constant 1 : i32
      %dma_start3A_229 = arith.constant 0 : i32
      %dma_start3A_230 = arith.constant 0 : i32
      %dma_start3A_231 = tpu.memref_slice %arg7[%dma_start3A_228, %dma_start3A_229, %dma_start3A_230] : memref<5x40x128xf32, #tpu.memory_space<vmem>> -> memref<1x40x128xf32, #tpu.memory_space<vmem>>
      %dma_start3A_232 = tpu.memref_squeeze %dma_start3A_231 : memref<1x40x128xf32, #tpu.memory_space<vmem>> -> memref<40x128xf32, #tpu.memory_space<vmem>>
      %dma_start3A_233 = arith.constant 0 : i32
      %dma_start3A_234 = arith.constant 0 : i32
      %dma_start3A_235 = tpu.memref_slice %arg58[%dma_start3A_233, %dma_start3A_234] : memref<10000x128xf32, #tpu.memory_space<vmem_shared>> -> memref<10000x128xf32, #tpu.memory_space<vmem_shared>>
      tpu.enqueue_indirect_dma source(%dma_start3A_232 : memref<40x128xf32, #tpu.memory_space<vmem>>) target(%dma_start3A_235 : memref<10000x128xf32, #tpu.memory_space<vmem_shared>>) offsets(%arg19 : memref<40xi32, #tpu.memory_space<vmem>>) semaphore(%arg54 : memref<!tpu.dma_semaphore, #tpu.memory_space<semaphore_mem>>) {add = true}
      %mul3A_236 = arith.constant 10 : i32
      %mul3A_237 = arith.muli %scan3A_144, %mul3A_236 : i32
      %add3A_238 = arith.constant 2 : i32
      %add3A_239 = arith.addi %mul3A_237, %add3A_238 : i32
      %ge3A_240 = arith.constant 1 : i32
      %ge3A_241 = arith.cmpi sge, %add3A_239, %ge3A_240 : i32
      %convert_element_type3A_242 = arith.extui %ge3A_241 : i1 to i32
      %cond3A_243 = arith.constant 0 : i32
      %cond3A_244 = arith.cmpi ne, %convert_element_type3A_242, %cond3A_243 : i32
      scf.if %cond3A_244 {
        %dma_wait3A_612 = arith.constant 1 : i32
        %dma_wait3A_613 = arith.constant 0 : i32
        %dma_wait3A_614 = arith.constant 0 : i32
        %dma_wait3A_615 = tpu.memref_slice %arg7[%dma_wait3A_612, %dma_wait3A_613, %dma_wait3A_614] : memref<5x40x128xf32, #tpu.memory_space<vmem>> -> memref<1x40x128xf32, #tpu.memory_space<vmem>>
        %dma_wait3A_616 = tpu.memref_squeeze %dma_wait3A_615 : memref<1x40x128xf32, #tpu.memory_space<vmem>> -> memref<40x128xf32, #tpu.memory_space<vmem>>
        %dma_wait3A_617 = arith.constant 0 : i32
        %dma_wait3A_618 = arith.constant 0 : i32
        %dma_wait3A_619 = tpu.memref_slice %arg58[%dma_wait3A_617, %dma_wait3A_618] : memref<10000x128xf32, #tpu.memory_space<vmem_shared>> -> memref<10000x128xf32, #tpu.memory_space<vmem_shared>>
        tpu.wait_indirect_dma semaphore(%arg54 : memref<!tpu.dma_semaphore, #tpu.memory_space<semaphore_mem>>) src(%dma_wait3A_616 : memref<40x128xf32, #tpu.memory_space<vmem>>) dst(%dma_wait3A_619 : memref<10000x128xf32, #tpu.memory_space<vmem_shared>>)
      } else {
      }
      %add3A_245 = arith.constant 10 : i32
      %add3A_246 = arith.addi %add3A_239, %add3A_245 : i32
      %sub3A_247 = arith.constant 1 : i32
      %sub3A_248 = arith.subi %add3A_246, %sub3A_247 : i32
      %lt3A_249 = arith.constant 250 : i32
      %lt3A_250 = arith.cmpi slt, %sub3A_248, %lt3A_249 : i32
      %convert_element_type3A_251 = arith.extui %lt3A_250 : i1 to i32
      %cond3A_252 = arith.constant 0 : i32
      %cond3A_253 = arith.cmpi ne, %convert_element_type3A_251, %cond3A_252 : i32
      scf.if %cond3A_253 {
        %add3A_612 = arith.constant 10 : i32
        %add3A_613 = arith.addi %add3A_239, %add3A_612 : i32
        %sub3A_614 = arith.constant 1 : i32
        %sub3A_615 = arith.subi %add3A_613, %sub3A_614 : i32
        %mul3A_616 = arith.constant 40 : i32
        %mul3A_617 = arith.muli %sub3A_615, %mul3A_616 : i32
        %add3A_618 = arith.addi %mul3A_2, %mul3A_617 : i32
        %multiple_of3A_619 = tpu.assume_multiple %add3A_618, 8 : i32
        %dma_start3A_620 = tpu.memref_slice %arg3[%multiple_of3A_619] : memref<320000xi32, #tpu.memory_space<hbm>> -> memref<40xi32, #tpu.memory_space<hbm>>
        %dma_start3A_621 = tpu.memref_slice %arg3[%multiple_of3A_619] : memref<320000xi32, #tpu.memory_space<hbm>> -> memref<40xi32, #tpu.memory_space<hbm>>
        tpu.enqueue_dma source(%dma_start3A_621 : memref<40xi32, #tpu.memory_space<hbm>>) target(%arg9 : memref<40xi32, #tpu.memory_space<vmem>>) target_semaphore(%arg29 : memref<!tpu.dma_semaphore, #tpu.memory_space<semaphore_mem>>)
        %dma_start3A_622 = tpu.memref_slice %arg4[%multiple_of3A_619] : memref<320000xi32, #tpu.memory_space<hbm>> -> memref<40xi32, #tpu.memory_space<hbm>>
        %dma_start3A_623 = tpu.memref_slice %arg4[%multiple_of3A_619] : memref<320000xi32, #tpu.memory_space<hbm>> -> memref<40xi32, #tpu.memory_space<hbm>>
        tpu.enqueue_dma source(%dma_start3A_623 : memref<40xi32, #tpu.memory_space<hbm>>) target(%arg19 : memref<40xi32, #tpu.memory_space<vmem>>) target_semaphore(%arg39 : memref<!tpu.dma_semaphore, #tpu.memory_space<semaphore_mem>>)
      } else {
      }
      %add3A_254 = arith.constant 4 : i32
      %add3A_255 = arith.addi %add3A_239, %add3A_254 : i32
      %lt3A_256 = arith.constant 250 : i32
      %lt3A_257 = arith.cmpi slt, %add3A_255, %lt3A_256 : i32
      %convert_element_type3A_258 = arith.extui %lt3A_257 : i1 to i32
      %cond3A_259 = arith.constant 0 : i32
      %cond3A_260 = arith.cmpi ne, %convert_element_type3A_258, %cond3A_259 : i32
      scf.if %cond3A_260 {
        %add3A_612 = arith.constant 4 : i32
        %add3A_613 = arith.addi %add3A_239, %add3A_612 : i32
        %mul3A_614 = arith.constant 40 : i32
        %mul3A_615 = arith.muli %add3A_613, %mul3A_614 : i32
        %add3A_616 = arith.addi %mul3A_2, %mul3A_615 : i32
        %multiple_of3A_617 = tpu.assume_multiple %add3A_616, 8 : i32
        %dma_wait3A_618 = tpu.memref_slice %arg3[%multiple_of3A_617] : memref<320000xi32, #tpu.memory_space<hbm>> -> memref<40xi32, #tpu.memory_space<hbm>>
        %dma_wait3A_619 = tpu.memref_slice %arg3[%multiple_of3A_617] : memref<320000xi32, #tpu.memory_space<hbm>> -> memref<40xi32, #tpu.memory_space<hbm>>
        tpu.wait_dma2 semaphore(%arg34 : memref<!tpu.dma_semaphore, #tpu.memory_space<semaphore_mem>>) src(%dma_wait3A_619 : memref<40xi32, #tpu.memory_space<hbm>>) dst(%arg14 : memref<40xi32, #tpu.memory_space<vmem>>)
        %dma_start3A_620 = arith.constant 1 : i32
        %dma_start3A_621 = arith.constant 0 : i32
        %dma_start3A_622 = arith.constant 0 : i32
        %dma_start3A_623 = tpu.memref_slice %arg7[%dma_start3A_620, %dma_start3A_621, %dma_start3A_622] : memref<5x40x128xf32, #tpu.memory_space<vmem>> -> memref<1x40x128xf32, #tpu.memory_space<vmem>>
        %dma_start3A_624 = tpu.memref_squeeze %dma_start3A_623 : memref<1x40x128xf32, #tpu.memory_space<vmem>> -> memref<40x128xf32, #tpu.memory_space<vmem>>
        %dma_start3A_625 = arith.constant 0 : i32
        %dma_start3A_626 = arith.constant 0 : i32
        %dma_start3A_627 = tpu.memref_slice %arg2[%dma_start3A_625, %dma_start3A_626] : memref<10000x128xf32, #tpu.memory_space<hbm>> -> memref<10000x128xf32, #tpu.memory_space<hbm>>
        tpu.enqueue_indirect_dma source(%dma_start3A_627 : memref<10000x128xf32, #tpu.memory_space<hbm>>) target(%dma_start3A_624 : memref<40x128xf32, #tpu.memory_space<vmem>>) offsets(%arg14 : memref<40xi32, #tpu.memory_space<vmem>>) semaphore(%arg49 : memref<!tpu.dma_semaphore, #tpu.memory_space<semaphore_mem>>)
      } else {
      }
      %dma_wait3A_261 = arith.constant 2 : i32
      %dma_wait3A_262 = arith.constant 0 : i32
      %dma_wait3A_263 = arith.constant 0 : i32
      %dma_wait3A_264 = tpu.memref_slice %arg7[%dma_wait3A_261, %dma_wait3A_262, %dma_wait3A_263] : memref<5x40x128xf32, #tpu.memory_space<vmem>> -> memref<1x40x128xf32, #tpu.memory_space<vmem>>
      %dma_wait3A_265 = tpu.memref_squeeze %dma_wait3A_264 : memref<1x40x128xf32, #tpu.memory_space<vmem>> -> memref<40x128xf32, #tpu.memory_space<vmem>>
      %dma_wait3A_266 = arith.constant 0 : i32
      %dma_wait3A_267 = arith.constant 0 : i32
      %dma_wait3A_268 = tpu.memref_slice %arg2[%dma_wait3A_266, %dma_wait3A_267] : memref<10000x128xf32, #tpu.memory_space<hbm>> -> memref<10000x128xf32, #tpu.memory_space<hbm>>
      tpu.wait_indirect_dma semaphore(%arg50 : memref<!tpu.dma_semaphore, #tpu.memory_space<semaphore_mem>>) src(%dma_wait3A_268 : memref<10000x128xf32, #tpu.memory_space<hbm>>) dst(%dma_wait3A_265 : memref<40x128xf32, #tpu.memory_space<vmem>>)
      %mul3A_269 = arith.constant 40 : i32
      %mul3A_270 = arith.muli %add3A_239, %mul3A_269 : i32
      %add3A_271 = arith.addi %mul3A_2, %mul3A_270 : i32
      %multiple_of3A_272 = tpu.assume_multiple %add3A_271, 8 : i32
      %dma_wait3A_273 = tpu.memref_slice %arg4[%multiple_of3A_272] : memref<320000xi32, #tpu.memory_space<hbm>> -> memref<40xi32, #tpu.memory_space<hbm>>
      %dma_wait3A_274 = tpu.memref_slice %arg4[%multiple_of3A_272] : memref<320000xi32, #tpu.memory_space<hbm>> -> memref<40xi32, #tpu.memory_space<hbm>>
      tpu.wait_dma2 semaphore(%arg40 : memref<!tpu.dma_semaphore, #tpu.memory_space<semaphore_mem>>) src(%dma_wait3A_274 : memref<40xi32, #tpu.memory_space<hbm>>) dst(%arg20 : memref<40xi32, #tpu.memory_space<vmem>>)
      %dma_start3A_275 = arith.constant 2 : i32
      %dma_start3A_276 = arith.constant 0 : i32
      %dma_start3A_277 = arith.constant 0 : i32
      %dma_start3A_278 = tpu.memref_slice %arg7[%dma_start3A_275, %dma_start3A_276, %dma_start3A_277] : memref<5x40x128xf32, #tpu.memory_space<vmem>> -> memref<1x40x128xf32, #tpu.memory_space<vmem>>
      %dma_start3A_279 = tpu.memref_squeeze %dma_start3A_278 : memref<1x40x128xf32, #tpu.memory_space<vmem>> -> memref<40x128xf32, #tpu.memory_space<vmem>>
      %dma_start3A_280 = arith.constant 0 : i32
      %dma_start3A_281 = arith.constant 0 : i32
      %dma_start3A_282 = tpu.memref_slice %arg58[%dma_start3A_280, %dma_start3A_281] : memref<10000x128xf32, #tpu.memory_space<vmem_shared>> -> memref<10000x128xf32, #tpu.memory_space<vmem_shared>>
      tpu.enqueue_indirect_dma source(%dma_start3A_279 : memref<40x128xf32, #tpu.memory_space<vmem>>) target(%dma_start3A_282 : memref<10000x128xf32, #tpu.memory_space<vmem_shared>>) offsets(%arg20 : memref<40xi32, #tpu.memory_space<vmem>>) semaphore(%arg55 : memref<!tpu.dma_semaphore, #tpu.memory_space<semaphore_mem>>) {add = true}
      %mul3A_283 = arith.constant 10 : i32
      %mul3A_284 = arith.muli %scan3A_144, %mul3A_283 : i32
      %add3A_285 = arith.constant 3 : i32
      %add3A_286 = arith.addi %mul3A_284, %add3A_285 : i32
      %ge3A_287 = arith.constant 1 : i32
      %ge3A_288 = arith.cmpi sge, %add3A_286, %ge3A_287 : i32
      %convert_element_type3A_289 = arith.extui %ge3A_288 : i1 to i32
      %cond3A_290 = arith.constant 0 : i32
      %cond3A_291 = arith.cmpi ne, %convert_element_type3A_289, %cond3A_290 : i32
      scf.if %cond3A_291 {
        %dma_wait3A_612 = arith.constant 2 : i32
        %dma_wait3A_613 = arith.constant 0 : i32
        %dma_wait3A_614 = arith.constant 0 : i32
        %dma_wait3A_615 = tpu.memref_slice %arg7[%dma_wait3A_612, %dma_wait3A_613, %dma_wait3A_614] : memref<5x40x128xf32, #tpu.memory_space<vmem>> -> memref<1x40x128xf32, #tpu.memory_space<vmem>>
        %dma_wait3A_616 = tpu.memref_squeeze %dma_wait3A_615 : memref<1x40x128xf32, #tpu.memory_space<vmem>> -> memref<40x128xf32, #tpu.memory_space<vmem>>
        %dma_wait3A_617 = arith.constant 0 : i32
        %dma_wait3A_618 = arith.constant 0 : i32
        %dma_wait3A_619 = tpu.memref_slice %arg58[%dma_wait3A_617, %dma_wait3A_618] : memref<10000x128xf32, #tpu.memory_space<vmem_shared>> -> memref<10000x128xf32, #tpu.memory_space<vmem_shared>>
        tpu.wait_indirect_dma semaphore(%arg55 : memref<!tpu.dma_semaphore, #tpu.memory_space<semaphore_mem>>) src(%dma_wait3A_616 : memref<40x128xf32, #tpu.memory_space<vmem>>) dst(%dma_wait3A_619 : memref<10000x128xf32, #tpu.memory_space<vmem_shared>>)
      } else {
      }
      %add3A_292 = arith.constant 10 : i32
      %add3A_293 = arith.addi %add3A_286, %add3A_292 : i32
      %sub3A_294 = arith.constant 1 : i32
      %sub3A_295 = arith.subi %add3A_293, %sub3A_294 : i32
      %lt3A_296 = arith.constant 250 : i32
      %lt3A_297 = arith.cmpi slt, %sub3A_295, %lt3A_296 : i32
      %convert_element_type3A_298 = arith.extui %lt3A_297 : i1 to i32
      %cond3A_299 = arith.constant 0 : i32
      %cond3A_300 = arith.cmpi ne, %convert_element_type3A_298, %cond3A_299 : i32
      scf.if %cond3A_300 {
        %add3A_612 = arith.constant 10 : i32
        %add3A_613 = arith.addi %add3A_286, %add3A_612 : i32
        %sub3A_614 = arith.constant 1 : i32
        %sub3A_615 = arith.subi %add3A_613, %sub3A_614 : i32
        %mul3A_616 = arith.constant 40 : i32
        %mul3A_617 = arith.muli %sub3A_615, %mul3A_616 : i32
        %add3A_618 = arith.addi %mul3A_2, %mul3A_617 : i32
        %multiple_of3A_619 = tpu.assume_multiple %add3A_618, 8 : i32
        %dma_start3A_620 = tpu.memref_slice %arg3[%multiple_of3A_619] : memref<320000xi32, #tpu.memory_space<hbm>> -> memref<40xi32, #tpu.memory_space<hbm>>
        %dma_start3A_621 = tpu.memref_slice %arg3[%multiple_of3A_619] : memref<320000xi32, #tpu.memory_space<hbm>> -> memref<40xi32, #tpu.memory_space<hbm>>
        tpu.enqueue_dma source(%dma_start3A_621 : memref<40xi32, #tpu.memory_space<hbm>>) target(%arg10 : memref<40xi32, #tpu.memory_space<vmem>>) target_semaphore(%arg30 : memref<!tpu.dma_semaphore, #tpu.memory_space<semaphore_mem>>)
        %dma_start3A_622 = tpu.memref_slice %arg4[%multiple_of3A_619] : memref<320000xi32, #tpu.memory_space<hbm>> -> memref<40xi32, #tpu.memory_space<hbm>>
        %dma_start3A_623 = tpu.memref_slice %arg4[%multiple_of3A_619] : memref<320000xi32, #tpu.memory_space<hbm>> -> memref<40xi32, #tpu.memory_space<hbm>>
        tpu.enqueue_dma source(%dma_start3A_623 : memref<40xi32, #tpu.memory_space<hbm>>) target(%arg20 : memref<40xi32, #tpu.memory_space<vmem>>) target_semaphore(%arg40 : memref<!tpu.dma_semaphore, #tpu.memory_space<semaphore_mem>>)
      } else {
      }
      %add3A_301 = arith.constant 4 : i32
      %add3A_302 = arith.addi %add3A_286, %add3A_301 : i32
      %lt3A_303 = arith.constant 250 : i32
      %lt3A_304 = arith.cmpi slt, %add3A_302, %lt3A_303 : i32
      %convert_element_type3A_305 = arith.extui %lt3A_304 : i1 to i32
      %cond3A_306 = arith.constant 0 : i32
      %cond3A_307 = arith.cmpi ne, %convert_element_type3A_305, %cond3A_306 : i32
      scf.if %cond3A_307 {
        %add3A_612 = arith.constant 4 : i32
        %add3A_613 = arith.addi %add3A_286, %add3A_612 : i32
        %mul3A_614 = arith.constant 40 : i32
        %mul3A_615 = arith.muli %add3A_613, %mul3A_614 : i32
        %add3A_616 = arith.addi %mul3A_2, %mul3A_615 : i32
        %multiple_of3A_617 = tpu.assume_multiple %add3A_616, 8 : i32
        %dma_wait3A_618 = tpu.memref_slice %arg3[%multiple_of3A_617] : memref<320000xi32, #tpu.memory_space<hbm>> -> memref<40xi32, #tpu.memory_space<hbm>>
        %dma_wait3A_619 = tpu.memref_slice %arg3[%multiple_of3A_617] : memref<320000xi32, #tpu.memory_space<hbm>> -> memref<40xi32, #tpu.memory_space<hbm>>
        tpu.wait_dma2 semaphore(%arg35 : memref<!tpu.dma_semaphore, #tpu.memory_space<semaphore_mem>>) src(%dma_wait3A_619 : memref<40xi32, #tpu.memory_space<hbm>>) dst(%arg15 : memref<40xi32, #tpu.memory_space<vmem>>)
        %dma_start3A_620 = arith.constant 2 : i32
        %dma_start3A_621 = arith.constant 0 : i32
        %dma_start3A_622 = arith.constant 0 : i32
        %dma_start3A_623 = tpu.memref_slice %arg7[%dma_start3A_620, %dma_start3A_621, %dma_start3A_622] : memref<5x40x128xf32, #tpu.memory_space<vmem>> -> memref<1x40x128xf32, #tpu.memory_space<vmem>>
        %dma_start3A_624 = tpu.memref_squeeze %dma_start3A_623 : memref<1x40x128xf32, #tpu.memory_space<vmem>> -> memref<40x128xf32, #tpu.memory_space<vmem>>
        %dma_start3A_625 = arith.constant 0 : i32
        %dma_start3A_626 = arith.constant 0 : i32
        %dma_start3A_627 = tpu.memref_slice %arg2[%dma_start3A_625, %dma_start3A_626] : memref<10000x128xf32, #tpu.memory_space<hbm>> -> memref<10000x128xf32, #tpu.memory_space<hbm>>
        tpu.enqueue_indirect_dma source(%dma_start3A_627 : memref<10000x128xf32, #tpu.memory_space<hbm>>) target(%dma_start3A_624 : memref<40x128xf32, #tpu.memory_space<vmem>>) offsets(%arg15 : memref<40xi32, #tpu.memory_space<vmem>>) semaphore(%arg50 : memref<!tpu.dma_semaphore, #tpu.memory_space<semaphore_mem>>)
      } else {
      }
      %dma_wait3A_308 = arith.constant 3 : i32
      %dma_wait3A_309 = arith.constant 0 : i32
      %dma_wait3A_310 = arith.constant 0 : i32
      %dma_wait3A_311 = tpu.memref_slice %arg7[%dma_wait3A_308, %dma_wait3A_309, %dma_wait3A_310] : memref<5x40x128xf32, #tpu.memory_space<vmem>> -> memref<1x40x128xf32, #tpu.memory_space<vmem>>
      %dma_wait3A_312 = tpu.memref_squeeze %dma_wait3A_311 : memref<1x40x128xf32, #tpu.memory_space<vmem>> -> memref<40x128xf32, #tpu.memory_space<vmem>>
      %dma_wait3A_313 = arith.constant 0 : i32
      %dma_wait3A_314 = arith.constant 0 : i32
      %dma_wait3A_315 = tpu.memref_slice %arg2[%dma_wait3A_313, %dma_wait3A_314] : memref<10000x128xf32, #tpu.memory_space<hbm>> -> memref<10000x128xf32, #tpu.memory_space<hbm>>
      tpu.wait_indirect_dma semaphore(%arg51 : memref<!tpu.dma_semaphore, #tpu.memory_space<semaphore_mem>>) src(%dma_wait3A_315 : memref<10000x128xf32, #tpu.memory_space<hbm>>) dst(%dma_wait3A_312 : memref<40x128xf32, #tpu.memory_space<vmem>>)
      %mul3A_316 = arith.constant 40 : i32
      %mul3A_317 = arith.muli %add3A_286, %mul3A_316 : i32
      %add3A_318 = arith.addi %mul3A_2, %mul3A_317 : i32
      %multiple_of3A_319 = tpu.assume_multiple %add3A_318, 8 : i32
      %dma_wait3A_320 = tpu.memref_slice %arg4[%multiple_of3A_319] : memref<320000xi32, #tpu.memory_space<hbm>> -> memref<40xi32, #tpu.memory_space<hbm>>
      %dma_wait3A_321 = tpu.memref_slice %arg4[%multiple_of3A_319] : memref<320000xi32, #tpu.memory_space<hbm>> -> memref<40xi32, #tpu.memory_space<hbm>>
      tpu.wait_dma2 semaphore(%arg41 : memref<!tpu.dma_semaphore, #tpu.memory_space<semaphore_mem>>) src(%dma_wait3A_321 : memref<40xi32, #tpu.memory_space<hbm>>) dst(%arg21 : memref<40xi32, #tpu.memory_space<vmem>>)
      %dma_start3A_322 = arith.constant 3 : i32
      %dma_start3A_323 = arith.constant 0 : i32
      %dma_start3A_324 = arith.constant 0 : i32
      %dma_start3A_325 = tpu.memref_slice %arg7[%dma_start3A_322, %dma_start3A_323, %dma_start3A_324] : memref<5x40x128xf32, #tpu.memory_space<vmem>> -> memref<1x40x128xf32, #tpu.memory_space<vmem>>
      %dma_start3A_326 = tpu.memref_squeeze %dma_start3A_325 : memref<1x40x128xf32, #tpu.memory_space<vmem>> -> memref<40x128xf32, #tpu.memory_space<vmem>>
      %dma_start3A_327 = arith.constant 0 : i32
      %dma_start3A_328 = arith.constant 0 : i32
      %dma_start3A_329 = tpu.memref_slice %arg58[%dma_start3A_327, %dma_start3A_328] : memref<10000x128xf32, #tpu.memory_space<vmem_shared>> -> memref<10000x128xf32, #tpu.memory_space<vmem_shared>>
      tpu.enqueue_indirect_dma source(%dma_start3A_326 : memref<40x128xf32, #tpu.memory_space<vmem>>) target(%dma_start3A_329 : memref<10000x128xf32, #tpu.memory_space<vmem_shared>>) offsets(%arg21 : memref<40xi32, #tpu.memory_space<vmem>>) semaphore(%arg56 : memref<!tpu.dma_semaphore, #tpu.memory_space<semaphore_mem>>) {add = true}
      %mul3A_330 = arith.constant 10 : i32
      %mul3A_331 = arith.muli %scan3A_144, %mul3A_330 : i32
      %add3A_332 = arith.constant 4 : i32
      %add3A_333 = arith.addi %mul3A_331, %add3A_332 : i32
      %ge3A_334 = arith.constant 1 : i32
      %ge3A_335 = arith.cmpi sge, %add3A_333, %ge3A_334 : i32
      %convert_element_type3A_336 = arith.extui %ge3A_335 : i1 to i32
      %cond3A_337 = arith.constant 0 : i32
      %cond3A_338 = arith.cmpi ne, %convert_element_type3A_336, %cond3A_337 : i32
      scf.if %cond3A_338 {
        %dma_wait3A_612 = arith.constant 3 : i32
        %dma_wait3A_613 = arith.constant 0 : i32
        %dma_wait3A_614 = arith.constant 0 : i32
        %dma_wait3A_615 = tpu.memref_slice %arg7[%dma_wait3A_612, %dma_wait3A_613, %dma_wait3A_614] : memref<5x40x128xf32, #tpu.memory_space<vmem>> -> memref<1x40x128xf32, #tpu.memory_space<vmem>>
        %dma_wait3A_616 = tpu.memref_squeeze %dma_wait3A_615 : memref<1x40x128xf32, #tpu.memory_space<vmem>> -> memref<40x128xf32, #tpu.memory_space<vmem>>
        %dma_wait3A_617 = arith.constant 0 : i32
        %dma_wait3A_618 = arith.constant 0 : i32
        %dma_wait3A_619 = tpu.memref_slice %arg58[%dma_wait3A_617, %dma_wait3A_618] : memref<10000x128xf32, #tpu.memory_space<vmem_shared>> -> memref<10000x128xf32, #tpu.memory_space<vmem_shared>>
        tpu.wait_indirect_dma semaphore(%arg56 : memref<!tpu.dma_semaphore, #tpu.memory_space<semaphore_mem>>) src(%dma_wait3A_616 : memref<40x128xf32, #tpu.memory_space<vmem>>) dst(%dma_wait3A_619 : memref<10000x128xf32, #tpu.memory_space<vmem_shared>>)
      } else {
      }
      %add3A_339 = arith.constant 10 : i32
      %add3A_340 = arith.addi %add3A_333, %add3A_339 : i32
      %sub3A_341 = arith.constant 1 : i32
      %sub3A_342 = arith.subi %add3A_340, %sub3A_341 : i32
      %lt3A_343 = arith.constant 250 : i32
      %lt3A_344 = arith.cmpi slt, %sub3A_342, %lt3A_343 : i32
      %convert_element_type3A_345 = arith.extui %lt3A_344 : i1 to i32
      %cond3A_346 = arith.constant 0 : i32
      %cond3A_347 = arith.cmpi ne, %convert_element_type3A_345, %cond3A_346 : i32
      scf.if %cond3A_347 {
        %add3A_612 = arith.constant 10 : i32
        %add3A_613 = arith.addi %add3A_333, %add3A_612 : i32
        %sub3A_614 = arith.constant 1 : i32
        %sub3A_615 = arith.subi %add3A_613, %sub3A_614 : i32
        %mul3A_616 = arith.constant 40 : i32
        %mul3A_617 = arith.muli %sub3A_615, %mul3A_616 : i32
        %add3A_618 = arith.addi %mul3A_2, %mul3A_617 : i32
        %multiple_of3A_619 = tpu.assume_multiple %add3A_618, 8 : i32
        %dma_start3A_620 = tpu.memref_slice %arg3[%multiple_of3A_619] : memref<320000xi32, #tpu.memory_space<hbm>> -> memref<40xi32, #tpu.memory_space<hbm>>
        %dma_start3A_621 = tpu.memref_slice %arg3[%multiple_of3A_619] : memref<320000xi32, #tpu.memory_space<hbm>> -> memref<40xi32, #tpu.memory_space<hbm>>
        tpu.enqueue_dma source(%dma_start3A_621 : memref<40xi32, #tpu.memory_space<hbm>>) target(%arg11 : memref<40xi32, #tpu.memory_space<vmem>>) target_semaphore(%arg31 : memref<!tpu.dma_semaphore, #tpu.memory_space<semaphore_mem>>)
        %dma_start3A_622 = tpu.memref_slice %arg4[%multiple_of3A_619] : memref<320000xi32, #tpu.memory_space<hbm>> -> memref<40xi32, #tpu.memory_space<hbm>>
        %dma_start3A_623 = tpu.memref_slice %arg4[%multiple_of3A_619] : memref<320000xi32, #tpu.memory_space<hbm>> -> memref<40xi32, #tpu.memory_space<hbm>>
        tpu.enqueue_dma source(%dma_start3A_623 : memref<40xi32, #tpu.memory_space<hbm>>) target(%arg21 : memref<40xi32, #tpu.memory_space<vmem>>) target_semaphore(%arg41 : memref<!tpu.dma_semaphore, #tpu.memory_space<semaphore_mem>>)
      } else {
      }
      %add3A_348 = arith.constant 4 : i32
      %add3A_349 = arith.addi %add3A_333, %add3A_348 : i32
      %lt3A_350 = arith.constant 250 : i32
      %lt3A_351 = arith.cmpi slt, %add3A_349, %lt3A_350 : i32
      %convert_element_type3A_352 = arith.extui %lt3A_351 : i1 to i32
      %cond3A_353 = arith.constant 0 : i32
      %cond3A_354 = arith.cmpi ne, %convert_element_type3A_352, %cond3A_353 : i32
      scf.if %cond3A_354 {
        %add3A_612 = arith.constant 4 : i32
        %add3A_613 = arith.addi %add3A_333, %add3A_612 : i32
        %mul3A_614 = arith.constant 40 : i32
        %mul3A_615 = arith.muli %add3A_613, %mul3A_614 : i32
        %add3A_616 = arith.addi %mul3A_2, %mul3A_615 : i32
        %multiple_of3A_617 = tpu.assume_multiple %add3A_616, 8 : i32
        %dma_wait3A_618 = tpu.memref_slice %arg3[%multiple_of3A_617] : memref<320000xi32, #tpu.memory_space<hbm>> -> memref<40xi32, #tpu.memory_space<hbm>>
        %dma_wait3A_619 = tpu.memref_slice %arg3[%multiple_of3A_617] : memref<320000xi32, #tpu.memory_space<hbm>> -> memref<40xi32, #tpu.memory_space<hbm>>
        tpu.wait_dma2 semaphore(%arg36 : memref<!tpu.dma_semaphore, #tpu.memory_space<semaphore_mem>>) src(%dma_wait3A_619 : memref<40xi32, #tpu.memory_space<hbm>>) dst(%arg16 : memref<40xi32, #tpu.memory_space<vmem>>)
        %dma_start3A_620 = arith.constant 3 : i32
        %dma_start3A_621 = arith.constant 0 : i32
        %dma_start3A_622 = arith.constant 0 : i32
        %dma_start3A_623 = tpu.memref_slice %arg7[%dma_start3A_620, %dma_start3A_621, %dma_start3A_622] : memref<5x40x128xf32, #tpu.memory_space<vmem>> -> memref<1x40x128xf32, #tpu.memory_space<vmem>>
        %dma_start3A_624 = tpu.memref_squeeze %dma_start3A_623 : memref<1x40x128xf32, #tpu.memory_space<vmem>> -> memref<40x128xf32, #tpu.memory_space<vmem>>
        %dma_start3A_625 = arith.constant 0 : i32
        %dma_start3A_626 = arith.constant 0 : i32
        %dma_start3A_627 = tpu.memref_slice %arg2[%dma_start3A_625, %dma_start3A_626] : memref<10000x128xf32, #tpu.memory_space<hbm>> -> memref<10000x128xf32, #tpu.memory_space<hbm>>
        tpu.enqueue_indirect_dma source(%dma_start3A_627 : memref<10000x128xf32, #tpu.memory_space<hbm>>) target(%dma_start3A_624 : memref<40x128xf32, #tpu.memory_space<vmem>>) offsets(%arg16 : memref<40xi32, #tpu.memory_space<vmem>>) semaphore(%arg51 : memref<!tpu.dma_semaphore, #tpu.memory_space<semaphore_mem>>)
      } else {
      }
      %dma_wait3A_355 = arith.constant 4 : i32
      %dma_wait3A_356 = arith.constant 0 : i32
      %dma_wait3A_357 = arith.constant 0 : i32
      %dma_wait3A_358 = tpu.memref_slice %arg7[%dma_wait3A_355, %dma_wait3A_356, %dma_wait3A_357] : memref<5x40x128xf32, #tpu.memory_space<vmem>> -> memref<1x40x128xf32, #tpu.memory_space<vmem>>
      %dma_wait3A_359 = tpu.memref_squeeze %dma_wait3A_358 : memref<1x40x128xf32, #tpu.memory_space<vmem>> -> memref<40x128xf32, #tpu.memory_space<vmem>>
      %dma_wait3A_360 = arith.constant 0 : i32
      %dma_wait3A_361 = arith.constant 0 : i32
      %dma_wait3A_362 = tpu.memref_slice %arg2[%dma_wait3A_360, %dma_wait3A_361] : memref<10000x128xf32, #tpu.memory_space<hbm>> -> memref<10000x128xf32, #tpu.memory_space<hbm>>
      tpu.wait_indirect_dma semaphore(%arg52 : memref<!tpu.dma_semaphore, #tpu.memory_space<semaphore_mem>>) src(%dma_wait3A_362 : memref<10000x128xf32, #tpu.memory_space<hbm>>) dst(%dma_wait3A_359 : memref<40x128xf32, #tpu.memory_space<vmem>>)
      %mul3A_363 = arith.constant 40 : i32
      %mul3A_364 = arith.muli %add3A_333, %mul3A_363 : i32
      %add3A_365 = arith.addi %mul3A_2, %mul3A_364 : i32
      %multiple_of3A_366 = tpu.assume_multiple %add3A_365, 8 : i32
      %dma_wait3A_367 = tpu.memref_slice %arg4[%multiple_of3A_366] : memref<320000xi32, #tpu.memory_space<hbm>> -> memref<40xi32, #tpu.memory_space<hbm>>
      %dma_wait3A_368 = tpu.memref_slice %arg4[%multiple_of3A_366] : memref<320000xi32, #tpu.memory_space<hbm>> -> memref<40xi32, #tpu.memory_space<hbm>>
      tpu.wait_dma2 semaphore(%arg42 : memref<!tpu.dma_semaphore, #tpu.memory_space<semaphore_mem>>) src(%dma_wait3A_368 : memref<40xi32, #tpu.memory_space<hbm>>) dst(%arg22 : memref<40xi32, #tpu.memory_space<vmem>>)
      %dma_start3A_369 = arith.constant 4 : i32
      %dma_start3A_370 = arith.constant 0 : i32
      %dma_start3A_371 = arith.constant 0 : i32
      %dma_start3A_372 = tpu.memref_slice %arg7[%dma_start3A_369, %dma_start3A_370, %dma_start3A_371] : memref<5x40x128xf32, #tpu.memory_space<vmem>> -> memref<1x40x128xf32, #tpu.memory_space<vmem>>
      %dma_start3A_373 = tpu.memref_squeeze %dma_start3A_372 : memref<1x40x128xf32, #tpu.memory_space<vmem>> -> memref<40x128xf32, #tpu.memory_space<vmem>>
      %dma_start3A_374 = arith.constant 0 : i32
      %dma_start3A_375 = arith.constant 0 : i32
      %dma_start3A_376 = tpu.memref_slice %arg58[%dma_start3A_374, %dma_start3A_375] : memref<10000x128xf32, #tpu.memory_space<vmem_shared>> -> memref<10000x128xf32, #tpu.memory_space<vmem_shared>>
      tpu.enqueue_indirect_dma source(%dma_start3A_373 : memref<40x128xf32, #tpu.memory_space<vmem>>) target(%dma_start3A_376 : memref<10000x128xf32, #tpu.memory_space<vmem_shared>>) offsets(%arg22 : memref<40xi32, #tpu.memory_space<vmem>>) semaphore(%arg57 : memref<!tpu.dma_semaphore, #tpu.memory_space<semaphore_mem>>) {add = true}
      %mul3A_377 = arith.constant 10 : i32
      %mul3A_378 = arith.muli %scan3A_144, %mul3A_377 : i32
      %add3A_379 = arith.constant 5 : i32
      %add3A_380 = arith.addi %mul3A_378, %add3A_379 : i32
      %ge3A_381 = arith.constant 1 : i32
      %ge3A_382 = arith.cmpi sge, %add3A_380, %ge3A_381 : i32
      %convert_element_type3A_383 = arith.extui %ge3A_382 : i1 to i32
      %cond3A_384 = arith.constant 0 : i32
      %cond3A_385 = arith.cmpi ne, %convert_element_type3A_383, %cond3A_384 : i32
      scf.if %cond3A_385 {
        %dma_wait3A_612 = arith.constant 4 : i32
        %dma_wait3A_613 = arith.constant 0 : i32
        %dma_wait3A_614 = arith.constant 0 : i32
        %dma_wait3A_615 = tpu.memref_slice %arg7[%dma_wait3A_612, %dma_wait3A_613, %dma_wait3A_614] : memref<5x40x128xf32, #tpu.memory_space<vmem>> -> memref<1x40x128xf32, #tpu.memory_space<vmem>>
        %dma_wait3A_616 = tpu.memref_squeeze %dma_wait3A_615 : memref<1x40x128xf32, #tpu.memory_space<vmem>> -> memref<40x128xf32, #tpu.memory_space<vmem>>
        %dma_wait3A_617 = arith.constant 0 : i32
        %dma_wait3A_618 = arith.constant 0 : i32
        %dma_wait3A_619 = tpu.memref_slice %arg58[%dma_wait3A_617, %dma_wait3A_618] : memref<10000x128xf32, #tpu.memory_space<vmem_shared>> -> memref<10000x128xf32, #tpu.memory_space<vmem_shared>>
        tpu.wait_indirect_dma semaphore(%arg57 : memref<!tpu.dma_semaphore, #tpu.memory_space<semaphore_mem>>) src(%dma_wait3A_616 : memref<40x128xf32, #tpu.memory_space<vmem>>) dst(%dma_wait3A_619 : memref<10000x128xf32, #tpu.memory_space<vmem_shared>>)
      } else {
      }
      %add3A_386 = arith.constant 10 : i32
      %add3A_387 = arith.addi %add3A_380, %add3A_386 : i32
      %sub3A_388 = arith.constant 1 : i32
      %sub3A_389 = arith.subi %add3A_387, %sub3A_388 : i32
      %lt3A_390 = arith.constant 250 : i32
      %lt3A_391 = arith.cmpi slt, %sub3A_389, %lt3A_390 : i32
      %convert_element_type3A_392 = arith.extui %lt3A_391 : i1 to i32
      %cond3A_393 = arith.constant 0 : i32
      %cond3A_394 = arith.cmpi ne, %convert_element_type3A_392, %cond3A_393 : i32
      scf.if %cond3A_394 {
        %add3A_612 = arith.constant 10 : i32
        %add3A_613 = arith.addi %add3A_380, %add3A_612 : i32
        %sub3A_614 = arith.constant 1 : i32
        %sub3A_615 = arith.subi %add3A_613, %sub3A_614 : i32
        %mul3A_616 = arith.constant 40 : i32
        %mul3A_617 = arith.muli %sub3A_615, %mul3A_616 : i32
        %add3A_618 = arith.addi %mul3A_2, %mul3A_617 : i32
        %multiple_of3A_619 = tpu.assume_multiple %add3A_618, 8 : i32
        %dma_start3A_620 = tpu.memref_slice %arg3[%multiple_of3A_619] : memref<320000xi32, #tpu.memory_space<hbm>> -> memref<40xi32, #tpu.memory_space<hbm>>
        %dma_start3A_621 = tpu.memref_slice %arg3[%multiple_of3A_619] : memref<320000xi32, #tpu.memory_space<hbm>> -> memref<40xi32, #tpu.memory_space<hbm>>
        tpu.enqueue_dma source(%dma_start3A_621 : memref<40xi32, #tpu.memory_space<hbm>>) target(%arg12 : memref<40xi32, #tpu.memory_space<vmem>>) target_semaphore(%arg32 : memref<!tpu.dma_semaphore, #tpu.memory_space<semaphore_mem>>)
        %dma_start3A_622 = tpu.memref_slice %arg4[%multiple_of3A_619] : memref<320000xi32, #tpu.memory_space<hbm>> -> memref<40xi32, #tpu.memory_space<hbm>>
        %dma_start3A_623 = tpu.memref_slice %arg4[%multiple_of3A_619] : memref<320000xi32, #tpu.memory_space<hbm>> -> memref<40xi32, #tpu.memory_space<hbm>>
        tpu.enqueue_dma source(%dma_start3A_623 : memref<40xi32, #tpu.memory_space<hbm>>) target(%arg22 : memref<40xi32, #tpu.memory_space<vmem>>) target_semaphore(%arg42 : memref<!tpu.dma_semaphore, #tpu.memory_space<semaphore_mem>>)
      } else {
      }
      %add3A_395 = arith.constant 4 : i32
      %add3A_396 = arith.addi %add3A_380, %add3A_395 : i32
      %lt3A_397 = arith.constant 250 : i32
      %lt3A_398 = arith.cmpi slt, %add3A_396, %lt3A_397 : i32
      %convert_element_type3A_399 = arith.extui %lt3A_398 : i1 to i32
      %cond3A_400 = arith.constant 0 : i32
      %cond3A_401 = arith.cmpi ne, %convert_element_type3A_399, %cond3A_400 : i32
      scf.if %cond3A_401 {
        %add3A_612 = arith.constant 4 : i32
        %add3A_613 = arith.addi %add3A_380, %add3A_612 : i32
        %mul3A_614 = arith.constant 40 : i32
        %mul3A_615 = arith.muli %add3A_613, %mul3A_614 : i32
        %add3A_616 = arith.addi %mul3A_2, %mul3A_615 : i32
        %multiple_of3A_617 = tpu.assume_multiple %add3A_616, 8 : i32
        %dma_wait3A_618 = tpu.memref_slice %arg3[%multiple_of3A_617] : memref<320000xi32, #tpu.memory_space<hbm>> -> memref<40xi32, #tpu.memory_space<hbm>>
        %dma_wait3A_619 = tpu.memref_slice %arg3[%multiple_of3A_617] : memref<320000xi32, #tpu.memory_space<hbm>> -> memref<40xi32, #tpu.memory_space<hbm>>
        tpu.wait_dma2 semaphore(%arg37 : memref<!tpu.dma_semaphore, #tpu.memory_space<semaphore_mem>>) src(%dma_wait3A_619 : memref<40xi32, #tpu.memory_space<hbm>>) dst(%arg17 : memref<40xi32, #tpu.memory_space<vmem>>)
        %dma_start3A_620 = arith.constant 4 : i32
        %dma_start3A_621 = arith.constant 0 : i32
        %dma_start3A_622 = arith.constant 0 : i32
        %dma_start3A_623 = tpu.memref_slice %arg7[%dma_start3A_620, %dma_start3A_621, %dma_start3A_622] : memref<5x40x128xf32, #tpu.memory_space<vmem>> -> memref<1x40x128xf32, #tpu.memory_space<vmem>>
        %dma_start3A_624 = tpu.memref_squeeze %dma_start3A_623 : memref<1x40x128xf32, #tpu.memory_space<vmem>> -> memref<40x128xf32, #tpu.memory_space<vmem>>
        %dma_start3A_625 = arith.constant 0 : i32
        %dma_start3A_626 = arith.constant 0 : i32
        %dma_start3A_627 = tpu.memref_slice %arg2[%dma_start3A_625, %dma_start3A_626] : memref<10000x128xf32, #tpu.memory_space<hbm>> -> memref<10000x128xf32, #tpu.memory_space<hbm>>
        tpu.enqueue_indirect_dma source(%dma_start3A_627 : memref<10000x128xf32, #tpu.memory_space<hbm>>) target(%dma_start3A_624 : memref<40x128xf32, #tpu.memory_space<vmem>>) offsets(%arg17 : memref<40xi32, #tpu.memory_space<vmem>>) semaphore(%arg52 : memref<!tpu.dma_semaphore, #tpu.memory_space<semaphore_mem>>)
      } else {
      }
      %dma_wait3A_402 = arith.constant 0 : i32
      %dma_wait3A_403 = arith.constant 0 : i32
      %dma_wait3A_404 = arith.constant 0 : i32
      %dma_wait3A_405 = tpu.memref_slice %arg7[%dma_wait3A_402, %dma_wait3A_403, %dma_wait3A_404] : memref<5x40x128xf32, #tpu.memory_space<vmem>> -> memref<1x40x128xf32, #tpu.memory_space<vmem>>
      %dma_wait3A_406 = tpu.memref_squeeze %dma_wait3A_405 : memref<1x40x128xf32, #tpu.memory_space<vmem>> -> memref<40x128xf32, #tpu.memory_space<vmem>>
      %dma_wait3A_407 = arith.constant 0 : i32
      %dma_wait3A_408 = arith.constant 0 : i32
      %dma_wait3A_409 = tpu.memref_slice %arg2[%dma_wait3A_407, %dma_wait3A_408] : memref<10000x128xf32, #tpu.memory_space<hbm>> -> memref<10000x128xf32, #tpu.memory_space<hbm>>
      tpu.wait_indirect_dma semaphore(%arg48 : memref<!tpu.dma_semaphore, #tpu.memory_space<semaphore_mem>>) src(%dma_wait3A_409 : memref<10000x128xf32, #tpu.memory_space<hbm>>) dst(%dma_wait3A_406 : memref<40x128xf32, #tpu.memory_space<vmem>>)
      %mul3A_410 = arith.constant 40 : i32
      %mul3A_411 = arith.muli %add3A_380, %mul3A_410 : i32
      %add3A_412 = arith.addi %mul3A_2, %mul3A_411 : i32
      %multiple_of3A_413 = tpu.assume_multiple %add3A_412, 8 : i32
      %dma_wait3A_414 = tpu.memref_slice %arg4[%multiple_of3A_413] : memref<320000xi32, #tpu.memory_space<hbm>> -> memref<40xi32, #tpu.memory_space<hbm>>
      %dma_wait3A_415 = tpu.memref_slice %arg4[%multiple_of3A_413] : memref<320000xi32, #tpu.memory_space<hbm>> -> memref<40xi32, #tpu.memory_space<hbm>>
      tpu.wait_dma2 semaphore(%arg43 : memref<!tpu.dma_semaphore, #tpu.memory_space<semaphore_mem>>) src(%dma_wait3A_415 : memref<40xi32, #tpu.memory_space<hbm>>) dst(%arg23 : memref<40xi32, #tpu.memory_space<vmem>>)
      %dma_start3A_416 = arith.constant 0 : i32
      %dma_start3A_417 = arith.constant 0 : i32
      %dma_start3A_418 = arith.constant 0 : i32
      %dma_start3A_419 = tpu.memref_slice %arg7[%dma_start3A_416, %dma_start3A_417, %dma_start3A_418] : memref<5x40x128xf32, #tpu.memory_space<vmem>> -> memref<1x40x128xf32, #tpu.memory_space<vmem>>
      %dma_start3A_420 = tpu.memref_squeeze %dma_start3A_419 : memref<1x40x128xf32, #tpu.memory_space<vmem>> -> memref<40x128xf32, #tpu.memory_space<vmem>>
      %dma_start3A_421 = arith.constant 0 : i32
      %dma_start3A_422 = arith.constant 0 : i32
      %dma_start3A_423 = tpu.memref_slice %arg58[%dma_start3A_421, %dma_start3A_422] : memref<10000x128xf32, #tpu.memory_space<vmem_shared>> -> memref<10000x128xf32, #tpu.memory_space<vmem_shared>>
      tpu.enqueue_indirect_dma source(%dma_start3A_420 : memref<40x128xf32, #tpu.memory_space<vmem>>) target(%dma_start3A_423 : memref<10000x128xf32, #tpu.memory_space<vmem_shared>>) offsets(%arg23 : memref<40xi32, #tpu.memory_space<vmem>>) semaphore(%arg53 : memref<!tpu.dma_semaphore, #tpu.memory_space<semaphore_mem>>) {add = true}
      %mul3A_424 = arith.constant 10 : i32
      %mul3A_425 = arith.muli %scan3A_144, %mul3A_424 : i32
      %add3A_426 = arith.constant 6 : i32
      %add3A_427 = arith.addi %mul3A_425, %add3A_426 : i32
      %ge3A_428 = arith.constant 1 : i32
      %ge3A_429 = arith.cmpi sge, %add3A_427, %ge3A_428 : i32
      %convert_element_type3A_430 = arith.extui %ge3A_429 : i1 to i32
      %cond3A_431 = arith.constant 0 : i32
      %cond3A_432 = arith.cmpi ne, %convert_element_type3A_430, %cond3A_431 : i32
      scf.if %cond3A_432 {
        %dma_wait3A_612 = arith.constant 0 : i32
        %dma_wait3A_613 = arith.constant 0 : i32
        %dma_wait3A_614 = arith.constant 0 : i32
        %dma_wait3A_615 = tpu.memref_slice %arg7[%dma_wait3A_612, %dma_wait3A_613, %dma_wait3A_614] : memref<5x40x128xf32, #tpu.memory_space<vmem>> -> memref<1x40x128xf32, #tpu.memory_space<vmem>>
        %dma_wait3A_616 = tpu.memref_squeeze %dma_wait3A_615 : memref<1x40x128xf32, #tpu.memory_space<vmem>> -> memref<40x128xf32, #tpu.memory_space<vmem>>
        %dma_wait3A_617 = arith.constant 0 : i32
        %dma_wait3A_618 = arith.constant 0 : i32
        %dma_wait3A_619 = tpu.memref_slice %arg58[%dma_wait3A_617, %dma_wait3A_618] : memref<10000x128xf32, #tpu.memory_space<vmem_shared>> -> memref<10000x128xf32, #tpu.memory_space<vmem_shared>>
        tpu.wait_indirect_dma semaphore(%arg53 : memref<!tpu.dma_semaphore, #tpu.memory_space<semaphore_mem>>) src(%dma_wait3A_616 : memref<40x128xf32, #tpu.memory_space<vmem>>) dst(%dma_wait3A_619 : memref<10000x128xf32, #tpu.memory_space<vmem_shared>>)
      } else {
      }
      %add3A_433 = arith.constant 10 : i32
      %add3A_434 = arith.addi %add3A_427, %add3A_433 : i32
      %sub3A_435 = arith.constant 1 : i32
      %sub3A_436 = arith.subi %add3A_434, %sub3A_435 : i32
      %lt3A_437 = arith.constant 250 : i32
      %lt3A_438 = arith.cmpi slt, %sub3A_436, %lt3A_437 : i32
      %convert_element_type3A_439 = arith.extui %lt3A_438 : i1 to i32
      %cond3A_440 = arith.constant 0 : i32
      %cond3A_441 = arith.cmpi ne, %convert_element_type3A_439, %cond3A_440 : i32
      scf.if %cond3A_441 {
        %add3A_612 = arith.constant 10 : i32
        %add3A_613 = arith.addi %add3A_427, %add3A_612 : i32
        %sub3A_614 = arith.constant 1 : i32
        %sub3A_615 = arith.subi %add3A_613, %sub3A_614 : i32
        %mul3A_616 = arith.constant 40 : i32
        %mul3A_617 = arith.muli %sub3A_615, %mul3A_616 : i32
        %add3A_618 = arith.addi %mul3A_2, %mul3A_617 : i32
        %multiple_of3A_619 = tpu.assume_multiple %add3A_618, 8 : i32
        %dma_start3A_620 = tpu.memref_slice %arg3[%multiple_of3A_619] : memref<320000xi32, #tpu.memory_space<hbm>> -> memref<40xi32, #tpu.memory_space<hbm>>
        %dma_start3A_621 = tpu.memref_slice %arg3[%multiple_of3A_619] : memref<320000xi32, #tpu.memory_space<hbm>> -> memref<40xi32, #tpu.memory_space<hbm>>
        tpu.enqueue_dma source(%dma_start3A_621 : memref<40xi32, #tpu.memory_space<hbm>>) target(%arg13 : memref<40xi32, #tpu.memory_space<vmem>>) target_semaphore(%arg33 : memref<!tpu.dma_semaphore, #tpu.memory_space<semaphore_mem>>)
        %dma_start3A_622 = tpu.memref_slice %arg4[%multiple_of3A_619] : memref<320000xi32, #tpu.memory_space<hbm>> -> memref<40xi32, #tpu.memory_space<hbm>>
        %dma_start3A_623 = tpu.memref_slice %arg4[%multiple_of3A_619] : memref<320000xi32, #tpu.memory_space<hbm>> -> memref<40xi32, #tpu.memory_space<hbm>>
        tpu.enqueue_dma source(%dma_start3A_623 : memref<40xi32, #tpu.memory_space<hbm>>) target(%arg23 : memref<40xi32, #tpu.memory_space<vmem>>) target_semaphore(%arg43 : memref<!tpu.dma_semaphore, #tpu.memory_space<semaphore_mem>>)
      } else {
      }
      %add3A_442 = arith.constant 4 : i32
      %add3A_443 = arith.addi %add3A_427, %add3A_442 : i32
      %lt3A_444 = arith.constant 250 : i32
      %lt3A_445 = arith.cmpi slt, %add3A_443, %lt3A_444 : i32
      %convert_element_type3A_446 = arith.extui %lt3A_445 : i1 to i32
      %cond3A_447 = arith.constant 0 : i32
      %cond3A_448 = arith.cmpi ne, %convert_element_type3A_446, %cond3A_447 : i32
      scf.if %cond3A_448 {
        %add3A_612 = arith.constant 4 : i32
        %add3A_613 = arith.addi %add3A_427, %add3A_612 : i32
        %mul3A_614 = arith.constant 40 : i32
        %mul3A_615 = arith.muli %add3A_613, %mul3A_614 : i32
        %add3A_616 = arith.addi %mul3A_2, %mul3A_615 : i32
        %multiple_of3A_617 = tpu.assume_multiple %add3A_616, 8 : i32
        %dma_wait3A_618 = tpu.memref_slice %arg3[%multiple_of3A_617] : memref<320000xi32, #tpu.memory_space<hbm>> -> memref<40xi32, #tpu.memory_space<hbm>>
        %dma_wait3A_619 = tpu.memref_slice %arg3[%multiple_of3A_617] : memref<320000xi32, #tpu.memory_space<hbm>> -> memref<40xi32, #tpu.memory_space<hbm>>
        tpu.wait_dma2 semaphore(%arg28 : memref<!tpu.dma_semaphore, #tpu.memory_space<semaphore_mem>>) src(%dma_wait3A_619 : memref<40xi32, #tpu.memory_space<hbm>>) dst(%arg8 : memref<40xi32, #tpu.memory_space<vmem>>)
        %dma_start3A_620 = arith.constant 0 : i32
        %dma_start3A_621 = arith.constant 0 : i32
        %dma_start3A_622 = arith.constant 0 : i32
        %dma_start3A_623 = tpu.memref_slice %arg7[%dma_start3A_620, %dma_start3A_621, %dma_start3A_622] : memref<5x40x128xf32, #tpu.memory_space<vmem>> -> memref<1x40x128xf32, #tpu.memory_space<vmem>>
        %dma_start3A_624 = tpu.memref_squeeze %dma_start3A_623 : memref<1x40x128xf32, #tpu.memory_space<vmem>> -> memref<40x128xf32, #tpu.memory_space<vmem>>
        %dma_start3A_625 = arith.constant 0 : i32
        %dma_start3A_626 = arith.constant 0 : i32
        %dma_start3A_627 = tpu.memref_slice %arg2[%dma_start3A_625, %dma_start3A_626] : memref<10000x128xf32, #tpu.memory_space<hbm>> -> memref<10000x128xf32, #tpu.memory_space<hbm>>
        tpu.enqueue_indirect_dma source(%dma_start3A_627 : memref<10000x128xf32, #tpu.memory_space<hbm>>) target(%dma_start3A_624 : memref<40x128xf32, #tpu.memory_space<vmem>>) offsets(%arg8 : memref<40xi32, #tpu.memory_space<vmem>>) semaphore(%arg48 : memref<!tpu.dma_semaphore, #tpu.memory_space<semaphore_mem>>)
      } else {
      }
      %dma_wait3A_449 = arith.constant 1 : i32
      %dma_wait3A_450 = arith.constant 0 : i32
      %dma_wait3A_451 = arith.constant 0 : i32
      %dma_wait3A_452 = tpu.memref_slice %arg7[%dma_wait3A_449, %dma_wait3A_450, %dma_wait3A_451] : memref<5x40x128xf32, #tpu.memory_space<vmem>> -> memref<1x40x128xf32, #tpu.memory_space<vmem>>
      %dma_wait3A_453 = tpu.memref_squeeze %dma_wait3A_452 : memref<1x40x128xf32, #tpu.memory_space<vmem>> -> memref<40x128xf32, #tpu.memory_space<vmem>>
      %dma_wait3A_454 = arith.constant 0 : i32
      %dma_wait3A_455 = arith.constant 0 : i32
      %dma_wait3A_456 = tpu.memref_slice %arg2[%dma_wait3A_454, %dma_wait3A_455] : memref<10000x128xf32, #tpu.memory_space<hbm>> -> memref<10000x128xf32, #tpu.memory_space<hbm>>
      tpu.wait_indirect_dma semaphore(%arg49 : memref<!tpu.dma_semaphore, #tpu.memory_space<semaphore_mem>>) src(%dma_wait3A_456 : memref<10000x128xf32, #tpu.memory_space<hbm>>) dst(%dma_wait3A_453 : memref<40x128xf32, #tpu.memory_space<vmem>>)
      %mul3A_457 = arith.constant 40 : i32
      %mul3A_458 = arith.muli %add3A_427, %mul3A_457 : i32
      %add3A_459 = arith.addi %mul3A_2, %mul3A_458 : i32
      %multiple_of3A_460 = tpu.assume_multiple %add3A_459, 8 : i32
      %dma_wait3A_461 = tpu.memref_slice %arg4[%multiple_of3A_460] : memref<320000xi32, #tpu.memory_space<hbm>> -> memref<40xi32, #tpu.memory_space<hbm>>
      %dma_wait3A_462 = tpu.memref_slice %arg4[%multiple_of3A_460] : memref<320000xi32, #tpu.memory_space<hbm>> -> memref<40xi32, #tpu.memory_space<hbm>>
      tpu.wait_dma2 semaphore(%arg44 : memref<!tpu.dma_semaphore, #tpu.memory_space<semaphore_mem>>) src(%dma_wait3A_462 : memref<40xi32, #tpu.memory_space<hbm>>) dst(%arg24 : memref<40xi32, #tpu.memory_space<vmem>>)
      %dma_start3A_463 = arith.constant 1 : i32
      %dma_start3A_464 = arith.constant 0 : i32
      %dma_start3A_465 = arith.constant 0 : i32
      %dma_start3A_466 = tpu.memref_slice %arg7[%dma_start3A_463, %dma_start3A_464, %dma_start3A_465] : memref<5x40x128xf32, #tpu.memory_space<vmem>> -> memref<1x40x128xf32, #tpu.memory_space<vmem>>
      %dma_start3A_467 = tpu.memref_squeeze %dma_start3A_466 : memref<1x40x128xf32, #tpu.memory_space<vmem>> -> memref<40x128xf32, #tpu.memory_space<vmem>>
      %dma_start3A_468 = arith.constant 0 : i32
      %dma_start3A_469 = arith.constant 0 : i32
      %dma_start3A_470 = tpu.memref_slice %arg58[%dma_start3A_468, %dma_start3A_469] : memref<10000x128xf32, #tpu.memory_space<vmem_shared>> -> memref<10000x128xf32, #tpu.memory_space<vmem_shared>>
      tpu.enqueue_indirect_dma source(%dma_start3A_467 : memref<40x128xf32, #tpu.memory_space<vmem>>) target(%dma_start3A_470 : memref<10000x128xf32, #tpu.memory_space<vmem_shared>>) offsets(%arg24 : memref<40xi32, #tpu.memory_space<vmem>>) semaphore(%arg54 : memref<!tpu.dma_semaphore, #tpu.memory_space<semaphore_mem>>) {add = true}
      %mul3A_471 = arith.constant 10 : i32
      %mul3A_472 = arith.muli %scan3A_144, %mul3A_471 : i32
      %add3A_473 = arith.constant 7 : i32
      %add3A_474 = arith.addi %mul3A_472, %add3A_473 : i32
      %ge3A_475 = arith.constant 1 : i32
      %ge3A_476 = arith.cmpi sge, %add3A_474, %ge3A_475 : i32
      %convert_element_type3A_477 = arith.extui %ge3A_476 : i1 to i32
      %cond3A_478 = arith.constant 0 : i32
      %cond3A_479 = arith.cmpi ne, %convert_element_type3A_477, %cond3A_478 : i32
      scf.if %cond3A_479 {
        %dma_wait3A_612 = arith.constant 1 : i32
        %dma_wait3A_613 = arith.constant 0 : i32
        %dma_wait3A_614 = arith.constant 0 : i32
        %dma_wait3A_615 = tpu.memref_slice %arg7[%dma_wait3A_612, %dma_wait3A_613, %dma_wait3A_614] : memref<5x40x128xf32, #tpu.memory_space<vmem>> -> memref<1x40x128xf32, #tpu.memory_space<vmem>>
        %dma_wait3A_616 = tpu.memref_squeeze %dma_wait3A_615 : memref<1x40x128xf32, #tpu.memory_space<vmem>> -> memref<40x128xf32, #tpu.memory_space<vmem>>
        %dma_wait3A_617 = arith.constant 0 : i32
        %dma_wait3A_618 = arith.constant 0 : i32
        %dma_wait3A_619 = tpu.memref_slice %arg58[%dma_wait3A_617, %dma_wait3A_618] : memref<10000x128xf32, #tpu.memory_space<vmem_shared>> -> memref<10000x128xf32, #tpu.memory_space<vmem_shared>>
        tpu.wait_indirect_dma semaphore(%arg54 : memref<!tpu.dma_semaphore, #tpu.memory_space<semaphore_mem>>) src(%dma_wait3A_616 : memref<40x128xf32, #tpu.memory_space<vmem>>) dst(%dma_wait3A_619 : memref<10000x128xf32, #tpu.memory_space<vmem_shared>>)
      } else {
      }
      %add3A_480 = arith.constant 10 : i32
      %add3A_481 = arith.addi %add3A_474, %add3A_480 : i32
      %sub3A_482 = arith.constant 1 : i32
      %sub3A_483 = arith.subi %add3A_481, %sub3A_482 : i32
      %lt3A_484 = arith.constant 250 : i32
      %lt3A_485 = arith.cmpi slt, %sub3A_483, %lt3A_484 : i32
      %convert_element_type3A_486 = arith.extui %lt3A_485 : i1 to i32
      %cond3A_487 = arith.constant 0 : i32
      %cond3A_488 = arith.cmpi ne, %convert_element_type3A_486, %cond3A_487 : i32
      scf.if %cond3A_488 {
        %add3A_612 = arith.constant 10 : i32
        %add3A_613 = arith.addi %add3A_474, %add3A_612 : i32
        %sub3A_614 = arith.constant 1 : i32
        %sub3A_615 = arith.subi %add3A_613, %sub3A_614 : i32
        %mul3A_616 = arith.constant 40 : i32
        %mul3A_617 = arith.muli %sub3A_615, %mul3A_616 : i32
        %add3A_618 = arith.addi %mul3A_2, %mul3A_617 : i32
        %multiple_of3A_619 = tpu.assume_multiple %add3A_618, 8 : i32
        %dma_start3A_620 = tpu.memref_slice %arg3[%multiple_of3A_619] : memref<320000xi32, #tpu.memory_space<hbm>> -> memref<40xi32, #tpu.memory_space<hbm>>
        %dma_start3A_621 = tpu.memref_slice %arg3[%multiple_of3A_619] : memref<320000xi32, #tpu.memory_space<hbm>> -> memref<40xi32, #tpu.memory_space<hbm>>
        tpu.enqueue_dma source(%dma_start3A_621 : memref<40xi32, #tpu.memory_space<hbm>>) target(%arg14 : memref<40xi32, #tpu.memory_space<vmem>>) target_semaphore(%arg34 : memref<!tpu.dma_semaphore, #tpu.memory_space<semaphore_mem>>)
        %dma_start3A_622 = tpu.memref_slice %arg4[%multiple_of3A_619] : memref<320000xi32, #tpu.memory_space<hbm>> -> memref<40xi32, #tpu.memory_space<hbm>>
        %dma_start3A_623 = tpu.memref_slice %arg4[%multiple_of3A_619] : memref<320000xi32, #tpu.memory_space<hbm>> -> memref<40xi32, #tpu.memory_space<hbm>>
        tpu.enqueue_dma source(%dma_start3A_623 : memref<40xi32, #tpu.memory_space<hbm>>) target(%arg24 : memref<40xi32, #tpu.memory_space<vmem>>) target_semaphore(%arg44 : memref<!tpu.dma_semaphore, #tpu.memory_space<semaphore_mem>>)
      } else {
      }
      %add3A_489 = arith.constant 4 : i32
      %add3A_490 = arith.addi %add3A_474, %add3A_489 : i32
      %lt3A_491 = arith.constant 250 : i32
      %lt3A_492 = arith.cmpi slt, %add3A_490, %lt3A_491 : i32
      %convert_element_type3A_493 = arith.extui %lt3A_492 : i1 to i32
      %cond3A_494 = arith.constant 0 : i32
      %cond3A_495 = arith.cmpi ne, %convert_element_type3A_493, %cond3A_494 : i32
      scf.if %cond3A_495 {
        %add3A_612 = arith.constant 4 : i32
        %add3A_613 = arith.addi %add3A_474, %add3A_612 : i32
        %mul3A_614 = arith.constant 40 : i32
        %mul3A_615 = arith.muli %add3A_613, %mul3A_614 : i32
        %add3A_616 = arith.addi %mul3A_2, %mul3A_615 : i32
        %multiple_of3A_617 = tpu.assume_multiple %add3A_616, 8 : i32
        %dma_wait3A_618 = tpu.memref_slice %arg3[%multiple_of3A_617] : memref<320000xi32, #tpu.memory_space<hbm>> -> memref<40xi32, #tpu.memory_space<hbm>>
        %dma_wait3A_619 = tpu.memref_slice %arg3[%multiple_of3A_617] : memref<320000xi32, #tpu.memory_space<hbm>> -> memref<40xi32, #tpu.memory_space<hbm>>
        tpu.wait_dma2 semaphore(%arg29 : memref<!tpu.dma_semaphore, #tpu.memory_space<semaphore_mem>>) src(%dma_wait3A_619 : memref<40xi32, #tpu.memory_space<hbm>>) dst(%arg9 : memref<40xi32, #tpu.memory_space<vmem>>)
        %dma_start3A_620 = arith.constant 1 : i32
        %dma_start3A_621 = arith.constant 0 : i32
        %dma_start3A_622 = arith.constant 0 : i32
        %dma_start3A_623 = tpu.memref_slice %arg7[%dma_start3A_620, %dma_start3A_621, %dma_start3A_622] : memref<5x40x128xf32, #tpu.memory_space<vmem>> -> memref<1x40x128xf32, #tpu.memory_space<vmem>>
        %dma_start3A_624 = tpu.memref_squeeze %dma_start3A_623 : memref<1x40x128xf32, #tpu.memory_space<vmem>> -> memref<40x128xf32, #tpu.memory_space<vmem>>
        %dma_start3A_625 = arith.constant 0 : i32
        %dma_start3A_626 = arith.constant 0 : i32
        %dma_start3A_627 = tpu.memref_slice %arg2[%dma_start3A_625, %dma_start3A_626] : memref<10000x128xf32, #tpu.memory_space<hbm>> -> memref<10000x128xf32, #tpu.memory_space<hbm>>
        tpu.enqueue_indirect_dma source(%dma_start3A_627 : memref<10000x128xf32, #tpu.memory_space<hbm>>) target(%dma_start3A_624 : memref<40x128xf32, #tpu.memory_space<vmem>>) offsets(%arg9 : memref<40xi32, #tpu.memory_space<vmem>>) semaphore(%arg49 : memref<!tpu.dma_semaphore, #tpu.memory_space<semaphore_mem>>)
      } else {
      }
      %dma_wait3A_496 = arith.constant 2 : i32
      %dma_wait3A_497 = arith.constant 0 : i32
      %dma_wait3A_498 = arith.constant 0 : i32
      %dma_wait3A_499 = tpu.memref_slice %arg7[%dma_wait3A_496, %dma_wait3A_497, %dma_wait3A_498] : memref<5x40x128xf32, #tpu.memory_space<vmem>> -> memref<1x40x128xf32, #tpu.memory_space<vmem>>
      %dma_wait3A_500 = tpu.memref_squeeze %dma_wait3A_499 : memref<1x40x128xf32, #tpu.memory_space<vmem>> -> memref<40x128xf32, #tpu.memory_space<vmem>>
      %dma_wait3A_501 = arith.constant 0 : i32
      %dma_wait3A_502 = arith.constant 0 : i32
      %dma_wait3A_503 = tpu.memref_slice %arg2[%dma_wait3A_501, %dma_wait3A_502] : memref<10000x128xf32, #tpu.memory_space<hbm>> -> memref<10000x128xf32, #tpu.memory_space<hbm>>
      tpu.wait_indirect_dma semaphore(%arg50 : memref<!tpu.dma_semaphore, #tpu.memory_space<semaphore_mem>>) src(%dma_wait3A_503 : memref<10000x128xf32, #tpu.memory_space<hbm>>) dst(%dma_wait3A_500 : memref<40x128xf32, #tpu.memory_space<vmem>>)
      %mul3A_504 = arith.constant 40 : i32
      %mul3A_505 = arith.muli %add3A_474, %mul3A_504 : i32
      %add3A_506 = arith.addi %mul3A_2, %mul3A_505 : i32
      %multiple_of3A_507 = tpu.assume_multiple %add3A_506, 8 : i32
      %dma_wait3A_508 = tpu.memref_slice %arg4[%multiple_of3A_507] : memref<320000xi32, #tpu.memory_space<hbm>> -> memref<40xi32, #tpu.memory_space<hbm>>
      %dma_wait3A_509 = tpu.memref_slice %arg4[%multiple_of3A_507] : memref<320000xi32, #tpu.memory_space<hbm>> -> memref<40xi32, #tpu.memory_space<hbm>>
      tpu.wait_dma2 semaphore(%arg45 : memref<!tpu.dma_semaphore, #tpu.memory_space<semaphore_mem>>) src(%dma_wait3A_509 : memref<40xi32, #tpu.memory_space<hbm>>) dst(%arg25 : memref<40xi32, #tpu.memory_space<vmem>>)
      %dma_start3A_510 = arith.constant 2 : i32
      %dma_start3A_511 = arith.constant 0 : i32
      %dma_start3A_512 = arith.constant 0 : i32
      %dma_start3A_513 = tpu.memref_slice %arg7[%dma_start3A_510, %dma_start3A_511, %dma_start3A_512] : memref<5x40x128xf32, #tpu.memory_space<vmem>> -> memref<1x40x128xf32, #tpu.memory_space<vmem>>
      %dma_start3A_514 = tpu.memref_squeeze %dma_start3A_513 : memref<1x40x128xf32, #tpu.memory_space<vmem>> -> memref<40x128xf32, #tpu.memory_space<vmem>>
      %dma_start3A_515 = arith.constant 0 : i32
      %dma_start3A_516 = arith.constant 0 : i32
      %dma_start3A_517 = tpu.memref_slice %arg58[%dma_start3A_515, %dma_start3A_516] : memref<10000x128xf32, #tpu.memory_space<vmem_shared>> -> memref<10000x128xf32, #tpu.memory_space<vmem_shared>>
      tpu.enqueue_indirect_dma source(%dma_start3A_514 : memref<40x128xf32, #tpu.memory_space<vmem>>) target(%dma_start3A_517 : memref<10000x128xf32, #tpu.memory_space<vmem_shared>>) offsets(%arg25 : memref<40xi32, #tpu.memory_space<vmem>>) semaphore(%arg55 : memref<!tpu.dma_semaphore, #tpu.memory_space<semaphore_mem>>) {add = true}
      %mul3A_518 = arith.constant 10 : i32
      %mul3A_519 = arith.muli %scan3A_144, %mul3A_518 : i32
      %add3A_520 = arith.constant 8 : i32
      %add3A_521 = arith.addi %mul3A_519, %add3A_520 : i32
      %ge3A_522 = arith.constant 1 : i32
      %ge3A_523 = arith.cmpi sge, %add3A_521, %ge3A_522 : i32
      %convert_element_type3A_524 = arith.extui %ge3A_523 : i1 to i32
      %cond3A_525 = arith.constant 0 : i32
      %cond3A_526 = arith.cmpi ne, %convert_element_type3A_524, %cond3A_525 : i32
      scf.if %cond3A_526 {
        %dma_wait3A_612 = arith.constant 2 : i32
        %dma_wait3A_613 = arith.constant 0 : i32
        %dma_wait3A_614 = arith.constant 0 : i32
        %dma_wait3A_615 = tpu.memref_slice %arg7[%dma_wait3A_612, %dma_wait3A_613, %dma_wait3A_614] : memref<5x40x128xf32, #tpu.memory_space<vmem>> -> memref<1x40x128xf32, #tpu.memory_space<vmem>>
        %dma_wait3A_616 = tpu.memref_squeeze %dma_wait3A_615 : memref<1x40x128xf32, #tpu.memory_space<vmem>> -> memref<40x128xf32, #tpu.memory_space<vmem>>
        %dma_wait3A_617 = arith.constant 0 : i32
        %dma_wait3A_618 = arith.constant 0 : i32
        %dma_wait3A_619 = tpu.memref_slice %arg58[%dma_wait3A_617, %dma_wait3A_618] : memref<10000x128xf32, #tpu.memory_space<vmem_shared>> -> memref<10000x128xf32, #tpu.memory_space<vmem_shared>>
        tpu.wait_indirect_dma semaphore(%arg55 : memref<!tpu.dma_semaphore, #tpu.memory_space<semaphore_mem>>) src(%dma_wait3A_616 : memref<40x128xf32, #tpu.memory_space<vmem>>) dst(%dma_wait3A_619 : memref<10000x128xf32, #tpu.memory_space<vmem_shared>>)
      } else {
      }
      %add3A_527 = arith.constant 10 : i32
      %add3A_528 = arith.addi %add3A_521, %add3A_527 : i32
      %sub3A_529 = arith.constant 1 : i32
      %sub3A_530 = arith.subi %add3A_528, %sub3A_529 : i32
      %lt3A_531 = arith.constant 250 : i32
      %lt3A_532 = arith.cmpi slt, %sub3A_530, %lt3A_531 : i32
      %convert_element_type3A_533 = arith.extui %lt3A_532 : i1 to i32
      %cond3A_534 = arith.constant 0 : i32
      %cond3A_535 = arith.cmpi ne, %convert_element_type3A_533, %cond3A_534 : i32
      scf.if %cond3A_535 {
        %add3A_612 = arith.constant 10 : i32
        %add3A_613 = arith.addi %add3A_521, %add3A_612 : i32
        %sub3A_614 = arith.constant 1 : i32
        %sub3A_615 = arith.subi %add3A_613, %sub3A_614 : i32
        %mul3A_616 = arith.constant 40 : i32
        %mul3A_617 = arith.muli %sub3A_615, %mul3A_616 : i32
        %add3A_618 = arith.addi %mul3A_2, %mul3A_617 : i32
        %multiple_of3A_619 = tpu.assume_multiple %add3A_618, 8 : i32
        %dma_start3A_620 = tpu.memref_slice %arg3[%multiple_of3A_619] : memref<320000xi32, #tpu.memory_space<hbm>> -> memref<40xi32, #tpu.memory_space<hbm>>
        %dma_start3A_621 = tpu.memref_slice %arg3[%multiple_of3A_619] : memref<320000xi32, #tpu.memory_space<hbm>> -> memref<40xi32, #tpu.memory_space<hbm>>
        tpu.enqueue_dma source(%dma_start3A_621 : memref<40xi32, #tpu.memory_space<hbm>>) target(%arg15 : memref<40xi32, #tpu.memory_space<vmem>>) target_semaphore(%arg35 : memref<!tpu.dma_semaphore, #tpu.memory_space<semaphore_mem>>)
        %dma_start3A_622 = tpu.memref_slice %arg4[%multiple_of3A_619] : memref<320000xi32, #tpu.memory_space<hbm>> -> memref<40xi32, #tpu.memory_space<hbm>>
        %dma_start3A_623 = tpu.memref_slice %arg4[%multiple_of3A_619] : memref<320000xi32, #tpu.memory_space<hbm>> -> memref<40xi32, #tpu.memory_space<hbm>>
        tpu.enqueue_dma source(%dma_start3A_623 : memref<40xi32, #tpu.memory_space<hbm>>) target(%arg25 : memref<40xi32, #tpu.memory_space<vmem>>) target_semaphore(%arg45 : memref<!tpu.dma_semaphore, #tpu.memory_space<semaphore_mem>>)
      } else {
      }
      %add3A_536 = arith.constant 4 : i32
      %add3A_537 = arith.addi %add3A_521, %add3A_536 : i32
      %lt3A_538 = arith.constant 250 : i32
      %lt3A_539 = arith.cmpi slt, %add3A_537, %lt3A_538 : i32
      %convert_element_type3A_540 = arith.extui %lt3A_539 : i1 to i32
      %cond3A_541 = arith.constant 0 : i32
      %cond3A_542 = arith.cmpi ne, %convert_element_type3A_540, %cond3A_541 : i32
      scf.if %cond3A_542 {
        %add3A_612 = arith.constant 4 : i32
        %add3A_613 = arith.addi %add3A_521, %add3A_612 : i32
        %mul3A_614 = arith.constant 40 : i32
        %mul3A_615 = arith.muli %add3A_613, %mul3A_614 : i32
        %add3A_616 = arith.addi %mul3A_2, %mul3A_615 : i32
        %multiple_of3A_617 = tpu.assume_multiple %add3A_616, 8 : i32
        %dma_wait3A_618 = tpu.memref_slice %arg3[%multiple_of3A_617] : memref<320000xi32, #tpu.memory_space<hbm>> -> memref<40xi32, #tpu.memory_space<hbm>>
        %dma_wait3A_619 = tpu.memref_slice %arg3[%multiple_of3A_617] : memref<320000xi32, #tpu.memory_space<hbm>> -> memref<40xi32, #tpu.memory_space<hbm>>
        tpu.wait_dma2 semaphore(%arg30 : memref<!tpu.dma_semaphore, #tpu.memory_space<semaphore_mem>>) src(%dma_wait3A_619 : memref<40xi32, #tpu.memory_space<hbm>>) dst(%arg10 : memref<40xi32, #tpu.memory_space<vmem>>)
        %dma_start3A_620 = arith.constant 2 : i32
        %dma_start3A_621 = arith.constant 0 : i32
        %dma_start3A_622 = arith.constant 0 : i32
        %dma_start3A_623 = tpu.memref_slice %arg7[%dma_start3A_620, %dma_start3A_621, %dma_start3A_622] : memref<5x40x128xf32, #tpu.memory_space<vmem>> -> memref<1x40x128xf32, #tpu.memory_space<vmem>>
        %dma_start3A_624 = tpu.memref_squeeze %dma_start3A_623 : memref<1x40x128xf32, #tpu.memory_space<vmem>> -> memref<40x128xf32, #tpu.memory_space<vmem>>
        %dma_start3A_625 = arith.constant 0 : i32
        %dma_start3A_626 = arith.constant 0 : i32
        %dma_start3A_627 = tpu.memref_slice %arg2[%dma_start3A_625, %dma_start3A_626] : memref<10000x128xf32, #tpu.memory_space<hbm>> -> memref<10000x128xf32, #tpu.memory_space<hbm>>
        tpu.enqueue_indirect_dma source(%dma_start3A_627 : memref<10000x128xf32, #tpu.memory_space<hbm>>) target(%dma_start3A_624 : memref<40x128xf32, #tpu.memory_space<vmem>>) offsets(%arg10 : memref<40xi32, #tpu.memory_space<vmem>>) semaphore(%arg50 : memref<!tpu.dma_semaphore, #tpu.memory_space<semaphore_mem>>)
      } else {
      }
      %dma_wait3A_543 = arith.constant 3 : i32
      %dma_wait3A_544 = arith.constant 0 : i32
      %dma_wait3A_545 = arith.constant 0 : i32
      %dma_wait3A_546 = tpu.memref_slice %arg7[%dma_wait3A_543, %dma_wait3A_544, %dma_wait3A_545] : memref<5x40x128xf32, #tpu.memory_space<vmem>> -> memref<1x40x128xf32, #tpu.memory_space<vmem>>
      %dma_wait3A_547 = tpu.memref_squeeze %dma_wait3A_546 : memref<1x40x128xf32, #tpu.memory_space<vmem>> -> memref<40x128xf32, #tpu.memory_space<vmem>>
      %dma_wait3A_548 = arith.constant 0 : i32
      %dma_wait3A_549 = arith.constant 0 : i32
      %dma_wait3A_550 = tpu.memref_slice %arg2[%dma_wait3A_548, %dma_wait3A_549] : memref<10000x128xf32, #tpu.memory_space<hbm>> -> memref<10000x128xf32, #tpu.memory_space<hbm>>
      tpu.wait_indirect_dma semaphore(%arg51 : memref<!tpu.dma_semaphore, #tpu.memory_space<semaphore_mem>>) src(%dma_wait3A_550 : memref<10000x128xf32, #tpu.memory_space<hbm>>) dst(%dma_wait3A_547 : memref<40x128xf32, #tpu.memory_space<vmem>>)
      %mul3A_551 = arith.constant 40 : i32
      %mul3A_552 = arith.muli %add3A_521, %mul3A_551 : i32
      %add3A_553 = arith.addi %mul3A_2, %mul3A_552 : i32
      %multiple_of3A_554 = tpu.assume_multiple %add3A_553, 8 : i32
      %dma_wait3A_555 = tpu.memref_slice %arg4[%multiple_of3A_554] : memref<320000xi32, #tpu.memory_space<hbm>> -> memref<40xi32, #tpu.memory_space<hbm>>
      %dma_wait3A_556 = tpu.memref_slice %arg4[%multiple_of3A_554] : memref<320000xi32, #tpu.memory_space<hbm>> -> memref<40xi32, #tpu.memory_space<hbm>>
      tpu.wait_dma2 semaphore(%arg46 : memref<!tpu.dma_semaphore, #tpu.memory_space<semaphore_mem>>) src(%dma_wait3A_556 : memref<40xi32, #tpu.memory_space<hbm>>) dst(%arg26 : memref<40xi32, #tpu.memory_space<vmem>>)
      %dma_start3A_557 = arith.constant 3 : i32
      %dma_start3A_558 = arith.constant 0 : i32
      %dma_start3A_559 = arith.constant 0 : i32
      %dma_start3A_560 = tpu.memref_slice %arg7[%dma_start3A_557, %dma_start3A_558, %dma_start3A_559] : memref<5x40x128xf32, #tpu.memory_space<vmem>> -> memref<1x40x128xf32, #tpu.memory_space<vmem>>
      %dma_start3A_561 = tpu.memref_squeeze %dma_start3A_560 : memref<1x40x128xf32, #tpu.memory_space<vmem>> -> memref<40x128xf32, #tpu.memory_space<vmem>>
      %dma_start3A_562 = arith.constant 0 : i32
      %dma_start3A_563 = arith.constant 0 : i32
      %dma_start3A_564 = tpu.memref_slice %arg58[%dma_start3A_562, %dma_start3A_563] : memref<10000x128xf32, #tpu.memory_space<vmem_shared>> -> memref<10000x128xf32, #tpu.memory_space<vmem_shared>>
      tpu.enqueue_indirect_dma source(%dma_start3A_561 : memref<40x128xf32, #tpu.memory_space<vmem>>) target(%dma_start3A_564 : memref<10000x128xf32, #tpu.memory_space<vmem_shared>>) offsets(%arg26 : memref<40xi32, #tpu.memory_space<vmem>>) semaphore(%arg56 : memref<!tpu.dma_semaphore, #tpu.memory_space<semaphore_mem>>) {add = true}
      %mul3A_565 = arith.constant 10 : i32
      %mul3A_566 = arith.muli %scan3A_144, %mul3A_565 : i32
      %add3A_567 = arith.constant 9 : i32
      %add3A_568 = arith.addi %mul3A_566, %add3A_567 : i32
      %ge3A_569 = arith.constant 1 : i32
      %ge3A_570 = arith.cmpi sge, %add3A_568, %ge3A_569 : i32
      %convert_element_type3A_571 = arith.extui %ge3A_570 : i1 to i32
      %cond3A_572 = arith.constant 0 : i32
      %cond3A_573 = arith.cmpi ne, %convert_element_type3A_571, %cond3A_572 : i32
      scf.if %cond3A_573 {
        %dma_wait3A_612 = arith.constant 3 : i32
        %dma_wait3A_613 = arith.constant 0 : i32
        %dma_wait3A_614 = arith.constant 0 : i32
        %dma_wait3A_615 = tpu.memref_slice %arg7[%dma_wait3A_612, %dma_wait3A_613, %dma_wait3A_614] : memref<5x40x128xf32, #tpu.memory_space<vmem>> -> memref<1x40x128xf32, #tpu.memory_space<vmem>>
        %dma_wait3A_616 = tpu.memref_squeeze %dma_wait3A_615 : memref<1x40x128xf32, #tpu.memory_space<vmem>> -> memref<40x128xf32, #tpu.memory_space<vmem>>
        %dma_wait3A_617 = arith.constant 0 : i32
        %dma_wait3A_618 = arith.constant 0 : i32
        %dma_wait3A_619 = tpu.memref_slice %arg58[%dma_wait3A_617, %dma_wait3A_618] : memref<10000x128xf32, #tpu.memory_space<vmem_shared>> -> memref<10000x128xf32, #tpu.memory_space<vmem_shared>>
        tpu.wait_indirect_dma semaphore(%arg56 : memref<!tpu.dma_semaphore, #tpu.memory_space<semaphore_mem>>) src(%dma_wait3A_616 : memref<40x128xf32, #tpu.memory_space<vmem>>) dst(%dma_wait3A_619 : memref<10000x128xf32, #tpu.memory_space<vmem_shared>>)
      } else {
      }
      %add3A_574 = arith.constant 10 : i32
      %add3A_575 = arith.addi %add3A_568, %add3A_574 : i32
      %sub3A_576 = arith.constant 1 : i32
      %sub3A_577 = arith.subi %add3A_575, %sub3A_576 : i32
      %lt3A_578 = arith.constant 250 : i32
      %lt3A_579 = arith.cmpi slt, %sub3A_577, %lt3A_578 : i32
      %convert_element_type3A_580 = arith.extui %lt3A_579 : i1 to i32
      %cond3A_581 = arith.constant 0 : i32
      %cond3A_582 = arith.cmpi ne, %convert_element_type3A_580, %cond3A_581 : i32
      scf.if %cond3A_582 {
        %add3A_612 = arith.constant 10 : i32
        %add3A_613 = arith.addi %add3A_568, %add3A_612 : i32
        %sub3A_614 = arith.constant 1 : i32
        %sub3A_615 = arith.subi %add3A_613, %sub3A_614 : i32
        %mul3A_616 = arith.constant 40 : i32
        %mul3A_617 = arith.muli %sub3A_615, %mul3A_616 : i32
        %add3A_618 = arith.addi %mul3A_2, %mul3A_617 : i32
        %multiple_of3A_619 = tpu.assume_multiple %add3A_618, 8 : i32
        %dma_start3A_620 = tpu.memref_slice %arg3[%multiple_of3A_619] : memref<320000xi32, #tpu.memory_space<hbm>> -> memref<40xi32, #tpu.memory_space<hbm>>
        %dma_start3A_621 = tpu.memref_slice %arg3[%multiple_of3A_619] : memref<320000xi32, #tpu.memory_space<hbm>> -> memref<40xi32, #tpu.memory_space<hbm>>
        tpu.enqueue_dma source(%dma_start3A_621 : memref<40xi32, #tpu.memory_space<hbm>>) target(%arg16 : memref<40xi32, #tpu.memory_space<vmem>>) target_semaphore(%arg36 : memref<!tpu.dma_semaphore, #tpu.memory_space<semaphore_mem>>)
        %dma_start3A_622 = tpu.memref_slice %arg4[%multiple_of3A_619] : memref<320000xi32, #tpu.memory_space<hbm>> -> memref<40xi32, #tpu.memory_space<hbm>>
        %dma_start3A_623 = tpu.memref_slice %arg4[%multiple_of3A_619] : memref<320000xi32, #tpu.memory_space<hbm>> -> memref<40xi32, #tpu.memory_space<hbm>>
        tpu.enqueue_dma source(%dma_start3A_623 : memref<40xi32, #tpu.memory_space<hbm>>) target(%arg26 : memref<40xi32, #tpu.memory_space<vmem>>) target_semaphore(%arg46 : memref<!tpu.dma_semaphore, #tpu.memory_space<semaphore_mem>>)
      } else {
      }
      %add3A_583 = arith.constant 4 : i32
      %add3A_584 = arith.addi %add3A_568, %add3A_583 : i32
      %lt3A_585 = arith.constant 250 : i32
      %lt3A_586 = arith.cmpi slt, %add3A_584, %lt3A_585 : i32
      %convert_element_type3A_587 = arith.extui %lt3A_586 : i1 to i32
      %cond3A_588 = arith.constant 0 : i32
      %cond3A_589 = arith.cmpi ne, %convert_element_type3A_587, %cond3A_588 : i32
      scf.if %cond3A_589 {
        %add3A_612 = arith.constant 4 : i32
        %add3A_613 = arith.addi %add3A_568, %add3A_612 : i32
        %mul3A_614 = arith.constant 40 : i32
        %mul3A_615 = arith.muli %add3A_613, %mul3A_614 : i32
        %add3A_616 = arith.addi %mul3A_2, %mul3A_615 : i32
        %multiple_of3A_617 = tpu.assume_multiple %add3A_616, 8 : i32
        %dma_wait3A_618 = tpu.memref_slice %arg3[%multiple_of3A_617] : memref<320000xi32, #tpu.memory_space<hbm>> -> memref<40xi32, #tpu.memory_space<hbm>>
        %dma_wait3A_619 = tpu.memref_slice %arg3[%multiple_of3A_617] : memref<320000xi32, #tpu.memory_space<hbm>> -> memref<40xi32, #tpu.memory_space<hbm>>
        tpu.wait_dma2 semaphore(%arg31 : memref<!tpu.dma_semaphore, #tpu.memory_space<semaphore_mem>>) src(%dma_wait3A_619 : memref<40xi32, #tpu.memory_space<hbm>>) dst(%arg11 : memref<40xi32, #tpu.memory_space<vmem>>)
        %dma_start3A_620 = arith.constant 3 : i32
        %dma_start3A_621 = arith.constant 0 : i32
        %dma_start3A_622 = arith.constant 0 : i32
        %dma_start3A_623 = tpu.memref_slice %arg7[%dma_start3A_620, %dma_start3A_621, %dma_start3A_622] : memref<5x40x128xf32, #tpu.memory_space<vmem>> -> memref<1x40x128xf32, #tpu.memory_space<vmem>>
        %dma_start3A_624 = tpu.memref_squeeze %dma_start3A_623 : memref<1x40x128xf32, #tpu.memory_space<vmem>> -> memref<40x128xf32, #tpu.memory_space<vmem>>
        %dma_start3A_625 = arith.constant 0 : i32
        %dma_start3A_626 = arith.constant 0 : i32
        %dma_start3A_627 = tpu.memref_slice %arg2[%dma_start3A_625, %dma_start3A_626] : memref<10000x128xf32, #tpu.memory_space<hbm>> -> memref<10000x128xf32, #tpu.memory_space<hbm>>
        tpu.enqueue_indirect_dma source(%dma_start3A_627 : memref<10000x128xf32, #tpu.memory_space<hbm>>) target(%dma_start3A_624 : memref<40x128xf32, #tpu.memory_space<vmem>>) offsets(%arg11 : memref<40xi32, #tpu.memory_space<vmem>>) semaphore(%arg51 : memref<!tpu.dma_semaphore, #tpu.memory_space<semaphore_mem>>)
      } else {
      }
      %dma_wait3A_590 = arith.constant 4 : i32
      %dma_wait3A_591 = arith.constant 0 : i32
      %dma_wait3A_592 = arith.constant 0 : i32
      %dma_wait3A_593 = tpu.memref_slice %arg7[%dma_wait3A_590, %dma_wait3A_591, %dma_wait3A_592] : memref<5x40x128xf32, #tpu.memory_space<vmem>> -> memref<1x40x128xf32, #tpu.memory_space<vmem>>
      %dma_wait3A_594 = tpu.memref_squeeze %dma_wait3A_593 : memref<1x40x128xf32, #tpu.memory_space<vmem>> -> memref<40x128xf32, #tpu.memory_space<vmem>>
      %dma_wait3A_595 = arith.constant 0 : i32
      %dma_wait3A_596 = arith.constant 0 : i32
      %dma_wait3A_597 = tpu.memref_slice %arg2[%dma_wait3A_595, %dma_wait3A_596] : memref<10000x128xf32, #tpu.memory_space<hbm>> -> memref<10000x128xf32, #tpu.memory_space<hbm>>
      tpu.wait_indirect_dma semaphore(%arg52 : memref<!tpu.dma_semaphore, #tpu.memory_space<semaphore_mem>>) src(%dma_wait3A_597 : memref<10000x128xf32, #tpu.memory_space<hbm>>) dst(%dma_wait3A_594 : memref<40x128xf32, #tpu.memory_space<vmem>>)
      %mul3A_598 = arith.constant 40 : i32
      %mul3A_599 = arith.muli %add3A_568, %mul3A_598 : i32
      %add3A_600 = arith.addi %mul3A_2, %mul3A_599 : i32
      %multiple_of3A_601 = tpu.assume_multiple %add3A_600, 8 : i32
      %dma_wait3A_602 = tpu.memref_slice %arg4[%multiple_of3A_601] : memref<320000xi32, #tpu.memory_space<hbm>> -> memref<40xi32, #tpu.memory_space<hbm>>
      %dma_wait3A_603 = tpu.memref_slice %arg4[%multiple_of3A_601] : memref<320000xi32, #tpu.memory_space<hbm>> -> memref<40xi32, #tpu.memory_space<hbm>>
      tpu.wait_dma2 semaphore(%arg47 : memref<!tpu.dma_semaphore, #tpu.memory_space<semaphore_mem>>) src(%dma_wait3A_603 : memref<40xi32, #tpu.memory_space<hbm>>) dst(%arg27 : memref<40xi32, #tpu.memory_space<vmem>>)
      %dma_start3A_604 = arith.constant 4 : i32
      %dma_start3A_605 = arith.constant 0 : i32
      %dma_start3A_606 = arith.constant 0 : i32
      %dma_start3A_607 = tpu.memref_slice %arg7[%dma_start3A_604, %dma_start3A_605, %dma_start3A_606] : memref<5x40x128xf32, #tpu.memory_space<vmem>> -> memref<1x40x128xf32, #tpu.memory_space<vmem>>
      %dma_start3A_608 = tpu.memref_squeeze %dma_start3A_607 : memref<1x40x128xf32, #tpu.memory_space<vmem>> -> memref<40x128xf32, #tpu.memory_space<vmem>>
      %dma_start3A_609 = arith.constant 0 : i32
      %dma_start3A_610 = arith.constant 0 : i32
      %dma_start3A_611 = tpu.memref_slice %arg58[%dma_start3A_609, %dma_start3A_610] : memref<10000x128xf32, #tpu.memory_space<vmem_shared>> -> memref<10000x128xf32, #tpu.memory_space<vmem_shared>>
      tpu.enqueue_indirect_dma source(%dma_start3A_608 : memref<40x128xf32, #tpu.memory_space<vmem>>) target(%dma_start3A_611 : memref<10000x128xf32, #tpu.memory_space<vmem_shared>>) offsets(%arg27 : memref<40xi32, #tpu.memory_space<vmem>>) semaphore(%arg57 : memref<!tpu.dma_semaphore, #tpu.memory_space<semaphore_mem>>) {add = true}
    }
    %scan3A_125 = arith.constant 25 : i32
    %dma_wait3A_126 = arith.constant 4 : i32
    %dma_wait3A_127 = arith.constant 0 : i32
    %dma_wait3A_128 = arith.constant 0 : i32
    %dma_wait3A_129 = tpu.memref_slice %arg7[%dma_wait3A_126, %dma_wait3A_127, %dma_wait3A_128] : memref<5x40x128xf32, #tpu.memory_space<vmem>> -> memref<1x40x128xf32, #tpu.memory_space<vmem>>
    %dma_wait3A_130 = tpu.memref_squeeze %dma_wait3A_129 : memref<1x40x128xf32, #tpu.memory_space<vmem>> -> memref<40x128xf32, #tpu.memory_space<vmem>>
    %dma_wait3A_131 = arith.constant 0 : i32
    %dma_wait3A_132 = arith.constant 0 : i32
    %dma_wait3A_133 = tpu.memref_slice %arg58[%dma_wait3A_131, %dma_wait3A_132] : memref<10000x128xf32, #tpu.memory_space<vmem_shared>> -> memref<10000x128xf32, #tpu.memory_space<vmem_shared>>
    tpu.wait_indirect_dma semaphore(%arg57 : memref<!tpu.dma_semaphore, #tpu.memory_space<semaphore_mem>>) src(%dma_wait3A_130 : memref<40x128xf32, #tpu.memory_space<vmem>>) dst(%dma_wait3A_133 : memref<10000x128xf32, #tpu.memory_space<vmem_shared>>)
    %barrier3A_134 = arith.constant 0 : index
    tpu.barrier barrier_id(%barrier3A_134)
    %mul3A_135 = arith.constant 624 : i32
    %mul3A_136 = arith.muli %arg1, %mul3A_135 : i32
    %mul3A_137 = arith.constant 624 : i32
    %mul3A_138 = arith.muli %arg1, %mul3A_137 : i32
    "tpu.region"() ({
      %run_scoped3A = tpu.sem_alloc : memref<!tpu.dma_semaphore, #tpu.memory_space<semaphore_mem>>
      %dma_start3A_144 = arith.constant 0 : i32
      %dma_start3A_145 = arith.constant 0 : i32
      %dma_start3A_146 = tpu.memref_slice %arg6[%arg0, %dma_start3A_144, %dma_start3A_145] : memref<2x10000x128xf32, #tpu.memory_space<hbm>> -> memref<1x10000x128xf32, #tpu.memory_space<hbm>>
      %dma_start3A_147 = tpu.memref_squeeze %dma_start3A_146 : memref<1x10000x128xf32, #tpu.memory_space<hbm>> -> memref<10000x128xf32, #tpu.memory_space<hbm>>
      %dma_start3A_148 = arith.constant 0 : i32
      %dma_start3A_149 = tpu.memref_slice %dma_start3A_147[%mul3A_138, %dma_start3A_148] : memref<10000x128xf32, #tpu.memory_space<hbm>> -> memref<624x128xf32, #tpu.memory_space<hbm>>
      %dma_start3A_150 = arith.constant 0 : i32
      %dma_start3A_151 = tpu.memref_slice %arg58[%mul3A_136, %dma_start3A_150] : memref<10000x128xf32, #tpu.memory_space<vmem_shared>> -> memref<624x128xf32, #tpu.memory_space<vmem_shared>>
      tpu.enqueue_dma source(%dma_start3A_151 : memref<624x128xf32, #tpu.memory_space<vmem_shared>>) target(%dma_start3A_149 : memref<624x128xf32, #tpu.memory_space<hbm>>) target_semaphore(%run_scoped3A : memref<!tpu.dma_semaphore, #tpu.memory_space<semaphore_mem>>)
      %dma_wait3A_152 = arith.constant 0 : i32
      %dma_wait3A_153 = arith.constant 0 : i32
      %dma_wait3A_154 = tpu.memref_slice %arg6[%arg0, %dma_wait3A_152, %dma_wait3A_153] : memref<2x10000x128xf32, #tpu.memory_space<hbm>> -> memref<1x10000x128xf32, #tpu.memory_space<hbm>>
      %dma_wait3A_155 = tpu.memref_squeeze %dma_wait3A_154 : memref<1x10000x128xf32, #tpu.memory_space<hbm>> -> memref<10000x128xf32, #tpu.memory_space<hbm>>
      %dma_wait3A_156 = arith.constant 0 : i32
      %dma_wait3A_157 = tpu.memref_slice %dma_wait3A_155[%mul3A_138, %dma_wait3A_156] : memref<10000x128xf32, #tpu.memory_space<hbm>> -> memref<624x128xf32, #tpu.memory_space<hbm>>
      %dma_wait3A_158 = arith.constant 0 : i32
      %dma_wait3A_159 = tpu.memref_slice %arg58[%mul3A_136, %dma_wait3A_158] : memref<10000x128xf32, #tpu.memory_space<vmem_shared>> -> memref<624x128xf32, #tpu.memory_space<vmem_shared>>
      tpu.wait_dma2 semaphore(%run_scoped3A : memref<!tpu.dma_semaphore, #tpu.memory_space<semaphore_mem>>) src(%dma_wait3A_159 : memref<624x128xf32, #tpu.memory_space<vmem_shared>>) dst(%dma_wait3A_157 : memref<624x128xf32, #tpu.memory_space<hbm>>)
      tpu.yield
    }) : () -> ()
    %eq3A_139 = arith.constant 15 : i32
    %eq3A_140 = arith.cmpi eq, %arg1, %eq3A_139 : i32
    %convert_element_type3A_141 = arith.extui %eq3A_140 : i1 to i32
    %cond3A_142 = arith.constant 0 : i32
    %cond3A_143 = arith.cmpi ne, %convert_element_type3A_141, %cond3A_142 : i32
    scf.if %cond3A_143 {
      "tpu.region"() ({
        %run_scoped3A = tpu.sem_alloc : memref<!tpu.dma_semaphore, #tpu.memory_space<semaphore_mem>>
        %dma_start3A_144 = arith.constant 0 : i32
        %dma_start3A_145 = arith.constant 0 : i32
        %dma_start3A_146 = tpu.memref_slice %arg6[%arg0, %dma_start3A_144, %dma_start3A_145] : memref<2x10000x128xf32, #tpu.memory_space<hbm>> -> memref<1x10000x128xf32, #tpu.memory_space<hbm>>
        %dma_start3A_147 = tpu.memref_squeeze %dma_start3A_146 : memref<1x10000x128xf32, #tpu.memory_space<hbm>> -> memref<10000x128xf32, #tpu.memory_space<hbm>>
        %dma_start3A_148 = arith.constant 9984 : i32
        %dma_start3A_149 = arith.constant 0 : i32
        %dma_start3A_150 = tpu.memref_slice %dma_start3A_147[%dma_start3A_148, %dma_start3A_149] : memref<10000x128xf32, #tpu.memory_space<hbm>> -> memref<16x128xf32, #tpu.memory_space<hbm>>
        %dma_start3A_151 = arith.constant 9984 : i32
        %dma_start3A_152 = arith.constant 0 : i32
        %dma_start3A_153 = tpu.memref_slice %arg58[%dma_start3A_151, %dma_start3A_152] : memref<10000x128xf32, #tpu.memory_space<vmem_shared>> -> memref<16x128xf32, #tpu.memory_space<vmem_shared>>
        tpu.enqueue_dma source(%dma_start3A_153 : memref<16x128xf32, #tpu.memory_space<vmem_shared>>) target(%dma_start3A_150 : memref<16x128xf32, #tpu.memory_space<hbm>>) target_semaphore(%run_scoped3A : memref<!tpu.dma_semaphore, #tpu.memory_space<semaphore_mem>>)
        %dma_wait3A_154 = arith.constant 0 : i32
        %dma_wait3A_155 = arith.constant 0 : i32
        %dma_wait3A_156 = tpu.memref_slice %arg6[%arg0, %dma_wait3A_154, %dma_wait3A_155] : memref<2x10000x128xf32, #tpu.memory_space<hbm>> -> memref<1x10000x128xf32, #tpu.memory_space<hbm>>
        %dma_wait3A_157 = tpu.memref_squeeze %dma_wait3A_156 : memref<1x10000x128xf32, #tpu.memory_space<hbm>> -> memref<10000x128xf32, #tpu.memory_space<hbm>>
        %dma_wait3A_158 = arith.constant 9984 : i32
        %dma_wait3A_159 = arith.constant 0 : i32
        %dma_wait3A_160 = tpu.memref_slice %dma_wait3A_157[%dma_wait3A_158, %dma_wait3A_159] : memref<10000x128xf32, #tpu.memory_space<hbm>> -> memref<16x128xf32, #tpu.memory_space<hbm>>
        %dma_wait3A_161 = arith.constant 9984 : i32
        %dma_wait3A_162 = arith.constant 0 : i32
        %dma_wait3A_163 = tpu.memref_slice %arg58[%dma_wait3A_161, %dma_wait3A_162] : memref<10000x128xf32, #tpu.memory_space<vmem_shared>> -> memref<16x128xf32, #tpu.memory_space<vmem_shared>>
        tpu.wait_dma2 semaphore(%run_scoped3A : memref<!tpu.dma_semaphore, #tpu.memory_space<semaphore_mem>>) src(%dma_wait3A_163 : memref<16x128xf32, #tpu.memory_space<vmem_shared>>) dst(%dma_wait3A_160 : memref<16x128xf32, #tpu.memory_space<hbm>>)
        tpu.yield
      }) : () -> ()
    } else {
    }
    return
  }
}

#map = affine_map<(d0, d1) -> (0)>
#map1 = affine_map<(d0, d1) -> (0, 0)>
#map2 = affine_map<(d0, d1) -> (0, 0, 0)>
module attributes {stable_mosaic.version = 14 : i64} {
  func.func @_deg_body(%arg0: i32, %arg1: i32, %arg2: memref<320000xi32, #tpu.memory_space<hbm>>, %arg3: memref<40x128xf32, #tpu.memory_space<hbm>>, %arg4: memref<10000x128xf32, #tpu.memory_space<hbm>>, %arg5: memref<2x10000x128xf32, #tpu.memory_space<hbm>>, %arg6: memref<40xi32, #tpu.memory_space<vmem>>, %arg7: memref<40xi32, #tpu.memory_space<vmem>>, %arg8: memref<40xi32, #tpu.memory_space<vmem>>, %arg9: memref<40xi32, #tpu.memory_space<vmem>>, %arg10: memref<40xi32, #tpu.memory_space<vmem>>, %arg11: memref<40x128xf32, #tpu.memory_space<vmem>>, %arg12: memref<!tpu.dma_semaphore, #tpu.memory_space<semaphore_mem>>, %arg13: memref<!tpu.dma_semaphore, #tpu.memory_space<semaphore_mem>>, %arg14: memref<!tpu.dma_semaphore, #tpu.memory_space<semaphore_mem>>, %arg15: memref<!tpu.dma_semaphore, #tpu.memory_space<semaphore_mem>>, %arg16: memref<!tpu.dma_semaphore, #tpu.memory_space<semaphore_mem>>, %arg17: memref<10000x128xf32, #tpu.memory_space<vmem_shared>>) attributes {dimension_semantics = [#tpu.dimension_semantics<core_parallel>, #tpu.dimension_semantics<subcore_parallel>], iteration_bounds = array<i64: 2, 16>, scalar_prefetch = 0 : i64, scratch_operands = 12 : i64, tpu.core_type = #tpu.core_type<sc_vector_subcore>, window_params = [{transform_indices = #map}, {transform_indices = #map1}, {transform_indices = #map1}, {transform_indices = #map2}]} {
    %mul3A = arith.constant 2 : i32
    %mul3A_0 = arith.muli %arg1, %mul3A : i32
    %add3A = arith.addi %mul3A_0, %arg0 : i32
    %mul3A_1 = arith.constant 10000 : i32
    %mul3A_2 = arith.muli %add3A, %mul3A_1 : i32
    "tpu.region"() ({
      %run_scoped3A = tpu.sem_alloc : memref<!tpu.dma_semaphore, #tpu.memory_space<semaphore_mem>>
      tpu.enqueue_dma source(%arg3 : memref<40x128xf32, #tpu.memory_space<hbm>>) target(%arg11 : memref<40x128xf32, #tpu.memory_space<vmem>>) target_semaphore(%run_scoped3A : memref<!tpu.dma_semaphore, #tpu.memory_space<semaphore_mem>>)
      tpu.wait_dma2 semaphore(%run_scoped3A : memref<!tpu.dma_semaphore, #tpu.memory_space<semaphore_mem>>) src(%arg3 : memref<40x128xf32, #tpu.memory_space<hbm>>) dst(%arg11 : memref<40x128xf32, #tpu.memory_space<vmem>>)
      tpu.yield
    }) : () -> ()
    %add3A_3 = arith.constant 0 : i32
    %add3A_4 = arith.addi %mul3A_2, %add3A_3 : i32
    %multiple_of3A = tpu.assume_multiple %add3A_4, 8 : i32
    %dma_start3A = tpu.memref_slice %arg2[%multiple_of3A] : memref<320000xi32, #tpu.memory_space<hbm>> -> memref<40xi32, #tpu.memory_space<hbm>>
    %dma_start3A_5 = tpu.memref_slice %arg2[%multiple_of3A] : memref<320000xi32, #tpu.memory_space<hbm>> -> memref<40xi32, #tpu.memory_space<hbm>>
    tpu.enqueue_dma source(%dma_start3A_5 : memref<40xi32, #tpu.memory_space<hbm>>) target(%arg6 : memref<40xi32, #tpu.memory_space<vmem>>) target_semaphore(%arg12 : memref<!tpu.dma_semaphore, #tpu.memory_space<semaphore_mem>>)
    %add3A_6 = arith.constant 40 : i32
    %add3A_7 = arith.addi %mul3A_2, %add3A_6 : i32
    %multiple_of3A_8 = tpu.assume_multiple %add3A_7, 8 : i32
    %dma_start3A_9 = tpu.memref_slice %arg2[%multiple_of3A_8] : memref<320000xi32, #tpu.memory_space<hbm>> -> memref<40xi32, #tpu.memory_space<hbm>>
    %dma_start3A_10 = tpu.memref_slice %arg2[%multiple_of3A_8] : memref<320000xi32, #tpu.memory_space<hbm>> -> memref<40xi32, #tpu.memory_space<hbm>>
    tpu.enqueue_dma source(%dma_start3A_10 : memref<40xi32, #tpu.memory_space<hbm>>) target(%arg7 : memref<40xi32, #tpu.memory_space<vmem>>) target_semaphore(%arg13 : memref<!tpu.dma_semaphore, #tpu.memory_space<semaphore_mem>>)
    %add3A_11 = arith.constant 80 : i32
    %add3A_12 = arith.addi %mul3A_2, %add3A_11 : i32
    %multiple_of3A_13 = tpu.assume_multiple %add3A_12, 8 : i32
    %dma_start3A_14 = tpu.memref_slice %arg2[%multiple_of3A_13] : memref<320000xi32, #tpu.memory_space<hbm>> -> memref<40xi32, #tpu.memory_space<hbm>>
    %dma_start3A_15 = tpu.memref_slice %arg2[%multiple_of3A_13] : memref<320000xi32, #tpu.memory_space<hbm>> -> memref<40xi32, #tpu.memory_space<hbm>>
    tpu.enqueue_dma source(%dma_start3A_15 : memref<40xi32, #tpu.memory_space<hbm>>) target(%arg8 : memref<40xi32, #tpu.memory_space<vmem>>) target_semaphore(%arg14 : memref<!tpu.dma_semaphore, #tpu.memory_space<semaphore_mem>>)
    %add3A_16 = arith.constant 120 : i32
    %add3A_17 = arith.addi %mul3A_2, %add3A_16 : i32
    %multiple_of3A_18 = tpu.assume_multiple %add3A_17, 8 : i32
    %dma_start3A_19 = tpu.memref_slice %arg2[%multiple_of3A_18] : memref<320000xi32, #tpu.memory_space<hbm>> -> memref<40xi32, #tpu.memory_space<hbm>>
    %dma_start3A_20 = tpu.memref_slice %arg2[%multiple_of3A_18] : memref<320000xi32, #tpu.memory_space<hbm>> -> memref<40xi32, #tpu.memory_space<hbm>>
    tpu.enqueue_dma source(%dma_start3A_20 : memref<40xi32, #tpu.memory_space<hbm>>) target(%arg9 : memref<40xi32, #tpu.memory_space<vmem>>) target_semaphore(%arg15 : memref<!tpu.dma_semaphore, #tpu.memory_space<semaphore_mem>>)
    %add3A_21 = arith.constant 160 : i32
    %add3A_22 = arith.addi %mul3A_2, %add3A_21 : i32
    %multiple_of3A_23 = tpu.assume_multiple %add3A_22, 8 : i32
    %dma_start3A_24 = tpu.memref_slice %arg2[%multiple_of3A_23] : memref<320000xi32, #tpu.memory_space<hbm>> -> memref<40xi32, #tpu.memory_space<hbm>>
    %dma_start3A_25 = tpu.memref_slice %arg2[%multiple_of3A_23] : memref<320000xi32, #tpu.memory_space<hbm>> -> memref<40xi32, #tpu.memory_space<hbm>>
    tpu.enqueue_dma source(%dma_start3A_25 : memref<40xi32, #tpu.memory_space<hbm>>) target(%arg10 : memref<40xi32, #tpu.memory_space<vmem>>) target_semaphore(%arg16 : memref<!tpu.dma_semaphore, #tpu.memory_space<semaphore_mem>>)
    %mul3A_26 = arith.constant 624 : i32
    %mul3A_27 = arith.muli %arg1, %mul3A_26 : i32
    %mul3A_28 = arith.constant 624 : i32
    %mul3A_29 = arith.muli %arg1, %mul3A_28 : i32
    "tpu.region"() ({
      %run_scoped3A = tpu.sem_alloc : memref<!tpu.dma_semaphore, #tpu.memory_space<semaphore_mem>>
      %dma_start3A_47 = arith.constant 0 : i32
      %dma_start3A_48 = tpu.memref_slice %arg17[%mul3A_29, %dma_start3A_47] : memref<10000x128xf32, #tpu.memory_space<vmem_shared>> -> memref<624x128xf32, #tpu.memory_space<vmem_shared>>
      %dma_start3A_49 = arith.constant 0 : i32
      %dma_start3A_50 = tpu.memref_slice %arg4[%mul3A_27, %dma_start3A_49] : memref<10000x128xf32, #tpu.memory_space<hbm>> -> memref<624x128xf32, #tpu.memory_space<hbm>>
      tpu.enqueue_dma source(%dma_start3A_50 : memref<624x128xf32, #tpu.memory_space<hbm>>) target(%dma_start3A_48 : memref<624x128xf32, #tpu.memory_space<vmem_shared>>) target_semaphore(%run_scoped3A : memref<!tpu.dma_semaphore, #tpu.memory_space<semaphore_mem>>)
      %dma_wait3A = arith.constant 0 : i32
      %dma_wait3A_51 = tpu.memref_slice %arg17[%mul3A_29, %dma_wait3A] : memref<10000x128xf32, #tpu.memory_space<vmem_shared>> -> memref<624x128xf32, #tpu.memory_space<vmem_shared>>
      %dma_wait3A_52 = arith.constant 0 : i32
      %dma_wait3A_53 = tpu.memref_slice %arg4[%mul3A_27, %dma_wait3A_52] : memref<10000x128xf32, #tpu.memory_space<hbm>> -> memref<624x128xf32, #tpu.memory_space<hbm>>
      tpu.wait_dma2 semaphore(%run_scoped3A : memref<!tpu.dma_semaphore, #tpu.memory_space<semaphore_mem>>) src(%dma_wait3A_53 : memref<624x128xf32, #tpu.memory_space<hbm>>) dst(%dma_wait3A_51 : memref<624x128xf32, #tpu.memory_space<vmem_shared>>)
      tpu.yield
    }) : () -> ()
    %eq3A = arith.constant 15 : i32
    %eq3A_30 = arith.cmpi eq, %arg1, %eq3A : i32
    %convert_element_type3A = arith.extui %eq3A_30 : i1 to i32
    %cond3A = arith.constant 0 : i32
    %cond3A_31 = arith.cmpi ne, %convert_element_type3A, %cond3A : i32
    scf.if %cond3A_31 {
      "tpu.region"() ({
        %run_scoped3A = tpu.sem_alloc : memref<!tpu.dma_semaphore, #tpu.memory_space<semaphore_mem>>
        %dma_start3A_47 = arith.constant 9984 : i32
        %dma_start3A_48 = arith.constant 0 : i32
        %dma_start3A_49 = tpu.memref_slice %arg17[%dma_start3A_47, %dma_start3A_48] : memref<10000x128xf32, #tpu.memory_space<vmem_shared>> -> memref<16x128xf32, #tpu.memory_space<vmem_shared>>
        %dma_start3A_50 = arith.constant 9984 : i32
        %dma_start3A_51 = arith.constant 0 : i32
        %dma_start3A_52 = tpu.memref_slice %arg4[%dma_start3A_50, %dma_start3A_51] : memref<10000x128xf32, #tpu.memory_space<hbm>> -> memref<16x128xf32, #tpu.memory_space<hbm>>
        tpu.enqueue_dma source(%dma_start3A_52 : memref<16x128xf32, #tpu.memory_space<hbm>>) target(%dma_start3A_49 : memref<16x128xf32, #tpu.memory_space<vmem_shared>>) target_semaphore(%run_scoped3A : memref<!tpu.dma_semaphore, #tpu.memory_space<semaphore_mem>>)
        %dma_wait3A = arith.constant 9984 : i32
        %dma_wait3A_53 = arith.constant 0 : i32
        %dma_wait3A_54 = tpu.memref_slice %arg17[%dma_wait3A, %dma_wait3A_53] : memref<10000x128xf32, #tpu.memory_space<vmem_shared>> -> memref<16x128xf32, #tpu.memory_space<vmem_shared>>
        %dma_wait3A_55 = arith.constant 9984 : i32
        %dma_wait3A_56 = arith.constant 0 : i32
        %dma_wait3A_57 = tpu.memref_slice %arg4[%dma_wait3A_55, %dma_wait3A_56] : memref<10000x128xf32, #tpu.memory_space<hbm>> -> memref<16x128xf32, #tpu.memory_space<hbm>>
        tpu.wait_dma2 semaphore(%run_scoped3A : memref<!tpu.dma_semaphore, #tpu.memory_space<semaphore_mem>>) src(%dma_wait3A_57 : memref<16x128xf32, #tpu.memory_space<hbm>>) dst(%dma_wait3A_54 : memref<16x128xf32, #tpu.memory_space<vmem_shared>>)
        tpu.yield
      }) : () -> ()
    } else {
    }
    %barrier3A = arith.constant 0 : index
    tpu.barrier barrier_id(%barrier3A)
    %scan3A = arith.constant 0 : i32
    %scan3A_32 = arith.constant 0 : i32
    %scan3A_33 = arith.constant 50 : i32
    %scan3A_34 = arith.addi %scan3A_32, %scan3A_33 : i32
    %scan3A_35 = arith.constant 1 : i32
    scf.for %scan3A_47 = %scan3A_32 to %scan3A_34 step %scan3A_35  : i32 {
      %mul3A_48 = arith.constant 5 : i32
      %mul3A_49 = arith.muli %scan3A_47, %mul3A_48 : i32
      %add3A_50 = arith.constant 0 : i32
      %add3A_51 = arith.addi %mul3A_49, %add3A_50 : i32
      %mul3A_52 = arith.constant 40 : i32
      %mul3A_53 = arith.muli %add3A_51, %mul3A_52 : i32
      %add3A_54 = arith.addi %mul3A_2, %mul3A_53 : i32
      %multiple_of3A_55 = tpu.assume_multiple %add3A_54, 8 : i32
      %dma_wait3A = tpu.memref_slice %arg2[%multiple_of3A_55] : memref<320000xi32, #tpu.memory_space<hbm>> -> memref<40xi32, #tpu.memory_space<hbm>>
      %dma_wait3A_56 = tpu.memref_slice %arg2[%multiple_of3A_55] : memref<320000xi32, #tpu.memory_space<hbm>> -> memref<40xi32, #tpu.memory_space<hbm>>
      tpu.wait_dma2 semaphore(%arg12 : memref<!tpu.dma_semaphore, #tpu.memory_space<semaphore_mem>>) src(%dma_wait3A_56 : memref<40xi32, #tpu.memory_space<hbm>>) dst(%arg6 : memref<40xi32, #tpu.memory_space<vmem>>)
      "tpu.region"() ({
        %run_scoped3A = tpu.sem_alloc : memref<!tpu.dma_semaphore, #tpu.memory_space<semaphore_mem>>
        %dma_start3A_131 = arith.constant 0 : i32
        %dma_start3A_132 = arith.constant 0 : i32
        %dma_start3A_133 = tpu.memref_slice %arg17[%dma_start3A_131, %dma_start3A_132] : memref<10000x128xf32, #tpu.memory_space<vmem_shared>> -> memref<10000x128xf32, #tpu.memory_space<vmem_shared>>
        tpu.enqueue_indirect_dma source(%arg11 : memref<40x128xf32, #tpu.memory_space<vmem>>) target(%dma_start3A_133 : memref<10000x128xf32, #tpu.memory_space<vmem_shared>>) offsets(%arg6 : memref<40xi32, #tpu.memory_space<vmem>>) semaphore(%run_scoped3A : memref<!tpu.dma_semaphore, #tpu.memory_space<semaphore_mem>>) {add = true}
        %dma_wait3A_134 = arith.constant 0 : i32
        %dma_wait3A_135 = arith.constant 0 : i32
        %dma_wait3A_136 = tpu.memref_slice %arg17[%dma_wait3A_134, %dma_wait3A_135] : memref<10000x128xf32, #tpu.memory_space<vmem_shared>> -> memref<10000x128xf32, #tpu.memory_space<vmem_shared>>
        tpu.wait_indirect_dma semaphore(%run_scoped3A : memref<!tpu.dma_semaphore, #tpu.memory_space<semaphore_mem>>) src(%arg11 : memref<40x128xf32, #tpu.memory_space<vmem>>) dst(%dma_wait3A_136 : memref<10000x128xf32, #tpu.memory_space<vmem_shared>>)
        tpu.yield
      }) : () -> ()
      %add3A_57 = arith.constant 5 : i32
      %add3A_58 = arith.addi %add3A_51, %add3A_57 : i32
      %lt3A = arith.constant 250 : i32
      %lt3A_59 = arith.cmpi slt, %add3A_58, %lt3A : i32
      %convert_element_type3A_60 = arith.extui %lt3A_59 : i1 to i32
      %cond3A_61 = arith.constant 0 : i32
      %cond3A_62 = arith.cmpi ne, %convert_element_type3A_60, %cond3A_61 : i32
      scf.if %cond3A_62 {
        %add3A_131 = arith.constant 5 : i32
        %add3A_132 = arith.addi %add3A_51, %add3A_131 : i32
        %mul3A_133 = arith.constant 40 : i32
        %mul3A_134 = arith.muli %add3A_132, %mul3A_133 : i32
        %add3A_135 = arith.addi %mul3A_2, %mul3A_134 : i32
        %multiple_of3A_136 = tpu.assume_multiple %add3A_135, 8 : i32
        %dma_start3A_137 = tpu.memref_slice %arg2[%multiple_of3A_136] : memref<320000xi32, #tpu.memory_space<hbm>> -> memref<40xi32, #tpu.memory_space<hbm>>
        %dma_start3A_138 = tpu.memref_slice %arg2[%multiple_of3A_136] : memref<320000xi32, #tpu.memory_space<hbm>> -> memref<40xi32, #tpu.memory_space<hbm>>
        tpu.enqueue_dma source(%dma_start3A_138 : memref<40xi32, #tpu.memory_space<hbm>>) target(%arg6 : memref<40xi32, #tpu.memory_space<vmem>>) target_semaphore(%arg12 : memref<!tpu.dma_semaphore, #tpu.memory_space<semaphore_mem>>)
      } else {
      }
      %mul3A_63 = arith.constant 5 : i32
      %mul3A_64 = arith.muli %scan3A_47, %mul3A_63 : i32
      %add3A_65 = arith.constant 1 : i32
      %add3A_66 = arith.addi %mul3A_64, %add3A_65 : i32
      %mul3A_67 = arith.constant 40 : i32
      %mul3A_68 = arith.muli %add3A_66, %mul3A_67 : i32
      %add3A_69 = arith.addi %mul3A_2, %mul3A_68 : i32
      %multiple_of3A_70 = tpu.assume_multiple %add3A_69, 8 : i32
      %dma_wait3A_71 = tpu.memref_slice %arg2[%multiple_of3A_70] : memref<320000xi32, #tpu.memory_space<hbm>> -> memref<40xi32, #tpu.memory_space<hbm>>
      %dma_wait3A_72 = tpu.memref_slice %arg2[%multiple_of3A_70] : memref<320000xi32, #tpu.memory_space<hbm>> -> memref<40xi32, #tpu.memory_space<hbm>>
      tpu.wait_dma2 semaphore(%arg13 : memref<!tpu.dma_semaphore, #tpu.memory_space<semaphore_mem>>) src(%dma_wait3A_72 : memref<40xi32, #tpu.memory_space<hbm>>) dst(%arg7 : memref<40xi32, #tpu.memory_space<vmem>>)
      "tpu.region"() ({
        %run_scoped3A = tpu.sem_alloc : memref<!tpu.dma_semaphore, #tpu.memory_space<semaphore_mem>>
        %dma_start3A_131 = arith.constant 0 : i32
        %dma_start3A_132 = arith.constant 0 : i32
        %dma_start3A_133 = tpu.memref_slice %arg17[%dma_start3A_131, %dma_start3A_132] : memref<10000x128xf32, #tpu.memory_space<vmem_shared>> -> memref<10000x128xf32, #tpu.memory_space<vmem_shared>>
        tpu.enqueue_indirect_dma source(%arg11 : memref<40x128xf32, #tpu.memory_space<vmem>>) target(%dma_start3A_133 : memref<10000x128xf32, #tpu.memory_space<vmem_shared>>) offsets(%arg7 : memref<40xi32, #tpu.memory_space<vmem>>) semaphore(%run_scoped3A : memref<!tpu.dma_semaphore, #tpu.memory_space<semaphore_mem>>) {add = true}
        %dma_wait3A_134 = arith.constant 0 : i32
        %dma_wait3A_135 = arith.constant 0 : i32
        %dma_wait3A_136 = tpu.memref_slice %arg17[%dma_wait3A_134, %dma_wait3A_135] : memref<10000x128xf32, #tpu.memory_space<vmem_shared>> -> memref<10000x128xf32, #tpu.memory_space<vmem_shared>>
        tpu.wait_indirect_dma semaphore(%run_scoped3A : memref<!tpu.dma_semaphore, #tpu.memory_space<semaphore_mem>>) src(%arg11 : memref<40x128xf32, #tpu.memory_space<vmem>>) dst(%dma_wait3A_136 : memref<10000x128xf32, #tpu.memory_space<vmem_shared>>)
        tpu.yield
      }) : () -> ()
      %add3A_73 = arith.constant 5 : i32
      %add3A_74 = arith.addi %add3A_66, %add3A_73 : i32
      %lt3A_75 = arith.constant 250 : i32
      %lt3A_76 = arith.cmpi slt, %add3A_74, %lt3A_75 : i32
      %convert_element_type3A_77 = arith.extui %lt3A_76 : i1 to i32
      %cond3A_78 = arith.constant 0 : i32
      %cond3A_79 = arith.cmpi ne, %convert_element_type3A_77, %cond3A_78 : i32
      scf.if %cond3A_79 {
        %add3A_131 = arith.constant 5 : i32
        %add3A_132 = arith.addi %add3A_66, %add3A_131 : i32
        %mul3A_133 = arith.constant 40 : i32
        %mul3A_134 = arith.muli %add3A_132, %mul3A_133 : i32
        %add3A_135 = arith.addi %mul3A_2, %mul3A_134 : i32
        %multiple_of3A_136 = tpu.assume_multiple %add3A_135, 8 : i32
        %dma_start3A_137 = tpu.memref_slice %arg2[%multiple_of3A_136] : memref<320000xi32, #tpu.memory_space<hbm>> -> memref<40xi32, #tpu.memory_space<hbm>>
        %dma_start3A_138 = tpu.memref_slice %arg2[%multiple_of3A_136] : memref<320000xi32, #tpu.memory_space<hbm>> -> memref<40xi32, #tpu.memory_space<hbm>>
        tpu.enqueue_dma source(%dma_start3A_138 : memref<40xi32, #tpu.memory_space<hbm>>) target(%arg7 : memref<40xi32, #tpu.memory_space<vmem>>) target_semaphore(%arg13 : memref<!tpu.dma_semaphore, #tpu.memory_space<semaphore_mem>>)
      } else {
      }
      %mul3A_80 = arith.constant 5 : i32
      %mul3A_81 = arith.muli %scan3A_47, %mul3A_80 : i32
      %add3A_82 = arith.constant 2 : i32
      %add3A_83 = arith.addi %mul3A_81, %add3A_82 : i32
      %mul3A_84 = arith.constant 40 : i32
      %mul3A_85 = arith.muli %add3A_83, %mul3A_84 : i32
      %add3A_86 = arith.addi %mul3A_2, %mul3A_85 : i32
      %multiple_of3A_87 = tpu.assume_multiple %add3A_86, 8 : i32
      %dma_wait3A_88 = tpu.memref_slice %arg2[%multiple_of3A_87] : memref<320000xi32, #tpu.memory_space<hbm>> -> memref<40xi32, #tpu.memory_space<hbm>>
      %dma_wait3A_89 = tpu.memref_slice %arg2[%multiple_of3A_87] : memref<320000xi32, #tpu.memory_space<hbm>> -> memref<40xi32, #tpu.memory_space<hbm>>
      tpu.wait_dma2 semaphore(%arg14 : memref<!tpu.dma_semaphore, #tpu.memory_space<semaphore_mem>>) src(%dma_wait3A_89 : memref<40xi32, #tpu.memory_space<hbm>>) dst(%arg8 : memref<40xi32, #tpu.memory_space<vmem>>)
      "tpu.region"() ({
        %run_scoped3A = tpu.sem_alloc : memref<!tpu.dma_semaphore, #tpu.memory_space<semaphore_mem>>
        %dma_start3A_131 = arith.constant 0 : i32
        %dma_start3A_132 = arith.constant 0 : i32
        %dma_start3A_133 = tpu.memref_slice %arg17[%dma_start3A_131, %dma_start3A_132] : memref<10000x128xf32, #tpu.memory_space<vmem_shared>> -> memref<10000x128xf32, #tpu.memory_space<vmem_shared>>
        tpu.enqueue_indirect_dma source(%arg11 : memref<40x128xf32, #tpu.memory_space<vmem>>) target(%dma_start3A_133 : memref<10000x128xf32, #tpu.memory_space<vmem_shared>>) offsets(%arg8 : memref<40xi32, #tpu.memory_space<vmem>>) semaphore(%run_scoped3A : memref<!tpu.dma_semaphore, #tpu.memory_space<semaphore_mem>>) {add = true}
        %dma_wait3A_134 = arith.constant 0 : i32
        %dma_wait3A_135 = arith.constant 0 : i32
        %dma_wait3A_136 = tpu.memref_slice %arg17[%dma_wait3A_134, %dma_wait3A_135] : memref<10000x128xf32, #tpu.memory_space<vmem_shared>> -> memref<10000x128xf32, #tpu.memory_space<vmem_shared>>
        tpu.wait_indirect_dma semaphore(%run_scoped3A : memref<!tpu.dma_semaphore, #tpu.memory_space<semaphore_mem>>) src(%arg11 : memref<40x128xf32, #tpu.memory_space<vmem>>) dst(%dma_wait3A_136 : memref<10000x128xf32, #tpu.memory_space<vmem_shared>>)
        tpu.yield
      }) : () -> ()
      %add3A_90 = arith.constant 5 : i32
      %add3A_91 = arith.addi %add3A_83, %add3A_90 : i32
      %lt3A_92 = arith.constant 250 : i32
      %lt3A_93 = arith.cmpi slt, %add3A_91, %lt3A_92 : i32
      %convert_element_type3A_94 = arith.extui %lt3A_93 : i1 to i32
      %cond3A_95 = arith.constant 0 : i32
      %cond3A_96 = arith.cmpi ne, %convert_element_type3A_94, %cond3A_95 : i32
      scf.if %cond3A_96 {
        %add3A_131 = arith.constant 5 : i32
        %add3A_132 = arith.addi %add3A_83, %add3A_131 : i32
        %mul3A_133 = arith.constant 40 : i32
        %mul3A_134 = arith.muli %add3A_132, %mul3A_133 : i32
        %add3A_135 = arith.addi %mul3A_2, %mul3A_134 : i32
        %multiple_of3A_136 = tpu.assume_multiple %add3A_135, 8 : i32
        %dma_start3A_137 = tpu.memref_slice %arg2[%multiple_of3A_136] : memref<320000xi32, #tpu.memory_space<hbm>> -> memref<40xi32, #tpu.memory_space<hbm>>
        %dma_start3A_138 = tpu.memref_slice %arg2[%multiple_of3A_136] : memref<320000xi32, #tpu.memory_space<hbm>> -> memref<40xi32, #tpu.memory_space<hbm>>
        tpu.enqueue_dma source(%dma_start3A_138 : memref<40xi32, #tpu.memory_space<hbm>>) target(%arg8 : memref<40xi32, #tpu.memory_space<vmem>>) target_semaphore(%arg14 : memref<!tpu.dma_semaphore, #tpu.memory_space<semaphore_mem>>)
      } else {
      }
      %mul3A_97 = arith.constant 5 : i32
      %mul3A_98 = arith.muli %scan3A_47, %mul3A_97 : i32
      %add3A_99 = arith.constant 3 : i32
      %add3A_100 = arith.addi %mul3A_98, %add3A_99 : i32
      %mul3A_101 = arith.constant 40 : i32
      %mul3A_102 = arith.muli %add3A_100, %mul3A_101 : i32
      %add3A_103 = arith.addi %mul3A_2, %mul3A_102 : i32
      %multiple_of3A_104 = tpu.assume_multiple %add3A_103, 8 : i32
      %dma_wait3A_105 = tpu.memref_slice %arg2[%multiple_of3A_104] : memref<320000xi32, #tpu.memory_space<hbm>> -> memref<40xi32, #tpu.memory_space<hbm>>
      %dma_wait3A_106 = tpu.memref_slice %arg2[%multiple_of3A_104] : memref<320000xi32, #tpu.memory_space<hbm>> -> memref<40xi32, #tpu.memory_space<hbm>>
      tpu.wait_dma2 semaphore(%arg15 : memref<!tpu.dma_semaphore, #tpu.memory_space<semaphore_mem>>) src(%dma_wait3A_106 : memref<40xi32, #tpu.memory_space<hbm>>) dst(%arg9 : memref<40xi32, #tpu.memory_space<vmem>>)
      "tpu.region"() ({
        %run_scoped3A = tpu.sem_alloc : memref<!tpu.dma_semaphore, #tpu.memory_space<semaphore_mem>>
        %dma_start3A_131 = arith.constant 0 : i32
        %dma_start3A_132 = arith.constant 0 : i32
        %dma_start3A_133 = tpu.memref_slice %arg17[%dma_start3A_131, %dma_start3A_132] : memref<10000x128xf32, #tpu.memory_space<vmem_shared>> -> memref<10000x128xf32, #tpu.memory_space<vmem_shared>>
        tpu.enqueue_indirect_dma source(%arg11 : memref<40x128xf32, #tpu.memory_space<vmem>>) target(%dma_start3A_133 : memref<10000x128xf32, #tpu.memory_space<vmem_shared>>) offsets(%arg9 : memref<40xi32, #tpu.memory_space<vmem>>) semaphore(%run_scoped3A : memref<!tpu.dma_semaphore, #tpu.memory_space<semaphore_mem>>) {add = true}
        %dma_wait3A_134 = arith.constant 0 : i32
        %dma_wait3A_135 = arith.constant 0 : i32
        %dma_wait3A_136 = tpu.memref_slice %arg17[%dma_wait3A_134, %dma_wait3A_135] : memref<10000x128xf32, #tpu.memory_space<vmem_shared>> -> memref<10000x128xf32, #tpu.memory_space<vmem_shared>>
        tpu.wait_indirect_dma semaphore(%run_scoped3A : memref<!tpu.dma_semaphore, #tpu.memory_space<semaphore_mem>>) src(%arg11 : memref<40x128xf32, #tpu.memory_space<vmem>>) dst(%dma_wait3A_136 : memref<10000x128xf32, #tpu.memory_space<vmem_shared>>)
        tpu.yield
      }) : () -> ()
      %add3A_107 = arith.constant 5 : i32
      %add3A_108 = arith.addi %add3A_100, %add3A_107 : i32
      %lt3A_109 = arith.constant 250 : i32
      %lt3A_110 = arith.cmpi slt, %add3A_108, %lt3A_109 : i32
      %convert_element_type3A_111 = arith.extui %lt3A_110 : i1 to i32
      %cond3A_112 = arith.constant 0 : i32
      %cond3A_113 = arith.cmpi ne, %convert_element_type3A_111, %cond3A_112 : i32
      scf.if %cond3A_113 {
        %add3A_131 = arith.constant 5 : i32
        %add3A_132 = arith.addi %add3A_100, %add3A_131 : i32
        %mul3A_133 = arith.constant 40 : i32
        %mul3A_134 = arith.muli %add3A_132, %mul3A_133 : i32
        %add3A_135 = arith.addi %mul3A_2, %mul3A_134 : i32
        %multiple_of3A_136 = tpu.assume_multiple %add3A_135, 8 : i32
        %dma_start3A_137 = tpu.memref_slice %arg2[%multiple_of3A_136] : memref<320000xi32, #tpu.memory_space<hbm>> -> memref<40xi32, #tpu.memory_space<hbm>>
        %dma_start3A_138 = tpu.memref_slice %arg2[%multiple_of3A_136] : memref<320000xi32, #tpu.memory_space<hbm>> -> memref<40xi32, #tpu.memory_space<hbm>>
        tpu.enqueue_dma source(%dma_start3A_138 : memref<40xi32, #tpu.memory_space<hbm>>) target(%arg9 : memref<40xi32, #tpu.memory_space<vmem>>) target_semaphore(%arg15 : memref<!tpu.dma_semaphore, #tpu.memory_space<semaphore_mem>>)
      } else {
      }
      %mul3A_114 = arith.constant 5 : i32
      %mul3A_115 = arith.muli %scan3A_47, %mul3A_114 : i32
      %add3A_116 = arith.constant 4 : i32
      %add3A_117 = arith.addi %mul3A_115, %add3A_116 : i32
      %mul3A_118 = arith.constant 40 : i32
      %mul3A_119 = arith.muli %add3A_117, %mul3A_118 : i32
      %add3A_120 = arith.addi %mul3A_2, %mul3A_119 : i32
      %multiple_of3A_121 = tpu.assume_multiple %add3A_120, 8 : i32
      %dma_wait3A_122 = tpu.memref_slice %arg2[%multiple_of3A_121] : memref<320000xi32, #tpu.memory_space<hbm>> -> memref<40xi32, #tpu.memory_space<hbm>>
      %dma_wait3A_123 = tpu.memref_slice %arg2[%multiple_of3A_121] : memref<320000xi32, #tpu.memory_space<hbm>> -> memref<40xi32, #tpu.memory_space<hbm>>
      tpu.wait_dma2 semaphore(%arg16 : memref<!tpu.dma_semaphore, #tpu.memory_space<semaphore_mem>>) src(%dma_wait3A_123 : memref<40xi32, #tpu.memory_space<hbm>>) dst(%arg10 : memref<40xi32, #tpu.memory_space<vmem>>)
      "tpu.region"() ({
        %run_scoped3A = tpu.sem_alloc : memref<!tpu.dma_semaphore, #tpu.memory_space<semaphore_mem>>
        %dma_start3A_131 = arith.constant 0 : i32
        %dma_start3A_132 = arith.constant 0 : i32
        %dma_start3A_133 = tpu.memref_slice %arg17[%dma_start3A_131, %dma_start3A_132] : memref<10000x128xf32, #tpu.memory_space<vmem_shared>> -> memref<10000x128xf32, #tpu.memory_space<vmem_shared>>
        tpu.enqueue_indirect_dma source(%arg11 : memref<40x128xf32, #tpu.memory_space<vmem>>) target(%dma_start3A_133 : memref<10000x128xf32, #tpu.memory_space<vmem_shared>>) offsets(%arg10 : memref<40xi32, #tpu.memory_space<vmem>>) semaphore(%run_scoped3A : memref<!tpu.dma_semaphore, #tpu.memory_space<semaphore_mem>>) {add = true}
        %dma_wait3A_134 = arith.constant 0 : i32
        %dma_wait3A_135 = arith.constant 0 : i32
        %dma_wait3A_136 = tpu.memref_slice %arg17[%dma_wait3A_134, %dma_wait3A_135] : memref<10000x128xf32, #tpu.memory_space<vmem_shared>> -> memref<10000x128xf32, #tpu.memory_space<vmem_shared>>
        tpu.wait_indirect_dma semaphore(%run_scoped3A : memref<!tpu.dma_semaphore, #tpu.memory_space<semaphore_mem>>) src(%arg11 : memref<40x128xf32, #tpu.memory_space<vmem>>) dst(%dma_wait3A_136 : memref<10000x128xf32, #tpu.memory_space<vmem_shared>>)
        tpu.yield
      }) : () -> ()
      %add3A_124 = arith.constant 5 : i32
      %add3A_125 = arith.addi %add3A_117, %add3A_124 : i32
      %lt3A_126 = arith.constant 250 : i32
      %lt3A_127 = arith.cmpi slt, %add3A_125, %lt3A_126 : i32
      %convert_element_type3A_128 = arith.extui %lt3A_127 : i1 to i32
      %cond3A_129 = arith.constant 0 : i32
      %cond3A_130 = arith.cmpi ne, %convert_element_type3A_128, %cond3A_129 : i32
      scf.if %cond3A_130 {
        %add3A_131 = arith.constant 5 : i32
        %add3A_132 = arith.addi %add3A_117, %add3A_131 : i32
        %mul3A_133 = arith.constant 40 : i32
        %mul3A_134 = arith.muli %add3A_132, %mul3A_133 : i32
        %add3A_135 = arith.addi %mul3A_2, %mul3A_134 : i32
        %multiple_of3A_136 = tpu.assume_multiple %add3A_135, 8 : i32
        %dma_start3A_137 = tpu.memref_slice %arg2[%multiple_of3A_136] : memref<320000xi32, #tpu.memory_space<hbm>> -> memref<40xi32, #tpu.memory_space<hbm>>
        %dma_start3A_138 = tpu.memref_slice %arg2[%multiple_of3A_136] : memref<320000xi32, #tpu.memory_space<hbm>> -> memref<40xi32, #tpu.memory_space<hbm>>
        tpu.enqueue_dma source(%dma_start3A_138 : memref<40xi32, #tpu.memory_space<hbm>>) target(%arg10 : memref<40xi32, #tpu.memory_space<vmem>>) target_semaphore(%arg16 : memref<!tpu.dma_semaphore, #tpu.memory_space<semaphore_mem>>)
      } else {
      }
    }
    %scan3A_36 = arith.constant 50 : i32
    %barrier3A_37 = arith.constant 0 : index
    tpu.barrier barrier_id(%barrier3A_37)
    %mul3A_38 = arith.constant 624 : i32
    %mul3A_39 = arith.muli %arg1, %mul3A_38 : i32
    %mul3A_40 = arith.constant 624 : i32
    %mul3A_41 = arith.muli %arg1, %mul3A_40 : i32
    "tpu.region"() ({
      %run_scoped3A = tpu.sem_alloc : memref<!tpu.dma_semaphore, #tpu.memory_space<semaphore_mem>>
      %dma_start3A_47 = arith.constant 0 : i32
      %dma_start3A_48 = arith.constant 0 : i32
      %dma_start3A_49 = tpu.memref_slice %arg5[%arg0, %dma_start3A_47, %dma_start3A_48] : memref<2x10000x128xf32, #tpu.memory_space<hbm>> -> memref<1x10000x128xf32, #tpu.memory_space<hbm>>
      %dma_start3A_50 = tpu.memref_squeeze %dma_start3A_49 : memref<1x10000x128xf32, #tpu.memory_space<hbm>> -> memref<10000x128xf32, #tpu.memory_space<hbm>>
      %dma_start3A_51 = arith.constant 0 : i32
      %dma_start3A_52 = tpu.memref_slice %dma_start3A_50[%mul3A_41, %dma_start3A_51] : memref<10000x128xf32, #tpu.memory_space<hbm>> -> memref<624x128xf32, #tpu.memory_space<hbm>>
      %dma_start3A_53 = arith.constant 0 : i32
      %dma_start3A_54 = tpu.memref_slice %arg17[%mul3A_39, %dma_start3A_53] : memref<10000x128xf32, #tpu.memory_space<vmem_shared>> -> memref<624x128xf32, #tpu.memory_space<vmem_shared>>
      tpu.enqueue_dma source(%dma_start3A_54 : memref<624x128xf32, #tpu.memory_space<vmem_shared>>) target(%dma_start3A_52 : memref<624x128xf32, #tpu.memory_space<hbm>>) target_semaphore(%run_scoped3A : memref<!tpu.dma_semaphore, #tpu.memory_space<semaphore_mem>>)
      %dma_wait3A = arith.constant 0 : i32
      %dma_wait3A_55 = arith.constant 0 : i32
      %dma_wait3A_56 = tpu.memref_slice %arg5[%arg0, %dma_wait3A, %dma_wait3A_55] : memref<2x10000x128xf32, #tpu.memory_space<hbm>> -> memref<1x10000x128xf32, #tpu.memory_space<hbm>>
      %dma_wait3A_57 = tpu.memref_squeeze %dma_wait3A_56 : memref<1x10000x128xf32, #tpu.memory_space<hbm>> -> memref<10000x128xf32, #tpu.memory_space<hbm>>
      %dma_wait3A_58 = arith.constant 0 : i32
      %dma_wait3A_59 = tpu.memref_slice %dma_wait3A_57[%mul3A_41, %dma_wait3A_58] : memref<10000x128xf32, #tpu.memory_space<hbm>> -> memref<624x128xf32, #tpu.memory_space<hbm>>
      %dma_wait3A_60 = arith.constant 0 : i32
      %dma_wait3A_61 = tpu.memref_slice %arg17[%mul3A_39, %dma_wait3A_60] : memref<10000x128xf32, #tpu.memory_space<vmem_shared>> -> memref<624x128xf32, #tpu.memory_space<vmem_shared>>
      tpu.wait_dma2 semaphore(%run_scoped3A : memref<!tpu.dma_semaphore, #tpu.memory_space<semaphore_mem>>) src(%dma_wait3A_61 : memref<624x128xf32, #tpu.memory_space<vmem_shared>>) dst(%dma_wait3A_59 : memref<624x128xf32, #tpu.memory_space<hbm>>)
      tpu.yield
    }) : () -> ()
    %eq3A_42 = arith.constant 15 : i32
    %eq3A_43 = arith.cmpi eq, %arg1, %eq3A_42 : i32
    %convert_element_type3A_44 = arith.extui %eq3A_43 : i1 to i32
    %cond3A_45 = arith.constant 0 : i32
    %cond3A_46 = arith.cmpi ne, %convert_element_type3A_44, %cond3A_45 : i32
    scf.if %cond3A_46 {
      "tpu.region"() ({
        %run_scoped3A = tpu.sem_alloc : memref<!tpu.dma_semaphore, #tpu.memory_space<semaphore_mem>>
        %dma_start3A_47 = arith.constant 0 : i32
        %dma_start3A_48 = arith.constant 0 : i32
        %dma_start3A_49 = tpu.memref_slice %arg5[%arg0, %dma_start3A_47, %dma_start3A_48] : memref<2x10000x128xf32, #tpu.memory_space<hbm>> -> memref<1x10000x128xf32, #tpu.memory_space<hbm>>
        %dma_start3A_50 = tpu.memref_squeeze %dma_start3A_49 : memref<1x10000x128xf32, #tpu.memory_space<hbm>> -> memref<10000x128xf32, #tpu.memory_space<hbm>>
        %dma_start3A_51 = arith.constant 9984 : i32
        %dma_start3A_52 = arith.constant 0 : i32
        %dma_start3A_53 = tpu.memref_slice %dma_start3A_50[%dma_start3A_51, %dma_start3A_52] : memref<10000x128xf32, #tpu.memory_space<hbm>> -> memref<16x128xf32, #tpu.memory_space<hbm>>
        %dma_start3A_54 = arith.constant 9984 : i32
        %dma_start3A_55 = arith.constant 0 : i32
        %dma_start3A_56 = tpu.memref_slice %arg17[%dma_start3A_54, %dma_start3A_55] : memref<10000x128xf32, #tpu.memory_space<vmem_shared>> -> memref<16x128xf32, #tpu.memory_space<vmem_shared>>
        tpu.enqueue_dma source(%dma_start3A_56 : memref<16x128xf32, #tpu.memory_space<vmem_shared>>) target(%dma_start3A_53 : memref<16x128xf32, #tpu.memory_space<hbm>>) target_semaphore(%run_scoped3A : memref<!tpu.dma_semaphore, #tpu.memory_space<semaphore_mem>>)
        %dma_wait3A = arith.constant 0 : i32
        %dma_wait3A_57 = arith.constant 0 : i32
        %dma_wait3A_58 = tpu.memref_slice %arg5[%arg0, %dma_wait3A, %dma_wait3A_57] : memref<2x10000x128xf32, #tpu.memory_space<hbm>> -> memref<1x10000x128xf32, #tpu.memory_space<hbm>>
        %dma_wait3A_59 = tpu.memref_squeeze %dma_wait3A_58 : memref<1x10000x128xf32, #tpu.memory_space<hbm>> -> memref<10000x128xf32, #tpu.memory_space<hbm>>
        %dma_wait3A_60 = arith.constant 9984 : i32
        %dma_wait3A_61 = arith.constant 0 : i32
        %dma_wait3A_62 = tpu.memref_slice %dma_wait3A_59[%dma_wait3A_60, %dma_wait3A_61] : memref<10000x128xf32, #tpu.memory_space<hbm>> -> memref<16x128xf32, #tpu.memory_space<hbm>>
        %dma_wait3A_63 = arith.constant 9984 : i32
        %dma_wait3A_64 = arith.constant 0 : i32
        %dma_wait3A_65 = tpu.memref_slice %arg17[%dma_wait3A_63, %dma_wait3A_64] : memref<10000x128xf32, #tpu.memory_space<vmem_shared>> -> memref<16x128xf32, #tpu.memory_space<vmem_shared>>
        tpu.wait_dma2 semaphore(%run_scoped3A : memref<!tpu.dma_semaphore, #tpu.memory_space<semaphore_mem>>) src(%dma_wait3A_65 : memref<16x128xf32, #tpu.memory_space<vmem_shared>>) dst(%dma_wait3A_62 : memref<16x128xf32, #tpu.memory_space<hbm>>)
        tpu.yield
      }) : () -> ()
    } else {
    }
    return
  }
}

#map = affine_map<(d0, d1) -> (0, 0)>
#map1 = affine_map<(d0, d1) -> (0)>
#map2 = affine_map<(d0, d1) -> (0, 0, 0)>
module attributes {stable_mosaic.version = 14 : i64} {
  func.func @_agg_body(%arg0: i32, %arg1: i32, %arg2: memref<10000x128xf32, #tpu.memory_space<hbm>>, %arg3: memref<320000xi32, #tpu.memory_space<hbm>>, %arg4: memref<320000xi32, #tpu.memory_space<hbm>>, %arg5: memref<10000x128xf32, #tpu.memory_space<hbm>>, %arg6: memref<2x10000x128xf32, #tpu.memory_space<hbm>>, %arg7: memref<5x40x128xf32, #tpu.memory_space<vmem>>, %arg8: memref<40xi32, #tpu.memory_space<vmem>>, %arg9: memref<40xi32, #tpu.memory_space<vmem>>, %arg10: memref<40xi32, #tpu.memory_space<vmem>>, %arg11: memref<40xi32, #tpu.memory_space<vmem>>, %arg12: memref<40xi32, #tpu.memory_space<vmem>>, %arg13: memref<40xi32, #tpu.memory_space<vmem>>, %arg14: memref<40xi32, #tpu.memory_space<vmem>>, %arg15: memref<40xi32, #tpu.memory_space<vmem>>, %arg16: memref<40xi32, #tpu.memory_space<vmem>>, %arg17: memref<40xi32, #tpu.memory_space<vmem>>, %arg18: memref<40xi32, #tpu.memory_space<vmem>>, %arg19: memref<40xi32, #tpu.memory_space<vmem>>, %arg20: memref<40xi32, #tpu.memory_space<vmem>>, %arg21: memref<40xi32, #tpu.memory_space<vmem>>, %arg22: memref<40xi32, #tpu.memory_space<vmem>>, %arg23: memref<40xi32, #tpu.memory_space<vmem>>, %arg24: memref<40xi32, #tpu.memory_space<vmem>>, %arg25: memref<40xi32, #tpu.memory_space<vmem>>, %arg26: memref<40xi32, #tpu.memory_space<vmem>>, %arg27: memref<40xi32, #tpu.memory_space<vmem>>, %arg28: memref<!tpu.dma_semaphore, #tpu.memory_space<semaphore_mem>>, %arg29: memref<!tpu.dma_semaphore, #tpu.memory_space<semaphore_mem>>, %arg30: memref<!tpu.dma_semaphore, #tpu.memory_space<semaphore_mem>>, %arg31: memref<!tpu.dma_semaphore, #tpu.memory_space<semaphore_mem>>, %arg32: memref<!tpu.dma_semaphore, #tpu.memory_space<semaphore_mem>>, %arg33: memref<!tpu.dma_semaphore, #tpu.memory_space<semaphore_mem>>, %arg34: memref<!tpu.dma_semaphore, #tpu.memory_space<semaphore_mem>>, %arg35: memref<!tpu.dma_semaphore, #tpu.memory_space<semaphore_mem>>, %arg36: memref<!tpu.dma_semaphore, #tpu.memory_space<semaphore_mem>>, %arg37: memref<!tpu.dma_semaphore, #tpu.memory_space<semaphore_mem>>, %arg38: memref<!tpu.dma_semaphore, #tpu.memory_space<semaphore_mem>>, %arg39: memref<!tpu.dma_semaphore, #tpu.memory_space<semaphore_mem>>, %arg40: memref<!tpu.dma_semaphore, #tpu.memory_space<semaphore_mem>>, %arg41: memref<!tpu.dma_semaphore, #tpu.memory_space<semaphore_mem>>, %arg42: memref<!tpu.dma_semaphore, #tpu.memory_space<semaphore_mem>>, %arg43: memref<!tpu.dma_semaphore, #tpu.memory_space<semaphore_mem>>, %arg44: memref<!tpu.dma_semaphore, #tpu.memory_space<semaphore_mem>>, %arg45: memref<!tpu.dma_semaphore, #tpu.memory_space<semaphore_mem>>, %arg46: memref<!tpu.dma_semaphore, #tpu.memory_space<semaphore_mem>>, %arg47: memref<!tpu.dma_semaphore, #tpu.memory_space<semaphore_mem>>, %arg48: memref<!tpu.dma_semaphore, #tpu.memory_space<semaphore_mem>>, %arg49: memref<!tpu.dma_semaphore, #tpu.memory_space<semaphore_mem>>, %arg50: memref<!tpu.dma_semaphore, #tpu.memory_space<semaphore_mem>>, %arg51: memref<!tpu.dma_semaphore, #tpu.memory_space<semaphore_mem>>, %arg52: memref<!tpu.dma_semaphore, #tpu.memory_space<semaphore_mem>>, %arg53: memref<!tpu.dma_semaphore, #tpu.memory_space<semaphore_mem>>, %arg54: memref<!tpu.dma_semaphore, #tpu.memory_space<semaphore_mem>>, %arg55: memref<!tpu.dma_semaphore, #tpu.memory_space<semaphore_mem>>, %arg56: memref<!tpu.dma_semaphore, #tpu.memory_space<semaphore_mem>>, %arg57: memref<!tpu.dma_semaphore, #tpu.memory_space<semaphore_mem>>, %arg58: memref<10000x128xf32, #tpu.memory_space<vmem_shared>>) attributes {dimension_semantics = [#tpu.dimension_semantics<core_parallel>, #tpu.dimension_semantics<subcore_parallel>], iteration_bounds = array<i64: 2, 16>, scalar_prefetch = 0 : i64, scratch_operands = 52 : i64, tpu.core_type = #tpu.core_type<sc_vector_subcore>, window_params = [{transform_indices = #map}, {transform_indices = #map1}, {transform_indices = #map1}, {transform_indices = #map}, {transform_indices = #map2}]} {
    %mul3A = arith.constant 2 : i32
    %mul3A_0 = arith.muli %arg1, %mul3A : i32
    %add3A = arith.addi %mul3A_0, %arg0 : i32
    %mul3A_1 = arith.constant 10000 : i32
    %mul3A_2 = arith.muli %add3A, %mul3A_1 : i32
    %add3A_3 = arith.constant 0 : i32
    %add3A_4 = arith.addi %mul3A_2, %add3A_3 : i32
    %multiple_of3A = tpu.assume_multiple %add3A_4, 8 : i32
    %dma_start3A = tpu.memref_slice %arg3[%multiple_of3A] : memref<320000xi32, #tpu.memory_space<hbm>> -> memref<40xi32, #tpu.memory_space<hbm>>
    %dma_start3A_5 = tpu.memref_slice %arg3[%multiple_of3A] : memref<320000xi32, #tpu.memory_space<hbm>> -> memref<40xi32, #tpu.memory_space<hbm>>
    tpu.enqueue_dma source(%dma_start3A_5 : memref<40xi32, #tpu.memory_space<hbm>>) target(%arg8 : memref<40xi32, #tpu.memory_space<vmem>>) target_semaphore(%arg28 : memref<!tpu.dma_semaphore, #tpu.memory_space<semaphore_mem>>)
    %dma_start3A_6 = tpu.memref_slice %arg4[%multiple_of3A] : memref<320000xi32, #tpu.memory_space<hbm>> -> memref<40xi32, #tpu.memory_space<hbm>>
    %dma_start3A_7 = tpu.memref_slice %arg4[%multiple_of3A] : memref<320000xi32, #tpu.memory_space<hbm>> -> memref<40xi32, #tpu.memory_space<hbm>>
    tpu.enqueue_dma source(%dma_start3A_7 : memref<40xi32, #tpu.memory_space<hbm>>) target(%arg18 : memref<40xi32, #tpu.memory_space<vmem>>) target_semaphore(%arg38 : memref<!tpu.dma_semaphore, #tpu.memory_space<semaphore_mem>>)
    %add3A_8 = arith.constant 40 : i32
    %add3A_9 = arith.addi %mul3A_2, %add3A_8 : i32
    %multiple_of3A_10 = tpu.assume_multiple %add3A_9, 8 : i32
    %dma_start3A_11 = tpu.memref_slice %arg3[%multiple_of3A_10] : memref<320000xi32, #tpu.memory_space<hbm>> -> memref<40xi32, #tpu.memory_space<hbm>>
    %dma_start3A_12 = tpu.memref_slice %arg3[%multiple_of3A_10] : memref<320000xi32, #tpu.memory_space<hbm>> -> memref<40xi32, #tpu.memory_space<hbm>>
    tpu.enqueue_dma source(%dma_start3A_12 : memref<40xi32, #tpu.memory_space<hbm>>) target(%arg9 : memref<40xi32, #tpu.memory_space<vmem>>) target_semaphore(%arg29 : memref<!tpu.dma_semaphore, #tpu.memory_space<semaphore_mem>>)
    %dma_start3A_13 = tpu.memref_slice %arg4[%multiple_of3A_10] : memref<320000xi32, #tpu.memory_space<hbm>> -> memref<40xi32, #tpu.memory_space<hbm>>
    %dma_start3A_14 = tpu.memref_slice %arg4[%multiple_of3A_10] : memref<320000xi32, #tpu.memory_space<hbm>> -> memref<40xi32, #tpu.memory_space<hbm>>
    tpu.enqueue_dma source(%dma_start3A_14 : memref<40xi32, #tpu.memory_space<hbm>>) target(%arg19 : memref<40xi32, #tpu.memory_space<vmem>>) target_semaphore(%arg39 : memref<!tpu.dma_semaphore, #tpu.memory_space<semaphore_mem>>)
    %add3A_15 = arith.constant 80 : i32
    %add3A_16 = arith.addi %mul3A_2, %add3A_15 : i32
    %multiple_of3A_17 = tpu.assume_multiple %add3A_16, 8 : i32
    %dma_start3A_18 = tpu.memref_slice %arg3[%multiple_of3A_17] : memref<320000xi32, #tpu.memory_space<hbm>> -> memref<40xi32, #tpu.memory_space<hbm>>
    %dma_start3A_19 = tpu.memref_slice %arg3[%multiple_of3A_17] : memref<320000xi32, #tpu.memory_space<hbm>> -> memref<40xi32, #tpu.memory_space<hbm>>
    tpu.enqueue_dma source(%dma_start3A_19 : memref<40xi32, #tpu.memory_space<hbm>>) target(%arg10 : memref<40xi32, #tpu.memory_space<vmem>>) target_semaphore(%arg30 : memref<!tpu.dma_semaphore, #tpu.memory_space<semaphore_mem>>)
    %dma_start3A_20 = tpu.memref_slice %arg4[%multiple_of3A_17] : memref<320000xi32, #tpu.memory_space<hbm>> -> memref<40xi32, #tpu.memory_space<hbm>>
    %dma_start3A_21 = tpu.memref_slice %arg4[%multiple_of3A_17] : memref<320000xi32, #tpu.memory_space<hbm>> -> memref<40xi32, #tpu.memory_space<hbm>>
    tpu.enqueue_dma source(%dma_start3A_21 : memref<40xi32, #tpu.memory_space<hbm>>) target(%arg20 : memref<40xi32, #tpu.memory_space<vmem>>) target_semaphore(%arg40 : memref<!tpu.dma_semaphore, #tpu.memory_space<semaphore_mem>>)
    %add3A_22 = arith.constant 120 : i32
    %add3A_23 = arith.addi %mul3A_2, %add3A_22 : i32
    %multiple_of3A_24 = tpu.assume_multiple %add3A_23, 8 : i32
    %dma_start3A_25 = tpu.memref_slice %arg3[%multiple_of3A_24] : memref<320000xi32, #tpu.memory_space<hbm>> -> memref<40xi32, #tpu.memory_space<hbm>>
    %dma_start3A_26 = tpu.memref_slice %arg3[%multiple_of3A_24] : memref<320000xi32, #tpu.memory_space<hbm>> -> memref<40xi32, #tpu.memory_space<hbm>>
    tpu.enqueue_dma source(%dma_start3A_26 : memref<40xi32, #tpu.memory_space<hbm>>) target(%arg11 : memref<40xi32, #tpu.memory_space<vmem>>) target_semaphore(%arg31 : memref<!tpu.dma_semaphore, #tpu.memory_space<semaphore_mem>>)
    %dma_start3A_27 = tpu.memref_slice %arg4[%multiple_of3A_24] : memref<320000xi32, #tpu.memory_space<hbm>> -> memref<40xi32, #tpu.memory_space<hbm>>
    %dma_start3A_28 = tpu.memref_slice %arg4[%multiple_of3A_24] : memref<320000xi32, #tpu.memory_space<hbm>> -> memref<40xi32, #tpu.memory_space<hbm>>
    tpu.enqueue_dma source(%dma_start3A_28 : memref<40xi32, #tpu.memory_space<hbm>>) target(%arg21 : memref<40xi32, #tpu.memory_space<vmem>>) target_semaphore(%arg41 : memref<!tpu.dma_semaphore, #tpu.memory_space<semaphore_mem>>)
    %add3A_29 = arith.constant 160 : i32
    %add3A_30 = arith.addi %mul3A_2, %add3A_29 : i32
    %multiple_of3A_31 = tpu.assume_multiple %add3A_30, 8 : i32
    %dma_start3A_32 = tpu.memref_slice %arg3[%multiple_of3A_31] : memref<320000xi32, #tpu.memory_space<hbm>> -> memref<40xi32, #tpu.memory_space<hbm>>
    %dma_start3A_33 = tpu.memref_slice %arg3[%multiple_of3A_31] : memref<320000xi32, #tpu.memory_space<hbm>> -> memref<40xi32, #tpu.memory_space<hbm>>
    tpu.enqueue_dma source(%dma_start3A_33 : memref<40xi32, #tpu.memory_space<hbm>>) target(%arg12 : memref<40xi32, #tpu.memory_space<vmem>>) target_semaphore(%arg32 : memref<!tpu.dma_semaphore, #tpu.memory_space<semaphore_mem>>)
    %dma_start3A_34 = tpu.memref_slice %arg4[%multiple_of3A_31] : memref<320000xi32, #tpu.memory_space<hbm>> -> memref<40xi32, #tpu.memory_space<hbm>>
    %dma_start3A_35 = tpu.memref_slice %arg4[%multiple_of3A_31] : memref<320000xi32, #tpu.memory_space<hbm>> -> memref<40xi32, #tpu.memory_space<hbm>>
    tpu.enqueue_dma source(%dma_start3A_35 : memref<40xi32, #tpu.memory_space<hbm>>) target(%arg22 : memref<40xi32, #tpu.memory_space<vmem>>) target_semaphore(%arg42 : memref<!tpu.dma_semaphore, #tpu.memory_space<semaphore_mem>>)
    %add3A_36 = arith.constant 200 : i32
    %add3A_37 = arith.addi %mul3A_2, %add3A_36 : i32
    %multiple_of3A_38 = tpu.assume_multiple %add3A_37, 8 : i32
    %dma_start3A_39 = tpu.memref_slice %arg3[%multiple_of3A_38] : memref<320000xi32, #tpu.memory_space<hbm>> -> memref<40xi32, #tpu.memory_space<hbm>>
    %dma_start3A_40 = tpu.memref_slice %arg3[%multiple_of3A_38] : memref<320000xi32, #tpu.memory_space<hbm>> -> memref<40xi32, #tpu.memory_space<hbm>>
    tpu.enqueue_dma source(%dma_start3A_40 : memref<40xi32, #tpu.memory_space<hbm>>) target(%arg13 : memref<40xi32, #tpu.memory_space<vmem>>) target_semaphore(%arg33 : memref<!tpu.dma_semaphore, #tpu.memory_space<semaphore_mem>>)
    %dma_start3A_41 = tpu.memref_slice %arg4[%multiple_of3A_38] : memref<320000xi32, #tpu.memory_space<hbm>> -> memref<40xi32, #tpu.memory_space<hbm>>
    %dma_start3A_42 = tpu.memref_slice %arg4[%multiple_of3A_38] : memref<320000xi32, #tpu.memory_space<hbm>> -> memref<40xi32, #tpu.memory_space<hbm>>
    tpu.enqueue_dma source(%dma_start3A_42 : memref<40xi32, #tpu.memory_space<hbm>>) target(%arg23 : memref<40xi32, #tpu.memory_space<vmem>>) target_semaphore(%arg43 : memref<!tpu.dma_semaphore, #tpu.memory_space<semaphore_mem>>)
    %add3A_43 = arith.constant 240 : i32
    %add3A_44 = arith.addi %mul3A_2, %add3A_43 : i32
    %multiple_of3A_45 = tpu.assume_multiple %add3A_44, 8 : i32
    %dma_start3A_46 = tpu.memref_slice %arg3[%multiple_of3A_45] : memref<320000xi32, #tpu.memory_space<hbm>> -> memref<40xi32, #tpu.memory_space<hbm>>
    %dma_start3A_47 = tpu.memref_slice %arg3[%multiple_of3A_45] : memref<320000xi32, #tpu.memory_space<hbm>> -> memref<40xi32, #tpu.memory_space<hbm>>
    tpu.enqueue_dma source(%dma_start3A_47 : memref<40xi32, #tpu.memory_space<hbm>>) target(%arg14 : memref<40xi32, #tpu.memory_space<vmem>>) target_semaphore(%arg34 : memref<!tpu.dma_semaphore, #tpu.memory_space<semaphore_mem>>)
    %dma_start3A_48 = tpu.memref_slice %arg4[%multiple_of3A_45] : memref<320000xi32, #tpu.memory_space<hbm>> -> memref<40xi32, #tpu.memory_space<hbm>>
    %dma_start3A_49 = tpu.memref_slice %arg4[%multiple_of3A_45] : memref<320000xi32, #tpu.memory_space<hbm>> -> memref<40xi32, #tpu.memory_space<hbm>>
    tpu.enqueue_dma source(%dma_start3A_49 : memref<40xi32, #tpu.memory_space<hbm>>) target(%arg24 : memref<40xi32, #tpu.memory_space<vmem>>) target_semaphore(%arg44 : memref<!tpu.dma_semaphore, #tpu.memory_space<semaphore_mem>>)
    %add3A_50 = arith.constant 280 : i32
    %add3A_51 = arith.addi %mul3A_2, %add3A_50 : i32
    %multiple_of3A_52 = tpu.assume_multiple %add3A_51, 8 : i32
    %dma_start3A_53 = tpu.memref_slice %arg3[%multiple_of3A_52] : memref<320000xi32, #tpu.memory_space<hbm>> -> memref<40xi32, #tpu.memory_space<hbm>>
    %dma_start3A_54 = tpu.memref_slice %arg3[%multiple_of3A_52] : memref<320000xi32, #tpu.memory_space<hbm>> -> memref<40xi32, #tpu.memory_space<hbm>>
    tpu.enqueue_dma source(%dma_start3A_54 : memref<40xi32, #tpu.memory_space<hbm>>) target(%arg15 : memref<40xi32, #tpu.memory_space<vmem>>) target_semaphore(%arg35 : memref<!tpu.dma_semaphore, #tpu.memory_space<semaphore_mem>>)
    %dma_start3A_55 = tpu.memref_slice %arg4[%multiple_of3A_52] : memref<320000xi32, #tpu.memory_space<hbm>> -> memref<40xi32, #tpu.memory_space<hbm>>
    %dma_start3A_56 = tpu.memref_slice %arg4[%multiple_of3A_52] : memref<320000xi32, #tpu.memory_space<hbm>> -> memref<40xi32, #tpu.memory_space<hbm>>
    tpu.enqueue_dma source(%dma_start3A_56 : memref<40xi32, #tpu.memory_space<hbm>>) target(%arg25 : memref<40xi32, #tpu.memory_space<vmem>>) target_semaphore(%arg45 : memref<!tpu.dma_semaphore, #tpu.memory_space<semaphore_mem>>)
    %add3A_57 = arith.constant 320 : i32
    %add3A_58 = arith.addi %mul3A_2, %add3A_57 : i32
    %multiple_of3A_59 = tpu.assume_multiple %add3A_58, 8 : i32
    %dma_start3A_60 = tpu.memref_slice %arg3[%multiple_of3A_59] : memref<320000xi32, #tpu.memory_space<hbm>> -> memref<40xi32, #tpu.memory_space<hbm>>
    %dma_start3A_61 = tpu.memref_slice %arg3[%multiple_of3A_59] : memref<320000xi32, #tpu.memory_space<hbm>> -> memref<40xi32, #tpu.memory_space<hbm>>
    tpu.enqueue_dma source(%dma_start3A_61 : memref<40xi32, #tpu.memory_space<hbm>>) target(%arg16 : memref<40xi32, #tpu.memory_space<vmem>>) target_semaphore(%arg36 : memref<!tpu.dma_semaphore, #tpu.memory_space<semaphore_mem>>)
    %dma_start3A_62 = tpu.memref_slice %arg4[%multiple_of3A_59] : memref<320000xi32, #tpu.memory_space<hbm>> -> memref<40xi32, #tpu.memory_space<hbm>>
    %dma_start3A_63 = tpu.memref_slice %arg4[%multiple_of3A_59] : memref<320000xi32, #tpu.memory_space<hbm>> -> memref<40xi32, #tpu.memory_space<hbm>>
    tpu.enqueue_dma source(%dma_start3A_63 : memref<40xi32, #tpu.memory_space<hbm>>) target(%arg26 : memref<40xi32, #tpu.memory_space<vmem>>) target_semaphore(%arg46 : memref<!tpu.dma_semaphore, #tpu.memory_space<semaphore_mem>>)
    %mul3A_64 = arith.constant 624 : i32
    %mul3A_65 = arith.muli %arg1, %mul3A_64 : i32
    %mul3A_66 = arith.constant 624 : i32
    %mul3A_67 = arith.muli %arg1, %mul3A_66 : i32
    "tpu.region"() ({
      %run_scoped3A = tpu.sem_alloc : memref<!tpu.dma_semaphore, #tpu.memory_space<semaphore_mem>>
      %dma_start3A_144 = arith.constant 0 : i32
      %dma_start3A_145 = tpu.memref_slice %arg58[%mul3A_67, %dma_start3A_144] : memref<10000x128xf32, #tpu.memory_space<vmem_shared>> -> memref<624x128xf32, #tpu.memory_space<vmem_shared>>
      %dma_start3A_146 = arith.constant 0 : i32
      %dma_start3A_147 = tpu.memref_slice %arg5[%mul3A_65, %dma_start3A_146] : memref<10000x128xf32, #tpu.memory_space<hbm>> -> memref<624x128xf32, #tpu.memory_space<hbm>>
      tpu.enqueue_dma source(%dma_start3A_147 : memref<624x128xf32, #tpu.memory_space<hbm>>) target(%dma_start3A_145 : memref<624x128xf32, #tpu.memory_space<vmem_shared>>) target_semaphore(%run_scoped3A : memref<!tpu.dma_semaphore, #tpu.memory_space<semaphore_mem>>)
      %dma_wait3A_148 = arith.constant 0 : i32
      %dma_wait3A_149 = tpu.memref_slice %arg58[%mul3A_67, %dma_wait3A_148] : memref<10000x128xf32, #tpu.memory_space<vmem_shared>> -> memref<624x128xf32, #tpu.memory_space<vmem_shared>>
      %dma_wait3A_150 = arith.constant 0 : i32
      %dma_wait3A_151 = tpu.memref_slice %arg5[%mul3A_65, %dma_wait3A_150] : memref<10000x128xf32, #tpu.memory_space<hbm>> -> memref<624x128xf32, #tpu.memory_space<hbm>>
      tpu.wait_dma2 semaphore(%run_scoped3A : memref<!tpu.dma_semaphore, #tpu.memory_space<semaphore_mem>>) src(%dma_wait3A_151 : memref<624x128xf32, #tpu.memory_space<hbm>>) dst(%dma_wait3A_149 : memref<624x128xf32, #tpu.memory_space<vmem_shared>>)
      tpu.yield
    }) : () -> ()
    %eq3A = arith.constant 15 : i32
    %eq3A_68 = arith.cmpi eq, %arg1, %eq3A : i32
    %convert_element_type3A = arith.extui %eq3A_68 : i1 to i32
    %cond3A = arith.constant 0 : i32
    %cond3A_69 = arith.cmpi ne, %convert_element_type3A, %cond3A : i32
    scf.if %cond3A_69 {
      "tpu.region"() ({
        %run_scoped3A = tpu.sem_alloc : memref<!tpu.dma_semaphore, #tpu.memory_space<semaphore_mem>>
        %dma_start3A_144 = arith.constant 9984 : i32
        %dma_start3A_145 = arith.constant 0 : i32
        %dma_start3A_146 = tpu.memref_slice %arg58[%dma_start3A_144, %dma_start3A_145] : memref<10000x128xf32, #tpu.memory_space<vmem_shared>> -> memref<16x128xf32, #tpu.memory_space<vmem_shared>>
        %dma_start3A_147 = arith.constant 9984 : i32
        %dma_start3A_148 = arith.constant 0 : i32
        %dma_start3A_149 = tpu.memref_slice %arg5[%dma_start3A_147, %dma_start3A_148] : memref<10000x128xf32, #tpu.memory_space<hbm>> -> memref<16x128xf32, #tpu.memory_space<hbm>>
        tpu.enqueue_dma source(%dma_start3A_149 : memref<16x128xf32, #tpu.memory_space<hbm>>) target(%dma_start3A_146 : memref<16x128xf32, #tpu.memory_space<vmem_shared>>) target_semaphore(%run_scoped3A : memref<!tpu.dma_semaphore, #tpu.memory_space<semaphore_mem>>)
        %dma_wait3A_150 = arith.constant 9984 : i32
        %dma_wait3A_151 = arith.constant 0 : i32
        %dma_wait3A_152 = tpu.memref_slice %arg58[%dma_wait3A_150, %dma_wait3A_151] : memref<10000x128xf32, #tpu.memory_space<vmem_shared>> -> memref<16x128xf32, #tpu.memory_space<vmem_shared>>
        %dma_wait3A_153 = arith.constant 9984 : i32
        %dma_wait3A_154 = arith.constant 0 : i32
        %dma_wait3A_155 = tpu.memref_slice %arg5[%dma_wait3A_153, %dma_wait3A_154] : memref<10000x128xf32, #tpu.memory_space<hbm>> -> memref<16x128xf32, #tpu.memory_space<hbm>>
        tpu.wait_dma2 semaphore(%run_scoped3A : memref<!tpu.dma_semaphore, #tpu.memory_space<semaphore_mem>>) src(%dma_wait3A_155 : memref<16x128xf32, #tpu.memory_space<hbm>>) dst(%dma_wait3A_152 : memref<16x128xf32, #tpu.memory_space<vmem_shared>>)
        tpu.yield
      }) : () -> ()
    } else {
    }
    %barrier3A = arith.constant 0 : index
    tpu.barrier barrier_id(%barrier3A)
    %add3A_70 = arith.constant 0 : i32
    %add3A_71 = arith.addi %mul3A_2, %add3A_70 : i32
    %multiple_of3A_72 = tpu.assume_multiple %add3A_71, 8 : i32
    %dma_wait3A = tpu.memref_slice %arg3[%multiple_of3A_72] : memref<320000xi32, #tpu.memory_space<hbm>> -> memref<40xi32, #tpu.memory_space<hbm>>
    %dma_wait3A_73 = tpu.memref_slice %arg3[%multiple_of3A_72] : memref<320000xi32, #tpu.memory_space<hbm>> -> memref<40xi32, #tpu.memory_space<hbm>>
    tpu.wait_dma2 semaphore(%arg28 : memref<!tpu.dma_semaphore, #tpu.memory_space<semaphore_mem>>) src(%dma_wait3A_73 : memref<40xi32, #tpu.memory_space<hbm>>) dst(%arg8 : memref<40xi32, #tpu.memory_space<vmem>>)
    %dma_start3A_74 = arith.constant 0 : i32
    %dma_start3A_75 = arith.constant 0 : i32
    %dma_start3A_76 = arith.constant 0 : i32
    %dma_start3A_77 = tpu.memref_slice %arg7[%dma_start3A_74, %dma_start3A_75, %dma_start3A_76] : memref<5x40x128xf32, #tpu.memory_space<vmem>> -> memref<1x40x128xf32, #tpu.memory_space<vmem>>
    %dma_start3A_78 = tpu.memref_squeeze %dma_start3A_77 : memref<1x40x128xf32, #tpu.memory_space<vmem>> -> memref<40x128xf32, #tpu.memory_space<vmem>>
    %dma_start3A_79 = arith.constant 0 : i32
    %dma_start3A_80 = arith.constant 0 : i32
    %dma_start3A_81 = tpu.memref_slice %arg2[%dma_start3A_79, %dma_start3A_80] : memref<10000x128xf32, #tpu.memory_space<hbm>> -> memref<10000x128xf32, #tpu.memory_space<hbm>>
    tpu.enqueue_indirect_dma source(%dma_start3A_81 : memref<10000x128xf32, #tpu.memory_space<hbm>>) target(%dma_start3A_78 : memref<40x128xf32, #tpu.memory_space<vmem>>) offsets(%arg8 : memref<40xi32, #tpu.memory_space<vmem>>) semaphore(%arg48 : memref<!tpu.dma_semaphore, #tpu.memory_space<semaphore_mem>>)
    %add3A_82 = arith.constant 40 : i32
    %add3A_83 = arith.addi %mul3A_2, %add3A_82 : i32
    %multiple_of3A_84 = tpu.assume_multiple %add3A_83, 8 : i32
    %dma_wait3A_85 = tpu.memref_slice %arg3[%multiple_of3A_84] : memref<320000xi32, #tpu.memory_space<hbm>> -> memref<40xi32, #tpu.memory_space<hbm>>
    %dma_wait3A_86 = tpu.memref_slice %arg3[%multiple_of3A_84] : memref<320000xi32, #tpu.memory_space<hbm>> -> memref<40xi32, #tpu.memory_space<hbm>>
    tpu.wait_dma2 semaphore(%arg29 : memref<!tpu.dma_semaphore, #tpu.memory_space<semaphore_mem>>) src(%dma_wait3A_86 : memref<40xi32, #tpu.memory_space<hbm>>) dst(%arg9 : memref<40xi32, #tpu.memory_space<vmem>>)
    %dma_start3A_87 = arith.constant 1 : i32
    %dma_start3A_88 = arith.constant 0 : i32
    %dma_start3A_89 = arith.constant 0 : i32
    %dma_start3A_90 = tpu.memref_slice %arg7[%dma_start3A_87, %dma_start3A_88, %dma_start3A_89] : memref<5x40x128xf32, #tpu.memory_space<vmem>> -> memref<1x40x128xf32, #tpu.memory_space<vmem>>
    %dma_start3A_91 = tpu.memref_squeeze %dma_start3A_90 : memref<1x40x128xf32, #tpu.memory_space<vmem>> -> memref<40x128xf32, #tpu.memory_space<vmem>>
    %dma_start3A_92 = arith.constant 0 : i32
    %dma_start3A_93 = arith.constant 0 : i32
    %dma_start3A_94 = tpu.memref_slice %arg2[%dma_start3A_92, %dma_start3A_93] : memref<10000x128xf32, #tpu.memory_space<hbm>> -> memref<10000x128xf32, #tpu.memory_space<hbm>>
    tpu.enqueue_indirect_dma source(%dma_start3A_94 : memref<10000x128xf32, #tpu.memory_space<hbm>>) target(%dma_start3A_91 : memref<40x128xf32, #tpu.memory_space<vmem>>) offsets(%arg9 : memref<40xi32, #tpu.memory_space<vmem>>) semaphore(%arg49 : memref<!tpu.dma_semaphore, #tpu.memory_space<semaphore_mem>>)
    %add3A_95 = arith.constant 80 : i32
    %add3A_96 = arith.addi %mul3A_2, %add3A_95 : i32
    %multiple_of3A_97 = tpu.assume_multiple %add3A_96, 8 : i32
    %dma_wait3A_98 = tpu.memref_slice %arg3[%multiple_of3A_97] : memref<320000xi32, #tpu.memory_space<hbm>> -> memref<40xi32, #tpu.memory_space<hbm>>
    %dma_wait3A_99 = tpu.memref_slice %arg3[%multiple_of3A_97] : memref<320000xi32, #tpu.memory_space<hbm>> -> memref<40xi32, #tpu.memory_space<hbm>>
    tpu.wait_dma2 semaphore(%arg30 : memref<!tpu.dma_semaphore, #tpu.memory_space<semaphore_mem>>) src(%dma_wait3A_99 : memref<40xi32, #tpu.memory_space<hbm>>) dst(%arg10 : memref<40xi32, #tpu.memory_space<vmem>>)
    %dma_start3A_100 = arith.constant 2 : i32
    %dma_start3A_101 = arith.constant 0 : i32
    %dma_start3A_102 = arith.constant 0 : i32
    %dma_start3A_103 = tpu.memref_slice %arg7[%dma_start3A_100, %dma_start3A_101, %dma_start3A_102] : memref<5x40x128xf32, #tpu.memory_space<vmem>> -> memref<1x40x128xf32, #tpu.memory_space<vmem>>
    %dma_start3A_104 = tpu.memref_squeeze %dma_start3A_103 : memref<1x40x128xf32, #tpu.memory_space<vmem>> -> memref<40x128xf32, #tpu.memory_space<vmem>>
    %dma_start3A_105 = arith.constant 0 : i32
    %dma_start3A_106 = arith.constant 0 : i32
    %dma_start3A_107 = tpu.memref_slice %arg2[%dma_start3A_105, %dma_start3A_106] : memref<10000x128xf32, #tpu.memory_space<hbm>> -> memref<10000x128xf32, #tpu.memory_space<hbm>>
    tpu.enqueue_indirect_dma source(%dma_start3A_107 : memref<10000x128xf32, #tpu.memory_space<hbm>>) target(%dma_start3A_104 : memref<40x128xf32, #tpu.memory_space<vmem>>) offsets(%arg10 : memref<40xi32, #tpu.memory_space<vmem>>) semaphore(%arg50 : memref<!tpu.dma_semaphore, #tpu.memory_space<semaphore_mem>>)
    %add3A_108 = arith.constant 120 : i32
    %add3A_109 = arith.addi %mul3A_2, %add3A_108 : i32
    %multiple_of3A_110 = tpu.assume_multiple %add3A_109, 8 : i32
    %dma_wait3A_111 = tpu.memref_slice %arg3[%multiple_of3A_110] : memref<320000xi32, #tpu.memory_space<hbm>> -> memref<40xi32, #tpu.memory_space<hbm>>
    %dma_wait3A_112 = tpu.memref_slice %arg3[%multiple_of3A_110] : memref<320000xi32, #tpu.memory_space<hbm>> -> memref<40xi32, #tpu.memory_space<hbm>>
    tpu.wait_dma2 semaphore(%arg31 : memref<!tpu.dma_semaphore, #tpu.memory_space<semaphore_mem>>) src(%dma_wait3A_112 : memref<40xi32, #tpu.memory_space<hbm>>) dst(%arg11 : memref<40xi32, #tpu.memory_space<vmem>>)
    %dma_start3A_113 = arith.constant 3 : i32
    %dma_start3A_114 = arith.constant 0 : i32
    %dma_start3A_115 = arith.constant 0 : i32
    %dma_start3A_116 = tpu.memref_slice %arg7[%dma_start3A_113, %dma_start3A_114, %dma_start3A_115] : memref<5x40x128xf32, #tpu.memory_space<vmem>> -> memref<1x40x128xf32, #tpu.memory_space<vmem>>
    %dma_start3A_117 = tpu.memref_squeeze %dma_start3A_116 : memref<1x40x128xf32, #tpu.memory_space<vmem>> -> memref<40x128xf32, #tpu.memory_space<vmem>>
    %dma_start3A_118 = arith.constant 0 : i32
    %dma_start3A_119 = arith.constant 0 : i32
    %dma_start3A_120 = tpu.memref_slice %arg2[%dma_start3A_118, %dma_start3A_119] : memref<10000x128xf32, #tpu.memory_space<hbm>> -> memref<10000x128xf32, #tpu.memory_space<hbm>>
    tpu.enqueue_indirect_dma source(%dma_start3A_120 : memref<10000x128xf32, #tpu.memory_space<hbm>>) target(%dma_start3A_117 : memref<40x128xf32, #tpu.memory_space<vmem>>) offsets(%arg11 : memref<40xi32, #tpu.memory_space<vmem>>) semaphore(%arg51 : memref<!tpu.dma_semaphore, #tpu.memory_space<semaphore_mem>>)
    %scan3A = arith.constant 0 : i32
    %scan3A_121 = arith.constant 0 : i32
    %scan3A_122 = arith.constant 25 : i32
    %scan3A_123 = arith.addi %scan3A_121, %scan3A_122 : i32
    %scan3A_124 = arith.constant 1 : i32
    scf.for %scan3A_144 = %scan3A_121 to %scan3A_123 step %scan3A_124  : i32 {
      %mul3A_145 = arith.constant 10 : i32
      %mul3A_146 = arith.muli %scan3A_144, %mul3A_145 : i32
      %add3A_147 = arith.constant 0 : i32
      %add3A_148 = arith.addi %mul3A_146, %add3A_147 : i32
      %ge3A = arith.constant 1 : i32
      %ge3A_149 = arith.cmpi sge, %add3A_148, %ge3A : i32
      %convert_element_type3A_150 = arith.extui %ge3A_149 : i1 to i32
      %cond3A_151 = arith.constant 0 : i32
      %cond3A_152 = arith.cmpi ne, %convert_element_type3A_150, %cond3A_151 : i32
      scf.if %cond3A_152 {
        %dma_wait3A_612 = arith.constant 4 : i32
        %dma_wait3A_613 = arith.constant 0 : i32
        %dma_wait3A_614 = arith.constant 0 : i32
        %dma_wait3A_615 = tpu.memref_slice %arg7[%dma_wait3A_612, %dma_wait3A_613, %dma_wait3A_614] : memref<5x40x128xf32, #tpu.memory_space<vmem>> -> memref<1x40x128xf32, #tpu.memory_space<vmem>>
        %dma_wait3A_616 = tpu.memref_squeeze %dma_wait3A_615 : memref<1x40x128xf32, #tpu.memory_space<vmem>> -> memref<40x128xf32, #tpu.memory_space<vmem>>
        %dma_wait3A_617 = arith.constant 0 : i32
        %dma_wait3A_618 = arith.constant 0 : i32
        %dma_wait3A_619 = tpu.memref_slice %arg58[%dma_wait3A_617, %dma_wait3A_618] : memref<10000x128xf32, #tpu.memory_space<vmem_shared>> -> memref<10000x128xf32, #tpu.memory_space<vmem_shared>>
        tpu.wait_indirect_dma semaphore(%arg57 : memref<!tpu.dma_semaphore, #tpu.memory_space<semaphore_mem>>) src(%dma_wait3A_616 : memref<40x128xf32, #tpu.memory_space<vmem>>) dst(%dma_wait3A_619 : memref<10000x128xf32, #tpu.memory_space<vmem_shared>>)
      } else {
      }
      %add3A_153 = arith.constant 10 : i32
      %add3A_154 = arith.addi %add3A_148, %add3A_153 : i32
      %sub3A = arith.constant 1 : i32
      %sub3A_155 = arith.subi %add3A_154, %sub3A : i32
      %lt3A = arith.constant 250 : i32
      %lt3A_156 = arith.cmpi slt, %sub3A_155, %lt3A : i32
      %convert_element_type3A_157 = arith.extui %lt3A_156 : i1 to i32
      %cond3A_158 = arith.constant 0 : i32
      %cond3A_159 = arith.cmpi ne, %convert_element_type3A_157, %cond3A_158 : i32
      scf.if %cond3A_159 {
        %add3A_612 = arith.constant 10 : i32
        %add3A_613 = arith.addi %add3A_148, %add3A_612 : i32
        %sub3A_614 = arith.constant 1 : i32
        %sub3A_615 = arith.subi %add3A_613, %sub3A_614 : i32
        %mul3A_616 = arith.constant 40 : i32
        %mul3A_617 = arith.muli %sub3A_615, %mul3A_616 : i32
        %add3A_618 = arith.addi %mul3A_2, %mul3A_617 : i32
        %multiple_of3A_619 = tpu.assume_multiple %add3A_618, 8 : i32
        %dma_start3A_620 = tpu.memref_slice %arg3[%multiple_of3A_619] : memref<320000xi32, #tpu.memory_space<hbm>> -> memref<40xi32, #tpu.memory_space<hbm>>
        %dma_start3A_621 = tpu.memref_slice %arg3[%multiple_of3A_619] : memref<320000xi32, #tpu.memory_space<hbm>> -> memref<40xi32, #tpu.memory_space<hbm>>
        tpu.enqueue_dma source(%dma_start3A_621 : memref<40xi32, #tpu.memory_space<hbm>>) target(%arg17 : memref<40xi32, #tpu.memory_space<vmem>>) target_semaphore(%arg37 : memref<!tpu.dma_semaphore, #tpu.memory_space<semaphore_mem>>)
        %dma_start3A_622 = tpu.memref_slice %arg4[%multiple_of3A_619] : memref<320000xi32, #tpu.memory_space<hbm>> -> memref<40xi32, #tpu.memory_space<hbm>>
        %dma_start3A_623 = tpu.memref_slice %arg4[%multiple_of3A_619] : memref<320000xi32, #tpu.memory_space<hbm>> -> memref<40xi32, #tpu.memory_space<hbm>>
        tpu.enqueue_dma source(%dma_start3A_623 : memref<40xi32, #tpu.memory_space<hbm>>) target(%arg27 : memref<40xi32, #tpu.memory_space<vmem>>) target_semaphore(%arg47 : memref<!tpu.dma_semaphore, #tpu.memory_space<semaphore_mem>>)
      } else {
      }
      %add3A_160 = arith.constant 4 : i32
      %add3A_161 = arith.addi %add3A_148, %add3A_160 : i32
      %lt3A_162 = arith.constant 250 : i32
      %lt3A_163 = arith.cmpi slt, %add3A_161, %lt3A_162 : i32
      %convert_element_type3A_164 = arith.extui %lt3A_163 : i1 to i32
      %cond3A_165 = arith.constant 0 : i32
      %cond3A_166 = arith.cmpi ne, %convert_element_type3A_164, %cond3A_165 : i32
      scf.if %cond3A_166 {
        %add3A_612 = arith.constant 4 : i32
        %add3A_613 = arith.addi %add3A_148, %add3A_612 : i32
        %mul3A_614 = arith.constant 40 : i32
        %mul3A_615 = arith.muli %add3A_613, %mul3A_614 : i32
        %add3A_616 = arith.addi %mul3A_2, %mul3A_615 : i32
        %multiple_of3A_617 = tpu.assume_multiple %add3A_616, 8 : i32
        %dma_wait3A_618 = tpu.memref_slice %arg3[%multiple_of3A_617] : memref<320000xi32, #tpu.memory_space<hbm>> -> memref<40xi32, #tpu.memory_space<hbm>>
        %dma_wait3A_619 = tpu.memref_slice %arg3[%multiple_of3A_617] : memref<320000xi32, #tpu.memory_space<hbm>> -> memref<40xi32, #tpu.memory_space<hbm>>
        tpu.wait_dma2 semaphore(%arg32 : memref<!tpu.dma_semaphore, #tpu.memory_space<semaphore_mem>>) src(%dma_wait3A_619 : memref<40xi32, #tpu.memory_space<hbm>>) dst(%arg12 : memref<40xi32, #tpu.memory_space<vmem>>)
        %dma_start3A_620 = arith.constant 4 : i32
        %dma_start3A_621 = arith.constant 0 : i32
        %dma_start3A_622 = arith.constant 0 : i32
        %dma_start3A_623 = tpu.memref_slice %arg7[%dma_start3A_620, %dma_start3A_621, %dma_start3A_622] : memref<5x40x128xf32, #tpu.memory_space<vmem>> -> memref<1x40x128xf32, #tpu.memory_space<vmem>>
        %dma_start3A_624 = tpu.memref_squeeze %dma_start3A_623 : memref<1x40x128xf32, #tpu.memory_space<vmem>> -> memref<40x128xf32, #tpu.memory_space<vmem>>
        %dma_start3A_625 = arith.constant 0 : i32
        %dma_start3A_626 = arith.constant 0 : i32
        %dma_start3A_627 = tpu.memref_slice %arg2[%dma_start3A_625, %dma_start3A_626] : memref<10000x128xf32, #tpu.memory_space<hbm>> -> memref<10000x128xf32, #tpu.memory_space<hbm>>
        tpu.enqueue_indirect_dma source(%dma_start3A_627 : memref<10000x128xf32, #tpu.memory_space<hbm>>) target(%dma_start3A_624 : memref<40x128xf32, #tpu.memory_space<vmem>>) offsets(%arg12 : memref<40xi32, #tpu.memory_space<vmem>>) semaphore(%arg52 : memref<!tpu.dma_semaphore, #tpu.memory_space<semaphore_mem>>)
      } else {
      }
      %dma_wait3A_167 = arith.constant 0 : i32
      %dma_wait3A_168 = arith.constant 0 : i32
      %dma_wait3A_169 = arith.constant 0 : i32
      %dma_wait3A_170 = tpu.memref_slice %arg7[%dma_wait3A_167, %dma_wait3A_168, %dma_wait3A_169] : memref<5x40x128xf32, #tpu.memory_space<vmem>> -> memref<1x40x128xf32, #tpu.memory_space<vmem>>
      %dma_wait3A_171 = tpu.memref_squeeze %dma_wait3A_170 : memref<1x40x128xf32, #tpu.memory_space<vmem>> -> memref<40x128xf32, #tpu.memory_space<vmem>>
      %dma_wait3A_172 = arith.constant 0 : i32
      %dma_wait3A_173 = arith.constant 0 : i32
      %dma_wait3A_174 = tpu.memref_slice %arg2[%dma_wait3A_172, %dma_wait3A_173] : memref<10000x128xf32, #tpu.memory_space<hbm>> -> memref<10000x128xf32, #tpu.memory_space<hbm>>
      tpu.wait_indirect_dma semaphore(%arg48 : memref<!tpu.dma_semaphore, #tpu.memory_space<semaphore_mem>>) src(%dma_wait3A_174 : memref<10000x128xf32, #tpu.memory_space<hbm>>) dst(%dma_wait3A_171 : memref<40x128xf32, #tpu.memory_space<vmem>>)
      %mul3A_175 = arith.constant 40 : i32
      %mul3A_176 = arith.muli %add3A_148, %mul3A_175 : i32
      %add3A_177 = arith.addi %mul3A_2, %mul3A_176 : i32
      %multiple_of3A_178 = tpu.assume_multiple %add3A_177, 8 : i32
      %dma_wait3A_179 = tpu.memref_slice %arg4[%multiple_of3A_178] : memref<320000xi32, #tpu.memory_space<hbm>> -> memref<40xi32, #tpu.memory_space<hbm>>
      %dma_wait3A_180 = tpu.memref_slice %arg4[%multiple_of3A_178] : memref<320000xi32, #tpu.memory_space<hbm>> -> memref<40xi32, #tpu.memory_space<hbm>>
      tpu.wait_dma2 semaphore(%arg38 : memref<!tpu.dma_semaphore, #tpu.memory_space<semaphore_mem>>) src(%dma_wait3A_180 : memref<40xi32, #tpu.memory_space<hbm>>) dst(%arg18 : memref<40xi32, #tpu.memory_space<vmem>>)
      %dma_start3A_181 = arith.constant 0 : i32
      %dma_start3A_182 = arith.constant 0 : i32
      %dma_start3A_183 = arith.constant 0 : i32
      %dma_start3A_184 = tpu.memref_slice %arg7[%dma_start3A_181, %dma_start3A_182, %dma_start3A_183] : memref<5x40x128xf32, #tpu.memory_space<vmem>> -> memref<1x40x128xf32, #tpu.memory_space<vmem>>
      %dma_start3A_185 = tpu.memref_squeeze %dma_start3A_184 : memref<1x40x128xf32, #tpu.memory_space<vmem>> -> memref<40x128xf32, #tpu.memory_space<vmem>>
      %dma_start3A_186 = arith.constant 0 : i32
      %dma_start3A_187 = arith.constant 0 : i32
      %dma_start3A_188 = tpu.memref_slice %arg58[%dma_start3A_186, %dma_start3A_187] : memref<10000x128xf32, #tpu.memory_space<vmem_shared>> -> memref<10000x128xf32, #tpu.memory_space<vmem_shared>>
      tpu.enqueue_indirect_dma source(%dma_start3A_185 : memref<40x128xf32, #tpu.memory_space<vmem>>) target(%dma_start3A_188 : memref<10000x128xf32, #tpu.memory_space<vmem_shared>>) offsets(%arg18 : memref<40xi32, #tpu.memory_space<vmem>>) semaphore(%arg53 : memref<!tpu.dma_semaphore, #tpu.memory_space<semaphore_mem>>) {add = true}
      %mul3A_189 = arith.constant 10 : i32
      %mul3A_190 = arith.muli %scan3A_144, %mul3A_189 : i32
      %add3A_191 = arith.constant 1 : i32
      %add3A_192 = arith.addi %mul3A_190, %add3A_191 : i32
      %ge3A_193 = arith.constant 1 : i32
      %ge3A_194 = arith.cmpi sge, %add3A_192, %ge3A_193 : i32
      %convert_element_type3A_195 = arith.extui %ge3A_194 : i1 to i32
      %cond3A_196 = arith.constant 0 : i32
      %cond3A_197 = arith.cmpi ne, %convert_element_type3A_195, %cond3A_196 : i32
      scf.if %cond3A_197 {
        %dma_wait3A_612 = arith.constant 0 : i32
        %dma_wait3A_613 = arith.constant 0 : i32
        %dma_wait3A_614 = arith.constant 0 : i32
        %dma_wait3A_615 = tpu.memref_slice %arg7[%dma_wait3A_612, %dma_wait3A_613, %dma_wait3A_614] : memref<5x40x128xf32, #tpu.memory_space<vmem>> -> memref<1x40x128xf32, #tpu.memory_space<vmem>>
        %dma_wait3A_616 = tpu.memref_squeeze %dma_wait3A_615 : memref<1x40x128xf32, #tpu.memory_space<vmem>> -> memref<40x128xf32, #tpu.memory_space<vmem>>
        %dma_wait3A_617 = arith.constant 0 : i32
        %dma_wait3A_618 = arith.constant 0 : i32
        %dma_wait3A_619 = tpu.memref_slice %arg58[%dma_wait3A_617, %dma_wait3A_618] : memref<10000x128xf32, #tpu.memory_space<vmem_shared>> -> memref<10000x128xf32, #tpu.memory_space<vmem_shared>>
        tpu.wait_indirect_dma semaphore(%arg53 : memref<!tpu.dma_semaphore, #tpu.memory_space<semaphore_mem>>) src(%dma_wait3A_616 : memref<40x128xf32, #tpu.memory_space<vmem>>) dst(%dma_wait3A_619 : memref<10000x128xf32, #tpu.memory_space<vmem_shared>>)
      } else {
      }
      %add3A_198 = arith.constant 10 : i32
      %add3A_199 = arith.addi %add3A_192, %add3A_198 : i32
      %sub3A_200 = arith.constant 1 : i32
      %sub3A_201 = arith.subi %add3A_199, %sub3A_200 : i32
      %lt3A_202 = arith.constant 250 : i32
      %lt3A_203 = arith.cmpi slt, %sub3A_201, %lt3A_202 : i32
      %convert_element_type3A_204 = arith.extui %lt3A_203 : i1 to i32
      %cond3A_205 = arith.constant 0 : i32
      %cond3A_206 = arith.cmpi ne, %convert_element_type3A_204, %cond3A_205 : i32
      scf.if %cond3A_206 {
        %add3A_612 = arith.constant 10 : i32
        %add3A_613 = arith.addi %add3A_192, %add3A_612 : i32
        %sub3A_614 = arith.constant 1 : i32
        %sub3A_615 = arith.subi %add3A_613, %sub3A_614 : i32
        %mul3A_616 = arith.constant 40 : i32
        %mul3A_617 = arith.muli %sub3A_615, %mul3A_616 : i32
        %add3A_618 = arith.addi %mul3A_2, %mul3A_617 : i32
        %multiple_of3A_619 = tpu.assume_multiple %add3A_618, 8 : i32
        %dma_start3A_620 = tpu.memref_slice %arg3[%multiple_of3A_619] : memref<320000xi32, #tpu.memory_space<hbm>> -> memref<40xi32, #tpu.memory_space<hbm>>
        %dma_start3A_621 = tpu.memref_slice %arg3[%multiple_of3A_619] : memref<320000xi32, #tpu.memory_space<hbm>> -> memref<40xi32, #tpu.memory_space<hbm>>
        tpu.enqueue_dma source(%dma_start3A_621 : memref<40xi32, #tpu.memory_space<hbm>>) target(%arg8 : memref<40xi32, #tpu.memory_space<vmem>>) target_semaphore(%arg28 : memref<!tpu.dma_semaphore, #tpu.memory_space<semaphore_mem>>)
        %dma_start3A_622 = tpu.memref_slice %arg4[%multiple_of3A_619] : memref<320000xi32, #tpu.memory_space<hbm>> -> memref<40xi32, #tpu.memory_space<hbm>>
        %dma_start3A_623 = tpu.memref_slice %arg4[%multiple_of3A_619] : memref<320000xi32, #tpu.memory_space<hbm>> -> memref<40xi32, #tpu.memory_space<hbm>>
        tpu.enqueue_dma source(%dma_start3A_623 : memref<40xi32, #tpu.memory_space<hbm>>) target(%arg18 : memref<40xi32, #tpu.memory_space<vmem>>) target_semaphore(%arg38 : memref<!tpu.dma_semaphore, #tpu.memory_space<semaphore_mem>>)
      } else {
      }
      %add3A_207 = arith.constant 4 : i32
      %add3A_208 = arith.addi %add3A_192, %add3A_207 : i32
      %lt3A_209 = arith.constant 250 : i32
      %lt3A_210 = arith.cmpi slt, %add3A_208, %lt3A_209 : i32
      %convert_element_type3A_211 = arith.extui %lt3A_210 : i1 to i32
      %cond3A_212 = arith.constant 0 : i32
      %cond3A_213 = arith.cmpi ne, %convert_element_type3A_211, %cond3A_212 : i32
      scf.if %cond3A_213 {
        %add3A_612 = arith.constant 4 : i32
        %add3A_613 = arith.addi %add3A_192, %add3A_612 : i32
        %mul3A_614 = arith.constant 40 : i32
        %mul3A_615 = arith.muli %add3A_613, %mul3A_614 : i32
        %add3A_616 = arith.addi %mul3A_2, %mul3A_615 : i32
        %multiple_of3A_617 = tpu.assume_multiple %add3A_616, 8 : i32
        %dma_wait3A_618 = tpu.memref_slice %arg3[%multiple_of3A_617] : memref<320000xi32, #tpu.memory_space<hbm>> -> memref<40xi32, #tpu.memory_space<hbm>>
        %dma_wait3A_619 = tpu.memref_slice %arg3[%multiple_of3A_617] : memref<320000xi32, #tpu.memory_space<hbm>> -> memref<40xi32, #tpu.memory_space<hbm>>
        tpu.wait_dma2 semaphore(%arg33 : memref<!tpu.dma_semaphore, #tpu.memory_space<semaphore_mem>>) src(%dma_wait3A_619 : memref<40xi32, #tpu.memory_space<hbm>>) dst(%arg13 : memref<40xi32, #tpu.memory_space<vmem>>)
        %dma_start3A_620 = arith.constant 0 : i32
        %dma_start3A_621 = arith.constant 0 : i32
        %dma_start3A_622 = arith.constant 0 : i32
        %dma_start3A_623 = tpu.memref_slice %arg7[%dma_start3A_620, %dma_start3A_621, %dma_start3A_622] : memref<5x40x128xf32, #tpu.memory_space<vmem>> -> memref<1x40x128xf32, #tpu.memory_space<vmem>>
        %dma_start3A_624 = tpu.memref_squeeze %dma_start3A_623 : memref<1x40x128xf32, #tpu.memory_space<vmem>> -> memref<40x128xf32, #tpu.memory_space<vmem>>
        %dma_start3A_625 = arith.constant 0 : i32
        %dma_start3A_626 = arith.constant 0 : i32
        %dma_start3A_627 = tpu.memref_slice %arg2[%dma_start3A_625, %dma_start3A_626] : memref<10000x128xf32, #tpu.memory_space<hbm>> -> memref<10000x128xf32, #tpu.memory_space<hbm>>
        tpu.enqueue_indirect_dma source(%dma_start3A_627 : memref<10000x128xf32, #tpu.memory_space<hbm>>) target(%dma_start3A_624 : memref<40x128xf32, #tpu.memory_space<vmem>>) offsets(%arg13 : memref<40xi32, #tpu.memory_space<vmem>>) semaphore(%arg48 : memref<!tpu.dma_semaphore, #tpu.memory_space<semaphore_mem>>)
      } else {
      }
      %dma_wait3A_214 = arith.constant 1 : i32
      %dma_wait3A_215 = arith.constant 0 : i32
      %dma_wait3A_216 = arith.constant 0 : i32
      %dma_wait3A_217 = tpu.memref_slice %arg7[%dma_wait3A_214, %dma_wait3A_215, %dma_wait3A_216] : memref<5x40x128xf32, #tpu.memory_space<vmem>> -> memref<1x40x128xf32, #tpu.memory_space<vmem>>
      %dma_wait3A_218 = tpu.memref_squeeze %dma_wait3A_217 : memref<1x40x128xf32, #tpu.memory_space<vmem>> -> memref<40x128xf32, #tpu.memory_space<vmem>>
      %dma_wait3A_219 = arith.constant 0 : i32
      %dma_wait3A_220 = arith.constant 0 : i32
      %dma_wait3A_221 = tpu.memref_slice %arg2[%dma_wait3A_219, %dma_wait3A_220] : memref<10000x128xf32, #tpu.memory_space<hbm>> -> memref<10000x128xf32, #tpu.memory_space<hbm>>
      tpu.wait_indirect_dma semaphore(%arg49 : memref<!tpu.dma_semaphore, #tpu.memory_space<semaphore_mem>>) src(%dma_wait3A_221 : memref<10000x128xf32, #tpu.memory_space<hbm>>) dst(%dma_wait3A_218 : memref<40x128xf32, #tpu.memory_space<vmem>>)
      %mul3A_222 = arith.constant 40 : i32
      %mul3A_223 = arith.muli %add3A_192, %mul3A_222 : i32
      %add3A_224 = arith.addi %mul3A_2, %mul3A_223 : i32
      %multiple_of3A_225 = tpu.assume_multiple %add3A_224, 8 : i32
      %dma_wait3A_226 = tpu.memref_slice %arg4[%multiple_of3A_225] : memref<320000xi32, #tpu.memory_space<hbm>> -> memref<40xi32, #tpu.memory_space<hbm>>
      %dma_wait3A_227 = tpu.memref_slice %arg4[%multiple_of3A_225] : memref<320000xi32, #tpu.memory_space<hbm>> -> memref<40xi32, #tpu.memory_space<hbm>>
      tpu.wait_dma2 semaphore(%arg39 : memref<!tpu.dma_semaphore, #tpu.memory_space<semaphore_mem>>) src(%dma_wait3A_227 : memref<40xi32, #tpu.memory_space<hbm>>) dst(%arg19 : memref<40xi32, #tpu.memory_space<vmem>>)
      %dma_start3A_228 = arith.constant 1 : i32
      %dma_start3A_229 = arith.constant 0 : i32
      %dma_start3A_230 = arith.constant 0 : i32
      %dma_start3A_231 = tpu.memref_slice %arg7[%dma_start3A_228, %dma_start3A_229, %dma_start3A_230] : memref<5x40x128xf32, #tpu.memory_space<vmem>> -> memref<1x40x128xf32, #tpu.memory_space<vmem>>
      %dma_start3A_232 = tpu.memref_squeeze %dma_start3A_231 : memref<1x40x128xf32, #tpu.memory_space<vmem>> -> memref<40x128xf32, #tpu.memory_space<vmem>>
      %dma_start3A_233 = arith.constant 0 : i32
      %dma_start3A_234 = arith.constant 0 : i32
      %dma_start3A_235 = tpu.memref_slice %arg58[%dma_start3A_233, %dma_start3A_234] : memref<10000x128xf32, #tpu.memory_space<vmem_shared>> -> memref<10000x128xf32, #tpu.memory_space<vmem_shared>>
      tpu.enqueue_indirect_dma source(%dma_start3A_232 : memref<40x128xf32, #tpu.memory_space<vmem>>) target(%dma_start3A_235 : memref<10000x128xf32, #tpu.memory_space<vmem_shared>>) offsets(%arg19 : memref<40xi32, #tpu.memory_space<vmem>>) semaphore(%arg54 : memref<!tpu.dma_semaphore, #tpu.memory_space<semaphore_mem>>) {add = true}
      %mul3A_236 = arith.constant 10 : i32
      %mul3A_237 = arith.muli %scan3A_144, %mul3A_236 : i32
      %add3A_238 = arith.constant 2 : i32
      %add3A_239 = arith.addi %mul3A_237, %add3A_238 : i32
      %ge3A_240 = arith.constant 1 : i32
      %ge3A_241 = arith.cmpi sge, %add3A_239, %ge3A_240 : i32
      %convert_element_type3A_242 = arith.extui %ge3A_241 : i1 to i32
      %cond3A_243 = arith.constant 0 : i32
      %cond3A_244 = arith.cmpi ne, %convert_element_type3A_242, %cond3A_243 : i32
      scf.if %cond3A_244 {
        %dma_wait3A_612 = arith.constant 1 : i32
        %dma_wait3A_613 = arith.constant 0 : i32
        %dma_wait3A_614 = arith.constant 0 : i32
        %dma_wait3A_615 = tpu.memref_slice %arg7[%dma_wait3A_612, %dma_wait3A_613, %dma_wait3A_614] : memref<5x40x128xf32, #tpu.memory_space<vmem>> -> memref<1x40x128xf32, #tpu.memory_space<vmem>>
        %dma_wait3A_616 = tpu.memref_squeeze %dma_wait3A_615 : memref<1x40x128xf32, #tpu.memory_space<vmem>> -> memref<40x128xf32, #tpu.memory_space<vmem>>
        %dma_wait3A_617 = arith.constant 0 : i32
        %dma_wait3A_618 = arith.constant 0 : i32
        %dma_wait3A_619 = tpu.memref_slice %arg58[%dma_wait3A_617, %dma_wait3A_618] : memref<10000x128xf32, #tpu.memory_space<vmem_shared>> -> memref<10000x128xf32, #tpu.memory_space<vmem_shared>>
        tpu.wait_indirect_dma semaphore(%arg54 : memref<!tpu.dma_semaphore, #tpu.memory_space<semaphore_mem>>) src(%dma_wait3A_616 : memref<40x128xf32, #tpu.memory_space<vmem>>) dst(%dma_wait3A_619 : memref<10000x128xf32, #tpu.memory_space<vmem_shared>>)
      } else {
      }
      %add3A_245 = arith.constant 10 : i32
      %add3A_246 = arith.addi %add3A_239, %add3A_245 : i32
      %sub3A_247 = arith.constant 1 : i32
      %sub3A_248 = arith.subi %add3A_246, %sub3A_247 : i32
      %lt3A_249 = arith.constant 250 : i32
      %lt3A_250 = arith.cmpi slt, %sub3A_248, %lt3A_249 : i32
      %convert_element_type3A_251 = arith.extui %lt3A_250 : i1 to i32
      %cond3A_252 = arith.constant 0 : i32
      %cond3A_253 = arith.cmpi ne, %convert_element_type3A_251, %cond3A_252 : i32
      scf.if %cond3A_253 {
        %add3A_612 = arith.constant 10 : i32
        %add3A_613 = arith.addi %add3A_239, %add3A_612 : i32
        %sub3A_614 = arith.constant 1 : i32
        %sub3A_615 = arith.subi %add3A_613, %sub3A_614 : i32
        %mul3A_616 = arith.constant 40 : i32
        %mul3A_617 = arith.muli %sub3A_615, %mul3A_616 : i32
        %add3A_618 = arith.addi %mul3A_2, %mul3A_617 : i32
        %multiple_of3A_619 = tpu.assume_multiple %add3A_618, 8 : i32
        %dma_start3A_620 = tpu.memref_slice %arg3[%multiple_of3A_619] : memref<320000xi32, #tpu.memory_space<hbm>> -> memref<40xi32, #tpu.memory_space<hbm>>
        %dma_start3A_621 = tpu.memref_slice %arg3[%multiple_of3A_619] : memref<320000xi32, #tpu.memory_space<hbm>> -> memref<40xi32, #tpu.memory_space<hbm>>
        tpu.enqueue_dma source(%dma_start3A_621 : memref<40xi32, #tpu.memory_space<hbm>>) target(%arg9 : memref<40xi32, #tpu.memory_space<vmem>>) target_semaphore(%arg29 : memref<!tpu.dma_semaphore, #tpu.memory_space<semaphore_mem>>)
        %dma_start3A_622 = tpu.memref_slice %arg4[%multiple_of3A_619] : memref<320000xi32, #tpu.memory_space<hbm>> -> memref<40xi32, #tpu.memory_space<hbm>>
        %dma_start3A_623 = tpu.memref_slice %arg4[%multiple_of3A_619] : memref<320000xi32, #tpu.memory_space<hbm>> -> memref<40xi32, #tpu.memory_space<hbm>>
        tpu.enqueue_dma source(%dma_start3A_623 : memref<40xi32, #tpu.memory_space<hbm>>) target(%arg19 : memref<40xi32, #tpu.memory_space<vmem>>) target_semaphore(%arg39 : memref<!tpu.dma_semaphore, #tpu.memory_space<semaphore_mem>>)
      } else {
      }
      %add3A_254 = arith.constant 4 : i32
      %add3A_255 = arith.addi %add3A_239, %add3A_254 : i32
      %lt3A_256 = arith.constant 250 : i32
      %lt3A_257 = arith.cmpi slt, %add3A_255, %lt3A_256 : i32
      %convert_element_type3A_258 = arith.extui %lt3A_257 : i1 to i32
      %cond3A_259 = arith.constant 0 : i32
      %cond3A_260 = arith.cmpi ne, %convert_element_type3A_258, %cond3A_259 : i32
      scf.if %cond3A_260 {
        %add3A_612 = arith.constant 4 : i32
        %add3A_613 = arith.addi %add3A_239, %add3A_612 : i32
        %mul3A_614 = arith.constant 40 : i32
        %mul3A_615 = arith.muli %add3A_613, %mul3A_614 : i32
        %add3A_616 = arith.addi %mul3A_2, %mul3A_615 : i32
        %multiple_of3A_617 = tpu.assume_multiple %add3A_616, 8 : i32
        %dma_wait3A_618 = tpu.memref_slice %arg3[%multiple_of3A_617] : memref<320000xi32, #tpu.memory_space<hbm>> -> memref<40xi32, #tpu.memory_space<hbm>>
        %dma_wait3A_619 = tpu.memref_slice %arg3[%multiple_of3A_617] : memref<320000xi32, #tpu.memory_space<hbm>> -> memref<40xi32, #tpu.memory_space<hbm>>
        tpu.wait_dma2 semaphore(%arg34 : memref<!tpu.dma_semaphore, #tpu.memory_space<semaphore_mem>>) src(%dma_wait3A_619 : memref<40xi32, #tpu.memory_space<hbm>>) dst(%arg14 : memref<40xi32, #tpu.memory_space<vmem>>)
        %dma_start3A_620 = arith.constant 1 : i32
        %dma_start3A_621 = arith.constant 0 : i32
        %dma_start3A_622 = arith.constant 0 : i32
        %dma_start3A_623 = tpu.memref_slice %arg7[%dma_start3A_620, %dma_start3A_621, %dma_start3A_622] : memref<5x40x128xf32, #tpu.memory_space<vmem>> -> memref<1x40x128xf32, #tpu.memory_space<vmem>>
        %dma_start3A_624 = tpu.memref_squeeze %dma_start3A_623 : memref<1x40x128xf32, #tpu.memory_space<vmem>> -> memref<40x128xf32, #tpu.memory_space<vmem>>
        %dma_start3A_625 = arith.constant 0 : i32
        %dma_start3A_626 = arith.constant 0 : i32
        %dma_start3A_627 = tpu.memref_slice %arg2[%dma_start3A_625, %dma_start3A_626] : memref<10000x128xf32, #tpu.memory_space<hbm>> -> memref<10000x128xf32, #tpu.memory_space<hbm>>
        tpu.enqueue_indirect_dma source(%dma_start3A_627 : memref<10000x128xf32, #tpu.memory_space<hbm>>) target(%dma_start3A_624 : memref<40x128xf32, #tpu.memory_space<vmem>>) offsets(%arg14 : memref<40xi32, #tpu.memory_space<vmem>>) semaphore(%arg49 : memref<!tpu.dma_semaphore, #tpu.memory_space<semaphore_mem>>)
      } else {
      }
      %dma_wait3A_261 = arith.constant 2 : i32
      %dma_wait3A_262 = arith.constant 0 : i32
      %dma_wait3A_263 = arith.constant 0 : i32
      %dma_wait3A_264 = tpu.memref_slice %arg7[%dma_wait3A_261, %dma_wait3A_262, %dma_wait3A_263] : memref<5x40x128xf32, #tpu.memory_space<vmem>> -> memref<1x40x128xf32, #tpu.memory_space<vmem>>
      %dma_wait3A_265 = tpu.memref_squeeze %dma_wait3A_264 : memref<1x40x128xf32, #tpu.memory_space<vmem>> -> memref<40x128xf32, #tpu.memory_space<vmem>>
      %dma_wait3A_266 = arith.constant 0 : i32
      %dma_wait3A_267 = arith.constant 0 : i32
      %dma_wait3A_268 = tpu.memref_slice %arg2[%dma_wait3A_266, %dma_wait3A_267] : memref<10000x128xf32, #tpu.memory_space<hbm>> -> memref<10000x128xf32, #tpu.memory_space<hbm>>
      tpu.wait_indirect_dma semaphore(%arg50 : memref<!tpu.dma_semaphore, #tpu.memory_space<semaphore_mem>>) src(%dma_wait3A_268 : memref<10000x128xf32, #tpu.memory_space<hbm>>) dst(%dma_wait3A_265 : memref<40x128xf32, #tpu.memory_space<vmem>>)
      %mul3A_269 = arith.constant 40 : i32
      %mul3A_270 = arith.muli %add3A_239, %mul3A_269 : i32
      %add3A_271 = arith.addi %mul3A_2, %mul3A_270 : i32
      %multiple_of3A_272 = tpu.assume_multiple %add3A_271, 8 : i32
      %dma_wait3A_273 = tpu.memref_slice %arg4[%multiple_of3A_272] : memref<320000xi32, #tpu.memory_space<hbm>> -> memref<40xi32, #tpu.memory_space<hbm>>
      %dma_wait3A_274 = tpu.memref_slice %arg4[%multiple_of3A_272] : memref<320000xi32, #tpu.memory_space<hbm>> -> memref<40xi32, #tpu.memory_space<hbm>>
      tpu.wait_dma2 semaphore(%arg40 : memref<!tpu.dma_semaphore, #tpu.memory_space<semaphore_mem>>) src(%dma_wait3A_274 : memref<40xi32, #tpu.memory_space<hbm>>) dst(%arg20 : memref<40xi32, #tpu.memory_space<vmem>>)
      %dma_start3A_275 = arith.constant 2 : i32
      %dma_start3A_276 = arith.constant 0 : i32
      %dma_start3A_277 = arith.constant 0 : i32
      %dma_start3A_278 = tpu.memref_slice %arg7[%dma_start3A_275, %dma_start3A_276, %dma_start3A_277] : memref<5x40x128xf32, #tpu.memory_space<vmem>> -> memref<1x40x128xf32, #tpu.memory_space<vmem>>
      %dma_start3A_279 = tpu.memref_squeeze %dma_start3A_278 : memref<1x40x128xf32, #tpu.memory_space<vmem>> -> memref<40x128xf32, #tpu.memory_space<vmem>>
      %dma_start3A_280 = arith.constant 0 : i32
      %dma_start3A_281 = arith.constant 0 : i32
      %dma_start3A_282 = tpu.memref_slice %arg58[%dma_start3A_280, %dma_start3A_281] : memref<10000x128xf32, #tpu.memory_space<vmem_shared>> -> memref<10000x128xf32, #tpu.memory_space<vmem_shared>>
      tpu.enqueue_indirect_dma source(%dma_start3A_279 : memref<40x128xf32, #tpu.memory_space<vmem>>) target(%dma_start3A_282 : memref<10000x128xf32, #tpu.memory_space<vmem_shared>>) offsets(%arg20 : memref<40xi32, #tpu.memory_space<vmem>>) semaphore(%arg55 : memref<!tpu.dma_semaphore, #tpu.memory_space<semaphore_mem>>) {add = true}
      %mul3A_283 = arith.constant 10 : i32
      %mul3A_284 = arith.muli %scan3A_144, %mul3A_283 : i32
      %add3A_285 = arith.constant 3 : i32
      %add3A_286 = arith.addi %mul3A_284, %add3A_285 : i32
      %ge3A_287 = arith.constant 1 : i32
      %ge3A_288 = arith.cmpi sge, %add3A_286, %ge3A_287 : i32
      %convert_element_type3A_289 = arith.extui %ge3A_288 : i1 to i32
      %cond3A_290 = arith.constant 0 : i32
      %cond3A_291 = arith.cmpi ne, %convert_element_type3A_289, %cond3A_290 : i32
      scf.if %cond3A_291 {
        %dma_wait3A_612 = arith.constant 2 : i32
        %dma_wait3A_613 = arith.constant 0 : i32
        %dma_wait3A_614 = arith.constant 0 : i32
        %dma_wait3A_615 = tpu.memref_slice %arg7[%dma_wait3A_612, %dma_wait3A_613, %dma_wait3A_614] : memref<5x40x128xf32, #tpu.memory_space<vmem>> -> memref<1x40x128xf32, #tpu.memory_space<vmem>>
        %dma_wait3A_616 = tpu.memref_squeeze %dma_wait3A_615 : memref<1x40x128xf32, #tpu.memory_space<vmem>> -> memref<40x128xf32, #tpu.memory_space<vmem>>
        %dma_wait3A_617 = arith.constant 0 : i32
        %dma_wait3A_618 = arith.constant 0 : i32
        %dma_wait3A_619 = tpu.memref_slice %arg58[%dma_wait3A_617, %dma_wait3A_618] : memref<10000x128xf32, #tpu.memory_space<vmem_shared>> -> memref<10000x128xf32, #tpu.memory_space<vmem_shared>>
        tpu.wait_indirect_dma semaphore(%arg55 : memref<!tpu.dma_semaphore, #tpu.memory_space<semaphore_mem>>) src(%dma_wait3A_616 : memref<40x128xf32, #tpu.memory_space<vmem>>) dst(%dma_wait3A_619 : memref<10000x128xf32, #tpu.memory_space<vmem_shared>>)
      } else {
      }
      %add3A_292 = arith.constant 10 : i32
      %add3A_293 = arith.addi %add3A_286, %add3A_292 : i32
      %sub3A_294 = arith.constant 1 : i32
      %sub3A_295 = arith.subi %add3A_293, %sub3A_294 : i32
      %lt3A_296 = arith.constant 250 : i32
      %lt3A_297 = arith.cmpi slt, %sub3A_295, %lt3A_296 : i32
      %convert_element_type3A_298 = arith.extui %lt3A_297 : i1 to i32
      %cond3A_299 = arith.constant 0 : i32
      %cond3A_300 = arith.cmpi ne, %convert_element_type3A_298, %cond3A_299 : i32
      scf.if %cond3A_300 {
        %add3A_612 = arith.constant 10 : i32
        %add3A_613 = arith.addi %add3A_286, %add3A_612 : i32
        %sub3A_614 = arith.constant 1 : i32
        %sub3A_615 = arith.subi %add3A_613, %sub3A_614 : i32
        %mul3A_616 = arith.constant 40 : i32
        %mul3A_617 = arith.muli %sub3A_615, %mul3A_616 : i32
        %add3A_618 = arith.addi %mul3A_2, %mul3A_617 : i32
        %multiple_of3A_619 = tpu.assume_multiple %add3A_618, 8 : i32
        %dma_start3A_620 = tpu.memref_slice %arg3[%multiple_of3A_619] : memref<320000xi32, #tpu.memory_space<hbm>> -> memref<40xi32, #tpu.memory_space<hbm>>
        %dma_start3A_621 = tpu.memref_slice %arg3[%multiple_of3A_619] : memref<320000xi32, #tpu.memory_space<hbm>> -> memref<40xi32, #tpu.memory_space<hbm>>
        tpu.enqueue_dma source(%dma_start3A_621 : memref<40xi32, #tpu.memory_space<hbm>>) target(%arg10 : memref<40xi32, #tpu.memory_space<vmem>>) target_semaphore(%arg30 : memref<!tpu.dma_semaphore, #tpu.memory_space<semaphore_mem>>)
        %dma_start3A_622 = tpu.memref_slice %arg4[%multiple_of3A_619] : memref<320000xi32, #tpu.memory_space<hbm>> -> memref<40xi32, #tpu.memory_space<hbm>>
        %dma_start3A_623 = tpu.memref_slice %arg4[%multiple_of3A_619] : memref<320000xi32, #tpu.memory_space<hbm>> -> memref<40xi32, #tpu.memory_space<hbm>>
        tpu.enqueue_dma source(%dma_start3A_623 : memref<40xi32, #tpu.memory_space<hbm>>) target(%arg20 : memref<40xi32, #tpu.memory_space<vmem>>) target_semaphore(%arg40 : memref<!tpu.dma_semaphore, #tpu.memory_space<semaphore_mem>>)
      } else {
      }
      %add3A_301 = arith.constant 4 : i32
      %add3A_302 = arith.addi %add3A_286, %add3A_301 : i32
      %lt3A_303 = arith.constant 250 : i32
      %lt3A_304 = arith.cmpi slt, %add3A_302, %lt3A_303 : i32
      %convert_element_type3A_305 = arith.extui %lt3A_304 : i1 to i32
      %cond3A_306 = arith.constant 0 : i32
      %cond3A_307 = arith.cmpi ne, %convert_element_type3A_305, %cond3A_306 : i32
      scf.if %cond3A_307 {
        %add3A_612 = arith.constant 4 : i32
        %add3A_613 = arith.addi %add3A_286, %add3A_612 : i32
        %mul3A_614 = arith.constant 40 : i32
        %mul3A_615 = arith.muli %add3A_613, %mul3A_614 : i32
        %add3A_616 = arith.addi %mul3A_2, %mul3A_615 : i32
        %multiple_of3A_617 = tpu.assume_multiple %add3A_616, 8 : i32
        %dma_wait3A_618 = tpu.memref_slice %arg3[%multiple_of3A_617] : memref<320000xi32, #tpu.memory_space<hbm>> -> memref<40xi32, #tpu.memory_space<hbm>>
        %dma_wait3A_619 = tpu.memref_slice %arg3[%multiple_of3A_617] : memref<320000xi32, #tpu.memory_space<hbm>> -> memref<40xi32, #tpu.memory_space<hbm>>
        tpu.wait_dma2 semaphore(%arg35 : memref<!tpu.dma_semaphore, #tpu.memory_space<semaphore_mem>>) src(%dma_wait3A_619 : memref<40xi32, #tpu.memory_space<hbm>>) dst(%arg15 : memref<40xi32, #tpu.memory_space<vmem>>)
        %dma_start3A_620 = arith.constant 2 : i32
        %dma_start3A_621 = arith.constant 0 : i32
        %dma_start3A_622 = arith.constant 0 : i32
        %dma_start3A_623 = tpu.memref_slice %arg7[%dma_start3A_620, %dma_start3A_621, %dma_start3A_622] : memref<5x40x128xf32, #tpu.memory_space<vmem>> -> memref<1x40x128xf32, #tpu.memory_space<vmem>>
        %dma_start3A_624 = tpu.memref_squeeze %dma_start3A_623 : memref<1x40x128xf32, #tpu.memory_space<vmem>> -> memref<40x128xf32, #tpu.memory_space<vmem>>
        %dma_start3A_625 = arith.constant 0 : i32
        %dma_start3A_626 = arith.constant 0 : i32
        %dma_start3A_627 = tpu.memref_slice %arg2[%dma_start3A_625, %dma_start3A_626] : memref<10000x128xf32, #tpu.memory_space<hbm>> -> memref<10000x128xf32, #tpu.memory_space<hbm>>
        tpu.enqueue_indirect_dma source(%dma_start3A_627 : memref<10000x128xf32, #tpu.memory_space<hbm>>) target(%dma_start3A_624 : memref<40x128xf32, #tpu.memory_space<vmem>>) offsets(%arg15 : memref<40xi32, #tpu.memory_space<vmem>>) semaphore(%arg50 : memref<!tpu.dma_semaphore, #tpu.memory_space<semaphore_mem>>)
      } else {
      }
      %dma_wait3A_308 = arith.constant 3 : i32
      %dma_wait3A_309 = arith.constant 0 : i32
      %dma_wait3A_310 = arith.constant 0 : i32
      %dma_wait3A_311 = tpu.memref_slice %arg7[%dma_wait3A_308, %dma_wait3A_309, %dma_wait3A_310] : memref<5x40x128xf32, #tpu.memory_space<vmem>> -> memref<1x40x128xf32, #tpu.memory_space<vmem>>
      %dma_wait3A_312 = tpu.memref_squeeze %dma_wait3A_311 : memref<1x40x128xf32, #tpu.memory_space<vmem>> -> memref<40x128xf32, #tpu.memory_space<vmem>>
      %dma_wait3A_313 = arith.constant 0 : i32
      %dma_wait3A_314 = arith.constant 0 : i32
      %dma_wait3A_315 = tpu.memref_slice %arg2[%dma_wait3A_313, %dma_wait3A_314] : memref<10000x128xf32, #tpu.memory_space<hbm>> -> memref<10000x128xf32, #tpu.memory_space<hbm>>
      tpu.wait_indirect_dma semaphore(%arg51 : memref<!tpu.dma_semaphore, #tpu.memory_space<semaphore_mem>>) src(%dma_wait3A_315 : memref<10000x128xf32, #tpu.memory_space<hbm>>) dst(%dma_wait3A_312 : memref<40x128xf32, #tpu.memory_space<vmem>>)
      %mul3A_316 = arith.constant 40 : i32
      %mul3A_317 = arith.muli %add3A_286, %mul3A_316 : i32
      %add3A_318 = arith.addi %mul3A_2, %mul3A_317 : i32
      %multiple_of3A_319 = tpu.assume_multiple %add3A_318, 8 : i32
      %dma_wait3A_320 = tpu.memref_slice %arg4[%multiple_of3A_319] : memref<320000xi32, #tpu.memory_space<hbm>> -> memref<40xi32, #tpu.memory_space<hbm>>
      %dma_wait3A_321 = tpu.memref_slice %arg4[%multiple_of3A_319] : memref<320000xi32, #tpu.memory_space<hbm>> -> memref<40xi32, #tpu.memory_space<hbm>>
      tpu.wait_dma2 semaphore(%arg41 : memref<!tpu.dma_semaphore, #tpu.memory_space<semaphore_mem>>) src(%dma_wait3A_321 : memref<40xi32, #tpu.memory_space<hbm>>) dst(%arg21 : memref<40xi32, #tpu.memory_space<vmem>>)
      %dma_start3A_322 = arith.constant 3 : i32
      %dma_start3A_323 = arith.constant 0 : i32
      %dma_start3A_324 = arith.constant 0 : i32
      %dma_start3A_325 = tpu.memref_slice %arg7[%dma_start3A_322, %dma_start3A_323, %dma_start3A_324] : memref<5x40x128xf32, #tpu.memory_space<vmem>> -> memref<1x40x128xf32, #tpu.memory_space<vmem>>
      %dma_start3A_326 = tpu.memref_squeeze %dma_start3A_325 : memref<1x40x128xf32, #tpu.memory_space<vmem>> -> memref<40x128xf32, #tpu.memory_space<vmem>>
      %dma_start3A_327 = arith.constant 0 : i32
      %dma_start3A_328 = arith.constant 0 : i32
      %dma_start3A_329 = tpu.memref_slice %arg58[%dma_start3A_327, %dma_start3A_328] : memref<10000x128xf32, #tpu.memory_space<vmem_shared>> -> memref<10000x128xf32, #tpu.memory_space<vmem_shared>>
      tpu.enqueue_indirect_dma source(%dma_start3A_326 : memref<40x128xf32, #tpu.memory_space<vmem>>) target(%dma_start3A_329 : memref<10000x128xf32, #tpu.memory_space<vmem_shared>>) offsets(%arg21 : memref<40xi32, #tpu.memory_space<vmem>>) semaphore(%arg56 : memref<!tpu.dma_semaphore, #tpu.memory_space<semaphore_mem>>) {add = true}
      %mul3A_330 = arith.constant 10 : i32
      %mul3A_331 = arith.muli %scan3A_144, %mul3A_330 : i32
      %add3A_332 = arith.constant 4 : i32
      %add3A_333 = arith.addi %mul3A_331, %add3A_332 : i32
      %ge3A_334 = arith.constant 1 : i32
      %ge3A_335 = arith.cmpi sge, %add3A_333, %ge3A_334 : i32
      %convert_element_type3A_336 = arith.extui %ge3A_335 : i1 to i32
      %cond3A_337 = arith.constant 0 : i32
      %cond3A_338 = arith.cmpi ne, %convert_element_type3A_336, %cond3A_337 : i32
      scf.if %cond3A_338 {
        %dma_wait3A_612 = arith.constant 3 : i32
        %dma_wait3A_613 = arith.constant 0 : i32
        %dma_wait3A_614 = arith.constant 0 : i32
        %dma_wait3A_615 = tpu.memref_slice %arg7[%dma_wait3A_612, %dma_wait3A_613, %dma_wait3A_614] : memref<5x40x128xf32, #tpu.memory_space<vmem>> -> memref<1x40x128xf32, #tpu.memory_space<vmem>>
        %dma_wait3A_616 = tpu.memref_squeeze %dma_wait3A_615 : memref<1x40x128xf32, #tpu.memory_space<vmem>> -> memref<40x128xf32, #tpu.memory_space<vmem>>
        %dma_wait3A_617 = arith.constant 0 : i32
        %dma_wait3A_618 = arith.constant 0 : i32
        %dma_wait3A_619 = tpu.memref_slice %arg58[%dma_wait3A_617, %dma_wait3A_618] : memref<10000x128xf32, #tpu.memory_space<vmem_shared>> -> memref<10000x128xf32, #tpu.memory_space<vmem_shared>>
        tpu.wait_indirect_dma semaphore(%arg56 : memref<!tpu.dma_semaphore, #tpu.memory_space<semaphore_mem>>) src(%dma_wait3A_616 : memref<40x128xf32, #tpu.memory_space<vmem>>) dst(%dma_wait3A_619 : memref<10000x128xf32, #tpu.memory_space<vmem_shared>>)
      } else {
      }
      %add3A_339 = arith.constant 10 : i32
      %add3A_340 = arith.addi %add3A_333, %add3A_339 : i32
      %sub3A_341 = arith.constant 1 : i32
      %sub3A_342 = arith.subi %add3A_340, %sub3A_341 : i32
      %lt3A_343 = arith.constant 250 : i32
      %lt3A_344 = arith.cmpi slt, %sub3A_342, %lt3A_343 : i32
      %convert_element_type3A_345 = arith.extui %lt3A_344 : i1 to i32
      %cond3A_346 = arith.constant 0 : i32
      %cond3A_347 = arith.cmpi ne, %convert_element_type3A_345, %cond3A_346 : i32
      scf.if %cond3A_347 {
        %add3A_612 = arith.constant 10 : i32
        %add3A_613 = arith.addi %add3A_333, %add3A_612 : i32
        %sub3A_614 = arith.constant 1 : i32
        %sub3A_615 = arith.subi %add3A_613, %sub3A_614 : i32
        %mul3A_616 = arith.constant 40 : i32
        %mul3A_617 = arith.muli %sub3A_615, %mul3A_616 : i32
        %add3A_618 = arith.addi %mul3A_2, %mul3A_617 : i32
        %multiple_of3A_619 = tpu.assume_multiple %add3A_618, 8 : i32
        %dma_start3A_620 = tpu.memref_slice %arg3[%multiple_of3A_619] : memref<320000xi32, #tpu.memory_space<hbm>> -> memref<40xi32, #tpu.memory_space<hbm>>
        %dma_start3A_621 = tpu.memref_slice %arg3[%multiple_of3A_619] : memref<320000xi32, #tpu.memory_space<hbm>> -> memref<40xi32, #tpu.memory_space<hbm>>
        tpu.enqueue_dma source(%dma_start3A_621 : memref<40xi32, #tpu.memory_space<hbm>>) target(%arg11 : memref<40xi32, #tpu.memory_space<vmem>>) target_semaphore(%arg31 : memref<!tpu.dma_semaphore, #tpu.memory_space<semaphore_mem>>)
        %dma_start3A_622 = tpu.memref_slice %arg4[%multiple_of3A_619] : memref<320000xi32, #tpu.memory_space<hbm>> -> memref<40xi32, #tpu.memory_space<hbm>>
        %dma_start3A_623 = tpu.memref_slice %arg4[%multiple_of3A_619] : memref<320000xi32, #tpu.memory_space<hbm>> -> memref<40xi32, #tpu.memory_space<hbm>>
        tpu.enqueue_dma source(%dma_start3A_623 : memref<40xi32, #tpu.memory_space<hbm>>) target(%arg21 : memref<40xi32, #tpu.memory_space<vmem>>) target_semaphore(%arg41 : memref<!tpu.dma_semaphore, #tpu.memory_space<semaphore_mem>>)
      } else {
      }
      %add3A_348 = arith.constant 4 : i32
      %add3A_349 = arith.addi %add3A_333, %add3A_348 : i32
      %lt3A_350 = arith.constant 250 : i32
      %lt3A_351 = arith.cmpi slt, %add3A_349, %lt3A_350 : i32
      %convert_element_type3A_352 = arith.extui %lt3A_351 : i1 to i32
      %cond3A_353 = arith.constant 0 : i32
      %cond3A_354 = arith.cmpi ne, %convert_element_type3A_352, %cond3A_353 : i32
      scf.if %cond3A_354 {
        %add3A_612 = arith.constant 4 : i32
        %add3A_613 = arith.addi %add3A_333, %add3A_612 : i32
        %mul3A_614 = arith.constant 40 : i32
        %mul3A_615 = arith.muli %add3A_613, %mul3A_614 : i32
        %add3A_616 = arith.addi %mul3A_2, %mul3A_615 : i32
        %multiple_of3A_617 = tpu.assume_multiple %add3A_616, 8 : i32
        %dma_wait3A_618 = tpu.memref_slice %arg3[%multiple_of3A_617] : memref<320000xi32, #tpu.memory_space<hbm>> -> memref<40xi32, #tpu.memory_space<hbm>>
        %dma_wait3A_619 = tpu.memref_slice %arg3[%multiple_of3A_617] : memref<320000xi32, #tpu.memory_space<hbm>> -> memref<40xi32, #tpu.memory_space<hbm>>
        tpu.wait_dma2 semaphore(%arg36 : memref<!tpu.dma_semaphore, #tpu.memory_space<semaphore_mem>>) src(%dma_wait3A_619 : memref<40xi32, #tpu.memory_space<hbm>>) dst(%arg16 : memref<40xi32, #tpu.memory_space<vmem>>)
        %dma_start3A_620 = arith.constant 3 : i32
        %dma_start3A_621 = arith.constant 0 : i32
        %dma_start3A_622 = arith.constant 0 : i32
        %dma_start3A_623 = tpu.memref_slice %arg7[%dma_start3A_620, %dma_start3A_621, %dma_start3A_622] : memref<5x40x128xf32, #tpu.memory_space<vmem>> -> memref<1x40x128xf32, #tpu.memory_space<vmem>>
        %dma_start3A_624 = tpu.memref_squeeze %dma_start3A_623 : memref<1x40x128xf32, #tpu.memory_space<vmem>> -> memref<40x128xf32, #tpu.memory_space<vmem>>
        %dma_start3A_625 = arith.constant 0 : i32
        %dma_start3A_626 = arith.constant 0 : i32
        %dma_start3A_627 = tpu.memref_slice %arg2[%dma_start3A_625, %dma_start3A_626] : memref<10000x128xf32, #tpu.memory_space<hbm>> -> memref<10000x128xf32, #tpu.memory_space<hbm>>
        tpu.enqueue_indirect_dma source(%dma_start3A_627 : memref<10000x128xf32, #tpu.memory_space<hbm>>) target(%dma_start3A_624 : memref<40x128xf32, #tpu.memory_space<vmem>>) offsets(%arg16 : memref<40xi32, #tpu.memory_space<vmem>>) semaphore(%arg51 : memref<!tpu.dma_semaphore, #tpu.memory_space<semaphore_mem>>)
      } else {
      }
      %dma_wait3A_355 = arith.constant 4 : i32
      %dma_wait3A_356 = arith.constant 0 : i32
      %dma_wait3A_357 = arith.constant 0 : i32
      %dma_wait3A_358 = tpu.memref_slice %arg7[%dma_wait3A_355, %dma_wait3A_356, %dma_wait3A_357] : memref<5x40x128xf32, #tpu.memory_space<vmem>> -> memref<1x40x128xf32, #tpu.memory_space<vmem>>
      %dma_wait3A_359 = tpu.memref_squeeze %dma_wait3A_358 : memref<1x40x128xf32, #tpu.memory_space<vmem>> -> memref<40x128xf32, #tpu.memory_space<vmem>>
      %dma_wait3A_360 = arith.constant 0 : i32
      %dma_wait3A_361 = arith.constant 0 : i32
      %dma_wait3A_362 = tpu.memref_slice %arg2[%dma_wait3A_360, %dma_wait3A_361] : memref<10000x128xf32, #tpu.memory_space<hbm>> -> memref<10000x128xf32, #tpu.memory_space<hbm>>
      tpu.wait_indirect_dma semaphore(%arg52 : memref<!tpu.dma_semaphore, #tpu.memory_space<semaphore_mem>>) src(%dma_wait3A_362 : memref<10000x128xf32, #tpu.memory_space<hbm>>) dst(%dma_wait3A_359 : memref<40x128xf32, #tpu.memory_space<vmem>>)
      %mul3A_363 = arith.constant 40 : i32
      %mul3A_364 = arith.muli %add3A_333, %mul3A_363 : i32
      %add3A_365 = arith.addi %mul3A_2, %mul3A_364 : i32
      %multiple_of3A_366 = tpu.assume_multiple %add3A_365, 8 : i32
      %dma_wait3A_367 = tpu.memref_slice %arg4[%multiple_of3A_366] : memref<320000xi32, #tpu.memory_space<hbm>> -> memref<40xi32, #tpu.memory_space<hbm>>
      %dma_wait3A_368 = tpu.memref_slice %arg4[%multiple_of3A_366] : memref<320000xi32, #tpu.memory_space<hbm>> -> memref<40xi32, #tpu.memory_space<hbm>>
      tpu.wait_dma2 semaphore(%arg42 : memref<!tpu.dma_semaphore, #tpu.memory_space<semaphore_mem>>) src(%dma_wait3A_368 : memref<40xi32, #tpu.memory_space<hbm>>) dst(%arg22 : memref<40xi32, #tpu.memory_space<vmem>>)
      %dma_start3A_369 = arith.constant 4 : i32
      %dma_start3A_370 = arith.constant 0 : i32
      %dma_start3A_371 = arith.constant 0 : i32
      %dma_start3A_372 = tpu.memref_slice %arg7[%dma_start3A_369, %dma_start3A_370, %dma_start3A_371] : memref<5x40x128xf32, #tpu.memory_space<vmem>> -> memref<1x40x128xf32, #tpu.memory_space<vmem>>
      %dma_start3A_373 = tpu.memref_squeeze %dma_start3A_372 : memref<1x40x128xf32, #tpu.memory_space<vmem>> -> memref<40x128xf32, #tpu.memory_space<vmem>>
      %dma_start3A_374 = arith.constant 0 : i32
      %dma_start3A_375 = arith.constant 0 : i32
      %dma_start3A_376 = tpu.memref_slice %arg58[%dma_start3A_374, %dma_start3A_375] : memref<10000x128xf32, #tpu.memory_space<vmem_shared>> -> memref<10000x128xf32, #tpu.memory_space<vmem_shared>>
      tpu.enqueue_indirect_dma source(%dma_start3A_373 : memref<40x128xf32, #tpu.memory_space<vmem>>) target(%dma_start3A_376 : memref<10000x128xf32, #tpu.memory_space<vmem_shared>>) offsets(%arg22 : memref<40xi32, #tpu.memory_space<vmem>>) semaphore(%arg57 : memref<!tpu.dma_semaphore, #tpu.memory_space<semaphore_mem>>) {add = true}
      %mul3A_377 = arith.constant 10 : i32
      %mul3A_378 = arith.muli %scan3A_144, %mul3A_377 : i32
      %add3A_379 = arith.constant 5 : i32
      %add3A_380 = arith.addi %mul3A_378, %add3A_379 : i32
      %ge3A_381 = arith.constant 1 : i32
      %ge3A_382 = arith.cmpi sge, %add3A_380, %ge3A_381 : i32
      %convert_element_type3A_383 = arith.extui %ge3A_382 : i1 to i32
      %cond3A_384 = arith.constant 0 : i32
      %cond3A_385 = arith.cmpi ne, %convert_element_type3A_383, %cond3A_384 : i32
      scf.if %cond3A_385 {
        %dma_wait3A_612 = arith.constant 4 : i32
        %dma_wait3A_613 = arith.constant 0 : i32
        %dma_wait3A_614 = arith.constant 0 : i32
        %dma_wait3A_615 = tpu.memref_slice %arg7[%dma_wait3A_612, %dma_wait3A_613, %dma_wait3A_614] : memref<5x40x128xf32, #tpu.memory_space<vmem>> -> memref<1x40x128xf32, #tpu.memory_space<vmem>>
        %dma_wait3A_616 = tpu.memref_squeeze %dma_wait3A_615 : memref<1x40x128xf32, #tpu.memory_space<vmem>> -> memref<40x128xf32, #tpu.memory_space<vmem>>
        %dma_wait3A_617 = arith.constant 0 : i32
        %dma_wait3A_618 = arith.constant 0 : i32
        %dma_wait3A_619 = tpu.memref_slice %arg58[%dma_wait3A_617, %dma_wait3A_618] : memref<10000x128xf32, #tpu.memory_space<vmem_shared>> -> memref<10000x128xf32, #tpu.memory_space<vmem_shared>>
        tpu.wait_indirect_dma semaphore(%arg57 : memref<!tpu.dma_semaphore, #tpu.memory_space<semaphore_mem>>) src(%dma_wait3A_616 : memref<40x128xf32, #tpu.memory_space<vmem>>) dst(%dma_wait3A_619 : memref<10000x128xf32, #tpu.memory_space<vmem_shared>>)
      } else {
      }
      %add3A_386 = arith.constant 10 : i32
      %add3A_387 = arith.addi %add3A_380, %add3A_386 : i32
      %sub3A_388 = arith.constant 1 : i32
      %sub3A_389 = arith.subi %add3A_387, %sub3A_388 : i32
      %lt3A_390 = arith.constant 250 : i32
      %lt3A_391 = arith.cmpi slt, %sub3A_389, %lt3A_390 : i32
      %convert_element_type3A_392 = arith.extui %lt3A_391 : i1 to i32
      %cond3A_393 = arith.constant 0 : i32
      %cond3A_394 = arith.cmpi ne, %convert_element_type3A_392, %cond3A_393 : i32
      scf.if %cond3A_394 {
        %add3A_612 = arith.constant 10 : i32
        %add3A_613 = arith.addi %add3A_380, %add3A_612 : i32
        %sub3A_614 = arith.constant 1 : i32
        %sub3A_615 = arith.subi %add3A_613, %sub3A_614 : i32
        %mul3A_616 = arith.constant 40 : i32
        %mul3A_617 = arith.muli %sub3A_615, %mul3A_616 : i32
        %add3A_618 = arith.addi %mul3A_2, %mul3A_617 : i32
        %multiple_of3A_619 = tpu.assume_multiple %add3A_618, 8 : i32
        %dma_start3A_620 = tpu.memref_slice %arg3[%multiple_of3A_619] : memref<320000xi32, #tpu.memory_space<hbm>> -> memref<40xi32, #tpu.memory_space<hbm>>
        %dma_start3A_621 = tpu.memref_slice %arg3[%multiple_of3A_619] : memref<320000xi32, #tpu.memory_space<hbm>> -> memref<40xi32, #tpu.memory_space<hbm>>
        tpu.enqueue_dma source(%dma_start3A_621 : memref<40xi32, #tpu.memory_space<hbm>>) target(%arg12 : memref<40xi32, #tpu.memory_space<vmem>>) target_semaphore(%arg32 : memref<!tpu.dma_semaphore, #tpu.memory_space<semaphore_mem>>)
        %dma_start3A_622 = tpu.memref_slice %arg4[%multiple_of3A_619] : memref<320000xi32, #tpu.memory_space<hbm>> -> memref<40xi32, #tpu.memory_space<hbm>>
        %dma_start3A_623 = tpu.memref_slice %arg4[%multiple_of3A_619] : memref<320000xi32, #tpu.memory_space<hbm>> -> memref<40xi32, #tpu.memory_space<hbm>>
        tpu.enqueue_dma source(%dma_start3A_623 : memref<40xi32, #tpu.memory_space<hbm>>) target(%arg22 : memref<40xi32, #tpu.memory_space<vmem>>) target_semaphore(%arg42 : memref<!tpu.dma_semaphore, #tpu.memory_space<semaphore_mem>>)
      } else {
      }
      %add3A_395 = arith.constant 4 : i32
      %add3A_396 = arith.addi %add3A_380, %add3A_395 : i32
      %lt3A_397 = arith.constant 250 : i32
      %lt3A_398 = arith.cmpi slt, %add3A_396, %lt3A_397 : i32
      %convert_element_type3A_399 = arith.extui %lt3A_398 : i1 to i32
      %cond3A_400 = arith.constant 0 : i32
      %cond3A_401 = arith.cmpi ne, %convert_element_type3A_399, %cond3A_400 : i32
      scf.if %cond3A_401 {
        %add3A_612 = arith.constant 4 : i32
        %add3A_613 = arith.addi %add3A_380, %add3A_612 : i32
        %mul3A_614 = arith.constant 40 : i32
        %mul3A_615 = arith.muli %add3A_613, %mul3A_614 : i32
        %add3A_616 = arith.addi %mul3A_2, %mul3A_615 : i32
        %multiple_of3A_617 = tpu.assume_multiple %add3A_616, 8 : i32
        %dma_wait3A_618 = tpu.memref_slice %arg3[%multiple_of3A_617] : memref<320000xi32, #tpu.memory_space<hbm>> -> memref<40xi32, #tpu.memory_space<hbm>>
        %dma_wait3A_619 = tpu.memref_slice %arg3[%multiple_of3A_617] : memref<320000xi32, #tpu.memory_space<hbm>> -> memref<40xi32, #tpu.memory_space<hbm>>
        tpu.wait_dma2 semaphore(%arg37 : memref<!tpu.dma_semaphore, #tpu.memory_space<semaphore_mem>>) src(%dma_wait3A_619 : memref<40xi32, #tpu.memory_space<hbm>>) dst(%arg17 : memref<40xi32, #tpu.memory_space<vmem>>)
        %dma_start3A_620 = arith.constant 4 : i32
        %dma_start3A_621 = arith.constant 0 : i32
        %dma_start3A_622 = arith.constant 0 : i32
        %dma_start3A_623 = tpu.memref_slice %arg7[%dma_start3A_620, %dma_start3A_621, %dma_start3A_622] : memref<5x40x128xf32, #tpu.memory_space<vmem>> -> memref<1x40x128xf32, #tpu.memory_space<vmem>>
        %dma_start3A_624 = tpu.memref_squeeze %dma_start3A_623 : memref<1x40x128xf32, #tpu.memory_space<vmem>> -> memref<40x128xf32, #tpu.memory_space<vmem>>
        %dma_start3A_625 = arith.constant 0 : i32
        %dma_start3A_626 = arith.constant 0 : i32
        %dma_start3A_627 = tpu.memref_slice %arg2[%dma_start3A_625, %dma_start3A_626] : memref<10000x128xf32, #tpu.memory_space<hbm>> -> memref<10000x128xf32, #tpu.memory_space<hbm>>
        tpu.enqueue_indirect_dma source(%dma_start3A_627 : memref<10000x128xf32, #tpu.memory_space<hbm>>) target(%dma_start3A_624 : memref<40x128xf32, #tpu.memory_space<vmem>>) offsets(%arg17 : memref<40xi32, #tpu.memory_space<vmem>>) semaphore(%arg52 : memref<!tpu.dma_semaphore, #tpu.memory_space<semaphore_mem>>)
      } else {
      }
      %dma_wait3A_402 = arith.constant 0 : i32
      %dma_wait3A_403 = arith.constant 0 : i32
      %dma_wait3A_404 = arith.constant 0 : i32
      %dma_wait3A_405 = tpu.memref_slice %arg7[%dma_wait3A_402, %dma_wait3A_403, %dma_wait3A_404] : memref<5x40x128xf32, #tpu.memory_space<vmem>> -> memref<1x40x128xf32, #tpu.memory_space<vmem>>
      %dma_wait3A_406 = tpu.memref_squeeze %dma_wait3A_405 : memref<1x40x128xf32, #tpu.memory_space<vmem>> -> memref<40x128xf32, #tpu.memory_space<vmem>>
      %dma_wait3A_407 = arith.constant 0 : i32
      %dma_wait3A_408 = arith.constant 0 : i32
      %dma_wait3A_409 = tpu.memref_slice %arg2[%dma_wait3A_407, %dma_wait3A_408] : memref<10000x128xf32, #tpu.memory_space<hbm>> -> memref<10000x128xf32, #tpu.memory_space<hbm>>
      tpu.wait_indirect_dma semaphore(%arg48 : memref<!tpu.dma_semaphore, #tpu.memory_space<semaphore_mem>>) src(%dma_wait3A_409 : memref<10000x128xf32, #tpu.memory_space<hbm>>) dst(%dma_wait3A_406 : memref<40x128xf32, #tpu.memory_space<vmem>>)
      %mul3A_410 = arith.constant 40 : i32
      %mul3A_411 = arith.muli %add3A_380, %mul3A_410 : i32
      %add3A_412 = arith.addi %mul3A_2, %mul3A_411 : i32
      %multiple_of3A_413 = tpu.assume_multiple %add3A_412, 8 : i32
      %dma_wait3A_414 = tpu.memref_slice %arg4[%multiple_of3A_413] : memref<320000xi32, #tpu.memory_space<hbm>> -> memref<40xi32, #tpu.memory_space<hbm>>
      %dma_wait3A_415 = tpu.memref_slice %arg4[%multiple_of3A_413] : memref<320000xi32, #tpu.memory_space<hbm>> -> memref<40xi32, #tpu.memory_space<hbm>>
      tpu.wait_dma2 semaphore(%arg43 : memref<!tpu.dma_semaphore, #tpu.memory_space<semaphore_mem>>) src(%dma_wait3A_415 : memref<40xi32, #tpu.memory_space<hbm>>) dst(%arg23 : memref<40xi32, #tpu.memory_space<vmem>>)
      %dma_start3A_416 = arith.constant 0 : i32
      %dma_start3A_417 = arith.constant 0 : i32
      %dma_start3A_418 = arith.constant 0 : i32
      %dma_start3A_419 = tpu.memref_slice %arg7[%dma_start3A_416, %dma_start3A_417, %dma_start3A_418] : memref<5x40x128xf32, #tpu.memory_space<vmem>> -> memref<1x40x128xf32, #tpu.memory_space<vmem>>
      %dma_start3A_420 = tpu.memref_squeeze %dma_start3A_419 : memref<1x40x128xf32, #tpu.memory_space<vmem>> -> memref<40x128xf32, #tpu.memory_space<vmem>>
      %dma_start3A_421 = arith.constant 0 : i32
      %dma_start3A_422 = arith.constant 0 : i32
      %dma_start3A_423 = tpu.memref_slice %arg58[%dma_start3A_421, %dma_start3A_422] : memref<10000x128xf32, #tpu.memory_space<vmem_shared>> -> memref<10000x128xf32, #tpu.memory_space<vmem_shared>>
      tpu.enqueue_indirect_dma source(%dma_start3A_420 : memref<40x128xf32, #tpu.memory_space<vmem>>) target(%dma_start3A_423 : memref<10000x128xf32, #tpu.memory_space<vmem_shared>>) offsets(%arg23 : memref<40xi32, #tpu.memory_space<vmem>>) semaphore(%arg53 : memref<!tpu.dma_semaphore, #tpu.memory_space<semaphore_mem>>) {add = true}
      %mul3A_424 = arith.constant 10 : i32
      %mul3A_425 = arith.muli %scan3A_144, %mul3A_424 : i32
      %add3A_426 = arith.constant 6 : i32
      %add3A_427 = arith.addi %mul3A_425, %add3A_426 : i32
      %ge3A_428 = arith.constant 1 : i32
      %ge3A_429 = arith.cmpi sge, %add3A_427, %ge3A_428 : i32
      %convert_element_type3A_430 = arith.extui %ge3A_429 : i1 to i32
      %cond3A_431 = arith.constant 0 : i32
      %cond3A_432 = arith.cmpi ne, %convert_element_type3A_430, %cond3A_431 : i32
      scf.if %cond3A_432 {
        %dma_wait3A_612 = arith.constant 0 : i32
        %dma_wait3A_613 = arith.constant 0 : i32
        %dma_wait3A_614 = arith.constant 0 : i32
        %dma_wait3A_615 = tpu.memref_slice %arg7[%dma_wait3A_612, %dma_wait3A_613, %dma_wait3A_614] : memref<5x40x128xf32, #tpu.memory_space<vmem>> -> memref<1x40x128xf32, #tpu.memory_space<vmem>>
        %dma_wait3A_616 = tpu.memref_squeeze %dma_wait3A_615 : memref<1x40x128xf32, #tpu.memory_space<vmem>> -> memref<40x128xf32, #tpu.memory_space<vmem>>
        %dma_wait3A_617 = arith.constant 0 : i32
        %dma_wait3A_618 = arith.constant 0 : i32
        %dma_wait3A_619 = tpu.memref_slice %arg58[%dma_wait3A_617, %dma_wait3A_618] : memref<10000x128xf32, #tpu.memory_space<vmem_shared>> -> memref<10000x128xf32, #tpu.memory_space<vmem_shared>>
        tpu.wait_indirect_dma semaphore(%arg53 : memref<!tpu.dma_semaphore, #tpu.memory_space<semaphore_mem>>) src(%dma_wait3A_616 : memref<40x128xf32, #tpu.memory_space<vmem>>) dst(%dma_wait3A_619 : memref<10000x128xf32, #tpu.memory_space<vmem_shared>>)
      } else {
      }
      %add3A_433 = arith.constant 10 : i32
      %add3A_434 = arith.addi %add3A_427, %add3A_433 : i32
      %sub3A_435 = arith.constant 1 : i32
      %sub3A_436 = arith.subi %add3A_434, %sub3A_435 : i32
      %lt3A_437 = arith.constant 250 : i32
      %lt3A_438 = arith.cmpi slt, %sub3A_436, %lt3A_437 : i32
      %convert_element_type3A_439 = arith.extui %lt3A_438 : i1 to i32
      %cond3A_440 = arith.constant 0 : i32
      %cond3A_441 = arith.cmpi ne, %convert_element_type3A_439, %cond3A_440 : i32
      scf.if %cond3A_441 {
        %add3A_612 = arith.constant 10 : i32
        %add3A_613 = arith.addi %add3A_427, %add3A_612 : i32
        %sub3A_614 = arith.constant 1 : i32
        %sub3A_615 = arith.subi %add3A_613, %sub3A_614 : i32
        %mul3A_616 = arith.constant 40 : i32
        %mul3A_617 = arith.muli %sub3A_615, %mul3A_616 : i32
        %add3A_618 = arith.addi %mul3A_2, %mul3A_617 : i32
        %multiple_of3A_619 = tpu.assume_multiple %add3A_618, 8 : i32
        %dma_start3A_620 = tpu.memref_slice %arg3[%multiple_of3A_619] : memref<320000xi32, #tpu.memory_space<hbm>> -> memref<40xi32, #tpu.memory_space<hbm>>
        %dma_start3A_621 = tpu.memref_slice %arg3[%multiple_of3A_619] : memref<320000xi32, #tpu.memory_space<hbm>> -> memref<40xi32, #tpu.memory_space<hbm>>
        tpu.enqueue_dma source(%dma_start3A_621 : memref<40xi32, #tpu.memory_space<hbm>>) target(%arg13 : memref<40xi32, #tpu.memory_space<vmem>>) target_semaphore(%arg33 : memref<!tpu.dma_semaphore, #tpu.memory_space<semaphore_mem>>)
        %dma_start3A_622 = tpu.memref_slice %arg4[%multiple_of3A_619] : memref<320000xi32, #tpu.memory_space<hbm>> -> memref<40xi32, #tpu.memory_space<hbm>>
        %dma_start3A_623 = tpu.memref_slice %arg4[%multiple_of3A_619] : memref<320000xi32, #tpu.memory_space<hbm>> -> memref<40xi32, #tpu.memory_space<hbm>>
        tpu.enqueue_dma source(%dma_start3A_623 : memref<40xi32, #tpu.memory_space<hbm>>) target(%arg23 : memref<40xi32, #tpu.memory_space<vmem>>) target_semaphore(%arg43 : memref<!tpu.dma_semaphore, #tpu.memory_space<semaphore_mem>>)
      } else {
      }
      %add3A_442 = arith.constant 4 : i32
      %add3A_443 = arith.addi %add3A_427, %add3A_442 : i32
      %lt3A_444 = arith.constant 250 : i32
      %lt3A_445 = arith.cmpi slt, %add3A_443, %lt3A_444 : i32
      %convert_element_type3A_446 = arith.extui %lt3A_445 : i1 to i32
      %cond3A_447 = arith.constant 0 : i32
      %cond3A_448 = arith.cmpi ne, %convert_element_type3A_446, %cond3A_447 : i32
      scf.if %cond3A_448 {
        %add3A_612 = arith.constant 4 : i32
        %add3A_613 = arith.addi %add3A_427, %add3A_612 : i32
        %mul3A_614 = arith.constant 40 : i32
        %mul3A_615 = arith.muli %add3A_613, %mul3A_614 : i32
        %add3A_616 = arith.addi %mul3A_2, %mul3A_615 : i32
        %multiple_of3A_617 = tpu.assume_multiple %add3A_616, 8 : i32
        %dma_wait3A_618 = tpu.memref_slice %arg3[%multiple_of3A_617] : memref<320000xi32, #tpu.memory_space<hbm>> -> memref<40xi32, #tpu.memory_space<hbm>>
        %dma_wait3A_619 = tpu.memref_slice %arg3[%multiple_of3A_617] : memref<320000xi32, #tpu.memory_space<hbm>> -> memref<40xi32, #tpu.memory_space<hbm>>
        tpu.wait_dma2 semaphore(%arg28 : memref<!tpu.dma_semaphore, #tpu.memory_space<semaphore_mem>>) src(%dma_wait3A_619 : memref<40xi32, #tpu.memory_space<hbm>>) dst(%arg8 : memref<40xi32, #tpu.memory_space<vmem>>)
        %dma_start3A_620 = arith.constant 0 : i32
        %dma_start3A_621 = arith.constant 0 : i32
        %dma_start3A_622 = arith.constant 0 : i32
        %dma_start3A_623 = tpu.memref_slice %arg7[%dma_start3A_620, %dma_start3A_621, %dma_start3A_622] : memref<5x40x128xf32, #tpu.memory_space<vmem>> -> memref<1x40x128xf32, #tpu.memory_space<vmem>>
        %dma_start3A_624 = tpu.memref_squeeze %dma_start3A_623 : memref<1x40x128xf32, #tpu.memory_space<vmem>> -> memref<40x128xf32, #tpu.memory_space<vmem>>
        %dma_start3A_625 = arith.constant 0 : i32
        %dma_start3A_626 = arith.constant 0 : i32
        %dma_start3A_627 = tpu.memref_slice %arg2[%dma_start3A_625, %dma_start3A_626] : memref<10000x128xf32, #tpu.memory_space<hbm>> -> memref<10000x128xf32, #tpu.memory_space<hbm>>
        tpu.enqueue_indirect_dma source(%dma_start3A_627 : memref<10000x128xf32, #tpu.memory_space<hbm>>) target(%dma_start3A_624 : memref<40x128xf32, #tpu.memory_space<vmem>>) offsets(%arg8 : memref<40xi32, #tpu.memory_space<vmem>>) semaphore(%arg48 : memref<!tpu.dma_semaphore, #tpu.memory_space<semaphore_mem>>)
      } else {
      }
      %dma_wait3A_449 = arith.constant 1 : i32
      %dma_wait3A_450 = arith.constant 0 : i32
      %dma_wait3A_451 = arith.constant 0 : i32
      %dma_wait3A_452 = tpu.memref_slice %arg7[%dma_wait3A_449, %dma_wait3A_450, %dma_wait3A_451] : memref<5x40x128xf32, #tpu.memory_space<vmem>> -> memref<1x40x128xf32, #tpu.memory_space<vmem>>
      %dma_wait3A_453 = tpu.memref_squeeze %dma_wait3A_452 : memref<1x40x128xf32, #tpu.memory_space<vmem>> -> memref<40x128xf32, #tpu.memory_space<vmem>>
      %dma_wait3A_454 = arith.constant 0 : i32
      %dma_wait3A_455 = arith.constant 0 : i32
      %dma_wait3A_456 = tpu.memref_slice %arg2[%dma_wait3A_454, %dma_wait3A_455] : memref<10000x128xf32, #tpu.memory_space<hbm>> -> memref<10000x128xf32, #tpu.memory_space<hbm>>
      tpu.wait_indirect_dma semaphore(%arg49 : memref<!tpu.dma_semaphore, #tpu.memory_space<semaphore_mem>>) src(%dma_wait3A_456 : memref<10000x128xf32, #tpu.memory_space<hbm>>) dst(%dma_wait3A_453 : memref<40x128xf32, #tpu.memory_space<vmem>>)
      %mul3A_457 = arith.constant 40 : i32
      %mul3A_458 = arith.muli %add3A_427, %mul3A_457 : i32
      %add3A_459 = arith.addi %mul3A_2, %mul3A_458 : i32
      %multiple_of3A_460 = tpu.assume_multiple %add3A_459, 8 : i32
      %dma_wait3A_461 = tpu.memref_slice %arg4[%multiple_of3A_460] : memref<320000xi32, #tpu.memory_space<hbm>> -> memref<40xi32, #tpu.memory_space<hbm>>
      %dma_wait3A_462 = tpu.memref_slice %arg4[%multiple_of3A_460] : memref<320000xi32, #tpu.memory_space<hbm>> -> memref<40xi32, #tpu.memory_space<hbm>>
      tpu.wait_dma2 semaphore(%arg44 : memref<!tpu.dma_semaphore, #tpu.memory_space<semaphore_mem>>) src(%dma_wait3A_462 : memref<40xi32, #tpu.memory_space<hbm>>) dst(%arg24 : memref<40xi32, #tpu.memory_space<vmem>>)
      %dma_start3A_463 = arith.constant 1 : i32
      %dma_start3A_464 = arith.constant 0 : i32
      %dma_start3A_465 = arith.constant 0 : i32
      %dma_start3A_466 = tpu.memref_slice %arg7[%dma_start3A_463, %dma_start3A_464, %dma_start3A_465] : memref<5x40x128xf32, #tpu.memory_space<vmem>> -> memref<1x40x128xf32, #tpu.memory_space<vmem>>
      %dma_start3A_467 = tpu.memref_squeeze %dma_start3A_466 : memref<1x40x128xf32, #tpu.memory_space<vmem>> -> memref<40x128xf32, #tpu.memory_space<vmem>>
      %dma_start3A_468 = arith.constant 0 : i32
      %dma_start3A_469 = arith.constant 0 : i32
      %dma_start3A_470 = tpu.memref_slice %arg58[%dma_start3A_468, %dma_start3A_469] : memref<10000x128xf32, #tpu.memory_space<vmem_shared>> -> memref<10000x128xf32, #tpu.memory_space<vmem_shared>>
      tpu.enqueue_indirect_dma source(%dma_start3A_467 : memref<40x128xf32, #tpu.memory_space<vmem>>) target(%dma_start3A_470 : memref<10000x128xf32, #tpu.memory_space<vmem_shared>>) offsets(%arg24 : memref<40xi32, #tpu.memory_space<vmem>>) semaphore(%arg54 : memref<!tpu.dma_semaphore, #tpu.memory_space<semaphore_mem>>) {add = true}
      %mul3A_471 = arith.constant 10 : i32
      %mul3A_472 = arith.muli %scan3A_144, %mul3A_471 : i32
      %add3A_473 = arith.constant 7 : i32
      %add3A_474 = arith.addi %mul3A_472, %add3A_473 : i32
      %ge3A_475 = arith.constant 1 : i32
      %ge3A_476 = arith.cmpi sge, %add3A_474, %ge3A_475 : i32
      %convert_element_type3A_477 = arith.extui %ge3A_476 : i1 to i32
      %cond3A_478 = arith.constant 0 : i32
      %cond3A_479 = arith.cmpi ne, %convert_element_type3A_477, %cond3A_478 : i32
      scf.if %cond3A_479 {
        %dma_wait3A_612 = arith.constant 1 : i32
        %dma_wait3A_613 = arith.constant 0 : i32
        %dma_wait3A_614 = arith.constant 0 : i32
        %dma_wait3A_615 = tpu.memref_slice %arg7[%dma_wait3A_612, %dma_wait3A_613, %dma_wait3A_614] : memref<5x40x128xf32, #tpu.memory_space<vmem>> -> memref<1x40x128xf32, #tpu.memory_space<vmem>>
        %dma_wait3A_616 = tpu.memref_squeeze %dma_wait3A_615 : memref<1x40x128xf32, #tpu.memory_space<vmem>> -> memref<40x128xf32, #tpu.memory_space<vmem>>
        %dma_wait3A_617 = arith.constant 0 : i32
        %dma_wait3A_618 = arith.constant 0 : i32
        %dma_wait3A_619 = tpu.memref_slice %arg58[%dma_wait3A_617, %dma_wait3A_618] : memref<10000x128xf32, #tpu.memory_space<vmem_shared>> -> memref<10000x128xf32, #tpu.memory_space<vmem_shared>>
        tpu.wait_indirect_dma semaphore(%arg54 : memref<!tpu.dma_semaphore, #tpu.memory_space<semaphore_mem>>) src(%dma_wait3A_616 : memref<40x128xf32, #tpu.memory_space<vmem>>) dst(%dma_wait3A_619 : memref<10000x128xf32, #tpu.memory_space<vmem_shared>>)
      } else {
      }
      %add3A_480 = arith.constant 10 : i32
      %add3A_481 = arith.addi %add3A_474, %add3A_480 : i32
      %sub3A_482 = arith.constant 1 : i32
      %sub3A_483 = arith.subi %add3A_481, %sub3A_482 : i32
      %lt3A_484 = arith.constant 250 : i32
      %lt3A_485 = arith.cmpi slt, %sub3A_483, %lt3A_484 : i32
      %convert_element_type3A_486 = arith.extui %lt3A_485 : i1 to i32
      %cond3A_487 = arith.constant 0 : i32
      %cond3A_488 = arith.cmpi ne, %convert_element_type3A_486, %cond3A_487 : i32
      scf.if %cond3A_488 {
        %add3A_612 = arith.constant 10 : i32
        %add3A_613 = arith.addi %add3A_474, %add3A_612 : i32
        %sub3A_614 = arith.constant 1 : i32
        %sub3A_615 = arith.subi %add3A_613, %sub3A_614 : i32
        %mul3A_616 = arith.constant 40 : i32
        %mul3A_617 = arith.muli %sub3A_615, %mul3A_616 : i32
        %add3A_618 = arith.addi %mul3A_2, %mul3A_617 : i32
        %multiple_of3A_619 = tpu.assume_multiple %add3A_618, 8 : i32
        %dma_start3A_620 = tpu.memref_slice %arg3[%multiple_of3A_619] : memref<320000xi32, #tpu.memory_space<hbm>> -> memref<40xi32, #tpu.memory_space<hbm>>
        %dma_start3A_621 = tpu.memref_slice %arg3[%multiple_of3A_619] : memref<320000xi32, #tpu.memory_space<hbm>> -> memref<40xi32, #tpu.memory_space<hbm>>
        tpu.enqueue_dma source(%dma_start3A_621 : memref<40xi32, #tpu.memory_space<hbm>>) target(%arg14 : memref<40xi32, #tpu.memory_space<vmem>>) target_semaphore(%arg34 : memref<!tpu.dma_semaphore, #tpu.memory_space<semaphore_mem>>)
        %dma_start3A_622 = tpu.memref_slice %arg4[%multiple_of3A_619] : memref<320000xi32, #tpu.memory_space<hbm>> -> memref<40xi32, #tpu.memory_space<hbm>>
        %dma_start3A_623 = tpu.memref_slice %arg4[%multiple_of3A_619] : memref<320000xi32, #tpu.memory_space<hbm>> -> memref<40xi32, #tpu.memory_space<hbm>>
        tpu.enqueue_dma source(%dma_start3A_623 : memref<40xi32, #tpu.memory_space<hbm>>) target(%arg24 : memref<40xi32, #tpu.memory_space<vmem>>) target_semaphore(%arg44 : memref<!tpu.dma_semaphore, #tpu.memory_space<semaphore_mem>>)
      } else {
      }
      %add3A_489 = arith.constant 4 : i32
      %add3A_490 = arith.addi %add3A_474, %add3A_489 : i32
      %lt3A_491 = arith.constant 250 : i32
      %lt3A_492 = arith.cmpi slt, %add3A_490, %lt3A_491 : i32
      %convert_element_type3A_493 = arith.extui %lt3A_492 : i1 to i32
      %cond3A_494 = arith.constant 0 : i32
      %cond3A_495 = arith.cmpi ne, %convert_element_type3A_493, %cond3A_494 : i32
      scf.if %cond3A_495 {
        %add3A_612 = arith.constant 4 : i32
        %add3A_613 = arith.addi %add3A_474, %add3A_612 : i32
        %mul3A_614 = arith.constant 40 : i32
        %mul3A_615 = arith.muli %add3A_613, %mul3A_614 : i32
        %add3A_616 = arith.addi %mul3A_2, %mul3A_615 : i32
        %multiple_of3A_617 = tpu.assume_multiple %add3A_616, 8 : i32
        %dma_wait3A_618 = tpu.memref_slice %arg3[%multiple_of3A_617] : memref<320000xi32, #tpu.memory_space<hbm>> -> memref<40xi32, #tpu.memory_space<hbm>>
        %dma_wait3A_619 = tpu.memref_slice %arg3[%multiple_of3A_617] : memref<320000xi32, #tpu.memory_space<hbm>> -> memref<40xi32, #tpu.memory_space<hbm>>
        tpu.wait_dma2 semaphore(%arg29 : memref<!tpu.dma_semaphore, #tpu.memory_space<semaphore_mem>>) src(%dma_wait3A_619 : memref<40xi32, #tpu.memory_space<hbm>>) dst(%arg9 : memref<40xi32, #tpu.memory_space<vmem>>)
        %dma_start3A_620 = arith.constant 1 : i32
        %dma_start3A_621 = arith.constant 0 : i32
        %dma_start3A_622 = arith.constant 0 : i32
        %dma_start3A_623 = tpu.memref_slice %arg7[%dma_start3A_620, %dma_start3A_621, %dma_start3A_622] : memref<5x40x128xf32, #tpu.memory_space<vmem>> -> memref<1x40x128xf32, #tpu.memory_space<vmem>>
        %dma_start3A_624 = tpu.memref_squeeze %dma_start3A_623 : memref<1x40x128xf32, #tpu.memory_space<vmem>> -> memref<40x128xf32, #tpu.memory_space<vmem>>
        %dma_start3A_625 = arith.constant 0 : i32
        %dma_start3A_626 = arith.constant 0 : i32
        %dma_start3A_627 = tpu.memref_slice %arg2[%dma_start3A_625, %dma_start3A_626] : memref<10000x128xf32, #tpu.memory_space<hbm>> -> memref<10000x128xf32, #tpu.memory_space<hbm>>
        tpu.enqueue_indirect_dma source(%dma_start3A_627 : memref<10000x128xf32, #tpu.memory_space<hbm>>) target(%dma_start3A_624 : memref<40x128xf32, #tpu.memory_space<vmem>>) offsets(%arg9 : memref<40xi32, #tpu.memory_space<vmem>>) semaphore(%arg49 : memref<!tpu.dma_semaphore, #tpu.memory_space<semaphore_mem>>)
      } else {
      }
      %dma_wait3A_496 = arith.constant 2 : i32
      %dma_wait3A_497 = arith.constant 0 : i32
      %dma_wait3A_498 = arith.constant 0 : i32
      %dma_wait3A_499 = tpu.memref_slice %arg7[%dma_wait3A_496, %dma_wait3A_497, %dma_wait3A_498] : memref<5x40x128xf32, #tpu.memory_space<vmem>> -> memref<1x40x128xf32, #tpu.memory_space<vmem>>
      %dma_wait3A_500 = tpu.memref_squeeze %dma_wait3A_499 : memref<1x40x128xf32, #tpu.memory_space<vmem>> -> memref<40x128xf32, #tpu.memory_space<vmem>>
      %dma_wait3A_501 = arith.constant 0 : i32
      %dma_wait3A_502 = arith.constant 0 : i32
      %dma_wait3A_503 = tpu.memref_slice %arg2[%dma_wait3A_501, %dma_wait3A_502] : memref<10000x128xf32, #tpu.memory_space<hbm>> -> memref<10000x128xf32, #tpu.memory_space<hbm>>
      tpu.wait_indirect_dma semaphore(%arg50 : memref<!tpu.dma_semaphore, #tpu.memory_space<semaphore_mem>>) src(%dma_wait3A_503 : memref<10000x128xf32, #tpu.memory_space<hbm>>) dst(%dma_wait3A_500 : memref<40x128xf32, #tpu.memory_space<vmem>>)
      %mul3A_504 = arith.constant 40 : i32
      %mul3A_505 = arith.muli %add3A_474, %mul3A_504 : i32
      %add3A_506 = arith.addi %mul3A_2, %mul3A_505 : i32
      %multiple_of3A_507 = tpu.assume_multiple %add3A_506, 8 : i32
      %dma_wait3A_508 = tpu.memref_slice %arg4[%multiple_of3A_507] : memref<320000xi32, #tpu.memory_space<hbm>> -> memref<40xi32, #tpu.memory_space<hbm>>
      %dma_wait3A_509 = tpu.memref_slice %arg4[%multiple_of3A_507] : memref<320000xi32, #tpu.memory_space<hbm>> -> memref<40xi32, #tpu.memory_space<hbm>>
      tpu.wait_dma2 semaphore(%arg45 : memref<!tpu.dma_semaphore, #tpu.memory_space<semaphore_mem>>) src(%dma_wait3A_509 : memref<40xi32, #tpu.memory_space<hbm>>) dst(%arg25 : memref<40xi32, #tpu.memory_space<vmem>>)
      %dma_start3A_510 = arith.constant 2 : i32
      %dma_start3A_511 = arith.constant 0 : i32
      %dma_start3A_512 = arith.constant 0 : i32
      %dma_start3A_513 = tpu.memref_slice %arg7[%dma_start3A_510, %dma_start3A_511, %dma_start3A_512] : memref<5x40x128xf32, #tpu.memory_space<vmem>> -> memref<1x40x128xf32, #tpu.memory_space<vmem>>
      %dma_start3A_514 = tpu.memref_squeeze %dma_start3A_513 : memref<1x40x128xf32, #tpu.memory_space<vmem>> -> memref<40x128xf32, #tpu.memory_space<vmem>>
      %dma_start3A_515 = arith.constant 0 : i32
      %dma_start3A_516 = arith.constant 0 : i32
      %dma_start3A_517 = tpu.memref_slice %arg58[%dma_start3A_515, %dma_start3A_516] : memref<10000x128xf32, #tpu.memory_space<vmem_shared>> -> memref<10000x128xf32, #tpu.memory_space<vmem_shared>>
      tpu.enqueue_indirect_dma source(%dma_start3A_514 : memref<40x128xf32, #tpu.memory_space<vmem>>) target(%dma_start3A_517 : memref<10000x128xf32, #tpu.memory_space<vmem_shared>>) offsets(%arg25 : memref<40xi32, #tpu.memory_space<vmem>>) semaphore(%arg55 : memref<!tpu.dma_semaphore, #tpu.memory_space<semaphore_mem>>) {add = true}
      %mul3A_518 = arith.constant 10 : i32
      %mul3A_519 = arith.muli %scan3A_144, %mul3A_518 : i32
      %add3A_520 = arith.constant 8 : i32
      %add3A_521 = arith.addi %mul3A_519, %add3A_520 : i32
      %ge3A_522 = arith.constant 1 : i32
      %ge3A_523 = arith.cmpi sge, %add3A_521, %ge3A_522 : i32
      %convert_element_type3A_524 = arith.extui %ge3A_523 : i1 to i32
      %cond3A_525 = arith.constant 0 : i32
      %cond3A_526 = arith.cmpi ne, %convert_element_type3A_524, %cond3A_525 : i32
      scf.if %cond3A_526 {
        %dma_wait3A_612 = arith.constant 2 : i32
        %dma_wait3A_613 = arith.constant 0 : i32
        %dma_wait3A_614 = arith.constant 0 : i32
        %dma_wait3A_615 = tpu.memref_slice %arg7[%dma_wait3A_612, %dma_wait3A_613, %dma_wait3A_614] : memref<5x40x128xf32, #tpu.memory_space<vmem>> -> memref<1x40x128xf32, #tpu.memory_space<vmem>>
        %dma_wait3A_616 = tpu.memref_squeeze %dma_wait3A_615 : memref<1x40x128xf32, #tpu.memory_space<vmem>> -> memref<40x128xf32, #tpu.memory_space<vmem>>
        %dma_wait3A_617 = arith.constant 0 : i32
        %dma_wait3A_618 = arith.constant 0 : i32
        %dma_wait3A_619 = tpu.memref_slice %arg58[%dma_wait3A_617, %dma_wait3A_618] : memref<10000x128xf32, #tpu.memory_space<vmem_shared>> -> memref<10000x128xf32, #tpu.memory_space<vmem_shared>>
        tpu.wait_indirect_dma semaphore(%arg55 : memref<!tpu.dma_semaphore, #tpu.memory_space<semaphore_mem>>) src(%dma_wait3A_616 : memref<40x128xf32, #tpu.memory_space<vmem>>) dst(%dma_wait3A_619 : memref<10000x128xf32, #tpu.memory_space<vmem_shared>>)
      } else {
      }
      %add3A_527 = arith.constant 10 : i32
      %add3A_528 = arith.addi %add3A_521, %add3A_527 : i32
      %sub3A_529 = arith.constant 1 : i32
      %sub3A_530 = arith.subi %add3A_528, %sub3A_529 : i32
      %lt3A_531 = arith.constant 250 : i32
      %lt3A_532 = arith.cmpi slt, %sub3A_530, %lt3A_531 : i32
      %convert_element_type3A_533 = arith.extui %lt3A_532 : i1 to i32
      %cond3A_534 = arith.constant 0 : i32
      %cond3A_535 = arith.cmpi ne, %convert_element_type3A_533, %cond3A_534 : i32
      scf.if %cond3A_535 {
        %add3A_612 = arith.constant 10 : i32
        %add3A_613 = arith.addi %add3A_521, %add3A_612 : i32
        %sub3A_614 = arith.constant 1 : i32
        %sub3A_615 = arith.subi %add3A_613, %sub3A_614 : i32
        %mul3A_616 = arith.constant 40 : i32
        %mul3A_617 = arith.muli %sub3A_615, %mul3A_616 : i32
        %add3A_618 = arith.addi %mul3A_2, %mul3A_617 : i32
        %multiple_of3A_619 = tpu.assume_multiple %add3A_618, 8 : i32
        %dma_start3A_620 = tpu.memref_slice %arg3[%multiple_of3A_619] : memref<320000xi32, #tpu.memory_space<hbm>> -> memref<40xi32, #tpu.memory_space<hbm>>
        %dma_start3A_621 = tpu.memref_slice %arg3[%multiple_of3A_619] : memref<320000xi32, #tpu.memory_space<hbm>> -> memref<40xi32, #tpu.memory_space<hbm>>
        tpu.enqueue_dma source(%dma_start3A_621 : memref<40xi32, #tpu.memory_space<hbm>>) target(%arg15 : memref<40xi32, #tpu.memory_space<vmem>>) target_semaphore(%arg35 : memref<!tpu.dma_semaphore, #tpu.memory_space<semaphore_mem>>)
        %dma_start3A_622 = tpu.memref_slice %arg4[%multiple_of3A_619] : memref<320000xi32, #tpu.memory_space<hbm>> -> memref<40xi32, #tpu.memory_space<hbm>>
        %dma_start3A_623 = tpu.memref_slice %arg4[%multiple_of3A_619] : memref<320000xi32, #tpu.memory_space<hbm>> -> memref<40xi32, #tpu.memory_space<hbm>>
        tpu.enqueue_dma source(%dma_start3A_623 : memref<40xi32, #tpu.memory_space<hbm>>) target(%arg25 : memref<40xi32, #tpu.memory_space<vmem>>) target_semaphore(%arg45 : memref<!tpu.dma_semaphore, #tpu.memory_space<semaphore_mem>>)
      } else {
      }
      %add3A_536 = arith.constant 4 : i32
      %add3A_537 = arith.addi %add3A_521, %add3A_536 : i32
      %lt3A_538 = arith.constant 250 : i32
      %lt3A_539 = arith.cmpi slt, %add3A_537, %lt3A_538 : i32
      %convert_element_type3A_540 = arith.extui %lt3A_539 : i1 to i32
      %cond3A_541 = arith.constant 0 : i32
      %cond3A_542 = arith.cmpi ne, %convert_element_type3A_540, %cond3A_541 : i32
      scf.if %cond3A_542 {
        %add3A_612 = arith.constant 4 : i32
        %add3A_613 = arith.addi %add3A_521, %add3A_612 : i32
        %mul3A_614 = arith.constant 40 : i32
        %mul3A_615 = arith.muli %add3A_613, %mul3A_614 : i32
        %add3A_616 = arith.addi %mul3A_2, %mul3A_615 : i32
        %multiple_of3A_617 = tpu.assume_multiple %add3A_616, 8 : i32
        %dma_wait3A_618 = tpu.memref_slice %arg3[%multiple_of3A_617] : memref<320000xi32, #tpu.memory_space<hbm>> -> memref<40xi32, #tpu.memory_space<hbm>>
        %dma_wait3A_619 = tpu.memref_slice %arg3[%multiple_of3A_617] : memref<320000xi32, #tpu.memory_space<hbm>> -> memref<40xi32, #tpu.memory_space<hbm>>
        tpu.wait_dma2 semaphore(%arg30 : memref<!tpu.dma_semaphore, #tpu.memory_space<semaphore_mem>>) src(%dma_wait3A_619 : memref<40xi32, #tpu.memory_space<hbm>>) dst(%arg10 : memref<40xi32, #tpu.memory_space<vmem>>)
        %dma_start3A_620 = arith.constant 2 : i32
        %dma_start3A_621 = arith.constant 0 : i32
        %dma_start3A_622 = arith.constant 0 : i32
        %dma_start3A_623 = tpu.memref_slice %arg7[%dma_start3A_620, %dma_start3A_621, %dma_start3A_622] : memref<5x40x128xf32, #tpu.memory_space<vmem>> -> memref<1x40x128xf32, #tpu.memory_space<vmem>>
        %dma_start3A_624 = tpu.memref_squeeze %dma_start3A_623 : memref<1x40x128xf32, #tpu.memory_space<vmem>> -> memref<40x128xf32, #tpu.memory_space<vmem>>
        %dma_start3A_625 = arith.constant 0 : i32
        %dma_start3A_626 = arith.constant 0 : i32
        %dma_start3A_627 = tpu.memref_slice %arg2[%dma_start3A_625, %dma_start3A_626] : memref<10000x128xf32, #tpu.memory_space<hbm>> -> memref<10000x128xf32, #tpu.memory_space<hbm>>
        tpu.enqueue_indirect_dma source(%dma_start3A_627 : memref<10000x128xf32, #tpu.memory_space<hbm>>) target(%dma_start3A_624 : memref<40x128xf32, #tpu.memory_space<vmem>>) offsets(%arg10 : memref<40xi32, #tpu.memory_space<vmem>>) semaphore(%arg50 : memref<!tpu.dma_semaphore, #tpu.memory_space<semaphore_mem>>)
      } else {
      }
      %dma_wait3A_543 = arith.constant 3 : i32
      %dma_wait3A_544 = arith.constant 0 : i32
      %dma_wait3A_545 = arith.constant 0 : i32
      %dma_wait3A_546 = tpu.memref_slice %arg7[%dma_wait3A_543, %dma_wait3A_544, %dma_wait3A_545] : memref<5x40x128xf32, #tpu.memory_space<vmem>> -> memref<1x40x128xf32, #tpu.memory_space<vmem>>
      %dma_wait3A_547 = tpu.memref_squeeze %dma_wait3A_546 : memref<1x40x128xf32, #tpu.memory_space<vmem>> -> memref<40x128xf32, #tpu.memory_space<vmem>>
      %dma_wait3A_548 = arith.constant 0 : i32
      %dma_wait3A_549 = arith.constant 0 : i32
      %dma_wait3A_550 = tpu.memref_slice %arg2[%dma_wait3A_548, %dma_wait3A_549] : memref<10000x128xf32, #tpu.memory_space<hbm>> -> memref<10000x128xf32, #tpu.memory_space<hbm>>
      tpu.wait_indirect_dma semaphore(%arg51 : memref<!tpu.dma_semaphore, #tpu.memory_space<semaphore_mem>>) src(%dma_wait3A_550 : memref<10000x128xf32, #tpu.memory_space<hbm>>) dst(%dma_wait3A_547 : memref<40x128xf32, #tpu.memory_space<vmem>>)
      %mul3A_551 = arith.constant 40 : i32
      %mul3A_552 = arith.muli %add3A_521, %mul3A_551 : i32
      %add3A_553 = arith.addi %mul3A_2, %mul3A_552 : i32
      %multiple_of3A_554 = tpu.assume_multiple %add3A_553, 8 : i32
      %dma_wait3A_555 = tpu.memref_slice %arg4[%multiple_of3A_554] : memref<320000xi32, #tpu.memory_space<hbm>> -> memref<40xi32, #tpu.memory_space<hbm>>
      %dma_wait3A_556 = tpu.memref_slice %arg4[%multiple_of3A_554] : memref<320000xi32, #tpu.memory_space<hbm>> -> memref<40xi32, #tpu.memory_space<hbm>>
      tpu.wait_dma2 semaphore(%arg46 : memref<!tpu.dma_semaphore, #tpu.memory_space<semaphore_mem>>) src(%dma_wait3A_556 : memref<40xi32, #tpu.memory_space<hbm>>) dst(%arg26 : memref<40xi32, #tpu.memory_space<vmem>>)
      %dma_start3A_557 = arith.constant 3 : i32
      %dma_start3A_558 = arith.constant 0 : i32
      %dma_start3A_559 = arith.constant 0 : i32
      %dma_start3A_560 = tpu.memref_slice %arg7[%dma_start3A_557, %dma_start3A_558, %dma_start3A_559] : memref<5x40x128xf32, #tpu.memory_space<vmem>> -> memref<1x40x128xf32, #tpu.memory_space<vmem>>
      %dma_start3A_561 = tpu.memref_squeeze %dma_start3A_560 : memref<1x40x128xf32, #tpu.memory_space<vmem>> -> memref<40x128xf32, #tpu.memory_space<vmem>>
      %dma_start3A_562 = arith.constant 0 : i32
      %dma_start3A_563 = arith.constant 0 : i32
      %dma_start3A_564 = tpu.memref_slice %arg58[%dma_start3A_562, %dma_start3A_563] : memref<10000x128xf32, #tpu.memory_space<vmem_shared>> -> memref<10000x128xf32, #tpu.memory_space<vmem_shared>>
      tpu.enqueue_indirect_dma source(%dma_start3A_561 : memref<40x128xf32, #tpu.memory_space<vmem>>) target(%dma_start3A_564 : memref<10000x128xf32, #tpu.memory_space<vmem_shared>>) offsets(%arg26 : memref<40xi32, #tpu.memory_space<vmem>>) semaphore(%arg56 : memref<!tpu.dma_semaphore, #tpu.memory_space<semaphore_mem>>) {add = true}
      %mul3A_565 = arith.constant 10 : i32
      %mul3A_566 = arith.muli %scan3A_144, %mul3A_565 : i32
      %add3A_567 = arith.constant 9 : i32
      %add3A_568 = arith.addi %mul3A_566, %add3A_567 : i32
      %ge3A_569 = arith.constant 1 : i32
      %ge3A_570 = arith.cmpi sge, %add3A_568, %ge3A_569 : i32
      %convert_element_type3A_571 = arith.extui %ge3A_570 : i1 to i32
      %cond3A_572 = arith.constant 0 : i32
      %cond3A_573 = arith.cmpi ne, %convert_element_type3A_571, %cond3A_572 : i32
      scf.if %cond3A_573 {
        %dma_wait3A_612 = arith.constant 3 : i32
        %dma_wait3A_613 = arith.constant 0 : i32
        %dma_wait3A_614 = arith.constant 0 : i32
        %dma_wait3A_615 = tpu.memref_slice %arg7[%dma_wait3A_612, %dma_wait3A_613, %dma_wait3A_614] : memref<5x40x128xf32, #tpu.memory_space<vmem>> -> memref<1x40x128xf32, #tpu.memory_space<vmem>>
        %dma_wait3A_616 = tpu.memref_squeeze %dma_wait3A_615 : memref<1x40x128xf32, #tpu.memory_space<vmem>> -> memref<40x128xf32, #tpu.memory_space<vmem>>
        %dma_wait3A_617 = arith.constant 0 : i32
        %dma_wait3A_618 = arith.constant 0 : i32
        %dma_wait3A_619 = tpu.memref_slice %arg58[%dma_wait3A_617, %dma_wait3A_618] : memref<10000x128xf32, #tpu.memory_space<vmem_shared>> -> memref<10000x128xf32, #tpu.memory_space<vmem_shared>>
        tpu.wait_indirect_dma semaphore(%arg56 : memref<!tpu.dma_semaphore, #tpu.memory_space<semaphore_mem>>) src(%dma_wait3A_616 : memref<40x128xf32, #tpu.memory_space<vmem>>) dst(%dma_wait3A_619 : memref<10000x128xf32, #tpu.memory_space<vmem_shared>>)
      } else {
      }
      %add3A_574 = arith.constant 10 : i32
      %add3A_575 = arith.addi %add3A_568, %add3A_574 : i32
      %sub3A_576 = arith.constant 1 : i32
      %sub3A_577 = arith.subi %add3A_575, %sub3A_576 : i32
      %lt3A_578 = arith.constant 250 : i32
      %lt3A_579 = arith.cmpi slt, %sub3A_577, %lt3A_578 : i32
      %convert_element_type3A_580 = arith.extui %lt3A_579 : i1 to i32
      %cond3A_581 = arith.constant 0 : i32
      %cond3A_582 = arith.cmpi ne, %convert_element_type3A_580, %cond3A_581 : i32
      scf.if %cond3A_582 {
        %add3A_612 = arith.constant 10 : i32
        %add3A_613 = arith.addi %add3A_568, %add3A_612 : i32
        %sub3A_614 = arith.constant 1 : i32
        %sub3A_615 = arith.subi %add3A_613, %sub3A_614 : i32
        %mul3A_616 = arith.constant 40 : i32
        %mul3A_617 = arith.muli %sub3A_615, %mul3A_616 : i32
        %add3A_618 = arith.addi %mul3A_2, %mul3A_617 : i32
        %multiple_of3A_619 = tpu.assume_multiple %add3A_618, 8 : i32
        %dma_start3A_620 = tpu.memref_slice %arg3[%multiple_of3A_619] : memref<320000xi32, #tpu.memory_space<hbm>> -> memref<40xi32, #tpu.memory_space<hbm>>
        %dma_start3A_621 = tpu.memref_slice %arg3[%multiple_of3A_619] : memref<320000xi32, #tpu.memory_space<hbm>> -> memref<40xi32, #tpu.memory_space<hbm>>
        tpu.enqueue_dma source(%dma_start3A_621 : memref<40xi32, #tpu.memory_space<hbm>>) target(%arg16 : memref<40xi32, #tpu.memory_space<vmem>>) target_semaphore(%arg36 : memref<!tpu.dma_semaphore, #tpu.memory_space<semaphore_mem>>)
        %dma_start3A_622 = tpu.memref_slice %arg4[%multiple_of3A_619] : memref<320000xi32, #tpu.memory_space<hbm>> -> memref<40xi32, #tpu.memory_space<hbm>>
        %dma_start3A_623 = tpu.memref_slice %arg4[%multiple_of3A_619] : memref<320000xi32, #tpu.memory_space<hbm>> -> memref<40xi32, #tpu.memory_space<hbm>>
        tpu.enqueue_dma source(%dma_start3A_623 : memref<40xi32, #tpu.memory_space<hbm>>) target(%arg26 : memref<40xi32, #tpu.memory_space<vmem>>) target_semaphore(%arg46 : memref<!tpu.dma_semaphore, #tpu.memory_space<semaphore_mem>>)
      } else {
      }
      %add3A_583 = arith.constant 4 : i32
      %add3A_584 = arith.addi %add3A_568, %add3A_583 : i32
      %lt3A_585 = arith.constant 250 : i32
      %lt3A_586 = arith.cmpi slt, %add3A_584, %lt3A_585 : i32
      %convert_element_type3A_587 = arith.extui %lt3A_586 : i1 to i32
      %cond3A_588 = arith.constant 0 : i32
      %cond3A_589 = arith.cmpi ne, %convert_element_type3A_587, %cond3A_588 : i32
      scf.if %cond3A_589 {
        %add3A_612 = arith.constant 4 : i32
        %add3A_613 = arith.addi %add3A_568, %add3A_612 : i32
        %mul3A_614 = arith.constant 40 : i32
        %mul3A_615 = arith.muli %add3A_613, %mul3A_614 : i32
        %add3A_616 = arith.addi %mul3A_2, %mul3A_615 : i32
        %multiple_of3A_617 = tpu.assume_multiple %add3A_616, 8 : i32
        %dma_wait3A_618 = tpu.memref_slice %arg3[%multiple_of3A_617] : memref<320000xi32, #tpu.memory_space<hbm>> -> memref<40xi32, #tpu.memory_space<hbm>>
        %dma_wait3A_619 = tpu.memref_slice %arg3[%multiple_of3A_617] : memref<320000xi32, #tpu.memory_space<hbm>> -> memref<40xi32, #tpu.memory_space<hbm>>
        tpu.wait_dma2 semaphore(%arg31 : memref<!tpu.dma_semaphore, #tpu.memory_space<semaphore_mem>>) src(%dma_wait3A_619 : memref<40xi32, #tpu.memory_space<hbm>>) dst(%arg11 : memref<40xi32, #tpu.memory_space<vmem>>)
        %dma_start3A_620 = arith.constant 3 : i32
        %dma_start3A_621 = arith.constant 0 : i32
        %dma_start3A_622 = arith.constant 0 : i32
        %dma_start3A_623 = tpu.memref_slice %arg7[%dma_start3A_620, %dma_start3A_621, %dma_start3A_622] : memref<5x40x128xf32, #tpu.memory_space<vmem>> -> memref<1x40x128xf32, #tpu.memory_space<vmem>>
        %dma_start3A_624 = tpu.memref_squeeze %dma_start3A_623 : memref<1x40x128xf32, #tpu.memory_space<vmem>> -> memref<40x128xf32, #tpu.memory_space<vmem>>
        %dma_start3A_625 = arith.constant 0 : i32
        %dma_start3A_626 = arith.constant 0 : i32
        %dma_start3A_627 = tpu.memref_slice %arg2[%dma_start3A_625, %dma_start3A_626] : memref<10000x128xf32, #tpu.memory_space<hbm>> -> memref<10000x128xf32, #tpu.memory_space<hbm>>
        tpu.enqueue_indirect_dma source(%dma_start3A_627 : memref<10000x128xf32, #tpu.memory_space<hbm>>) target(%dma_start3A_624 : memref<40x128xf32, #tpu.memory_space<vmem>>) offsets(%arg11 : memref<40xi32, #tpu.memory_space<vmem>>) semaphore(%arg51 : memref<!tpu.dma_semaphore, #tpu.memory_space<semaphore_mem>>)
      } else {
      }
      %dma_wait3A_590 = arith.constant 4 : i32
      %dma_wait3A_591 = arith.constant 0 : i32
      %dma_wait3A_592 = arith.constant 0 : i32
      %dma_wait3A_593 = tpu.memref_slice %arg7[%dma_wait3A_590, %dma_wait3A_591, %dma_wait3A_592] : memref<5x40x128xf32, #tpu.memory_space<vmem>> -> memref<1x40x128xf32, #tpu.memory_space<vmem>>
      %dma_wait3A_594 = tpu.memref_squeeze %dma_wait3A_593 : memref<1x40x128xf32, #tpu.memory_space<vmem>> -> memref<40x128xf32, #tpu.memory_space<vmem>>
      %dma_wait3A_595 = arith.constant 0 : i32
      %dma_wait3A_596 = arith.constant 0 : i32
      %dma_wait3A_597 = tpu.memref_slice %arg2[%dma_wait3A_595, %dma_wait3A_596] : memref<10000x128xf32, #tpu.memory_space<hbm>> -> memref<10000x128xf32, #tpu.memory_space<hbm>>
      tpu.wait_indirect_dma semaphore(%arg52 : memref<!tpu.dma_semaphore, #tpu.memory_space<semaphore_mem>>) src(%dma_wait3A_597 : memref<10000x128xf32, #tpu.memory_space<hbm>>) dst(%dma_wait3A_594 : memref<40x128xf32, #tpu.memory_space<vmem>>)
      %mul3A_598 = arith.constant 40 : i32
      %mul3A_599 = arith.muli %add3A_568, %mul3A_598 : i32
      %add3A_600 = arith.addi %mul3A_2, %mul3A_599 : i32
      %multiple_of3A_601 = tpu.assume_multiple %add3A_600, 8 : i32
      %dma_wait3A_602 = tpu.memref_slice %arg4[%multiple_of3A_601] : memref<320000xi32, #tpu.memory_space<hbm>> -> memref<40xi32, #tpu.memory_space<hbm>>
      %dma_wait3A_603 = tpu.memref_slice %arg4[%multiple_of3A_601] : memref<320000xi32, #tpu.memory_space<hbm>> -> memref<40xi32, #tpu.memory_space<hbm>>
      tpu.wait_dma2 semaphore(%arg47 : memref<!tpu.dma_semaphore, #tpu.memory_space<semaphore_mem>>) src(%dma_wait3A_603 : memref<40xi32, #tpu.memory_space<hbm>>) dst(%arg27 : memref<40xi32, #tpu.memory_space<vmem>>)
      %dma_start3A_604 = arith.constant 4 : i32
      %dma_start3A_605 = arith.constant 0 : i32
      %dma_start3A_606 = arith.constant 0 : i32
      %dma_start3A_607 = tpu.memref_slice %arg7[%dma_start3A_604, %dma_start3A_605, %dma_start3A_606] : memref<5x40x128xf32, #tpu.memory_space<vmem>> -> memref<1x40x128xf32, #tpu.memory_space<vmem>>
      %dma_start3A_608 = tpu.memref_squeeze %dma_start3A_607 : memref<1x40x128xf32, #tpu.memory_space<vmem>> -> memref<40x128xf32, #tpu.memory_space<vmem>>
      %dma_start3A_609 = arith.constant 0 : i32
      %dma_start3A_610 = arith.constant 0 : i32
      %dma_start3A_611 = tpu.memref_slice %arg58[%dma_start3A_609, %dma_start3A_610] : memref<10000x128xf32, #tpu.memory_space<vmem_shared>> -> memref<10000x128xf32, #tpu.memory_space<vmem_shared>>
      tpu.enqueue_indirect_dma source(%dma_start3A_608 : memref<40x128xf32, #tpu.memory_space<vmem>>) target(%dma_start3A_611 : memref<10000x128xf32, #tpu.memory_space<vmem_shared>>) offsets(%arg27 : memref<40xi32, #tpu.memory_space<vmem>>) semaphore(%arg57 : memref<!tpu.dma_semaphore, #tpu.memory_space<semaphore_mem>>) {add = true}
    }
    %scan3A_125 = arith.constant 25 : i32
    %dma_wait3A_126 = arith.constant 4 : i32
    %dma_wait3A_127 = arith.constant 0 : i32
    %dma_wait3A_128 = arith.constant 0 : i32
    %dma_wait3A_129 = tpu.memref_slice %arg7[%dma_wait3A_126, %dma_wait3A_127, %dma_wait3A_128] : memref<5x40x128xf32, #tpu.memory_space<vmem>> -> memref<1x40x128xf32, #tpu.memory_space<vmem>>
    %dma_wait3A_130 = tpu.memref_squeeze %dma_wait3A_129 : memref<1x40x128xf32, #tpu.memory_space<vmem>> -> memref<40x128xf32, #tpu.memory_space<vmem>>
    %dma_wait3A_131 = arith.constant 0 : i32
    %dma_wait3A_132 = arith.constant 0 : i32
    %dma_wait3A_133 = tpu.memref_slice %arg58[%dma_wait3A_131, %dma_wait3A_132] : memref<10000x128xf32, #tpu.memory_space<vmem_shared>> -> memref<10000x128xf32, #tpu.memory_space<vmem_shared>>
    tpu.wait_indirect_dma semaphore(%arg57 : memref<!tpu.dma_semaphore, #tpu.memory_space<semaphore_mem>>) src(%dma_wait3A_130 : memref<40x128xf32, #tpu.memory_space<vmem>>) dst(%dma_wait3A_133 : memref<10000x128xf32, #tpu.memory_space<vmem_shared>>)
    %barrier3A_134 = arith.constant 0 : index
    tpu.barrier barrier_id(%barrier3A_134)
    %mul3A_135 = arith.constant 624 : i32
    %mul3A_136 = arith.muli %arg1, %mul3A_135 : i32
    %mul3A_137 = arith.constant 624 : i32
    %mul3A_138 = arith.muli %arg1, %mul3A_137 : i32
    "tpu.region"() ({
      %run_scoped3A = tpu.sem_alloc : memref<!tpu.dma_semaphore, #tpu.memory_space<semaphore_mem>>
      %dma_start3A_144 = arith.constant 0 : i32
      %dma_start3A_145 = arith.constant 0 : i32
      %dma_start3A_146 = tpu.memref_slice %arg6[%arg0, %dma_start3A_144, %dma_start3A_145] : memref<2x10000x128xf32, #tpu.memory_space<hbm>> -> memref<1x10000x128xf32, #tpu.memory_space<hbm>>
      %dma_start3A_147 = tpu.memref_squeeze %dma_start3A_146 : memref<1x10000x128xf32, #tpu.memory_space<hbm>> -> memref<10000x128xf32, #tpu.memory_space<hbm>>
      %dma_start3A_148 = arith.constant 0 : i32
      %dma_start3A_149 = tpu.memref_slice %dma_start3A_147[%mul3A_138, %dma_start3A_148] : memref<10000x128xf32, #tpu.memory_space<hbm>> -> memref<624x128xf32, #tpu.memory_space<hbm>>
      %dma_start3A_150 = arith.constant 0 : i32
      %dma_start3A_151 = tpu.memref_slice %arg58[%mul3A_136, %dma_start3A_150] : memref<10000x128xf32, #tpu.memory_space<vmem_shared>> -> memref<624x128xf32, #tpu.memory_space<vmem_shared>>
      tpu.enqueue_dma source(%dma_start3A_151 : memref<624x128xf32, #tpu.memory_space<vmem_shared>>) target(%dma_start3A_149 : memref<624x128xf32, #tpu.memory_space<hbm>>) target_semaphore(%run_scoped3A : memref<!tpu.dma_semaphore, #tpu.memory_space<semaphore_mem>>)
      %dma_wait3A_152 = arith.constant 0 : i32
      %dma_wait3A_153 = arith.constant 0 : i32
      %dma_wait3A_154 = tpu.memref_slice %arg6[%arg0, %dma_wait3A_152, %dma_wait3A_153] : memref<2x10000x128xf32, #tpu.memory_space<hbm>> -> memref<1x10000x128xf32, #tpu.memory_space<hbm>>
      %dma_wait3A_155 = tpu.memref_squeeze %dma_wait3A_154 : memref<1x10000x128xf32, #tpu.memory_space<hbm>> -> memref<10000x128xf32, #tpu.memory_space<hbm>>
      %dma_wait3A_156 = arith.constant 0 : i32
      %dma_wait3A_157 = tpu.memref_slice %dma_wait3A_155[%mul3A_138, %dma_wait3A_156] : memref<10000x128xf32, #tpu.memory_space<hbm>> -> memref<624x128xf32, #tpu.memory_space<hbm>>
      %dma_wait3A_158 = arith.constant 0 : i32
      %dma_wait3A_159 = tpu.memref_slice %arg58[%mul3A_136, %dma_wait3A_158] : memref<10000x128xf32, #tpu.memory_space<vmem_shared>> -> memref<624x128xf32, #tpu.memory_space<vmem_shared>>
      tpu.wait_dma2 semaphore(%run_scoped3A : memref<!tpu.dma_semaphore, #tpu.memory_space<semaphore_mem>>) src(%dma_wait3A_159 : memref<624x128xf32, #tpu.memory_space<vmem_shared>>) dst(%dma_wait3A_157 : memref<624x128xf32, #tpu.memory_space<hbm>>)
      tpu.yield
    }) : () -> ()
    %eq3A_139 = arith.constant 15 : i32
    %eq3A_140 = arith.cmpi eq, %arg1, %eq3A_139 : i32
    %convert_element_type3A_141 = arith.extui %eq3A_140 : i1 to i32
    %cond3A_142 = arith.constant 0 : i32
    %cond3A_143 = arith.cmpi ne, %convert_element_type3A_141, %cond3A_142 : i32
    scf.if %cond3A_143 {
      "tpu.region"() ({
        %run_scoped3A = tpu.sem_alloc : memref<!tpu.dma_semaphore, #tpu.memory_space<semaphore_mem>>
        %dma_start3A_144 = arith.constant 0 : i32
        %dma_start3A_145 = arith.constant 0 : i32
        %dma_start3A_146 = tpu.memref_slice %arg6[%arg0, %dma_start3A_144, %dma_start3A_145] : memref<2x10000x128xf32, #tpu.memory_space<hbm>> -> memref<1x10000x128xf32, #tpu.memory_space<hbm>>
        %dma_start3A_147 = tpu.memref_squeeze %dma_start3A_146 : memref<1x10000x128xf32, #tpu.memory_space<hbm>> -> memref<10000x128xf32, #tpu.memory_space<hbm>>
        %dma_start3A_148 = arith.constant 9984 : i32
        %dma_start3A_149 = arith.constant 0 : i32
        %dma_start3A_150 = tpu.memref_slice %dma_start3A_147[%dma_start3A_148, %dma_start3A_149] : memref<10000x128xf32, #tpu.memory_space<hbm>> -> memref<16x128xf32, #tpu.memory_space<hbm>>
        %dma_start3A_151 = arith.constant 9984 : i32
        %dma_start3A_152 = arith.constant 0 : i32
        %dma_start3A_153 = tpu.memref_slice %arg58[%dma_start3A_151, %dma_start3A_152] : memref<10000x128xf32, #tpu.memory_space<vmem_shared>> -> memref<16x128xf32, #tpu.memory_space<vmem_shared>>
        tpu.enqueue_dma source(%dma_start3A_153 : memref<16x128xf32, #tpu.memory_space<vmem_shared>>) target(%dma_start3A_150 : memref<16x128xf32, #tpu.memory_space<hbm>>) target_semaphore(%run_scoped3A : memref<!tpu.dma_semaphore, #tpu.memory_space<semaphore_mem>>)
        %dma_wait3A_154 = arith.constant 0 : i32
        %dma_wait3A_155 = arith.constant 0 : i32
        %dma_wait3A_156 = tpu.memref_slice %arg6[%arg0, %dma_wait3A_154, %dma_wait3A_155] : memref<2x10000x128xf32, #tpu.memory_space<hbm>> -> memref<1x10000x128xf32, #tpu.memory_space<hbm>>
        %dma_wait3A_157 = tpu.memref_squeeze %dma_wait3A_156 : memref<1x10000x128xf32, #tpu.memory_space<hbm>> -> memref<10000x128xf32, #tpu.memory_space<hbm>>
        %dma_wait3A_158 = arith.constant 9984 : i32
        %dma_wait3A_159 = arith.constant 0 : i32
        %dma_wait3A_160 = tpu.memref_slice %dma_wait3A_157[%dma_wait3A_158, %dma_wait3A_159] : memref<10000x128xf32, #tpu.memory_space<hbm>> -> memref<16x128xf32, #tpu.memory_space<hbm>>
        %dma_wait3A_161 = arith.constant 9984 : i32
        %dma_wait3A_162 = arith.constant 0 : i32
        %dma_wait3A_163 = tpu.memref_slice %arg58[%dma_wait3A_161, %dma_wait3A_162] : memref<10000x128xf32, #tpu.memory_space<vmem_shared>> -> memref<16x128xf32, #tpu.memory_space<vmem_shared>>
        tpu.wait_dma2 semaphore(%run_scoped3A : memref<!tpu.dma_semaphore, #tpu.memory_space<semaphore_mem>>) src(%dma_wait3A_163 : memref<16x128xf32, #tpu.memory_space<vmem_shared>>) dst(%dma_wait3A_160 : memref<16x128xf32, #tpu.memory_space<hbm>>)
        tpu.yield
      }) : () -> ()
    } else {
    }
    return
  }
}

module attributes {stable_mosaic.version = 14 : i64} {
  func.func @_l1_body(%arg0: memref<10000x128xf32, #tpu.memory_space<vmem>>, %arg1: memref<128x128xf32, #tpu.memory_space<vmem>>, %arg2: memref<2x10000x128xf32, #tpu.memory_space<vmem>>, %arg3: memref<10000x128xf32, #tpu.memory_space<vmem>>) attributes {dimension_semantics = [], scalar_prefetch = 0 : i64, scratch_operands = 0 : i64, tpu.core_type = #tpu.core_type<tc>} {
    %get3A = arith.constant 0 : index
    %get3A_0 = arith.constant 0 : index
    %get3A_1 = arith.constant 0 : index
    %get3A_2 = vector.load %arg2[%get3A, %get3A_0, %get3A_1] : memref<2x10000x128xf32, #tpu.memory_space<vmem>>, vector<1x10000x128xf32>
    %get3A_3 = vector.shape_cast %get3A_2 : vector<1x10000x128xf32> to vector<10000x128xf32>
    %get3A_4 = arith.constant 1 : index
    %get3A_5 = arith.constant 0 : index
    %get3A_6 = arith.constant 0 : index
    %get3A_7 = vector.load %arg2[%get3A_4, %get3A_5, %get3A_6] : memref<2x10000x128xf32, #tpu.memory_space<vmem>>, vector<1x10000x128xf32>
    %get3A_8 = vector.shape_cast %get3A_7 : vector<1x10000x128xf32> to vector<10000x128xf32>
    %add3A = arith.addf %get3A_3, %get3A_8 : vector<10000x128xf32>
    %add3A_9 = arith.constant 1.000000e+00 : f32
    %add3A_10 = vector.broadcast %add3A_9 : f32 to vector<10000x128xf32>
    %add3A_11 = arith.addf %add3A, %add3A_10 : vector<10000x128xf32>
    %rsqrt3A = math.rsqrt %add3A_11 : vector<10000x128xf32>
    %slice3A = vector.extract_strided_slice %rsqrt3A {offsets = [0, 0], sizes = [10000, 1], strides = [1, 1]} : vector<10000x128xf32> to vector<10000x1xf32>
    %get3A_12 = arith.constant 0 : index
    %get3A_13 = arith.constant 0 : index
    %get3A_14 = vector.load %arg0[%get3A_12, %get3A_13] : memref<10000x128xf32, #tpu.memory_space<vmem>>, vector<10000x128xf32>
    %get3A_15 = arith.constant 0 : index
    %get3A_16 = arith.constant 0 : index
    %get3A_17 = vector.load %arg1[%get3A_15, %get3A_16] : memref<128x128xf32, #tpu.memory_space<vmem>>, vector<128x128xf32>
    %dot_general3A = arith.constant dense<0.000000e+00> : vector<10000x128xf32>
    %dot_general3A_18 = tpu.matmul %get3A_14, %get3A_17, %dot_general3A {dimension_numbers = #tpu.dot_dimension_numbers<[1], [0], [0], [1], [0, 0, 1, 1], [], []>, transpose_lhs_hint = false} : vector<10000x128xf32>, vector<128x128xf32>, vector<10000x128xf32> -> vector<10000x128xf32>
    %mul3A = vector.broadcast %slice3A : vector<10000x1xf32> to vector<10000x128xf32>
    %mul3A_19 = arith.mulf %dot_general3A_18, %mul3A : vector<10000x128xf32>
    %swap3A = arith.constant 0 : index
    %swap3A_20 = arith.constant 0 : index
    %swap3A_21 = vector.load %arg3[%swap3A, %swap3A_20] : memref<10000x128xf32, #tpu.memory_space<vmem>>, vector<10000x128xf32>
    tpu.vector_store %arg3[%swap3A, %swap3A_20], %mul3A_19 {strides = array<i32>} : memref<10000x128xf32, #tpu.memory_space<vmem>>, vector<10000x128xf32>,
    return
  }
}

module attributes {stable_mosaic.version = 14 : i64} {
  func.func @_l2_body(%arg0: memref<2x10000x128xf32, #tpu.memory_space<vmem>>, %arg1: memref<10000x128xf32, #tpu.memory_space<vmem>>, %arg2: memref<2x10000x128xf32, #tpu.memory_space<vmem>>, %arg3: memref<128xf32, #tpu.memory_space<vmem>>, %arg4: memref<128x128xf32, #tpu.memory_space<vmem>>, %arg5: memref<10000x128xf32, #tpu.memory_space<vmem>>) attributes {dimension_semantics = [], scalar_prefetch = 0 : i64, scratch_operands = 0 : i64, tpu.core_type = #tpu.core_type<tc>} {
    %get3A = arith.constant 0 : index
    %get3A_0 = arith.constant 0 : index
    %get3A_1 = arith.constant 0 : index
    %get3A_2 = vector.load %arg2[%get3A, %get3A_0, %get3A_1] : memref<2x10000x128xf32, #tpu.memory_space<vmem>>, vector<1x10000x128xf32>
    %get3A_3 = vector.shape_cast %get3A_2 : vector<1x10000x128xf32> to vector<10000x128xf32>
    %get3A_4 = arith.constant 1 : index
    %get3A_5 = arith.constant 0 : index
    %get3A_6 = arith.constant 0 : index
    %get3A_7 = vector.load %arg2[%get3A_4, %get3A_5, %get3A_6] : memref<2x10000x128xf32, #tpu.memory_space<vmem>>, vector<1x10000x128xf32>
    %get3A_8 = vector.shape_cast %get3A_7 : vector<1x10000x128xf32> to vector<10000x128xf32>
    %add3A = arith.addf %get3A_3, %get3A_8 : vector<10000x128xf32>
    %add3A_9 = arith.constant 1.000000e+00 : f32
    %add3A_10 = vector.broadcast %add3A_9 : f32 to vector<10000x128xf32>
    %add3A_11 = arith.addf %add3A, %add3A_10 : vector<10000x128xf32>
    %rsqrt3A = math.rsqrt %add3A_11 : vector<10000x128xf32>
    %slice3A = vector.extract_strided_slice %rsqrt3A {offsets = [0, 0], sizes = [10000, 1], strides = [1, 1]} : vector<10000x128xf32> to vector<10000x1xf32>
    %get3A_12 = arith.constant 0 : index
    %get3A_13 = arith.constant 0 : index
    %get3A_14 = arith.constant 0 : index
    %get3A_15 = vector.load %arg0[%get3A_12, %get3A_13, %get3A_14] : memref<2x10000x128xf32, #tpu.memory_space<vmem>>, vector<1x10000x128xf32>
    %get3A_16 = vector.shape_cast %get3A_15 : vector<1x10000x128xf32> to vector<10000x128xf32>
    %get3A_17 = arith.constant 1 : index
    %get3A_18 = arith.constant 0 : index
    %get3A_19 = arith.constant 0 : index
    %get3A_20 = vector.load %arg0[%get3A_17, %get3A_18, %get3A_19] : memref<2x10000x128xf32, #tpu.memory_space<vmem>>, vector<1x10000x128xf32>
    %get3A_21 = vector.shape_cast %get3A_20 : vector<1x10000x128xf32> to vector<10000x128xf32>
    %add3A_22 = arith.addf %get3A_16, %get3A_21 : vector<10000x128xf32>
    %get3A_23 = arith.constant 0 : index
    %get3A_24 = arith.constant 0 : index
    %get3A_25 = vector.load %arg1[%get3A_23, %get3A_24] : memref<10000x128xf32, #tpu.memory_space<vmem>>, vector<10000x128xf32>
    %add3A_26 = arith.addf %add3A_22, %get3A_25 : vector<10000x128xf32>
    %mul3A = vector.broadcast %slice3A : vector<10000x1xf32> to vector<10000x128xf32>
    %mul3A_27 = arith.mulf %mul3A, %add3A_26 : vector<10000x128xf32>
    %get3A_28 = arith.constant 0 : index
    %get3A_29 = vector.load %arg3[%get3A_28] : memref<128xf32, #tpu.memory_space<vmem>>, vector<128xf32>
    %broadcast_in_dim3A = vector.shape_cast %get3A_29 : vector<128xf32> to vector<1x128xf32>
    %add3A_30 = vector.broadcast %broadcast_in_dim3A : vector<1x128xf32> to vector<10000x128xf32>
    %add3A_31 = arith.addf %mul3A_27, %add3A_30 : vector<10000x128xf32>
    %max3A = arith.constant 0.000000e+00 : f32
    %max3A_32 = vector.broadcast %max3A : f32 to vector<10000x128xf32>
    %max3A_33 = arith.maximumf %add3A_31, %max3A_32 : vector<10000x128xf32>
    %get3A_34 = arith.constant 0 : index
    %get3A_35 = arith.constant 0 : index
    %get3A_36 = vector.load %arg4[%get3A_34, %get3A_35] : memref<128x128xf32, #tpu.memory_space<vmem>>, vector<128x128xf32>
    %dot_general3A = arith.constant dense<0.000000e+00> : vector<10000x128xf32>
    %dot_general3A_37 = tpu.matmul %max3A_33, %get3A_36, %dot_general3A {dimension_numbers = #tpu.dot_dimension_numbers<[1], [0], [0], [1], [0, 0, 1, 1], [], []>, transpose_lhs_hint = false} : vector<10000x128xf32>, vector<128x128xf32>, vector<10000x128xf32> -> vector<10000x128xf32>
    %mul3A_38 = vector.broadcast %slice3A : vector<10000x1xf32> to vector<10000x128xf32>
    %mul3A_39 = arith.mulf %dot_general3A_37, %mul3A_38 : vector<10000x128xf32>
    %swap3A = arith.constant 0 : index
    %swap3A_40 = arith.constant 0 : index
    %swap3A_41 = vector.load %arg5[%swap3A, %swap3A_40] : memref<10000x128xf32, #tpu.memory_space<vmem>>, vector<10000x128xf32>
    tpu.vector_store %arg5[%swap3A, %swap3A_40], %mul3A_39 {strides = array<i32>} : memref<10000x128xf32, #tpu.memory_space<vmem>>, vector<10000x128xf32>,
    return
  }
}

module attributes {stable_mosaic.version = 14 : i64} {
  func.func @_fin_body(%arg0: memref<2x10000x128xf32, #tpu.memory_space<vmem>>, %arg1: memref<10000x128xf32, #tpu.memory_space<vmem>>, %arg2: memref<2x10000x128xf32, #tpu.memory_space<vmem>>, %arg3: memref<128xf32, #tpu.memory_space<vmem>>, %arg4: memref<1x10000xi32, #tpu.memory_space<vmem>>, %arg5: memref<128x8xf32, #tpu.memory_space<vmem>>, %arg6: memref<8xf32, #tpu.memory_space<vmem>>, %arg7: memref<64x8xf32, #tpu.memory_space<vmem>>) attributes {dimension_semantics = [], scalar_prefetch = 0 : i64, scratch_operands = 0 : i64, tpu.core_type = #tpu.core_type<tc>} {
    %get3A = arith.constant 0 : index
    %get3A_0 = arith.constant 0 : index
    %get3A_1 = arith.constant 0 : index
    %get3A_2 = vector.load %arg2[%get3A, %get3A_0, %get3A_1] : memref<2x10000x128xf32, #tpu.memory_space<vmem>>, vector<1x10000x128xf32>
    %get3A_3 = vector.shape_cast %get3A_2 : vector<1x10000x128xf32> to vector<10000x128xf32>
    %get3A_4 = arith.constant 1 : index
    %get3A_5 = arith.constant 0 : index
    %get3A_6 = arith.constant 0 : index
    %get3A_7 = vector.load %arg2[%get3A_4, %get3A_5, %get3A_6] : memref<2x10000x128xf32, #tpu.memory_space<vmem>>, vector<1x10000x128xf32>
    %get3A_8 = vector.shape_cast %get3A_7 : vector<1x10000x128xf32> to vector<10000x128xf32>
    %add3A = arith.addf %get3A_3, %get3A_8 : vector<10000x128xf32>
    %add3A_9 = arith.constant 1.000000e+00 : f32
    %add3A_10 = vector.broadcast %add3A_9 : f32 to vector<10000x128xf32>
    %add3A_11 = arith.addf %add3A, %add3A_10 : vector<10000x128xf32>
    %rsqrt3A = math.rsqrt %add3A_11 : vector<10000x128xf32>
    %slice3A = vector.extract_strided_slice %rsqrt3A {offsets = [0, 0], sizes = [10000, 1], strides = [1, 1]} : vector<10000x128xf32> to vector<10000x1xf32>
    %get3A_12 = arith.constant 0 : index
    %get3A_13 = arith.constant 0 : index
    %get3A_14 = arith.constant 0 : index
    %get3A_15 = vector.load %arg0[%get3A_12, %get3A_13, %get3A_14] : memref<2x10000x128xf32, #tpu.memory_space<vmem>>, vector<1x10000x128xf32>
    %get3A_16 = vector.shape_cast %get3A_15 : vector<1x10000x128xf32> to vector<10000x128xf32>
    %get3A_17 = arith.constant 1 : index
    %get3A_18 = arith.constant 0 : index
    %get3A_19 = arith.constant 0 : index
    %get3A_20 = vector.load %arg0[%get3A_17, %get3A_18, %get3A_19] : memref<2x10000x128xf32, #tpu.memory_space<vmem>>, vector<1x10000x128xf32>
    %get3A_21 = vector.shape_cast %get3A_20 : vector<1x10000x128xf32> to vector<10000x128xf32>
    %add3A_22 = arith.addf %get3A_16, %get3A_21 : vector<10000x128xf32>
    %get3A_23 = arith.constant 0 : index
    %get3A_24 = arith.constant 0 : index
    %get3A_25 = vector.load %arg1[%get3A_23, %get3A_24] : memref<10000x128xf32, #tpu.memory_space<vmem>>, vector<10000x128xf32>
    %add3A_26 = arith.addf %add3A_22, %get3A_25 : vector<10000x128xf32>
    %mul3A = vector.broadcast %slice3A : vector<10000x1xf32> to vector<10000x128xf32>
    %mul3A_27 = arith.mulf %mul3A, %add3A_26 : vector<10000x128xf32>
    %get3A_28 = arith.constant 0 : index
    %get3A_29 = vector.load %arg3[%get3A_28] : memref<128xf32, #tpu.memory_space<vmem>>, vector<128xf32>
    %broadcast_in_dim3A = vector.shape_cast %get3A_29 : vector<128xf32> to vector<1x128xf32>
    %add3A_30 = vector.broadcast %broadcast_in_dim3A : vector<1x128xf32> to vector<10000x128xf32>
    %add3A_31 = arith.addf %mul3A_27, %add3A_30 : vector<10000x128xf32>
    %iota3A = tpu.iota {dimensions = array<i32: 0>} : vector<64x10000xi32>
    %get3A_32 = arith.constant 0 : index
    %get3A_33 = arith.constant 0 : index
    %get3A_34 = vector.load %arg4[%get3A_32, %get3A_33] : memref<1x10000xi32, #tpu.memory_space<vmem>>, vector<1x10000xi32>
    %eq3A = vector.broadcast %get3A_34 : vector<1x10000xi32> to vector<64x10000xi32>
    %eq3A_35 = arith.cmpi eq, %iota3A, %eq3A : vector<64x10000xi32>
    %convert_element_type3A = arith.extui %eq3A_35 : vector<64x10000xi1> to vector<64x10000xi32>
    %convert_element_type3A_36 = arith.sitofp %convert_element_type3A : vector<64x10000xi32> to vector<64x10000xf32>
    %dot_general3A = arith.constant dense<0.000000e+00> : vector<64x128xf32>
    %dot_general3A_37 = tpu.matmul %convert_element_type3A_36, %add3A_31, %dot_general3A {dimension_numbers = #tpu.dot_dimension_numbers<[1], [0], [0], [1], [0, 0, 1, 1], [], []>, transpose_lhs_hint = false} : vector<64x10000xf32>, vector<10000x128xf32>, vector<64x128xf32> -> vector<64x128xf32>
    %reduce_sum3A = arith.constant dense<0.000000e+00> : vector<64xf32>
    %reduce_sum3A_38 = vector.multi_reduction <add>, %convert_element_type3A_36, %reduce_sum3A [1] : vector<64x10000xf32> to vector<64xf32>
    %broadcast_in_dim3A_39 = vector.shape_cast %reduce_sum3A_38 : vector<64xf32> to vector<64x1xf32>
    %max3A = arith.constant 1.000000e+00 : f32
    %max3A_40 = vector.broadcast %max3A : f32 to vector<64x1xf32>
    %max3A_41 = arith.maximumf %broadcast_in_dim3A_39, %max3A_40 : vector<64x1xf32>
    %div3A = vector.broadcast %max3A_41 : vector<64x1xf32> to vector<64x128xf32>
    %div3A_42 = arith.divf %dot_general3A_37, %div3A : vector<64x128xf32>
    %get3A_43 = arith.constant 0 : index
    %get3A_44 = arith.constant 0 : index
    %get3A_45 = vector.load %arg5[%get3A_43, %get3A_44] : memref<128x8xf32, #tpu.memory_space<vmem>>, vector<128x8xf32>
    %dot_general3A_46 = arith.constant dense<0.000000e+00> : vector<64x8xf32>
    %dot_general3A_47 = tpu.matmul %div3A_42, %get3A_45, %dot_general3A_46 {dimension_numbers = #tpu.dot_dimension_numbers<[1], [0], [0], [1], [0, 0, 1, 1], [], []>, transpose_lhs_hint = false} : vector<64x128xf32>, vector<128x8xf32>, vector<64x8xf32> -> vector<64x8xf32>
    %get3A_48 = arith.constant 0 : index
    %get3A_49 = vector.load %arg6[%get3A_48] : memref<8xf32, #tpu.memory_space<vmem>>, vector<8xf32>
    %broadcast_in_dim3A_50 = vector.shape_cast %get3A_49 : vector<8xf32> to vector<1x8xf32>
    %add3A_51 = vector.broadcast %broadcast_in_dim3A_50 : vector<1x8xf32> to vector<64x8xf32>
    %add3A_52 = arith.addf %dot_general3A_47, %add3A_51 : vector<64x8xf32>
    %swap3A = arith.constant 0 : index
    %swap3A_53 = arith.constant 0 : index
    %swap3A_54 = vector.load %arg7[%swap3A, %swap3A_53] : memref<64x8xf32, #tpu.memory_space<vmem>>, vector<64x8xf32>
    tpu.vector_store %arg7[%swap3A, %swap3A_53], %add3A_52 {strides = array<i32>} : memref<64x8xf32, #tpu.memory_space<vmem>>, vector<64x8xf32>,
    return
  }
}

</mosaic_0001>

<sc_bundles>
// kernel: kernel.11.cloned.1.call-start
scs
__scs_entry_jumppad:
0x0: {  	(pc) =	sbr.rel $0x88, $3  }
0x1: {  	(tag) =	ssettag $0x0;
	lr =	simm.s32 $0x1  }
0x2: {  	[smem:$0x3F98] =	sst lr;
	_ =	strace $0xD0000000  }
0x3: {  	_ = 	snop  }
0x4: {  	_ = 	snop  }
0x5: {  	_ = 	snop  }
0x6: {  	_ = 	snop  }
0x7: {  	_ = 	snop  }
__scs_overlays_trampoline_lowered:
0x8: {  	[smem:$0x3FA7] =	sst s0  }
0x9: {  	[smem:$0x3FA8] =	sst s1  }
0xa: {  	[smem:$0x3FA9] =	sst s2  }
0xb: {  	[smem:$0x3FAA] =	sst s3  }
0xc: {  	[smem:$0x3FAB] =	sst s4  }
0xd: {  	[smem:$0x3FAC] =	sst s5  }
0xe: {  	[smem:$0x3FAD] =	sst s6  }
0xf: {  	[smem:$0x3FAE] =	sst s7  }
0x10: {  	[smem:$0x3FAF] =	sst s8  }
0x11: {  	[smem:$0x3FB0] =	sst s9;
	s0 =	simm.s32 @!p0 $0x0  }
0x12: {  	s1 =	sld [smem:$0x3F96];
	s0 =	simm.s32 @p0 $0x1  }
0x13: {  	[smem:$0x3FB1] =	sst s0;
	s0 =	simm.s32 @!p1 $0x0  }
0x14: {  	s2 =	sld [smem:$0x3F95];
	s0 =	simm.s32 @p1 $0x1  }
0x15: {  	[smem:$0x3FB2] =	sst s0;
	s0 =	simm.s32 @!p2 $0x0  }
0x16: {  	s3 =	sld [smem:$0x3FDB];
	s0 =	simm.s32 @p2 $0x1  }
0x17: {  	s4 =	simm.s32 $0x1BF5;
	[smem:$0x3FB4] =	sst s0  }
0x18: {  	s0 =	sld [smem:$0x3F97];
	_ =	swait.ge [sflag:s4], $0x0  }
0x19: {  	s7 =	sld [smem:$0x3F98]  }
0x1a: {  	s8 =	sadd.s32 $0xFFFFE003, lr  }
0x1b: {  	s9 =	sadd.s32 $0xFFFFFEF7, lr;
	s5 =	simm.s32 $0xFFFFFFFF;
	p2 =	slt.u32 s8, $0xFFFFF086  }
0x1c: {  	p1 =	slt.u32 s9, $0xF7A;
	s5 =	simm.s32 @!p2 $0x0  }
0x1d: {  	s5 =	simm.s32 @p1 $0x1;
	p0 =	seq.s32 s7, s2  }
0x1e: {  	s7 =	smul.u32 @!p0 $0xF7A, s2;
	p2 =	seq.s32 @!p0 s5, $0x0  }
0x1f: {  	s9 =	smul.u32 $0xF7A, s1;
	s8 =	simm.s32 @!p0 $0x1BF5;
	p2 =	por !p2, p0  }
0x20: {  	[sflag:s8] =	ssyncset.s32 @!p0 $0xFFFFF086;
	s6 =	sadd.s32 @!p0 s3, s7;
	s7 =	simm.s32 @!p0 $0x108  }
0x21: {  	s3 =	sadd.s32 s3, s9;
	s6 =	sadd.s32 @!p0 $0x88, s6;
	s7 =	simm.s32 @p2 $0x1082  }
0x22: {  	[simem:s7], [sflag:s8] =	dma.local @!p0 [hbm:s6], $0xF7A  }
0x23: {  	s9 =	sor.u32 $0xD0000000, s2;
	s6 =	simm.s32 $0x108;
	_ =	swait.ge @!p0 [sflag:s8], $0x0  }
0x24: {  	s3 =	sadd.s32 $0x88, s3;
	s6 =	simm.s32 @!p1 $0x1082;
	[sflag:s4] =	ssyncset.s32 $0xFFFFF086  }
0x25: {  	[simem:s6], [sflag:s4] =	dma.local [hbm:s3], $0xF7A  }
0x26: {  	[smem:$0x3F98] =	sst s1;
	(tag) =	ssettag s2;
	_ =	strace s9  }
0x27: {  	s1 =	sld [smem:$0x3FA8]  }
0x28: {  	s2 =	sld [smem:$0x3FA9]  }
0x29: {  	s4 =	sld [smem:$0x3FAB]  }
0x2a: {  	p0 =	seq.s32 s5, $0x0;
	s5 =	sld [smem:$0x3FAC]  }
0x2b: {  	s6 =	sld [smem:$0x3FAD]  }
0x2c: {  	s7 =	sld [smem:$0x3FAE]  }
0x2d: {  	s3 =	simm.s32 $0x108;
	s8 =	sld [smem:$0x3FAF]  }
0x2e: {  	s3 =	simm.s32 @!p0 $0x1082;
	s9 =	sld [smem:$0x3FB0]  }
0x2f: {  	lr =	sadd.s32 s0, s3;
	s0 =	sld [smem:$0x3FA7]  }
0x30: {  	s3 =	sld [smem:$0x3FAA]  }
0x31: {  	[smem:$0x3FB3] =	sst s10  }
0x32: {  	s10 =	sld [smem:$0x3FB1];
	_ =	sdelay $0x3  }
0x33: {  	p0 =	seq.s32 s10, $0x1;
	s10 =	sld [smem:$0x3FB3];
	_ =	sdelay $0x3  }
0x34: {  	[smem:$0x3FB3] =	sst s10  }
0x35: {  	s10 =	sld [smem:$0x3FB2];
	_ =	sdelay $0x3  }
0x36: {  	p1 =	seq.s32 s10, $0x1;
	s10 =	sld [smem:$0x3FB3];
	_ =	sdelay $0x3  }
0x37: {  	[smem:$0x3FB3] =	sst s10  }
0x38: {  	s10 =	sld [smem:$0x3FB4]  }
0x39: {  	_ = 	snop;
	(pc) =	sbr.ind lr, $3  }
0x3a: {  	_ = 	snop  }
0x3b: {  	_ = 	snop  }
0x3c: {  	p2 =	seq.s32 s10, $0x1;
	s10 =	sld [smem:$0x3FB3]  }
0x3d: {  	_ =	shalt  }
0x3e: {  	_ =	shalt  }
0x3f: {  	_ =	shalt  }
0x40: {  	_ =	shalt  }
0x41: {  	_ =	shalt  }
0x42: {  	_ =	shalt  }
0x43: {  	_ =	shalt  }
0x44: {  	_ =	shalt  }
0x45: {  	_ =	shalt  }
0x46: {  	_ =	shalt  }
0x47: {  	_ =	shalt  }
0x48: {  	_ =	shalt  }
0x49: {  	_ =	shalt  }
0x4a: {  	_ =	shalt  }
0x4b: {  	_ =	shalt  }
0x4c: {  	_ =	shalt  }
0x4d: {  	_ =	shalt  }
0x4e: {  	_ =	shalt  }
0x4f: {  	_ =	shalt  }
0x50: {  	_ =	shalt  }
0x51: {  	_ =	shalt  }
0x52: {  	_ =	shalt  }
0x53: {  	_ =	shalt  }
0x54: {  	_ =	shalt  }
0x55: {  	_ =	shalt  }
0x56: {  	_ =	shalt  }
0x57: {  	_ =	shalt  }
0x58: {  	_ =	shalt  }
0x59: {  	_ =	shalt  }
0x5a: {  	_ =	shalt  }
0x5b: {  	_ =	shalt  }
0x5c: {  	_ =	shalt  }
0x5d: {  	_ =	shalt  }
0x5e: {  	_ =	shalt  }
0x5f: {  	_ =	shalt  }
0x60: {  	_ =	shalt  }
0x61: {  	_ =	shalt  }
0x62: {  	_ =	shalt  }
0x63: {  	_ =	shalt  }
0x64: {  	_ =	shalt  }
0x65: {  	_ =	shalt  }
0x66: {  	_ =	shalt  }
0x67: {  	_ =	shalt  }
0x68: {  	_ =	shalt  }
0x69: {  	_ =	shalt  }
0x6a: {  	_ =	shalt  }
0x6b: {  	_ =	shalt  }
0x6c: {  	_ =	shalt  }
0x6d: {  	_ =	shalt  }
0x6e: {  	_ =	shalt  }
0x6f: {  	_ =	shalt  }
0x70: {  	_ =	shalt  }
0x71: {  	_ =	shalt  }
0x72: {  	_ =	shalt  }
0x73: {  	_ =	shalt  }
0x74: {  	_ =	shalt  }
0x75: {  	_ =	shalt  }
0x76: {  	_ =	shalt  }
0x77: {  	_ =	shalt  }
0x78: {  	_ =	shalt  }
0x79: {  	_ =	shalt  }
0x7a: {  	_ =	shalt  }
0x7b: {  	_ =	shalt  }
0x7c: {  	_ =	shalt  }
0x7d: {  	_ =	shalt  }
0x7e: {  	_ =	shalt  }
0x7f: {  	_ =	shalt  }
0x80: {  	_ =	shalt  }
0x81: {  	_ =	shalt  }
0x82: {  	_ =	shalt  }
0x83: {  	_ =	shalt  }
0x84: {  	_ =	shalt  }
0x85: {  	_ =	shalt  }
0x86: {  	_ =	shalt  }
0x87: {  	_ =	shalt  }
.Lfunc_end0:
.L_simem_size_0:
called_computation.1_lowered:
.L_overlay_start_0:
0x88: {  	s2 =	sld [smem:$0x3FD9]  }
0x89: {  	s3 =	sld [smem:$0x3FFE];
	_ =	sdelay $0x1  }
0x8a: {  	s1 =	srdreg.scid  }
0x8b: {  	s0 =	sand.u32 $0x1, s1  }
0x8c: {  	s16 =	sshll.u32 s0, $0xA;
	s2 =	sadd.s32 s3, s2  }
0x8d: {  	s2 =	sadd.s32 s2, s16  }
0x8e: {  	[smem:$0x3FBF] =	sst s2  }
0x8f: {  	_ = 	snop  }
0x90: {  	(tm) =	ssettm $0x1  }
0x91: {  	s17 =	sld [smem:$0x3FFB];
	_ =	sdelay $0x3  }
0x92: {  	_ =	strace s17  }
0x93: {  	s2 =	sld [smem:$0x3FFC];
	_ =	sdelay $0x3  }
0x94: {  	_ =	strace s2  }
0x95: {  	s2 =	sld [smem:$0x3FFD];
	_ =	sdelay $0x3  }
0x96: {  	_ =	strace s2  }
0x97: {  	_ =	strace $0x8FFFFFFF  }
0x98: {  	s18 =	sld [smem:$0x3FDB];
	_ =	sdelay $0x1  }
0x99: {  	s19 =	simm.s32 $_scs_section_size  }
0x9a: {  	s4 =	simm.s32 $_size__tile_overlayer_lowered;
	s5 =	simm.s32 $_tile_overlayer_lowered  }
0x9b: {  	s22 =	simm.s32 $0x1BFF;
	s21 =	sshll.u32 s5, $0x1;
	s2 =	sadd.s32 s19, s18  }
0x9c: {  	s6 =	simm.s32 $0x0;
	s20 =	sshll.u32 s4, $0x1;
	s4 =	sadd.s32 s21, s2  }
0x9d: {  	[timem:s6], [sflag:s22] =	dma.local [hbm:s4], s20  }
0x9e: {  	_ =	swait.ge [sflag:s22], s20  }
0x9f: {  	s3 =	ssub.s32 $0x0, s20;
	[sflag:s22] =	ssyncset.done $0x0  }
0xa0: {  	[sflag:s22] =	ssyncadd.s32 s3;
	_ =	sdelay $0x1  }
0xa1: {  	s23 =	simm.s32 $0x1B8B  }
0xa2: {  	_ =	swait.ge [sflag:s23], $0x1  }
0xa3: {  	[sflag:s23] =	ssyncset.done $0x0  }
0xa4: {  	s25 =	simm.s32 $0x1B8E;
	s24 =	sld [smem:$0x3FFE];
	[sflag:s23] =	ssyncadd.s32 $0xFFFFFFFF  }
0xa5: {  	s26 =	simm.s32 $execute0_lowered;
	[smem:$0x3FD2] =	sst s25  }
0xa6: {  	s4 =	sshll.u32 s26, $0x1;
	_ =	strace $0x80000049;
	[dreg:$0x1] =	wrdreg $0xFFFFFFFF  }
0xa7: {  	s28 =	simm.s32 $_size_execute0_lowered;
	s2 =	sadd.s32 s2, s4;
	[dreg:$0x0] =	wrdreg $0x0  }
0xa8: {  	s4 =	sshll.u32 s28, $0x1;
	[dreg:$0x2] =	wrdreg s2  }
0xa9: {  	[dreg:$0x3] =	wrdreg s4  }
0xaa: {  	[dreg:$0x4] =	wrdreg $0xC0  }
0xab: {  	_ =	task [dreg:s6], $0x5FFFF  }
0xac: {  	[dreg:$0x1] =	wrdreg $0xFFFFFFFF  }
0xad: {  	[dreg:$0x0] =	wrdreg $0x60  }
0xae: {  	[dreg:$0x2] =	wrdreg s24  }
0xaf: {  	[dreg:$0x3] =	wrdreg $0x6E000  }
0xb0: {  	[dreg:$0x4] =	wrdreg $0x9  }
0xb1: {  	_ =	task.clear_ibuf [dreg:s6], $0x5FFFF;
	_ =	strace $0x90000049  }
0xb2: {  	s29 =	simm.s32 $0x9;
	_ =	strace $0x8000004B  }
0xb3: {  	_ =	swait.ge [sflag:s29], $0x1  }
0xb4: {  	[sflag:s29] =	ssyncadd.s32 $0xFFFFFFFF  }
0xb5: {  	_ =	strace $0x9000004B  }
0xb6: {  	_ =	sfence  }
0xb7: {  	s30 =	sld [smem:$0x0];
	_ =	sdelay $0x2  }
0xb8: {  	s31 =	sshll.u32 s1, $0xD;
	s1 =	sshrl.u32 s1, $0x2  }
0xb9: {  	s3 =	sand.u32 $0x4000, s31;
	s1 =	sadd.s32 s1, s30  }
0xba: {  	s0 =	sor.u32 s3, s0;
	s1 =	sshll.u32 s1, $0x11  }
0xbb: {  	s0 =	sor.u32 s1, s0  }
0xbc: {  	s0 =	sadd.s32 $0x8F2B, s0  }
0xbd: {  	[sflag:s0] =	ssyncadd.remote.s32 $0x1  }
0xbe: {  	_ =	sfence.sel $0xFFFF  }
0xbf: {  	[dreg:$0x0] =	wrdreg $0xFFFFFFFF;
	(pc) =	sbr.abs _section_cstart, $3  }
0xc0: {  	[dreg:$0x1] =	wrdreg $0xFFFFFFFF  }
0xc1: {  	_ =	task.clear_ibuf [dreg:s6], $0x2FFFF;
	_ =	strace $0x9FFFFFFF  }
0xc2: {  	(tm) =	ssettm $0x7FFFFFFF  }
0xc3: {  	_ =	shalt  }
tec
execute0_lowered:
.L_overlay_start_1:
0x0: {  	(tag) =	ssettag $0x1  }
0x1: {  	s0 =	rddreg [dreg:$0x0]  }
0x2: {  	s2 =	rddreg [dreg:$0x1]  }
0x3: {  	s3 =	simm.s32 $0x0;
	s12 =	stileid.u32;
	s1 =	srdreg.scid  }
0x4: {  	s31 =	simm.s32 $0x1A;
	s30 =	simm.s32 $0x12;
	[smem:$0x7FF] =	sst s3  }
0x5: {  	s6 =	sand.u32 $0x1, s1;
	s20 =	sshll.u32 s12, $0x1;
	s15 =	smul.u32 $0x2700, s12  }
0x6: {  	s13 =	sadd.s32 $0x2E00, s0;
	s14 =	sadd.s32 $0xCC00, s0;
	s24 =	smul.u32 $0x4E20, s12  }
0x7: {  	_ =	strace $0x8000004A;
	s4 =	smul.u32 $0x27100, s6;
	s1 =	sor.u32 s6, s20  }
0x8: {  	s21 =	ssub.s32 $0x2, s6;
	s6 =	smul.u32 $0x2710, s6;
	[dreg:$0x15] =	wrdreg s13  }
0x9: {  	[dreg:$0x16] =	wrdreg s14;
	s7 =	smul.u32 $0x2710, s1;
	s8 =	sshrl.u32 s21, $0x1  }
0xa: {  	[dreg:$0x17] =	wrdreg s15;
	s1 =	sadd.s32 s4, s0;
	s4 =	ssub.s32 s21, s8  }
0xb: {  	s6 =	sadd.s32 s6, s24;
	s5 =	sshrl.u32 s7, $0x3;
	s9 =	sadd.s32 $0x28, s7  }
0xc: {  	s10 =	sadd.s32 $0x78, s7;
	s22 =	sadd.s32 s13, s5;
	s23 =	sshrl.u32 s9, $0x3  }
0xd: {  	s20 =	sadd.s32 $0x2A8, s6;
	[dreg:$0x18] =	wrdreg s22;
	s9 =	sadd.s32 s13, s23  }
0xe: {  	s25 =	sadd.s32 $0xA, s5;
	s8 =	sadd.s32 s14, s23;
	[dreg:$0x19] =	wrdreg s9  }
0xf: {  	s26 =	sshrl.u32 s10, $0x3;
	s11 =	sadd.s32 s13, s25;
	[dreg:$0x1a] =	wrdreg s8  }
0x10: {  	s28 =	sadd.s32 $0x14, s5;
	s10 =	sadd.s32 s13, s26;
	[dreg:$0x1b] =	wrdreg s11  }
0x11: {  	s21 =	sshrl.u32 s20, $0x3;
	s17 =	sadd.s32 s14, s28;
	[dreg:$0x1d] =	wrdreg s10  }
0x12: {  	s29 =	sadd.s32 $0x8C200, s0;
	s22 =	sadd.s32 s21, s14;
	[smem:$0x7EC] =	sst s17  }
0x13: {  	s16 =	sadd.s32 $0x2D0, s6;
	s24 =	sadd.s32 s21, s13;
	[dreg:$0x5] =	wrdreg s22  }
0x14: {  	s18 =	sadd.s32 $0xC8, s7;
	s9 =	sadd.s32 s14, s25;
	[dreg:$0x6] =	wrdreg s24  }
0x15: {  	s23 =	sadd.s32 $0x280, s6;
	s11 =	sadd.s32 s13, s28;
	[dreg:$0x1c] =	wrdreg s9  }
0x16: {  	s8 =	sshrl.u32 s16, $0x3;
	s9 =	sadd.s32 s14, s26;
	[dreg:$0x1f] =	wrdreg s11  }
0x17: {  	s25 =	sshrl.u32 s23, $0x3;
	s19 =	sadd.s32 s8, s14;
	[dreg:$0x1e] =	wrdreg s9  }
0x18: {  	s28 =	sadd.s32 $0x258, s6;
	s8 =	sadd.s32 s8, s13;
	[dreg:$0x3] =	wrdreg s19  }
0x19: {  	s23 =	sadd.s32 $0x208, s6;
	s26 =	sadd.s32 s25, s14;
	[dreg:$0x4] =	wrdreg s8  }
0x1a: {  	s16 =	sadd.s32 s25, s13;
	s17 =	sshrl.u32 s28, $0x3;
	[dreg:$0x7] =	wrdreg s26  }
0x1b: {  	s9 =	sshrl.u32 s18, $0x3;
	[dreg:$0x8] =	wrdreg s16;
	s18 =	sadd.s32 s17, s14  }
0x1c: {  	s25 =	sshrl.u32 s23, $0x3;
	s20 =	sadd.s32 s17, s13;
	[dreg:$0x9] =	wrdreg s18  }
0x1d: {  	s28 =	sadd.s32 $0x1E0, s6;
	s26 =	sadd.s32 s25, s14;
	[dreg:$0xa] =	wrdreg s20  }
0x1e: {  	s10 =	sadd.s32 s25, s13;
	s11 =	sshrl.u32 s28, $0x3;
	[dreg:$0xd] =	wrdreg s26  }
0x1f: {  	p0 =	sne.s32 s12, $0xF;
	[dreg:$0xe] =	wrdreg s10;
	s16 =	sadd.s32 s11, s14  }
0x20: {  	s28 =	sadd.s32 $0x1E, s5;
	s18 =	sadd.s32 s11, s13;
	[dreg:$0xf] =	wrdreg s16  }
0x21: {  	s7 =	sadd.s32 $0x118, s7;
	s10 =	sadd.s32 s13, s28;
	[dreg:$0x10] =	wrdreg s18  }
0x22: {  	s19 =	sadd.s32 $0x230, s6;
	s11 =	sadd.s32 s14, s28;
	[smem:$0x7EF] =	sst s10  }
0x23: {  	s21 =	sshrl.u32 s19, $0x3;
	s28 =	sadd.s32 $0x138000, s2;
	[smem:$0x7F0] =	sst s11  }
0x24: {  	s17 =	sadd.s32 $0x1B8, s6;
	s22 =	sadd.s32 s21, s14;
	[smem:$0x7FC] =	sst s28  }
0x25: {  	s19 =	sshrl.u32 s17, $0x3;
	s24 =	sadd.s32 s21, s13;
	[dreg:$0xb] =	wrdreg s22  }
0x26: {  	s7 =	sshrl.u32 s7, $0x3;
	s20 =	sadd.s32 s19, s14;
	[dreg:$0xc] =	wrdreg s24  }
0x27: {  	s8 =	simm.s32 $0x19;
	s16 =	sadd.s32 s14, s5;
	[dreg:$0x11] =	wrdreg s20  }
0x28: {  	s17 =	smul.u32 $0x4E000, s12;
	s18 =	sadd.s32 s13, s7;
	[smem:$0x7F1] =	sst s16  }
0x29: {  	s21 =	sadd.s32 $0x168, s6;
	s7 =	sadd.s32 s14, s7;
	[smem:$0x7F2] =	sst s18  }
0x2a: {  	s5 =	sadd.s32 $0x28, s5;
	s24 =	sadd.s32 s13, s9;
	[smem:$0x7F3] =	sst s7  }
0x2b: {  	s10 =	simm.s32 $0x0;
	s22 =	sadd.s32 s19, s13;
	[smem:$0x7ED] =	sst s24  }
0x2c: {  	s23 =	sshrl.u32 s21, $0x3;
	s9 =	sadd.s32 s14, s9;
	[dreg:$0x12] =	wrdreg s22  }
0x2d: {  	s19 =	sadd.s32 s13, s5;
	s5 =	sadd.s32 s14, s5;
	[smem:$0x7EE] =	sst s9  }
0x2e: {  	s20 =	sshrl.u32 s17, $0x2;
	s21 =	sadd.s32 s15, s0;
	[smem:$0x7F4] =	sst s19  }
0x2f: {  	s0 =	sadd.s32 $0x3DA00, s0;
	s25 =	sadd.s32 s23, s14;
	[smem:$0x7F5] =	sst s5  }
0x30: {  	s26 =	sadd.s32 s23, s13;
	s5 =	sadd.s32 s20, s2;
	[smem:$0x7F8] =	sst s0  }
0x31: {  	s22 =	sadd.s32 $0x16A00, s21;
	s23 =	sshll.u32 s12, $0x6;
	[dreg:$0x13] =	wrdreg s25  }
0x32: {  	s24 =	sadd.s32 $0xB3400, s1;
	s21 =	simm.s32 $0x6D80;
	[dreg:$0x14] =	wrdreg s26  }
0x33: {  	s14 =	simm.s32 $0x15;
	s13 =	simm.s32 $0x17;
	[smem:$0x7F6] =	sst s5  }
0x34: {  	s12 =	simm.s32 $0x10;
	s0 =	simm.s32 $0x14;
	[smem:$0x7F7] =	sst s22  }
0x35: {  	s7 =	sor.u32 $0x1C1F, s23;
	[smem:$0x7F9] =	sst s24;
	s25 =	smax.u32 s4, $0x1  }
0x36: {  	s26 =	sadd.s32 $0x190, s6;
	s23 =	simm.s32 $0x28;
	[smem:$0x7FA] =	sst s25  }
0x37: {  	s24 =	simm.s32 $0x5000;
	s6 =	simm.s32 $0x1C;
	[smem:$0x7FB] =	sst s26  }
0x38: {  	s4 =	simm.s32 $0x1E;
	s5 =	simm.s32 $0xA;
	[smem:$0x7FD] =	sst s7  }
.LBB2_1:
0x39: {  	[smem:$0x7E9] =	sst s10  }
0x3a: {  	s1 =	rddreg [dreg:$0x18]  }
0x3b: {  	s10 =	simm.s32 $0x6400;
	s11 =	sld [smem:$0x7F1]  }
0x3c: {  	[tilespmem:s10], [sflag:$0x1] =	stream.linear.gather [hbm4b:s1+s3], $0x28, $0x38;
	[tilespmem:$0x1A680] =	vst v63  }
0x3d: {  	s15 =	simm.s32 $0x6900;
	s16 =	rddreg [dreg:$0x19]  }
0x3e: {  	[tilespmem:s15], [sflag:$0xB] =	stream.linear.gather [hbm4b:s11+s3], $0x28, $0x38;
	[tilespmem:$0x1A680] =	vst v63  }
0x3f: {  	s17 =	rddreg [dreg:$0x1a];
	s11 =	simm.s32 $0x6480  }
0x40: {  	[tilespmem:s11], [sflag:$0x2] =	stream.linear.gather [hbm4b:s16+s3], $0x28, $0x38;
	[tilespmem:$0x1A680] =	vst v63  }
0x41: {  	s18 =	simm.s32 $0x6980;
	s19 =	rddreg [dreg:$0x1b]  }
0x42: {  	[tilespmem:s18], [sflag:$0xC] =	stream.linear.gather [hbm4b:s17+s3], $0x28, $0x38;
	[tilespmem:$0x1A680] =	vst v63  }
0x43: {  	s20 =	rddreg [dreg:$0x1c];
	s16 =	simm.s32 $0x6500  }
0x44: {  	[tilespmem:s16], [sflag:$0x3] =	stream.linear.gather [hbm4b:s19+s3], $0x28, $0x38;
	[tilespmem:$0x1A680] =	vst v63  }
0x45: {  	s22 =	rddreg [dreg:$0x1d];
	s19 =	simm.s32 $0x6A00  }
0x46: {  	[tilespmem:s19], [sflag:$0xD] =	stream.linear.gather [hbm4b:s20+s3], $0x28, $0x38;
	[tilespmem:$0x1A680] =	vst v63  }
0x47: {  	s25 =	rddreg [dreg:$0x1e];
	s17 =	simm.s32 $0x6580  }
0x48: {  	[tilespmem:s17], [sflag:$0x4] =	stream.linear.gather [hbm4b:s22+s3], $0x28, $0x38;
	[tilespmem:$0x1A680] =	vst v63  }
0x49: {  	s26 =	rddreg [dreg:$0x1f];
	s20 =	simm.s32 $0x6A80  }
0x4a: {  	[tilespmem:s20], [sflag:$0xE] =	stream.linear.gather [hbm4b:s25+s3], $0x28, $0x38;
	[tilespmem:$0x1A680] =	vst v63  }
0x4b: {  	s28 =	sld [smem:$0x7EC];
	s20 =	simm.s32 $0x6600  }
0x4c: {  	[tilespmem:s20], [sflag:$0x5] =	stream.linear.gather [hbm4b:s26+s3], $0x28, $0x38;
	[tilespmem:$0x1A680] =	vst v63  }
0x4d: {  	s22 =	simm.s32 $0x6B00  }
0x4e: {  	[tilespmem:s22], [sflag:$0xF] =	stream.linear.gather [hbm4b:s28+s3], $0x28, $0x38;
	[tilespmem:$0x1A680] =	vst v63  }
0x4f: {  	s22 =	sld [smem:$0x7ED];
	_ =	sdelay $0x1  }
0x50: {  	s25 =	simm.s32 $0x6680;
	s26 =	sld [smem:$0x7EE]  }
0x51: {  	[tilespmem:s25], [sflag:$0x6] =	stream.linear.gather [hbm4b:s22+s3], $0x28, $0x38;
	[tilespmem:$0x1A680] =	vst v63  }
0x52: {  	s28 =	simm.s32 $0x6B80  }
0x53: {  	[tilespmem:s28], [sflag:$0x10] =	stream.linear.gather [hbm4b:s26+s3], $0x28, $0x38;
	[tilespmem:$0x1A680] =	vst v63  }
0x54: {  	s26 =	sld [smem:$0x7EF];
	_ =	sdelay $0x1  }
0x55: {  	s22 =	sld [smem:$0x7F0];
	s28 =	simm.s32 $0x6700  }
0x56: {  	[tilespmem:s28], [sflag:$0x7] =	stream.linear.gather [hbm4b:s26+s3], $0x28, $0x38;
	[tilespmem:$0x1A680] =	vst v63  }
0x57: {  	s26 =	simm.s32 $0x6C00  }
0x58: {  	[tilespmem:s26], [sflag:$0x11] =	stream.linear.gather [hbm4b:s22+s3], $0x28, $0x38;
	[tilespmem:$0x1A680] =	vst v63  }
0x59: {  	s22 =	sld [smem:$0x7F2];
	_ =	sdelay $0x1  }
0x5a: {  	s1 =	sld [smem:$0x7F3];
	s26 =	simm.s32 $0x6780  }
0x5b: {  	[tilespmem:s26], [sflag:$0x8] =	stream.linear.gather [hbm4b:s22+s3], $0x28, $0x38;
	[tilespmem:$0x1A680] =	vst v63  }
0x5c: {  	s22 =	simm.s32 $0x6C80  }
0x5d: {  	[tilespmem:s22], [sflag:$0x12] =	stream.linear.gather [hbm4b:s1+s3], $0x28, $0x38;
	[tilespmem:$0x1A680] =	vst v63  }
0x5e: {  	s1 =	sld [smem:$0x7F4];
	_ =	sdelay $0x1  }
0x5f: {  	s22 =	simm.s32 $0x6800  }
0x60: {  	[tilespmem:s22], [sflag:$0x9] =	stream.linear.gather [hbm4b:s1+s3], $0x28, $0x38;
	[tilespmem:$0x1A680] =	vst v63  }
0x61: {  	s1 =	sld [smem:$0x7F5];
	_ =	sdelay $0x1  }
0x62: {  	s22 =	simm.s32 $0x6D00  }
0x63: {  	[tilespmem:s22], [sflag:$0x13] =	stream.linear.gather [hbm4b:s1+s3], $0x28, $0x38;
	[tilespmem:$0x1A680] =	vst v63  }
0x64: {  	s22 =	sld [smem:$0x7F6];
	_ =	sdelay $0x1  }
0x65: {  	s1 =	sld [smem:$0x7F7]  }
0x66: {  	s22 =	sshrl.u32 s22, $0x3  }
0x67: {  	s9 =	simm.s32 $0x1F;
	[smem:$0x7EA] =	sst s22  }
0x68: {  	[spmem:s22], [sflag:s7] =	dma.local [hbm:s1], $0x2700  }
0x69: {  	_ =	swait.ge [sflag:s9], $0x2700  }
0x6a: {  	s1 =	sld [smem:$0x7FC];
	_ =	sdelay $0x1  }
0x6b: {  	[sflag:s9] =	ssyncset.done $0x0  }
0x6c: {  	[sflag:s9] =	ssyncadd.s32 $0xFFFFD900;
	s9 =	sshrl.u32 @!p0 s1, $0x3;
	s1 =	sld [smem:$0x7F8]  }
0x6d: {  	_ = 	snop  }
0x6e: {  	[smem:$0x7EB] =	sst s9  }
0x6f: {  	[spmem:s9], [sflag:s7] =	dma.local @!p0 [hbm:s1], $0x100  }
0x70: {  	s1 =	simm.s32 @!p0 $0x1F  }
0x71: {  	_ =	swait.ge @!p0 [sflag:s1], $0x100  }
0x72: {  	[sflag:s1] =	ssyncset.done @!p0 $0x0  }
0x73: {  	[sflag:s1] =	ssyncadd.s32 @!p0 $0xFFFFFF00  }
0x74: {  	s22 =	simm.s32 $0x1;
	[bflag:$0x0] =	sbarrier.arrive $0xFFFF  }
0x75: {  	_ =	swait.ge [sflag:s22], $0x28  }
0x76: {  	[sflag:s22] =	ssyncset.done $0x0  }
0x77: {  	s7 =	simm.s32 $0x2;
	[sflag:s22] =	ssyncadd.s32 $0xFFFFFFD8  }
0x78: {  	[tilespmem:s3], [sflag:$0x15] =	stream.indirect.gather [hbm4b:s29+s23], $0x80, s10, s23, $0xb8;
	[tilespmem:$0x1A680] =	vst v63  }
0x79: {  	_ =	swait.ge [sflag:s7], $0x28  }
0x7a: {  	[sflag:s7] =	ssyncset.done $0x0  }
0x7b: {  	s9 =	simm.s32 $0x3;
	s22 =	simm.s32 $0x1400;
	[sflag:s7] =	ssyncadd.s32 $0xFFFFFFD8  }
0x7c: {  	[tilespmem:s22], [sflag:$0x16] =	stream.indirect.gather [hbm4b:s29+s23], $0x80, s11, s23, $0xb8;
	[tilespmem:$0x1A680] =	vst v63  }
0x7d: {  	_ =	swait.ge [sflag:s9], $0x28  }
0x7e: {  	[sflag:s9] =	ssyncset.done $0x0  }
0x7f: {  	s10 =	simm.s32 $0x2800;
	s11 =	simm.s32 $0x4;
	[sflag:s9] =	ssyncadd.s32 $0xFFFFFFD8  }
0x80: {  	[tilespmem:s10], [sflag:$0x17] =	stream.indirect.gather [hbm4b:s29+s23], $0x80, s16, s23, $0xb8;
	[tilespmem:$0x1A680] =	vst v63  }
0x81: {  	_ =	swait.ge [sflag:s11], $0x28  }
0x82: {  	p1 =	por $0x1, $0x1;
	[sflag:s11] =	ssyncset.done $0x0  }
0x83: {  	s1 =	simm.s32 @!p1 $0x1E;
	s10 =	simm.s32 $0x3C00;
	[sflag:s11] =	ssyncadd.s32 $0xFFFFFFD8  }
0x84: {  	[tilespmem:s10], [sflag:$0x18] =	stream.indirect.gather [hbm4b:s29+s23], $0x80, s17, s23, $0xb8;
	[tilespmem:$0x1A680] =	vst v63  }
0x85: {  	_ =	swait.ge @!p1 [sflag:s1], $0x1400  }
0x86: {  	s11 =	simm.s32 $0x6880;
	s16 =	rddreg [dreg:$0x14];
	[sflag:s1] =	ssyncset.done @!p1 $0x0  }
0x87: {  	s17 =	rddreg [dreg:$0x13];
	[sflag:s1] =	ssyncadd.s32 @!p1 $0xFFFFEC00;
	s16 =	sadd.s32 $0x0, s16  }
0x88: {  	[tilespmem:s11], [sflag:$0xA] =	stream.linear.gather [hbm4b:s16+s3], $0x28, $0x38;
	[tilespmem:$0x1A680] =	vst v63  }
0x89: {  	s17 =	sadd.s32 $0x0, s17  }
0x8a: {  	[tilespmem:s21], [sflag:$0x14] =	stream.linear.gather [hbm4b:s17+s3], $0x28, $0x38;
	[tilespmem:$0x1A680] =	vst v63  }
0x8b: {  	s21 =	simm.s32 $0x5  }
0x8c: {  	_ =	swait.ge [sflag:s21], $0x28  }
0x8d: {  	[sflag:s21] =	ssyncset.done $0x0  }
0x8e: {  	[sflag:s21] =	ssyncadd.s32 $0xFFFFFFD8  }
0x8f: {  	[tilespmem:s24], [sflag:$0x19] =	stream.indirect.gather [hbm4b:s29+s23], $0x80, s20, s23, $0xb8;
	[tilespmem:$0x1A680] =	vst v63  }
0x90: {  	_ =	swait.ge [sflag:s14], $0x1400  }
0x91: {  	[sflag:s14] =	ssyncset.done $0x0  }
0x92: {  	s7 =	simm.s32 $0xB;
	[sflag:s14] =	ssyncadd.s32 $0xFFFFEC00  }
0x93: {  	_ =	swait.ge [sflag:s7], $0x28  }
0x94: {  	[sflag:s7] =	ssyncset.done $0x0  }
0x95: {  	[sflag:s7] =	ssyncadd.s32 $0xFFFFFFD8  }
0x96: {  	[spmem:s2] =	stream.indirect.scatter.add.f32 [tilespmem:s3], [sflag:$0x1A], $0x80, s15, s23, $0xb8;
	[tilespmem:$0x1A680] =	vst v63  }
0x97: {  	_ =	swait.ge [sflag:s31], $0x1400  }
0x98: {  	s17 =	sld [smem:$0x7FB]  }
0x99: {  	p1 =	por $0x0, $0x0  }
0x9a: {  	s20 =	simm.s32 @!p1 $0x6400  }
0x9b: {  	[sflag:s31] =	ssyncset.done $0x0;
	s1 =	rddreg [dreg:$0x15];
	s7 =	sshrl.u32 @!p1 s17, $0x3  }
0x9c: {  	[sflag:s31] =	ssyncadd.s32 $0xFFFFEC00;
	s9 =	sadd.s32 @!p1 s1, s7;
	s1 =	simm.s32 @!p1 $0x0  }
0x9d: {  	[tilespmem:s20], [sflag:$0x1] =	stream.linear.gather @!p1 [hbm4b:s9+s1], $0x28, $0x38;
	[tilespmem:$0x1A680] =	vst v63  }
0x9e: {  	s9 =	rddreg [dreg:$0x16]  }
0x9f: {  	s7 =	sadd.s32 @!p1 s9, s7;
	s9 =	simm.s32 @!p1 $0x6900  }
0xa0: {  	[tilespmem:s9], [sflag:$0xB] =	stream.linear.gather @!p1 [hbm4b:s7+s1], $0x28, $0x38;
	[tilespmem:$0x1A680] =	vst v63  }
0xa1: {  	s9 =	simm.s32 $0x6  }
0xa2: {  	_ =	swait.ge [sflag:s9], $0x28  }
0xa3: {  	[sflag:s9] =	ssyncset.done $0x0  }
0xa4: {  	s15 =	simm.s32 $0x16;
	[sflag:s9] =	ssyncadd.s32 $0xFFFFFFD8  }
0xa5: {  	[tilespmem:s3], [sflag:$0x15] =	stream.indirect.gather [hbm4b:s29+s23], $0x80, s25, s23, $0xb8;
	[tilespmem:$0x1A680] =	vst v63  }
0xa6: {  	_ =	swait.ge [sflag:s15], $0x1400  }
0xa7: {  	[sflag:s15] =	ssyncset.done $0x0  }
0xa8: {  	s16 =	simm.s32 $0xC;
	[sflag:s15] =	ssyncadd.s32 $0xFFFFEC00  }
0xa9: {  	_ =	swait.ge [sflag:s16], $0x28  }
0xaa: {  	[sflag:s16] =	ssyncset.done $0x0  }
0xab: {  	[sflag:s16] =	ssyncadd.s32 $0xFFFFFFD8  }
0xac: {  	[spmem:s2] =	stream.indirect.scatter.add.f32 [tilespmem:s22], [sflag:$0x1B], $0x80, s18, s23, $0xb8;
	[tilespmem:$0x1A680] =	vst v63  }
0xad: {  	s18 =	simm.s32 $0x1B  }
0xae: {  	_ =	swait.ge [sflag:s18], $0x1400  }
0xaf: {  	s7 =	rddreg [dreg:$0x12]  }
0xb0: {  	[sflag:s18] =	ssyncset.done $0x0;
	s9 =	rddreg [dreg:$0x11]  }
0xb1: {  	[sflag:s18] =	ssyncadd.s32 $0xFFFFEC00;
	s7 =	sadd.s32 @!p1 $0x0, s7;
	s18 =	simm.s32 @!p1 $0x6480  }
0xb2: {  	[tilespmem:s18], [sflag:$0x2] =	stream.linear.gather @!p1 [hbm4b:s7+s1], $0x28, $0x38;
	[tilespmem:$0x1A680] =	vst v63  }
0xb3: {  	s21 =	simm.s32 $0x7;
	s7 =	sadd.s32 @!p1 $0x0, s9;
	s9 =	simm.s32 @!p1 $0x6980  }
0xb4: {  	[tilespmem:s9], [sflag:$0xC] =	stream.linear.gather @!p1 [hbm4b:s7+s1], $0x28, $0x38;
	[tilespmem:$0x1A680] =	vst v63  }
0xb5: {  	_ =	swait.ge [sflag:s21], $0x28  }
0xb6: {  	[sflag:s21] =	ssyncset.done $0x0  }
0xb7: {  	[sflag:s21] =	ssyncadd.s32 $0xFFFFFFD8  }
0xb8: {  	[tilespmem:s22], [sflag:$0x16] =	stream.indirect.gather [hbm4b:s29+s23], $0x80, s28, s23, $0xb8;
	[tilespmem:$0x1A680] =	vst v63  }
0xb9: {  	_ =	swait.ge [sflag:s13], $0x1400  }
0xba: {  	[sflag:s13] =	ssyncset.done $0x0  }
0xbb: {  	s25 =	simm.s32 $0xD;
	[sflag:s13] =	ssyncadd.s32 $0xFFFFEC00  }
0xbc: {  	_ =	swait.ge [sflag:s25], $0x28  }
0xbd: {  	[sflag:s25] =	ssyncset.done $0x0  }
0xbe: {  	s28 =	simm.s32 $0x2800;
	[sflag:s25] =	ssyncadd.s32 $0xFFFFFFD8  }
0xbf: {  	[spmem:s2] =	stream.indirect.scatter.add.f32 [tilespmem:s28], [sflag:$0x1C], $0x80, s19, s23, $0xb8;
	[tilespmem:$0x1A680] =	vst v63  }
0xc0: {  	_ =	swait.ge [sflag:s6], $0x1400  }
0xc1: {  	s9 =	simm.s32 @!p1 $0x6500;
	s7 =	rddreg [dreg:$0x10];
	[sflag:s6] =	ssyncset.done $0x0  }
0xc2: {  	s15 =	rddreg [dreg:$0xf];
	[sflag:s6] =	ssyncadd.s32 $0xFFFFEC00;
	s7 =	sadd.s32 @!p1 $0x0, s7  }
0xc3: {  	[tilespmem:s9], [sflag:$0x3] =	stream.linear.gather @!p1 [hbm4b:s7+s1], $0x28, $0x38;
	[tilespmem:$0x1A680] =	vst v63  }
0xc4: {  	s21 =	simm.s32 $0x8;
	s7 =	sadd.s32 @!p1 $0x0, s15;
	s15 =	simm.s32 @!p1 $0x6A00  }
0xc5: {  	[tilespmem:s15], [sflag:$0xD] =	stream.linear.gather @!p1 [hbm4b:s7+s1], $0x28, $0x38;
	[tilespmem:$0x1A680] =	vst v63  }
0xc6: {  	_ =	swait.ge [sflag:s21], $0x28  }
0xc7: {  	[sflag:s21] =	ssyncset.done $0x0  }
0xc8: {  	s22 =	simm.s32 $0x18;
	[sflag:s21] =	ssyncadd.s32 $0xFFFFFFD8  }
0xc9: {  	[tilespmem:s28], [sflag:$0x17] =	stream.indirect.gather [hbm4b:s29+s23], $0x80, s26, s23, $0xb8;
	[tilespmem:$0x1A680] =	vst v63  }
0xca: {  	_ =	swait.ge [sflag:s22], $0x1400  }
0xcb: {  	[sflag:s22] =	ssyncset.done $0x0  }
0xcc: {  	s25 =	simm.s32 $0xE;
	[sflag:s22] =	ssyncadd.s32 $0xFFFFEC00  }
0xcd: {  	_ =	swait.ge [sflag:s25], $0x28  }
0xce: {  	[sflag:s25] =	ssyncset.done $0x0  }
0xcf: {  	s26 =	simm.s32 $0x6A80;
	s28 =	simm.s32 $0x1D;
	[sflag:s25] =	ssyncadd.s32 $0xFFFFFFD8  }
0xd0: {  	[spmem:s2] =	stream.indirect.scatter.add.f32 [tilespmem:s10], [sflag:$0x1D], $0x80, s26, s23, $0xb8;
	[tilespmem:$0x1A680] =	vst v63  }
0xd1: {  	_ =	swait.ge [sflag:s28], $0x1400  }
0xd2: {  	s7 =	rddreg [dreg:$0xe]  }
0xd3: {  	[sflag:s28] =	ssyncset.done $0x0;
	s15 =	rddreg [dreg:$0xd]  }
0xd4: {  	[sflag:s28] =	ssyncadd.s32 $0xFFFFEC00;
	s16 =	sadd.s32 @!p1 $0x0, s7;
	s7 =	simm.s32 @!p1 $0x6580  }
0xd5: {  	[tilespmem:s7], [sflag:$0x4] =	stream.linear.gather @!p1 [hbm4b:s16+s1], $0x28, $0x38;
	[tilespmem:$0x1A680] =	vst v63  }
0xd6: {  	s15 =	sadd.s32 @!p1 $0x0, s15;
	s16 =	simm.s32 @!p1 $0x6A80  }
0xd7: {  	[tilespmem:s16], [sflag:$0xE] =	stream.linear.gather @!p1 [hbm4b:s15+s1], $0x28, $0x38;
	[tilespmem:$0x1A680] =	vst v63  }
0xd8: {  	s16 =	simm.s32 $0x9  }
0xd9: {  	_ =	swait.ge [sflag:s16], $0x28  }
0xda: {  	[sflag:s16] =	ssyncset.done $0x0  }
0xdb: {  	s21 =	simm.s32 $0x6800;
	[sflag:s16] =	ssyncadd.s32 $0xFFFFFFD8  }
0xdc: {  	[tilespmem:s10], [sflag:$0x18] =	stream.indirect.gather [hbm4b:s29+s23], $0x80, s21, s23, $0xb8;
	[tilespmem:$0x1A680] =	vst v63  }
0xdd: {  	_ =	swait.ge [sflag:s8], $0x1400  }
0xde: {  	[sflag:s8] =	ssyncset.done $0x0  }
0xdf: {  	s22 =	simm.s32 $0xF;
	[sflag:s8] =	ssyncadd.s32 $0xFFFFEC00  }
0xe0: {  	_ =	swait.ge [sflag:s22], $0x28  }
0xe1: {  	[sflag:s22] =	ssyncset.done $0x0  }
0xe2: {  	s25 =	simm.s32 $0x6B00;
	[sflag:s22] =	ssyncadd.s32 $0xFFFFFFD8  }
0xe3: {  	[spmem:s2] =	stream.indirect.scatter.add.f32 [tilespmem:s24], [sflag:$0x1E], $0x80, s25, s23, $0xb8;
	[tilespmem:$0x1A680] =	vst v63  }
0xe4: {  	_ =	swait.ge [sflag:s4], $0x1400  }
0xe5: {  	s22 =	simm.s32 @!p1 $0x6600;
	s15 =	rddreg [dreg:$0xc];
	[sflag:s4] =	ssyncset.done $0x0  }
0xe6: {  	s16 =	rddreg [dreg:$0xb];
	[sflag:s4] =	ssyncadd.s32 $0xFFFFEC00;
	s15 =	sadd.s32 @!p1 $0x0, s15  }
0xe7: {  	[tilespmem:s22], [sflag:$0x5] =	stream.linear.gather @!p1 [hbm4b:s15+s1], $0x28, $0x38;
	[tilespmem:$0x1A680] =	vst v63  }
0xe8: {  	s15 =	sadd.s32 @!p1 $0x0, s16;
	s16 =	simm.s32 @!p1 $0x6B00  }
0xe9: {  	[tilespmem:s16], [sflag:$0xF] =	stream.linear.gather @!p1 [hbm4b:s15+s1], $0x28, $0x38;
	[tilespmem:$0x1A680] =	vst v63  }
0xea: {  	_ =	swait.ge [sflag:s5], $0x28  }
0xeb: {  	[sflag:s5] =	ssyncset.done $0x0  }
0xec: {  	[sflag:s5] =	ssyncadd.s32 $0xFFFFFFD8  }
0xed: {  	[tilespmem:s24], [sflag:$0x19] =	stream.indirect.gather [hbm4b:s29+s23], $0x80, s11, s23, $0xb8;
	[tilespmem:$0x1A680] =	vst v63  }
0xee: {  	_ =	swait.ge [sflag:s14], $0x1400  }
0xef: {  	[sflag:s14] =	ssyncset.done $0x0  }
0xf0: {  	[sflag:s14] =	ssyncadd.s32 $0xFFFFEC00  }
0xf1: {  	_ =	swait.ge [sflag:s12], $0x28  }
0xf2: {  	[sflag:s12] =	ssyncset.done $0x0  }
0xf3: {  	s26 =	simm.s32 $0x6B80;
	[sflag:s12] =	ssyncadd.s32 $0xFFFFFFD8  }
0xf4: {  	[spmem:s2] =	stream.indirect.scatter.add.f32 [tilespmem:s3], [sflag:$0x1A], $0x80, s26, s23, $0xb8;
	[tilespmem:$0x1A680] =	vst v63  }
0xf5: {  	_ =	swait.ge [sflag:s31], $0x1400  }
0xf6: {  	[sflag:s31] =	ssyncset.done $0x0  }
0xf7: {  	s15 =	simm.s32 @p1 $0x16;
	[sflag:s31] =	ssyncadd.s32 $0xFFFFEC00  }
0xf8: {  	_ =	swait.ge @p1 [sflag:s15], $0x1400  }
0xf9: {  	[sflag:s15] =	ssyncset.done @p1 $0x0  }
0xfa: {  	[sflag:s15] =	ssyncadd.s32 @p1 $0xFFFFEC00;
	s15 =	simm.s32 @p1 $0x11  }
0xfb: {  	_ =	swait.ge @p1 [sflag:s15], $0x28  }
0xfc: {  	s25 =	simm.s32 @p1 $0x1B;
	s22 =	simm.s32 @p1 $0x1400;
	[sflag:s15] =	ssyncset.done @p1 $0x0  }
0xfd: {  	s16 =	simm.s32 @p1 $0x28;
	[sflag:s15] =	ssyncadd.s32 @p1 $0xFFFFFFD8;
	s15 =	simm.s32 @p1 $0x6C00  }
0xfe: {  	[spmem:s2] =	stream.indirect.scatter.add.f32 @p1 [tilespmem:s22], [sflag:$0x1B], $0x80, s15, s16, $0xb8;
	[tilespmem:$0x1A680] =	vst v63  }
0xff: {  	_ =	swait.ge @p1 [sflag:s25], $0x1400  }
0x100: {  	s15 =	rddreg [dreg:$0xa]  }
0x101: {  	[sflag:s25] =	ssyncset.done @p1 $0x0;
	s22 =	rddreg [dreg:$0x9]  }
0x102: {  	[sflag:s25] =	ssyncadd.s32 @p1 $0xFFFFEC00;
	s15 =	sadd.s32 @!p1 $0x0, s15;
	s25 =	simm.s32 @!p1 $0x6680  }
0x103: {  	[tilespmem:s25], [sflag:$0x6] =	stream.linear.gather @!p1 [hbm4b:s15+s1], $0x28, $0x38;
	[tilespmem:$0x1A680] =	vst v63  }
0x104: {  	s15 =	sadd.s32 @!p1 $0x0, s22;
	s22 =	simm.s32 @!p1 $0x6B80;
	s25 =	simm.s32 @!p1 $0x1  }
0x105: {  	[tilespmem:s22], [sflag:$0x10] =	stream.linear.gather @!p1 [hbm4b:s15+s1], $0x28, $0x38;
	[tilespmem:$0x1A680] =	vst v63  }
0x106: {  	_ =	swait.ge @!p1 [sflag:s25], $0x28  }
0x107: {  	[sflag:s25] =	ssyncset.done @!p1 $0x0  }
0x108: {  	s15 =	simm.s32 @!p1 $0x28;
	s22 =	simm.s32 @!p1 $0x16;
	[sflag:s25] =	ssyncadd.s32 @!p1 $0xFFFFFFD8  }
0x109: {  	[tilespmem:s1], [sflag:$0x15] =	stream.indirect.gather @!p1 [hbm4b:s29+s15], $0x80, s20, s15, $0xb8;
	[tilespmem:$0x1A680] =	vst v63  }
0x10a: {  	_ =	swait.ge @!p1 [sflag:s22], $0x1400  }
0x10b: {  	[sflag:s22] =	ssyncset.done @!p1 $0x0  }
0x10c: {  	s11 =	simm.s32 @!p1 $0x11;
	[sflag:s22] =	ssyncadd.s32 @!p1 $0xFFFFEC00  }
0x10d: {  	_ =	swait.ge @!p1 [sflag:s11], $0x28  }
0x10e: {  	s25 =	simm.s32 @!p1 $0x1400;
	[sflag:s11] =	ssyncset.done @!p1 $0x0  }
0x10f: {  	s22 =	simm.s32 @!p1 $0x1B;
	[sflag:s11] =	ssyncadd.s32 @!p1 $0xFFFFFFD8;
	s11 =	simm.s32 @!p1 $0x6C00  }
0x110: {  	[spmem:s2] =	stream.indirect.scatter.add.f32 @!p1 [tilespmem:s25], [sflag:$0x1B], $0x80, s11, s15, $0xb8;
	[tilespmem:$0x1A680] =	vst v63  }
0x111: {  	_ =	swait.ge @!p1 [sflag:s22], $0x1400  }
0x112: {  	s26 =	rddreg [dreg:$0x8]  }
0x113: {  	[sflag:s22] =	ssyncset.done @!p1 $0x0;
	s28 =	rddreg [dreg:$0x7]  }
0x114: {  	[sflag:s22] =	ssyncadd.s32 @!p1 $0xFFFFEC00;
	s22 =	sadd.s32 @!p1 $0x0, s26;
	s26 =	simm.s32 @!p1 $0x6700  }
0x115: {  	[tilespmem:s26], [sflag:$0x7] =	stream.linear.gather @!p1 [hbm4b:s22+s1], $0x28, $0x38;
	[tilespmem:$0x1A680] =	vst v63  }
0x116: {  	s22 =	sadd.s32 @!p1 $0x0, s28  }
0x117: {  	[tilespmem:s11], [sflag:$0x11] =	stream.linear.gather @!p1 [hbm4b:s22+s1], $0x28, $0x38;
	[tilespmem:$0x1A680] =	vst v63  }
0x118: {  	s11 =	simm.s32 @!p1 $0x2  }
0x119: {  	_ =	swait.ge @!p1 [sflag:s11], $0x28  }
0x11a: {  	[sflag:s11] =	ssyncset.done @!p1 $0x0  }
0x11b: {  	[sflag:s11] =	ssyncadd.s32 @!p1 $0xFFFFFFD8  }
0x11c: {  	[tilespmem:s25], [sflag:$0x16] =	stream.indirect.gather @!p1 [hbm4b:s29+s15], $0x80, s18, s15, $0xb8;
	[tilespmem:$0x1A680] =	vst v63  }
0x11d: {  	_ =	swait.ge [sflag:s13], $0x1400  }
0x11e: {  	[sflag:s13] =	ssyncset.done $0x0  }
0x11f: {  	[sflag:s13] =	ssyncadd.s32 $0xFFFFEC00  }
0x120: {  	_ =	swait.ge [sflag:s30], $0x28  }
0x121: {  	[sflag:s30] =	ssyncset.done $0x0  }
0x122: {  	s19 =	simm.s32 $0x2800;
	s28 =	simm.s32 $0x6C80;
	[sflag:s30] =	ssyncadd.s32 $0xFFFFFFD8  }
0x123: {  	[spmem:s2] =	stream.indirect.scatter.add.f32 [tilespmem:s19], [sflag:$0x1C], $0x80, s28, s23, $0xb8;
	[tilespmem:$0x1A680] =	vst v63  }
0x124: {  	_ =	swait.ge [sflag:s6], $0x1400  }
0x125: {  	[sflag:s6] =	ssyncset.done $0x0  }
0x126: {  	s10 =	simm.s32 @p1 $0x18;
	[sflag:s6] =	ssyncadd.s32 $0xFFFFEC00  }
0x127: {  	_ =	swait.ge @p1 [sflag:s10], $0x1400  }
0x128: {  	[sflag:s10] =	ssyncset.done @p1 $0x0  }
0x129: {  	[sflag:s10] =	ssyncadd.s32 @p1 $0xFFFFEC00;
	s10 =	simm.s32 @p1 $0x13  }
0x12a: {  	_ =	swait.ge @p1 [sflag:s10], $0x28  }
0x12b: {  	s22 =	simm.s32 @p1 $0x3C00;
	[sflag:s10] =	ssyncset.done @p1 $0x0  }
0x12c: {  	s11 =	simm.s32 @p1 $0x1D;
	[sflag:s10] =	ssyncadd.s32 @p1 $0xFFFFFFD8;
	s10 =	simm.s32 @p1 $0x6D00  }
0x12d: {  	[spmem:s2] =	stream.indirect.scatter.add.f32 @p1 [tilespmem:s22], [sflag:$0x1D], $0x80, s10, s16, $0xb8;
	[tilespmem:$0x1A680] =	vst v63  }
0x12e: {  	_ =	swait.ge @p1 [sflag:s11], $0x1400  }
0x12f: {  	s10 =	rddreg [dreg:$0x6]  }
0x130: {  	[sflag:s11] =	ssyncset.done @p1 $0x0;
	s16 =	rddreg [dreg:$0x5]  }
0x131: {  	[sflag:s11] =	ssyncadd.s32 @p1 $0xFFFFEC00;
	s10 =	sadd.s32 @!p1 $0x0, s10;
	s11 =	simm.s32 @!p1 $0x6780  }
0x132: {  	[tilespmem:s11], [sflag:$0x8] =	stream.linear.gather @!p1 [hbm4b:s10+s1], $0x28, $0x38;
	[tilespmem:$0x1A680] =	vst v63  }
0x133: {  	s10 =	sadd.s32 @!p1 $0x0, s16;
	s11 =	simm.s32 @!p1 $0x6C80;
	s16 =	simm.s32 @!p1 $0x3  }
0x134: {  	[tilespmem:s11], [sflag:$0x12] =	stream.linear.gather @!p1 [hbm4b:s10+s1], $0x28, $0x38;
	[tilespmem:$0x1A680] =	vst v63  }
0x135: {  	_ =	swait.ge @!p1 [sflag:s16], $0x28  }
0x136: {  	[sflag:s16] =	ssyncset.done @!p1 $0x0  }
0x137: {  	s10 =	simm.s32 @!p1 $0x2800;
	s11 =	simm.s32 @!p1 $0x18;
	[sflag:s16] =	ssyncadd.s32 @!p1 $0xFFFFFFD8  }
0x138: {  	[tilespmem:s10], [sflag:$0x17] =	stream.indirect.gather @!p1 [hbm4b:s29+s15], $0x80, s9, s15, $0xb8;
	[tilespmem:$0x1A680] =	vst v63  }
0x139: {  	_ =	swait.ge @!p1 [sflag:s11], $0x1400  }
0x13a: {  	[sflag:s11] =	ssyncset.done @!p1 $0x0  }
0x13b: {  	s9 =	simm.s32 @!p1 $0x13;
	[sflag:s11] =	ssyncadd.s32 @!p1 $0xFFFFEC00  }
0x13c: {  	_ =	swait.ge @!p1 [sflag:s9], $0x28  }
0x13d: {  	s10 =	simm.s32 @!p1 $0x1D;
	[sflag:s9] =	ssyncset.done @!p1 $0x0  }
0x13e: {  	s11 =	simm.s32 @!p1 $0x3C00;
	[sflag:s9] =	ssyncadd.s32 @!p1 $0xFFFFFFD8;
	s9 =	simm.s32 @!p1 $0x6D00  }
0x13f: {  	[spmem:s2] =	stream.indirect.scatter.add.f32 @!p1 [tilespmem:s11], [sflag:$0x1D], $0x80, s9, s15, $0xb8;
	[tilespmem:$0x1A680] =	vst v63  }
0x140: {  	_ =	swait.ge @!p1 [sflag:s10], $0x1400  }
0x141: {  	s16 =	rddreg [dreg:$0x4]  }
0x142: {  	[sflag:s10] =	ssyncset.done @!p1 $0x0;
	s22 =	rddreg [dreg:$0x3]  }
0x143: {  	[sflag:s10] =	ssyncadd.s32 @!p1 $0xFFFFEC00;
	s10 =	sadd.s32 @!p1 $0x0, s16;
	s16 =	simm.s32 @!p1 $0x6800  }
0x144: {  	[tilespmem:s16], [sflag:$0x9] =	stream.linear.gather @!p1 [hbm4b:s10+s1], $0x28, $0x38;
	[tilespmem:$0x1A680] =	vst v63  }
0x145: {  	s10 =	sadd.s32 @!p1 $0x0, s22  }
0x146: {  	[tilespmem:s9], [sflag:$0x13] =	stream.linear.gather @!p1 [hbm4b:s10+s1], $0x28, $0x38;
	[tilespmem:$0x1A680] =	vst v63  }
0x147: {  	s1 =	simm.s32 @!p1 $0x4  }
0x148: {  	_ =	swait.ge @!p1 [sflag:s1], $0x28  }
0x149: {  	[sflag:s1] =	ssyncset.done @!p1 $0x0  }
0x14a: {  	[sflag:s1] =	ssyncadd.s32 @!p1 $0xFFFFFFD8  }
0x14b: {  	[tilespmem:s11], [sflag:$0x18] =	stream.indirect.gather @!p1 [hbm4b:s29+s15], $0x80, s7, s15, $0xb8;
	[tilespmem:$0x1A680] =	vst v63  }
0x14c: {  	_ =	swait.ge [sflag:s8], $0x1400  }
0x14d: {  	[sflag:s8] =	ssyncset.done $0x0  }
0x14e: {  	[sflag:s8] =	ssyncadd.s32 $0xFFFFEC00  }
0x14f: {  	p2 =	por $0x0, $0x0;
	s25 =	sadd.s32 $0x190, s17;
	_ =	swait.ge [sflag:s0], $0x28  }
0x150: {  	s10 =	simm.s32 $0x64;
	s7 =	simm.s32 $0x32;
	[sflag:s0] =	ssyncset.done $0x0  }
.LBB2_2:
0x151: {  	s1 =	simm.s32 @!p2 $0x1E;
	[sflag:s0] =	ssyncadd.s32 $0xFFFFFFD8;
	s11 =	simm.s32 $0x6D80  }
0x152: {  	[spmem:s2] =	stream.indirect.scatter.add.f32 [tilespmem:s24], [sflag:$0x1E], $0x80, s11, s23, $0xb8;
	[tilespmem:$0x1A680] =	vst v63  }
0x153: {  	_ =	swait.ge @!p2 [sflag:s1], $0x1400  }
0x154: {  	s18 =	simm.s32 $0x6880;
	[sflag:s1] =	ssyncset.done @!p2 $0x0;
	s9 =	rddreg [dreg:$0x14]  }
0x155: {  	s21 =	rddreg [dreg:$0x13];
	[sflag:s1] =	ssyncadd.s32 @!p2 $0xFFFFEC00;
	s9 =	sadd.s32 s7, s9  }
0x156: {  	[tilespmem:s18], [sflag:$0xA] =	stream.linear.gather [hbm4b:s9+s3], $0x28, $0x38;
	[tilespmem:$0x1A680] =	vst v63  }
0x157: {  	s22 =	simm.s32 $0x5;
	s1 =	sadd.s32 s7, s21  }
0x158: {  	[tilespmem:s11], [sflag:$0x14] =	stream.linear.gather [hbm4b:s1+s3], $0x28, $0x38;
	[tilespmem:$0x1A680] =	vst v63  }
0x159: {  	_ =	swait.ge [sflag:s22], $0x28  }
0x15a: {  	[sflag:s22] =	ssyncset.done $0x0  }
0x15b: {  	s28 =	simm.s32 $0x6600;
	[sflag:s22] =	ssyncadd.s32 $0xFFFFFFD8  }
0x15c: {  	[tilespmem:s24], [sflag:$0x19] =	stream.indirect.gather [hbm4b:s29+s23], $0x80, s28, s23, $0xb8;
	[tilespmem:$0x1A680] =	vst v63  }
0x15d: {  	_ =	swait.ge [sflag:s14], $0x1400  }
0x15e: {  	[sflag:s14] =	ssyncset.done $0x0  }
0x15f: {  	s9 =	simm.s32 $0xB;
	[sflag:s14] =	ssyncadd.s32 $0xFFFFEC00  }
0x160: {  	_ =	swait.ge [sflag:s9], $0x28  }
0x161: {  	[sflag:s9] =	ssyncset.done $0x0  }
0x162: {  	p2 =	seq.s32 s7, $0x4B0;
	s11 =	simm.s32 $0x6900;
	[sflag:s9] =	ssyncadd.s32 $0xFFFFFFD8  }
0x163: {  	[spmem:s2] =	stream.indirect.scatter.add.f32 [tilespmem:s3], [sflag:$0x1A], $0x80, s11, s23, $0xb8;
	[tilespmem:$0x1A680] =	vst v63  }
0x164: {  	s9 =	simm.s32 @!p2 $0x6400;
	_ =	swait.ge [sflag:s31], $0x1400  }
0x165: {  	s11 =	sshrl.u32 @!p2 s25, $0x3;
	[sflag:s31] =	ssyncset.done $0x0;
	s1 =	rddreg [dreg:$0x15]  }
0x166: {  	[sflag:s31] =	ssyncadd.s32 $0xFFFFEC00;
	s15 =	sadd.s32 @!p2 s1, s11;
	s1 =	simm.s32 @!p2 $0x0  }
0x167: {  	[tilespmem:s9], [sflag:$0x1] =	stream.linear.gather @!p2 [hbm4b:s15+s1], $0x28, $0x38;
	[tilespmem:$0x1A680] =	vst v63  }
0x168: {  	s15 =	rddreg [dreg:$0x16]  }
0x169: {  	s11 =	sadd.s32 @!p2 s15, s11;
	s15 =	simm.s32 @!p2 $0x6900  }
0x16a: {  	[tilespmem:s15], [sflag:$0xB] =	stream.linear.gather @!p2 [hbm4b:s11+s1], $0x28, $0x38;
	[tilespmem:$0x1A680] =	vst v63  }
0x16b: {  	s15 =	simm.s32 $0x6  }
0x16c: {  	_ =	swait.ge [sflag:s15], $0x28  }
0x16d: {  	[sflag:s15] =	ssyncset.done $0x0  }
0x16e: {  	s16 =	simm.s32 $0x6680;
	s17 =	simm.s32 $0x16;
	[sflag:s15] =	ssyncadd.s32 $0xFFFFFFD8  }
0x16f: {  	[tilespmem:s3], [sflag:$0x15] =	stream.indirect.gather [hbm4b:s29+s23], $0x80, s16, s23, $0xb8;
	[tilespmem:$0x1A680] =	vst v63  }
0x170: {  	_ =	swait.ge [sflag:s17], $0x1400  }
0x171: {  	[sflag:s17] =	ssyncset.done $0x0  }
0x172: {  	s19 =	simm.s32 $0xC;
	[sflag:s17] =	ssyncadd.s32 $0xFFFFEC00  }
0x173: {  	_ =	swait.ge [sflag:s19], $0x28  }
0x174: {  	s20 =	simm.s32 $0x6980;
	[sflag:s19] =	ssyncset.done $0x0  }
0x175: {  	s16 =	simm.s32 $0x1B;
	s17 =	simm.s32 $0x1400;
	[sflag:s19] =	ssyncadd.s32 $0xFFFFFFD8  }
0x176: {  	[spmem:s2] =	stream.indirect.scatter.add.f32 [tilespmem:s17], [sflag:$0x1B], $0x80, s20, s23, $0xb8;
	[tilespmem:$0x1A680] =	vst v63  }
0x177: {  	_ =	swait.ge [sflag:s16], $0x1400  }
0x178: {  	s11 =	rddreg [dreg:$0x12]  }
0x179: {  	[sflag:s16] =	ssyncset.done $0x0;
	s15 =	rddreg [dreg:$0x11]  }
0x17a: {  	[sflag:s16] =	ssyncadd.s32 $0xFFFFEC00;
	s16 =	sadd.s32 @!p2 s7, s11;
	s11 =	simm.s32 @!p2 $0x6480  }
0x17b: {  	[tilespmem:s11], [sflag:$0x2] =	stream.linear.gather @!p2 [hbm4b:s16+s1], $0x28, $0x38;
	[tilespmem:$0x1A680] =	vst v63  }
0x17c: {  	s21 =	simm.s32 $0x7;
	s15 =	sadd.s32 @!p2 s7, s15;
	s16 =	simm.s32 @!p2 $0x6980  }
0x17d: {  	[tilespmem:s16], [sflag:$0xC] =	stream.linear.gather @!p2 [hbm4b:s15+s1], $0x28, $0x38;
	[tilespmem:$0x1A680] =	vst v63  }
0x17e: {  	_ =	swait.ge [sflag:s21], $0x28  }
0x17f: {  	[sflag:s21] =	ssyncset.done $0x0  }
0x180: {  	s22 =	simm.s32 $0x6700;
	[sflag:s21] =	ssyncadd.s32 $0xFFFFFFD8  }
0x181: {  	[tilespmem:s17], [sflag:$0x16] =	stream.indirect.gather [hbm4b:s29+s23], $0x80, s22, s23, $0xb8;
	[tilespmem:$0x1A680] =	vst v63  }
0x182: {  	_ =	swait.ge [sflag:s13], $0x1400  }
0x183: {  	[sflag:s13] =	ssyncset.done $0x0  }
0x184: {  	s28 =	simm.s32 $0xD;
	[sflag:s13] =	ssyncadd.s32 $0xFFFFEC00  }
0x185: {  	_ =	swait.ge [sflag:s28], $0x28  }
0x186: {  	[sflag:s28] =	ssyncset.done $0x0  }
0x187: {  	s16 =	simm.s32 $0x6A00;
	s21 =	simm.s32 $0x2800;
	[sflag:s28] =	ssyncadd.s32 $0xFFFFFFD8  }
0x188: {  	[spmem:s2] =	stream.indirect.scatter.add.f32 [tilespmem:s21], [sflag:$0x1C], $0x80, s16, s23, $0xb8;
	[tilespmem:$0x1A680] =	vst v63  }
0x189: {  	_ =	swait.ge [sflag:s6], $0x1400  }
0x18a: {  	s28 =	simm.s32 @!p2 $0x6500;
	s15 =	rddreg [dreg:$0x10];
	[sflag:s6] =	ssyncset.done $0x0  }
0x18b: {  	s16 =	rddreg [dreg:$0xf];
	[sflag:s6] =	ssyncadd.s32 $0xFFFFEC00;
	s15 =	sadd.s32 @!p2 s7, s15  }
0x18c: {  	[tilespmem:s28], [sflag:$0x3] =	stream.linear.gather @!p2 [hbm4b:s15+s1], $0x28, $0x38;
	[tilespmem:$0x1A680] =	vst v63  }
0x18d: {  	s17 =	simm.s32 $0x8;
	s15 =	sadd.s32 @!p2 s7, s16;
	s16 =	simm.s32 @!p2 $0x6A00  }
0x18e: {  	[tilespmem:s16], [sflag:$0xD] =	stream.linear.gather @!p2 [hbm4b:s15+s1], $0x28, $0x38;
	[tilespmem:$0x1A680] =	vst v63  }
0x18f: {  	_ =	swait.ge [sflag:s17], $0x28  }
0x190: {  	[sflag:s17] =	ssyncset.done $0x0  }
0x191: {  	s19 =	simm.s32 $0x6780;
	s20 =	simm.s32 $0x18;
	[sflag:s17] =	ssyncadd.s32 $0xFFFFFFD8  }
0x192: {  	[tilespmem:s21], [sflag:$0x17] =	stream.indirect.gather [hbm4b:s29+s23], $0x80, s19, s23, $0xb8;
	[tilespmem:$0x1A680] =	vst v63  }
0x193: {  	_ =	swait.ge [sflag:s20], $0x1400  }
0x194: {  	[sflag:s20] =	ssyncset.done $0x0  }
0x195: {  	s22 =	simm.s32 $0xE;
	[sflag:s20] =	ssyncadd.s32 $0xFFFFEC00  }
0x196: {  	_ =	swait.ge [sflag:s22], $0x28  }
0x197: {  	s16 =	simm.s32 $0x6A80;
	[sflag:s22] =	ssyncset.done $0x0  }
0x198: {  	s17 =	simm.s32 $0x3C00;
	s19 =	simm.s32 $0x1D;
	[sflag:s22] =	ssyncadd.s32 $0xFFFFFFD8  }
0x199: {  	[spmem:s2] =	stream.indirect.scatter.add.f32 [tilespmem:s17], [sflag:$0x1D], $0x80, s16, s23, $0xb8;
	[tilespmem:$0x1A680] =	vst v63  }
0x19a: {  	_ =	swait.ge [sflag:s19], $0x1400  }
0x19b: {  	s22 =	simm.s32 @!p2 $0x6580;
	s15 =	rddreg [dreg:$0xe];
	[sflag:s19] =	ssyncset.done $0x0  }
0x19c: {  	s16 =	rddreg [dreg:$0xd];
	[sflag:s19] =	ssyncadd.s32 $0xFFFFEC00;
	s15 =	sadd.s32 @!p2 s7, s15  }
0x19d: {  	[tilespmem:s22], [sflag:$0x4] =	stream.linear.gather @!p2 [hbm4b:s15+s1], $0x28, $0x38;
	[tilespmem:$0x1A680] =	vst v63  }
0x19e: {  	s19 =	simm.s32 $0x9;
	s15 =	sadd.s32 @!p2 s7, s16;
	s16 =	simm.s32 @!p2 $0x6A80  }
0x19f: {  	[tilespmem:s16], [sflag:$0xE] =	stream.linear.gather @!p2 [hbm4b:s15+s1], $0x28, $0x38;
	[tilespmem:$0x1A680] =	vst v63  }
0x1a0: {  	_ =	swait.ge [sflag:s19], $0x28  }
0x1a1: {  	[sflag:s19] =	ssyncset.done $0x0  }
0x1a2: {  	s20 =	simm.s32 $0x6800;
	[sflag:s19] =	ssyncadd.s32 $0xFFFFFFD8  }
0x1a3: {  	[tilespmem:s17], [sflag:$0x18] =	stream.indirect.gather [hbm4b:s29+s23], $0x80, s20, s23, $0xb8;
	[tilespmem:$0x1A680] =	vst v63  }
0x1a4: {  	_ =	swait.ge [sflag:s8], $0x1400  }
0x1a5: {  	[sflag:s8] =	ssyncset.done $0x0  }
0x1a6: {  	s16 =	simm.s32 $0xF;
	[sflag:s8] =	ssyncadd.s32 $0xFFFFEC00  }
0x1a7: {  	_ =	swait.ge [sflag:s16], $0x28  }
0x1a8: {  	[sflag:s16] =	ssyncset.done $0x0  }
0x1a9: {  	s17 =	simm.s32 $0x6B00;
	[sflag:s16] =	ssyncadd.s32 $0xFFFFFFD8  }
0x1aa: {  	[spmem:s2] =	stream.indirect.scatter.add.f32 [tilespmem:s24], [sflag:$0x1E], $0x80, s17, s23, $0xb8;
	[tilespmem:$0x1A680] =	vst v63  }
0x1ab: {  	_ =	swait.ge [sflag:s4], $0x1400  }
0x1ac: {  	s17 =	simm.s32 @!p2 $0x6600;
	s15 =	rddreg [dreg:$0xc];
	[sflag:s4] =	ssyncset.done $0x0  }
0x1ad: {  	s16 =	rddreg [dreg:$0xb];
	[sflag:s4] =	ssyncadd.s32 $0xFFFFEC00;
	s15 =	sadd.s32 @!p2 s7, s15  }
0x1ae: {  	[tilespmem:s17], [sflag:$0x5] =	stream.linear.gather @!p2 [hbm4b:s15+s1], $0x28, $0x38;
	[tilespmem:$0x1A680] =	vst v63  }
0x1af: {  	s15 =	sadd.s32 @!p2 s7, s16;
	s16 =	simm.s32 @!p2 $0x6B00  }
0x1b0: {  	[tilespmem:s16], [sflag:$0xF] =	stream.linear.gather @!p2 [hbm4b:s15+s1], $0x28, $0x38;
	[tilespmem:$0x1A680] =	vst v63  }
0x1b1: {  	_ =	swait.ge [sflag:s5], $0x28  }
0x1b2: {  	[sflag:s5] =	ssyncset.done $0x0  }
0x1b3: {  	[sflag:s5] =	ssyncadd.s32 $0xFFFFFFD8  }
0x1b4: {  	[tilespmem:s24], [sflag:$0x19] =	stream.indirect.gather [hbm4b:s29+s23], $0x80, s18, s23, $0xb8;
	[tilespmem:$0x1A680] =	vst v63  }
0x1b5: {  	_ =	swait.ge [sflag:s14], $0x1400  }
0x1b6: {  	[sflag:s14] =	ssyncset.done $0x0  }
0x1b7: {  	[sflag:s14] =	ssyncadd.s32 $0xFFFFEC00  }
0x1b8: {  	_ =	swait.ge [sflag:s12], $0x28  }
0x1b9: {  	[sflag:s12] =	ssyncset.done $0x0  }
0x1ba: {  	s19 =	simm.s32 $0x6B80;
	[sflag:s12] =	ssyncadd.s32 $0xFFFFFFD8  }
0x1bb: {  	[spmem:s2] =	stream.indirect.scatter.add.f32 [tilespmem:s3], [sflag:$0x1A], $0x80, s19, s23, $0xb8;
	[tilespmem:$0x1A680] =	vst v63  }
0x1bc: {  	_ =	swait.ge [sflag:s31], $0x1400  }
0x1bd: {  	[sflag:s31] =	ssyncset.done $0x0  }
0x1be: {  	s15 =	simm.s32 @p2 $0x16;
	[sflag:s31] =	ssyncadd.s32 $0xFFFFEC00  }
0x1bf: {  	_ =	swait.ge @p2 [sflag:s15], $0x1400  }
0x1c0: {  	[sflag:s15] =	ssyncset.done @p2 $0x0  }
0x1c1: {  	[sflag:s15] =	ssyncadd.s32 @p2 $0xFFFFEC00;
	s15 =	simm.s32 @p2 $0x11  }
0x1c2: {  	_ =	swait.ge @p2 [sflag:s15], $0x28  }
0x1c3: {  	s17 =	simm.s32 @p2 $0x1400;
	s16 =	simm.s32 @p2 $0x28;
	[sflag:s15] =	ssyncset.done @p2 $0x0  }
0x1c4: {  	s18 =	simm.s32 @p2 $0x1B;
	[sflag:s15] =	ssyncadd.s32 @p2 $0xFFFFFFD8;
	s15 =	simm.s32 @p2 $0x6C00  }
0x1c5: {  	[spmem:s2] =	stream.indirect.scatter.add.f32 @p2 [tilespmem:s17], [sflag:$0x1B], $0x80, s15, s16, $0xb8;
	[tilespmem:$0x1A680] =	vst v63  }
0x1c6: {  	_ =	swait.ge @p2 [sflag:s18], $0x1400  }
0x1c7: {  	s15 =	rddreg [dreg:$0xa]  }
0x1c8: {  	[sflag:s18] =	ssyncset.done @p2 $0x0;
	s17 =	rddreg [dreg:$0x9]  }
0x1c9: {  	[sflag:s18] =	ssyncadd.s32 @p2 $0xFFFFEC00;
	s15 =	sadd.s32 @!p2 s7, s15;
	s18 =	simm.s32 @!p2 $0x6680  }
0x1ca: {  	[tilespmem:s18], [sflag:$0x6] =	stream.linear.gather @!p2 [hbm4b:s15+s1], $0x28, $0x38;
	[tilespmem:$0x1A680] =	vst v63  }
0x1cb: {  	s15 =	sadd.s32 @!p2 s7, s17;
	s17 =	simm.s32 @!p2 $0x6B80;
	s18 =	simm.s32 @!p2 $0x1  }
0x1cc: {  	[tilespmem:s17], [sflag:$0x10] =	stream.linear.gather @!p2 [hbm4b:s15+s1], $0x28, $0x38;
	[tilespmem:$0x1A680] =	vst v63  }
0x1cd: {  	_ =	swait.ge @!p2 [sflag:s18], $0x28  }
0x1ce: {  	[sflag:s18] =	ssyncset.done @!p2 $0x0  }
0x1cf: {  	s15 =	simm.s32 @!p2 $0x28;
	s17 =	simm.s32 @!p2 $0x16;
	[sflag:s18] =	ssyncadd.s32 @!p2 $0xFFFFFFD8  }
0x1d0: {  	[tilespmem:s1], [sflag:$0x15] =	stream.indirect.gather @!p2 [hbm4b:s29+s15], $0x80, s9, s15, $0xb8;
	[tilespmem:$0x1A680] =	vst v63  }
0x1d1: {  	_ =	swait.ge @!p2 [sflag:s17], $0x1400  }
0x1d2: {  	[sflag:s17] =	ssyncset.done @!p2 $0x0  }
0x1d3: {  	s9 =	simm.s32 @!p2 $0x11;
	[sflag:s17] =	ssyncadd.s32 @!p2 $0xFFFFEC00  }
0x1d4: {  	_ =	swait.ge @!p2 [sflag:s9], $0x28  }
0x1d5: {  	s18 =	simm.s32 @!p2 $0x1400;
	[sflag:s9] =	ssyncset.done @!p2 $0x0  }
0x1d6: {  	s17 =	simm.s32 @!p2 $0x1B;
	[sflag:s9] =	ssyncadd.s32 @!p2 $0xFFFFFFD8;
	s9 =	simm.s32 @!p2 $0x6C00  }
0x1d7: {  	[spmem:s2] =	stream.indirect.scatter.add.f32 @!p2 [tilespmem:s18], [sflag:$0x1B], $0x80, s9, s15, $0xb8;
	[tilespmem:$0x1A680] =	vst v63  }
0x1d8: {  	_ =	swait.ge @!p2 [sflag:s17], $0x1400  }
0x1d9: {  	s19 =	rddreg [dreg:$0x8]  }
0x1da: {  	[sflag:s17] =	ssyncset.done @!p2 $0x0;
	s20 =	rddreg [dreg:$0x7]  }
0x1db: {  	[sflag:s17] =	ssyncadd.s32 @!p2 $0xFFFFEC00;
	s17 =	sadd.s32 @!p2 s7, s19;
	s19 =	simm.s32 @!p2 $0x6700  }
0x1dc: {  	[tilespmem:s19], [sflag:$0x7] =	stream.linear.gather @!p2 [hbm4b:s17+s1], $0x28, $0x38;
	[tilespmem:$0x1A680] =	vst v63  }
0x1dd: {  	s17 =	sadd.s32 @!p2 s7, s20;
	s19 =	simm.s32 @!p2 $0x2  }
0x1de: {  	[tilespmem:s9], [sflag:$0x11] =	stream.linear.gather @!p2 [hbm4b:s17+s1], $0x28, $0x38;
	[tilespmem:$0x1A680] =	vst v63  }
0x1df: {  	_ =	swait.ge @!p2 [sflag:s19], $0x28  }
0x1e0: {  	[sflag:s19] =	ssyncset.done @!p2 $0x0  }
0x1e1: {  	[sflag:s19] =	ssyncadd.s32 @!p2 $0xFFFFFFD8  }
0x1e2: {  	[tilespmem:s18], [sflag:$0x16] =	stream.indirect.gather @!p2 [hbm4b:s29+s15], $0x80, s11, s15, $0xb8;
	[tilespmem:$0x1A680] =	vst v63  }
0x1e3: {  	_ =	swait.ge [sflag:s13], $0x1400  }
0x1e4: {  	[sflag:s13] =	ssyncset.done $0x0  }
0x1e5: {  	[sflag:s13] =	ssyncadd.s32 $0xFFFFEC00  }
0x1e6: {  	_ =	swait.ge [sflag:s30], $0x28  }
0x1e7: {  	[sflag:s30] =	ssyncset.done $0x0  }
0x1e8: {  	s20 =	simm.s32 $0x6C80;
	[sflag:s30] =	ssyncadd.s32 $0xFFFFFFD8  }
0x1e9: {  	[spmem:s2] =	stream.indirect.scatter.add.f32 [tilespmem:s21], [sflag:$0x1C], $0x80, s20, s23, $0xb8;
	[tilespmem:$0x1A680] =	vst v63  }
0x1ea: {  	_ =	swait.ge [sflag:s6], $0x1400  }
0x1eb: {  	[sflag:s6] =	ssyncset.done $0x0  }
0x1ec: {  	s9 =	simm.s32 @p2 $0x18;
	[sflag:s6] =	ssyncadd.s32 $0xFFFFEC00  }
0x1ed: {  	_ =	swait.ge @p2 [sflag:s9], $0x1400  }
0x1ee: {  	[sflag:s9] =	ssyncset.done @p2 $0x0  }
0x1ef: {  	[sflag:s9] =	ssyncadd.s32 @p2 $0xFFFFEC00;
	s9 =	simm.s32 @p2 $0x13  }
0x1f0: {  	_ =	swait.ge @p2 [sflag:s9], $0x28  }
0x1f1: {  	s17 =	simm.s32 @p2 $0x3C00;
	[sflag:s9] =	ssyncset.done @p2 $0x0  }
0x1f2: {  	s11 =	simm.s32 @p2 $0x1D;
	[sflag:s9] =	ssyncadd.s32 @p2 $0xFFFFFFD8;
	s9 =	simm.s32 @p2 $0x6D00  }
0x1f3: {  	[spmem:s2] =	stream.indirect.scatter.add.f32 @p2 [tilespmem:s17], [sflag:$0x1D], $0x80, s9, s16, $0xb8;
	[tilespmem:$0x1A680] =	vst v63  }
0x1f4: {  	_ =	swait.ge @p2 [sflag:s11], $0x1400  }
0x1f5: {  	s9 =	rddreg [dreg:$0x6]  }
0x1f6: {  	[sflag:s11] =	ssyncset.done @p2 $0x0;
	s16 =	rddreg [dreg:$0x5]  }
0x1f7: {  	[sflag:s11] =	ssyncadd.s32 @p2 $0xFFFFEC00;
	s9 =	sadd.s32 @!p2 s7, s9;
	s11 =	simm.s32 @!p2 $0x6780  }
0x1f8: {  	[tilespmem:s11], [sflag:$0x8] =	stream.linear.gather @!p2 [hbm4b:s9+s1], $0x28, $0x38;
	[tilespmem:$0x1A680] =	vst v63  }
0x1f9: {  	s9 =	sadd.s32 @!p2 s7, s16;
	s11 =	simm.s32 @!p2 $0x6C80;
	s16 =	simm.s32 @!p2 $0x3  }
0x1fa: {  	[tilespmem:s11], [sflag:$0x12] =	stream.linear.gather @!p2 [hbm4b:s9+s1], $0x28, $0x38;
	[tilespmem:$0x1A680] =	vst v63  }
0x1fb: {  	_ =	swait.ge @!p2 [sflag:s16], $0x28  }
0x1fc: {  	[sflag:s16] =	ssyncset.done @!p2 $0x0  }
0x1fd: {  	s9 =	simm.s32 @!p2 $0x2800;
	s11 =	simm.s32 @!p2 $0x18;
	[sflag:s16] =	ssyncadd.s32 @!p2 $0xFFFFFFD8  }
0x1fe: {  	[tilespmem:s9], [sflag:$0x17] =	stream.indirect.gather @!p2 [hbm4b:s29+s15], $0x80, s28, s15, $0xb8;
	[tilespmem:$0x1A680] =	vst v63  }
0x1ff: {  	_ =	swait.ge @!p2 [sflag:s11], $0x1400  }
0x200: {  	[sflag:s11] =	ssyncset.done @!p2 $0x0  }
0x201: {  	s9 =	simm.s32 @!p2 $0x13;
	[sflag:s11] =	ssyncadd.s32 @!p2 $0xFFFFEC00  }
0x202: {  	_ =	swait.ge @!p2 [sflag:s9], $0x28  }
0x203: {  	s16 =	simm.s32 @!p2 $0x3C00;
	[sflag:s9] =	ssyncset.done @!p2 $0x0  }
0x204: {  	s11 =	simm.s32 @!p2 $0x1D;
	[sflag:s9] =	ssyncadd.s32 @!p2 $0xFFFFFFD8;
	s9 =	simm.s32 @!p2 $0x6D00  }
0x205: {  	[spmem:s2] =	stream.indirect.scatter.add.f32 @!p2 [tilespmem:s16], [sflag:$0x1D], $0x80, s9, s15, $0xb8;
	[tilespmem:$0x1A680] =	vst v63  }
0x206: {  	_ =	swait.ge @!p2 [sflag:s11], $0x1400  }
0x207: {  	s17 =	rddreg [dreg:$0x4]  }
0x208: {  	[sflag:s11] =	ssyncset.done @!p2 $0x0;
	s18 =	rddreg [dreg:$0x3]  }
0x209: {  	[sflag:s11] =	ssyncadd.s32 @!p2 $0xFFFFEC00;
	s11 =	sadd.s32 @!p2 s7, s17;
	s17 =	simm.s32 @!p2 $0x6800  }
0x20a: {  	[tilespmem:s17], [sflag:$0x9] =	stream.linear.gather @!p2 [hbm4b:s11+s1], $0x28, $0x38;
	[tilespmem:$0x1A680] =	vst v63  }
0x20b: {  	s11 =	sadd.s32 @!p2 s7, s18;
	s17 =	simm.s32 @!p2 $0x4  }
0x20c: {  	[tilespmem:s9], [sflag:$0x13] =	stream.linear.gather @!p2 [hbm4b:s11+s1], $0x28, $0x38;
	[tilespmem:$0x1A680] =	vst v63  }
0x20d: {  	_ =	swait.ge @!p2 [sflag:s17], $0x28  }
0x20e: {  	s26 =	smov.u32 s10;
	s10 =	sadd.s32 $0x32, s10;
	[sflag:s17] =	ssyncset.done @!p2 $0x0  }
0x20f: {  	p1 =	sne.s32 s10, $0x4E2;
	[sflag:s17] =	ssyncadd.s32 @!p2 $0xFFFFFFD8  }
0x210: {  	[tilespmem:s16], [sflag:$0x18] =	stream.indirect.gather @!p2 [hbm4b:s29+s15], $0x80, s22, s15, $0xb8;
	[tilespmem:$0x1A680] =	vst v63  }
.Ltmp0:
0x211: {  	_ =	swait.ge [sflag:s8], $0x1400;
	(pc) =	sbr.rel @p1 .LBB2_2-.Ltmp0, $4  }
0x212: {  	[sflag:s8] =	ssyncset.done $0x0  }
0x213: {  	[sflag:s8] =	ssyncadd.s32 $0xFFFFEC00  }
0x214: {  	s7 =	smov.u32 s26;
	_ =	swait.ge [sflag:s0], $0x28  }
0x215: {  	s25 =	sadd.s32 $0x190, s25;
	p2 =	seq.s32 s7, $0x0;
	[sflag:s0] =	ssyncset.done $0x0  }
0x216: {  	s1 =	simm.s32 @!p2 $0x1E;
	[sflag:s0] =	ssyncadd.s32 $0xFFFFFFD8;
	s26 =	simm.s32 $0x6D80  }
0x217: {  	[spmem:s2] =	stream.indirect.scatter.add.f32 [tilespmem:s24], [sflag:$0x1E], $0x80, s26, s23, $0xb8;
	[tilespmem:$0x1A680] =	vst v63  }
0x218: {  	_ =	swait.ge @!p2 [sflag:s1], $0x1400  }
0x219: {  	s19 =	simm.s32 $0x6880;
	s9 =	rddreg [dreg:$0x14];
	[sflag:s1] =	ssyncset.done @!p2 $0x0  }
0x21a: {  	s10 =	rddreg [dreg:$0x13];
	[sflag:s1] =	ssyncadd.s32 @!p2 $0xFFFFEC00;
	s18 =	sadd.s32 s7, s9  }
0x21b: {  	[tilespmem:s19], [sflag:$0xA] =	stream.linear.gather [hbm4b:s18+s3], $0x28, $0x38;
	[tilespmem:$0x1A680] =	vst v63  }
0x21c: {  	s21 =	simm.s32 $0x5;
	s20 =	sadd.s32 s7, s10  }
0x21d: {  	[tilespmem:s26], [sflag:$0x14] =	stream.linear.gather [hbm4b:s20+s3], $0x28, $0x38;
	[tilespmem:$0x1A680] =	vst v63  }
0x21e: {  	_ =	swait.ge [sflag:s21], $0x28  }
0x21f: {  	[sflag:s21] =	ssyncset.done $0x0  }
0x220: {  	s22 =	simm.s32 $0x6600;
	[sflag:s21] =	ssyncadd.s32 $0xFFFFFFD8  }
0x221: {  	[tilespmem:s24], [sflag:$0x19] =	stream.indirect.gather [hbm4b:s29+s23], $0x80, s22, s23, $0xb8;
	[tilespmem:$0x1A680] =	vst v63  }
0x222: {  	_ =	swait.ge [sflag:s14], $0x1400  }
0x223: {  	[sflag:s14] =	ssyncset.done $0x0  }
0x224: {  	s28 =	simm.s32 $0xB;
	[sflag:s14] =	ssyncadd.s32 $0xFFFFEC00  }
0x225: {  	_ =	swait.ge [sflag:s28], $0x28  }
0x226: {  	[sflag:s28] =	ssyncset.done $0x0  }
0x227: {  	p1 =	seq.s32 s7, $0x4B0;
	s9 =	simm.s32 $0x6900;
	[sflag:s28] =	ssyncadd.s32 $0xFFFFFFD8  }
0x228: {  	[spmem:s2] =	stream.indirect.scatter.add.f32 [tilespmem:s3], [sflag:$0x1A], $0x80, s9, s23, $0xb8;
	[tilespmem:$0x1A680] =	vst v63  }
0x229: {  	s15 =	simm.s32 @!p1 $0x6400;
	_ =	swait.ge [sflag:s31], $0x1400  }
0x22a: {  	s9 =	sshrl.u32 @!p1 s25, $0x3;
	[sflag:s31] =	ssyncset.done $0x0;
	s1 =	rddreg [dreg:$0x15]  }
0x22b: {  	[sflag:s31] =	ssyncadd.s32 $0xFFFFEC00;
	s10 =	sadd.s32 @!p1 s1, s9;
	s1 =	simm.s32 @!p1 $0x0  }
0x22c: {  	[tilespmem:s15], [sflag:$0x1] =	stream.linear.gather @!p1 [hbm4b:s10+s1], $0x28, $0x38;
	[tilespmem:$0x1A680] =	vst v63  }
0x22d: {  	s10 =	rddreg [dreg:$0x16]  }
0x22e: {  	s9 =	sadd.s32 @!p1 s10, s9;
	s10 =	simm.s32 @!p1 $0x6900  }
0x22f: {  	[tilespmem:s10], [sflag:$0xB] =	stream.linear.gather @!p1 [hbm4b:s9+s1], $0x28, $0x38;
	[tilespmem:$0x1A680] =	vst v63  }
0x230: {  	s10 =	simm.s32 $0x6  }
0x231: {  	_ =	swait.ge [sflag:s10], $0x28  }
0x232: {  	[sflag:s10] =	ssyncset.done $0x0  }
0x233: {  	s11 =	simm.s32 $0x6680;
	s16 =	simm.s32 $0x16;
	[sflag:s10] =	ssyncadd.s32 $0xFFFFFFD8  }
0x234: {  	[tilespmem:s3], [sflag:$0x15] =	stream.indirect.gather [hbm4b:s29+s23], $0x80, s11, s23, $0xb8;
	[tilespmem:$0x1A680] =	vst v63  }
0x235: {  	_ =	swait.ge [sflag:s16], $0x1400  }
0x236: {  	[sflag:s16] =	ssyncset.done $0x0  }
0x237: {  	s17 =	simm.s32 $0xC;
	[sflag:s16] =	ssyncadd.s32 $0xFFFFEC00  }
0x238: {  	_ =	swait.ge [sflag:s17], $0x28  }
0x239: {  	s18 =	simm.s32 $0x6980;
	[sflag:s17] =	ssyncset.done $0x0  }
0x23a: {  	s11 =	simm.s32 $0x1B;
	s16 =	simm.s32 $0x1400;
	[sflag:s17] =	ssyncadd.s32 $0xFFFFFFD8  }
0x23b: {  	[spmem:s2] =	stream.indirect.scatter.add.f32 [tilespmem:s16], [sflag:$0x1B], $0x80, s18, s23, $0xb8;
	[tilespmem:$0x1A680] =	vst v63  }
0x23c: {  	_ =	swait.ge [sflag:s11], $0x1400  }
0x23d: {  	s9 =	rddreg [dreg:$0x12]  }
0x23e: {  	[sflag:s11] =	ssyncset.done $0x0;
	s10 =	rddreg [dreg:$0x11]  }
0x23f: {  	[sflag:s11] =	ssyncadd.s32 $0xFFFFEC00;
	s9 =	sadd.s32 @!p1 s7, s9;
	s11 =	simm.s32 @!p1 $0x6480  }
0x240: {  	[tilespmem:s11], [sflag:$0x2] =	stream.linear.gather @!p1 [hbm4b:s9+s1], $0x28, $0x38;
	[tilespmem:$0x1A680] =	vst v63  }
0x241: {  	s20 =	simm.s32 $0x7;
	s9 =	sadd.s32 @!p1 s7, s10;
	s10 =	simm.s32 @!p1 $0x6980  }
0x242: {  	[tilespmem:s10], [sflag:$0xC] =	stream.linear.gather @!p1 [hbm4b:s9+s1], $0x28, $0x38;
	[tilespmem:$0x1A680] =	vst v63  }
0x243: {  	_ =	swait.ge [sflag:s20], $0x28  }
0x244: {  	[sflag:s20] =	ssyncset.done $0x0  }
0x245: {  	s21 =	simm.s32 $0x6700;
	[sflag:s20] =	ssyncadd.s32 $0xFFFFFFD8  }
0x246: {  	[tilespmem:s16], [sflag:$0x16] =	stream.indirect.gather [hbm4b:s29+s23], $0x80, s21, s23, $0xb8;
	[tilespmem:$0x1A680] =	vst v63  }
0x247: {  	_ =	swait.ge [sflag:s13], $0x1400  }
0x248: {  	[sflag:s13] =	ssyncset.done $0x0  }
0x249: {  	s22 =	simm.s32 $0xD;
	[sflag:s13] =	ssyncadd.s32 $0xFFFFEC00  }
0x24a: {  	_ =	swait.ge [sflag:s22], $0x28  }
0x24b: {  	[sflag:s22] =	ssyncset.done $0x0  }
0x24c: {  	s25 =	simm.s32 $0x6A00;
	s21 =	simm.s32 $0x2800;
	[sflag:s22] =	ssyncadd.s32 $0xFFFFFFD8  }
0x24d: {  	[spmem:s2] =	stream.indirect.scatter.add.f32 [tilespmem:s21], [sflag:$0x1C], $0x80, s25, s23, $0xb8;
	[tilespmem:$0x1A680] =	vst v63  }
0x24e: {  	_ =	swait.ge [sflag:s6], $0x1400  }
0x24f: {  	s10 =	simm.s32 @!p1 $0x6500;
	s9 =	rddreg [dreg:$0x10];
	[sflag:s6] =	ssyncset.done $0x0  }
0x250: {  	s16 =	rddreg [dreg:$0xf];
	[sflag:s6] =	ssyncadd.s32 $0xFFFFEC00;
	s9 =	sadd.s32 @!p1 s7, s9  }
0x251: {  	[tilespmem:s10], [sflag:$0x3] =	stream.linear.gather @!p1 [hbm4b:s9+s1], $0x28, $0x38;
	[tilespmem:$0x1A680] =	vst v63  }
0x252: {  	s28 =	simm.s32 $0x8;
	s9 =	sadd.s32 @!p1 s7, s16;
	s16 =	simm.s32 @!p1 $0x6A00  }
0x253: {  	[tilespmem:s16], [sflag:$0xD] =	stream.linear.gather @!p1 [hbm4b:s9+s1], $0x28, $0x38;
	[tilespmem:$0x1A680] =	vst v63  }
0x254: {  	_ =	swait.ge [sflag:s28], $0x28  }
0x255: {  	[sflag:s28] =	ssyncset.done $0x0  }
0x256: {  	s17 =	simm.s32 $0x18;
	s16 =	simm.s32 $0x6780;
	[sflag:s28] =	ssyncadd.s32 $0xFFFFFFD8  }
0x257: {  	[tilespmem:s21], [sflag:$0x17] =	stream.indirect.gather [hbm4b:s29+s23], $0x80, s16, s23, $0xb8;
	[tilespmem:$0x1A680] =	vst v63  }
0x258: {  	_ =	swait.ge [sflag:s17], $0x1400  }
0x259: {  	[sflag:s17] =	ssyncset.done $0x0  }
0x25a: {  	s18 =	simm.s32 $0xE;
	[sflag:s17] =	ssyncadd.s32 $0xFFFFEC00  }
0x25b: {  	_ =	swait.ge [sflag:s18], $0x28  }
0x25c: {  	s20 =	simm.s32 $0x6A80;
	[sflag:s18] =	ssyncset.done $0x0  }
0x25d: {  	s17 =	simm.s32 $0x1D;
	[sflag:s18] =	ssyncadd.s32 $0xFFFFFFD8;
	s18 =	simm.s32 $0x3C00  }
0x25e: {  	[spmem:s2] =	stream.indirect.scatter.add.f32 [tilespmem:s18], [sflag:$0x1D], $0x80, s20, s23, $0xb8;
	[tilespmem:$0x1A680] =	vst v63  }
0x25f: {  	_ =	swait.ge [sflag:s17], $0x1400  }
0x260: {  	s9 =	rddreg [dreg:$0xe]  }
0x261: {  	[sflag:s17] =	ssyncset.done $0x0;
	s16 =	rddreg [dreg:$0xd]  }
0x262: {  	[sflag:s17] =	ssyncadd.s32 $0xFFFFEC00;
	s17 =	sadd.s32 @!p1 s7, s9;
	s9 =	simm.s32 @!p1 $0x6580  }
0x263: {  	[tilespmem:s9], [sflag:$0x4] =	stream.linear.gather @!p1 [hbm4b:s17+s1], $0x28, $0x38;
	[tilespmem:$0x1A680] =	vst v63  }
0x264: {  	s22 =	simm.s32 $0x9;
	s16 =	sadd.s32 @!p1 s7, s16;
	s17 =	simm.s32 @!p1 $0x6A80  }
0x265: {  	[tilespmem:s17], [sflag:$0xE] =	stream.linear.gather @!p1 [hbm4b:s16+s1], $0x28, $0x38;
	[tilespmem:$0x1A680] =	vst v63  }
0x266: {  	_ =	swait.ge [sflag:s22], $0x28  }
0x267: {  	[sflag:s22] =	ssyncset.done $0x0  }
0x268: {  	s25 =	simm.s32 $0x6800;
	[sflag:s22] =	ssyncadd.s32 $0xFFFFFFD8  }
0x269: {  	[tilespmem:s18], [sflag:$0x18] =	stream.indirect.gather [hbm4b:s29+s23], $0x80, s25, s23, $0xb8;
	[tilespmem:$0x1A680] =	vst v63  }
0x26a: {  	_ =	swait.ge [sflag:s8], $0x1400  }
0x26b: {  	[sflag:s8] =	ssyncset.done $0x0  }
0x26c: {  	s28 =	simm.s32 $0xF;
	[sflag:s8] =	ssyncadd.s32 $0xFFFFEC00  }
0x26d: {  	_ =	swait.ge [sflag:s28], $0x28  }
0x26e: {  	[sflag:s28] =	ssyncset.done $0x0  }
0x26f: {  	s17 =	simm.s32 $0x6B00;
	[sflag:s28] =	ssyncadd.s32 $0xFFFFFFD8  }
0x270: {  	[spmem:s2] =	stream.indirect.scatter.add.f32 [tilespmem:s24], [sflag:$0x1E], $0x80, s17, s23, $0xb8;
	[tilespmem:$0x1A680] =	vst v63  }
0x271: {  	_ =	swait.ge [sflag:s4], $0x1400  }
0x272: {  	s18 =	simm.s32 @!p1 $0x6600;
	s16 =	rddreg [dreg:$0xc];
	[sflag:s4] =	ssyncset.done $0x0  }
0x273: {  	s17 =	rddreg [dreg:$0xb];
	[sflag:s4] =	ssyncadd.s32 $0xFFFFEC00;
	s16 =	sadd.s32 @!p1 s7, s16  }
0x274: {  	[tilespmem:s18], [sflag:$0x5] =	stream.linear.gather @!p1 [hbm4b:s16+s1], $0x28, $0x38;
	[tilespmem:$0x1A680] =	vst v63  }
0x275: {  	s16 =	sadd.s32 @!p1 s7, s17;
	s17 =	simm.s32 @!p1 $0x6B00  }
0x276: {  	[tilespmem:s17], [sflag:$0xF] =	stream.linear.gather @!p1 [hbm4b:s16+s1], $0x28, $0x38;
	[tilespmem:$0x1A680] =	vst v63  }
0x277: {  	_ =	swait.ge [sflag:s5], $0x28  }
0x278: {  	[sflag:s5] =	ssyncset.done $0x0  }
0x279: {  	[sflag:s5] =	ssyncadd.s32 $0xFFFFFFD8  }
0x27a: {  	[tilespmem:s24], [sflag:$0x19] =	stream.indirect.gather [hbm4b:s29+s23], $0x80, s19, s23, $0xb8;
	[tilespmem:$0x1A680] =	vst v63  }
0x27b: {  	_ =	swait.ge [sflag:s14], $0x1400  }
0x27c: {  	[sflag:s14] =	ssyncset.done $0x0  }
0x27d: {  	[sflag:s14] =	ssyncadd.s32 $0xFFFFEC00  }
0x27e: {  	_ =	swait.ge [sflag:s12], $0x28  }
0x27f: {  	[sflag:s12] =	ssyncset.done $0x0  }
0x280: {  	s18 =	simm.s32 $0x6B80;
	[sflag:s12] =	ssyncadd.s32 $0xFFFFFFD8  }
0x281: {  	[spmem:s2] =	stream.indirect.scatter.add.f32 [tilespmem:s3], [sflag:$0x1A], $0x80, s18, s23, $0xb8;
	[tilespmem:$0x1A680] =	vst v63  }
0x282: {  	_ =	swait.ge [sflag:s31], $0x1400  }
0x283: {  	[sflag:s31] =	ssyncset.done $0x0  }
0x284: {  	s16 =	simm.s32 @p1 $0x16;
	[sflag:s31] =	ssyncadd.s32 $0xFFFFEC00  }
0x285: {  	_ =	swait.ge @p1 [sflag:s16], $0x1400  }
0x286: {  	[sflag:s16] =	ssyncset.done @p1 $0x0  }
0x287: {  	[sflag:s16] =	ssyncadd.s32 @p1 $0xFFFFEC00;
	s16 =	simm.s32 @p1 $0x11  }
0x288: {  	_ =	swait.ge @p1 [sflag:s16], $0x28  }
0x289: {  	s22 =	simm.s32 @p1 $0x28;
	s17 =	simm.s32 @p1 $0x1400;
	[sflag:s16] =	ssyncset.done @p1 $0x0  }
0x28a: {  	s18 =	simm.s32 @p1 $0x1B;
	[sflag:s16] =	ssyncadd.s32 @p1 $0xFFFFFFD8;
	s16 =	simm.s32 @p1 $0x6C00  }
0x28b: {  	[spmem:s2] =	stream.indirect.scatter.add.f32 @p1 [tilespmem:s17], [sflag:$0x1B], $0x80, s16, s22, $0xb8;
	[tilespmem:$0x1A680] =	vst v63  }
0x28c: {  	_ =	swait.ge @p1 [sflag:s18], $0x1400  }
0x28d: {  	s16 =	rddreg [dreg:$0xa]  }
0x28e: {  	[sflag:s18] =	ssyncset.done @p1 $0x0;
	s17 =	rddreg [dreg:$0x9]  }
0x28f: {  	[sflag:s18] =	ssyncadd.s32 @p1 $0xFFFFEC00;
	s16 =	sadd.s32 @!p1 s7, s16;
	s18 =	simm.s32 @!p1 $0x6680  }
0x290: {  	[tilespmem:s18], [sflag:$0x6] =	stream.linear.gather @!p1 [hbm4b:s16+s1], $0x28, $0x38;
	[tilespmem:$0x1A680] =	vst v63  }
0x291: {  	s16 =	sadd.s32 @!p1 s7, s17;
	s17 =	simm.s32 @!p1 $0x6B80;
	s18 =	simm.s32 @!p1 $0x1  }
0x292: {  	[tilespmem:s17], [sflag:$0x10] =	stream.linear.gather @!p1 [hbm4b:s16+s1], $0x28, $0x38;
	[tilespmem:$0x1A680] =	vst v63  }
0x293: {  	_ =	swait.ge @!p1 [sflag:s18], $0x28  }
0x294: {  	[sflag:s18] =	ssyncset.done @!p1 $0x0  }
0x295: {  	s16 =	simm.s32 @!p1 $0x28;
	s17 =	simm.s32 @!p1 $0x16;
	[sflag:s18] =	ssyncadd.s32 @!p1 $0xFFFFFFD8  }
0x296: {  	[tilespmem:s1], [sflag:$0x15] =	stream.indirect.gather @!p1 [hbm4b:s29+s16], $0x80, s15, s16, $0xb8;
	[tilespmem:$0x1A680] =	vst v63  }
0x297: {  	_ =	swait.ge @!p1 [sflag:s17], $0x1400  }
0x298: {  	[sflag:s17] =	ssyncset.done @!p1 $0x0  }
0x299: {  	s15 =	simm.s32 @!p1 $0x11;
	[sflag:s17] =	ssyncadd.s32 @!p1 $0xFFFFEC00  }
0x29a: {  	_ =	swait.ge @!p1 [sflag:s15], $0x28  }
0x29b: {  	s18 =	simm.s32 @!p1 $0x1400;
	[sflag:s15] =	ssyncset.done @!p1 $0x0  }
0x29c: {  	s17 =	simm.s32 @!p1 $0x1B;
	[sflag:s15] =	ssyncadd.s32 @!p1 $0xFFFFFFD8;
	s15 =	simm.s32 @!p1 $0x6C00  }
0x29d: {  	[spmem:s2] =	stream.indirect.scatter.add.f32 @!p1 [tilespmem:s18], [sflag:$0x1B], $0x80, s15, s16, $0xb8;
	[tilespmem:$0x1A680] =	vst v63  }
0x29e: {  	_ =	swait.ge @!p1 [sflag:s17], $0x1400  }
0x29f: {  	s19 =	rddreg [dreg:$0x8]  }
0x2a0: {  	[sflag:s17] =	ssyncset.done @!p1 $0x0;
	s20 =	rddreg [dreg:$0x7]  }
0x2a1: {  	[sflag:s17] =	ssyncadd.s32 @!p1 $0xFFFFEC00;
	s17 =	sadd.s32 @!p1 s7, s19;
	s19 =	simm.s32 @!p1 $0x6700  }
0x2a2: {  	[tilespmem:s19], [sflag:$0x7] =	stream.linear.gather @!p1 [hbm4b:s17+s1], $0x28, $0x38;
	[tilespmem:$0x1A680] =	vst v63  }
0x2a3: {  	s17 =	sadd.s32 @!p1 s7, s20  }
0x2a4: {  	[tilespmem:s15], [sflag:$0x11] =	stream.linear.gather @!p1 [hbm4b:s17+s1], $0x28, $0x38;
	[tilespmem:$0x1A680] =	vst v63  }
0x2a5: {  	s15 =	simm.s32 @!p1 $0x2  }
0x2a6: {  	_ =	swait.ge @!p1 [sflag:s15], $0x28  }
0x2a7: {  	[sflag:s15] =	ssyncset.done @!p1 $0x0  }
0x2a8: {  	[sflag:s15] =	ssyncadd.s32 @!p1 $0xFFFFFFD8  }
0x2a9: {  	[tilespmem:s18], [sflag:$0x16] =	stream.indirect.gather @!p1 [hbm4b:s29+s16], $0x80, s11, s16, $0xb8;
	[tilespmem:$0x1A680] =	vst v63  }
0x2aa: {  	_ =	swait.ge [sflag:s13], $0x1400  }
0x2ab: {  	[sflag:s13] =	ssyncset.done $0x0  }
0x2ac: {  	[sflag:s13] =	ssyncadd.s32 $0xFFFFEC00  }
0x2ad: {  	_ =	swait.ge [sflag:s30], $0x28  }
0x2ae: {  	[sflag:s30] =	ssyncset.done $0x0  }
0x2af: {  	s19 =	simm.s32 $0x6C80;
	[sflag:s30] =	ssyncadd.s32 $0xFFFFFFD8  }
0x2b0: {  	[spmem:s2] =	stream.indirect.scatter.add.f32 [tilespmem:s21], [sflag:$0x1C], $0x80, s19, s23, $0xb8;
	[tilespmem:$0x1A680] =	vst v63  }
0x2b1: {  	_ =	swait.ge [sflag:s6], $0x1400  }
0x2b2: {  	[sflag:s6] =	ssyncset.done $0x0  }
0x2b3: {  	s11 =	simm.s32 @p1 $0x18;
	[sflag:s6] =	ssyncadd.s32 $0xFFFFEC00  }
0x2b4: {  	_ =	swait.ge @p1 [sflag:s11], $0x1400  }
0x2b5: {  	[sflag:s11] =	ssyncset.done @p1 $0x0  }
0x2b6: {  	[sflag:s11] =	ssyncadd.s32 @p1 $0xFFFFEC00;
	s11 =	simm.s32 @p1 $0x13  }
0x2b7: {  	_ =	swait.ge @p1 [sflag:s11], $0x28  }
0x2b8: {  	s17 =	simm.s32 @p1 $0x3C00;
	[sflag:s11] =	ssyncset.done @p1 $0x0  }
0x2b9: {  	s15 =	simm.s32 @p1 $0x1D;
	[sflag:s11] =	ssyncadd.s32 @p1 $0xFFFFFFD8;
	s11 =	simm.s32 @p1 $0x6D00  }
0x2ba: {  	[spmem:s2] =	stream.indirect.scatter.add.f32 @p1 [tilespmem:s17], [sflag:$0x1D], $0x80, s11, s22, $0xb8;
	[tilespmem:$0x1A680] =	vst v63  }
0x2bb: {  	_ =	swait.ge @p1 [sflag:s15], $0x1400  }
0x2bc: {  	s11 =	rddreg [dreg:$0x6]  }
0x2bd: {  	[sflag:s15] =	ssyncset.done @p1 $0x0;
	s17 =	rddreg [dreg:$0x5]  }
0x2be: {  	[sflag:s15] =	ssyncadd.s32 @p1 $0xFFFFEC00;
	s11 =	sadd.s32 @!p1 s7, s11;
	s15 =	simm.s32 @!p1 $0x6780  }
0x2bf: {  	[tilespmem:s15], [sflag:$0x8] =	stream.linear.gather @!p1 [hbm4b:s11+s1], $0x28, $0x38;
	[tilespmem:$0x1A680] =	vst v63  }
0x2c0: {  	s11 =	sadd.s32 @!p1 s7, s17;
	s15 =	simm.s32 @!p1 $0x6C80;
	s17 =	simm.s32 @!p1 $0x3  }
0x2c1: {  	[tilespmem:s15], [sflag:$0x12] =	stream.linear.gather @!p1 [hbm4b:s11+s1], $0x28, $0x38;
	[tilespmem:$0x1A680] =	vst v63  }
0x2c2: {  	_ =	swait.ge @!p1 [sflag:s17], $0x28  }
0x2c3: {  	[sflag:s17] =	ssyncset.done @!p1 $0x0  }
0x2c4: {  	s11 =	simm.s32 @!p1 $0x2800;
	s15 =	simm.s32 @!p1 $0x18;
	[sflag:s17] =	ssyncadd.s32 @!p1 $0xFFFFFFD8  }
0x2c5: {  	[tilespmem:s11], [sflag:$0x17] =	stream.indirect.gather @!p1 [hbm4b:s29+s16], $0x80, s10, s16, $0xb8;
	[tilespmem:$0x1A680] =	vst v63  }
0x2c6: {  	_ =	swait.ge @!p1 [sflag:s15], $0x1400  }
0x2c7: {  	[sflag:s15] =	ssyncset.done @!p1 $0x0  }
0x2c8: {  	s10 =	simm.s32 @!p1 $0x13;
	[sflag:s15] =	ssyncadd.s32 @!p1 $0xFFFFEC00  }
0x2c9: {  	_ =	swait.ge @!p1 [sflag:s10], $0x28  }
0x2ca: {  	s11 =	simm.s32 @!p1 $0x1D;
	[sflag:s10] =	ssyncset.done @!p1 $0x0  }
0x2cb: {  	s15 =	simm.s32 @!p1 $0x3C00;
	[sflag:s10] =	ssyncadd.s32 @!p1 $0xFFFFFFD8;
	s10 =	simm.s32 @!p1 $0x6D00  }
0x2cc: {  	[spmem:s2] =	stream.indirect.scatter.add.f32 @!p1 [tilespmem:s15], [sflag:$0x1D], $0x80, s10, s16, $0xb8;
	[tilespmem:$0x1A680] =	vst v63  }
0x2cd: {  	_ =	swait.ge @!p1 [sflag:s11], $0x1400  }
0x2ce: {  	s17 =	rddreg [dreg:$0x4]  }
0x2cf: {  	[sflag:s11] =	ssyncset.done @!p1 $0x0;
	s18 =	rddreg [dreg:$0x3]  }
0x2d0: {  	[sflag:s11] =	ssyncadd.s32 @!p1 $0xFFFFEC00;
	s11 =	sadd.s32 @!p1 s7, s17;
	s17 =	simm.s32 @!p1 $0x6800  }
0x2d1: {  	[tilespmem:s17], [sflag:$0x9] =	stream.linear.gather @!p1 [hbm4b:s11+s1], $0x28, $0x38;
	[tilespmem:$0x1A680] =	vst v63  }
0x2d2: {  	s7 =	sadd.s32 @!p1 s7, s18  }
0x2d3: {  	[tilespmem:s10], [sflag:$0x13] =	stream.linear.gather @!p1 [hbm4b:s7+s1], $0x28, $0x38;
	[tilespmem:$0x1A680] =	vst v63  }
0x2d4: {  	s1 =	simm.s32 @!p1 $0x4  }
0x2d5: {  	_ =	swait.ge @!p1 [sflag:s1], $0x28  }
0x2d6: {  	[sflag:s1] =	ssyncset.done @!p1 $0x0  }
0x2d7: {  	[sflag:s1] =	ssyncadd.s32 @!p1 $0xFFFFFFD8  }
0x2d8: {  	[tilespmem:s15], [sflag:$0x18] =	stream.indirect.gather @!p1 [hbm4b:s29+s16], $0x80, s9, s16, $0xb8;
	[tilespmem:$0x1A680] =	vst v63  }
0x2d9: {  	_ =	swait.ge [sflag:s8], $0x1400  }
0x2da: {  	[sflag:s8] =	ssyncset.done $0x0  }
0x2db: {  	[sflag:s8] =	ssyncadd.s32 $0xFFFFEC00  }
0x2dc: {  	_ =	swait.ge [sflag:s0], $0x28  }
0x2dd: {  	[sflag:s0] =	ssyncset.done $0x0  }
0x2de: {  	[sflag:s0] =	ssyncadd.s32 $0xFFFFFFD8  }
0x2df: {  	[spmem:s2] =	stream.indirect.scatter.add.f32 [tilespmem:s24], [sflag:$0x1E], $0x80, s26, s23, $0xb8;
	[tilespmem:$0x1A680] =	vst v63  }
0x2e0: {  	_ =	swait.ge [sflag:s4], $0x1400  }
0x2e1: {  	[sflag:s4] =	ssyncset.done $0x0  }
0x2e2: {  	[sflag:s4] =	ssyncadd.s32 $0xFFFFEC00  }
0x2e3: {  	[bflag:$0x0] =	sbarrier.arrive $0xFFFF  }
0x2e4: {  	s9 =	sld [smem:$0x7F9]  }
0x2e5: {  	s7 =	sld [smem:$0x7FD]  }
0x2e6: {  	s22 =	sld [smem:$0x7EA]  }
0x2e7: {  	s20 =	rddreg [dreg:$0x17]  }
0x2e8: {  	s25 =	simm.s32 $0x1F;
	s1 =	sadd.s32 s20, s9  }
0x2e9: {  	[hbm:s1], [sflag:s7] =	dma.local [spmem:s22], $0x2700  }
0x2ea: {  	_ =	swait.ge [sflag:s25], $0x2700  }
0x2eb: {  	s1 =	sadd.s32 @!p0 $0x27000, s9;
	s9 =	sld [smem:$0x7EB]  }
0x2ec: {  	[sflag:s25] =	ssyncset.done $0x0  }
0x2ed: {  	[sflag:s25] =	ssyncadd.s32 $0xFFFFD900  }
0x2ee: {  	[hbm:s1], [sflag:s7] =	dma.local @!p0 [spmem:s9], $0x100  }
0x2ef: {  	s1 =	simm.s32 @!p0 $0x1F  }
0x2f0: {  	_ =	swait.ge @!p0 [sflag:s1], $0x100  }
0x2f1: {  	s26 =	sld [smem:$0x7E9]  }
0x2f2: {  	s28 =	sld [smem:$0x7FA];
	_ =	sdelay $0x1  }
0x2f3: {  	s10 =	sadd.s32 $0x1, s26  }
0x2f4: {  	p1 =	sne.s32 s10, s28  }
.Ltmp1:
0x2f5: {  	_ = 	snop;
	(pc) =	sbr.rel @p1 .LBB2_1-.Ltmp1, $3  }
0x2f6: {  	_ =	sdelay $0x1  }
0x2f7: {  	[sflag:s1] =	ssyncset.done @!p0 $0x0  }
0x2f8: {  	s21 =	simm.s32 $0x6D80;
	[sflag:s1] =	ssyncadd.s32 @!p0 $0xFFFFFF00  }
0x2f9: {  	_ =	sfence.sel $0x180000  }
0x2fa: {  	[bflag:$0x0] =	sbarrier.arrive $0xFFFF  }
0x2fb: {  	_ =	strace $0x9000004A  }
0x2fc: {  	s0 =	stileid.u32;
	[bflag:$0x2] =	sbarrier.arrive $0xFFFF  }
0x2fd: {  	p0 =	sne.s32 s0, $0x0;
	s0 =	rddreg [dreg:$0x2]  }
0x2fe: {  	s0 =	sadd.s32 @!p0 $0x100000, s0  }
0x2ff: {  	[sflag:s0] =	ssyncadd.tile.s32 @!p0 $0x1;
	_ =	shalt  }
.Lfunc_end2:
_tile_overlayer_lowered:
.L_overlay_start_2:
0x300: {  	(tag) =	ssettag $0x2  }
0x301: {  	s0 =	rddreg [dreg:$0x0];
	s2 =	stileid.u32  }
0x302: {  	s1 =	rddreg [dreg:$0x1];
	p0 =	sne.s32 s2, $0x0  }
0x303: {  	s3 =	rddreg [dreg:$0x2];
	[bflag:$0x3] =	sbarrier.arrive $0xFFFF;
	s2 =	simm.s32 @!p0 $0x1C1F  }
0x304: {  	[timem:s3], [sflag:s2] =	dma.local @!p0 [hbm:s0], s1  }
0x305: {  	s0 =	simm.s32 @!p0 $0x1F  }
0x306: {  	_ =	swait.ge @!p0 [sflag:s0], s1  }
0x307: {  	s1 =	ssub.s32 @!p0 $0x0, s1;
	[sflag:s0] =	ssyncset.done @!p0 $0x0  }
0x308: {  	[sflag:s0] =	ssyncadd.s32 @!p0 s1  }
0x309: {  	[bflag:$0x3] =	sbarrier.arrive $0xFFFF  }
0x30a: {  	_ =	shalt  }

// kernel: kernel.14.cloned.1.call-start
scs
__scs_entry_jumppad:
0x0: {  	(pc) =	sbr.rel $0x88, $3  }
0x1: {  	(tag) =	ssettag $0x0;
	lr =	simm.s32 $0x1  }
0x2: {  	[smem:$0x3F98] =	sst lr;
	_ =	strace $0xD0000000  }
0x3: {  	_ = 	snop  }
0x4: {  	_ = 	snop  }
0x5: {  	_ = 	snop  }
0x6: {  	_ = 	snop  }
0x7: {  	_ = 	snop  }
__scs_overlays_trampoline_lowered:
0x8: {  	[smem:$0x3FA7] =	sst s0  }
0x9: {  	[smem:$0x3FA8] =	sst s1  }
0xa: {  	[smem:$0x3FA9] =	sst s2  }
0xb: {  	[smem:$0x3FAA] =	sst s3  }
0xc: {  	[smem:$0x3FAB] =	sst s4  }
0xd: {  	[smem:$0x3FAC] =	sst s5  }
0xe: {  	[smem:$0x3FAD] =	sst s6  }
0xf: {  	[smem:$0x3FAE] =	sst s7  }
0x10: {  	[smem:$0x3FAF] =	sst s8  }
0x11: {  	[smem:$0x3FB0] =	sst s9;
	s0 =	simm.s32 @!p0 $0x0  }
0x12: {  	s1 =	sld [smem:$0x3F96];
	s0 =	simm.s32 @p0 $0x1  }
0x13: {  	[smem:$0x3FB1] =	sst s0;
	s0 =	simm.s32 @!p1 $0x0  }
0x14: {  	s2 =	sld [smem:$0x3F95];
	s0 =	simm.s32 @p1 $0x1  }
0x15: {  	[smem:$0x3FB2] =	sst s0;
	s0 =	simm.s32 @!p2 $0x0  }
0x16: {  	s3 =	sld [smem:$0x3FDB];
	s0 =	simm.s32 @p2 $0x1  }
0x17: {  	s4 =	simm.s32 $0x1BF5;
	[smem:$0x3FB4] =	sst s0  }
0x18: {  	s0 =	sld [smem:$0x3F97];
	_ =	swait.ge [sflag:s4], $0x0  }
0x19: {  	s7 =	sld [smem:$0x3F98]  }
0x1a: {  	s8 =	sadd.s32 $0xFFFFE003, lr  }
0x1b: {  	s9 =	sadd.s32 $0xFFFFFEF7, lr;
	s5 =	simm.s32 $0xFFFFFFFF;
	p2 =	slt.u32 s8, $0xFFFFF086  }
0x1c: {  	p1 =	slt.u32 s9, $0xF7A;
	s5 =	simm.s32 @!p2 $0x0  }
0x1d: {  	s5 =	simm.s32 @p1 $0x1;
	p0 =	seq.s32 s7, s2  }
0x1e: {  	s7 =	smul.u32 @!p0 $0xF7A, s2;
	p2 =	seq.s32 @!p0 s5, $0x0  }
0x1f: {  	s9 =	smul.u32 $0xF7A, s1;
	s8 =	simm.s32 @!p0 $0x1BF5;
	p2 =	por !p2, p0  }
0x20: {  	[sflag:s8] =	ssyncset.s32 @!p0 $0xFFFFF086;
	s6 =	sadd.s32 @!p0 s3, s7;
	s7 =	simm.s32 @!p0 $0x108  }
0x21: {  	s3 =	sadd.s32 s3, s9;
	s6 =	sadd.s32 @!p0 $0x88, s6;
	s7 =	simm.s32 @p2 $0x1082  }
0x22: {  	[simem:s7], [sflag:s8] =	dma.local @!p0 [hbm:s6], $0xF7A  }
0x23: {  	s9 =	sor.u32 $0xD0000000, s2;
	s6 =	simm.s32 $0x108;
	_ =	swait.ge @!p0 [sflag:s8], $0x0  }
0x24: {  	s3 =	sadd.s32 $0x88, s3;
	s6 =	simm.s32 @!p1 $0x1082;
	[sflag:s4] =	ssyncset.s32 $0xFFFFF086  }
0x25: {  	[simem:s6], [sflag:s4] =	dma.local [hbm:s3], $0xF7A  }
0x26: {  	[smem:$0x3F98] =	sst s1;
	(tag) =	ssettag s2;
	_ =	strace s9  }
0x27: {  	s1 =	sld [smem:$0x3FA8]  }
0x28: {  	s2 =	sld [smem:$0x3FA9]  }
0x29: {  	s4 =	sld [smem:$0x3FAB]  }
0x2a: {  	p0 =	seq.s32 s5, $0x0;
	s5 =	sld [smem:$0x3FAC]  }
0x2b: {  	s6 =	sld [smem:$0x3FAD]  }
0x2c: {  	s7 =	sld [smem:$0x3FAE]  }
0x2d: {  	s3 =	simm.s32 $0x108;
	s8 =	sld [smem:$0x3FAF]  }
0x2e: {  	s3 =	simm.s32 @!p0 $0x1082;
	s9 =	sld [smem:$0x3FB0]  }
0x2f: {  	lr =	sadd.s32 s0, s3;
	s0 =	sld [smem:$0x3FA7]  }
0x30: {  	s3 =	sld [smem:$0x3FAA]  }
0x31: {  	[smem:$0x3FB3] =	sst s10  }
0x32: {  	s10 =	sld [smem:$0x3FB1];
	_ =	sdelay $0x3  }
0x33: {  	p0 =	seq.s32 s10, $0x1;
	s10 =	sld [smem:$0x3FB3];
	_ =	sdelay $0x3  }
0x34: {  	[smem:$0x3FB3] =	sst s10  }
0x35: {  	s10 =	sld [smem:$0x3FB2];
	_ =	sdelay $0x3  }
0x36: {  	p1 =	seq.s32 s10, $0x1;
	s10 =	sld [smem:$0x3FB3];
	_ =	sdelay $0x3  }
0x37: {  	[smem:$0x3FB3] =	sst s10  }
0x38: {  	s10 =	sld [smem:$0x3FB4]  }
0x39: {  	_ = 	snop;
	(pc) =	sbr.ind lr, $3  }
0x3a: {  	_ = 	snop  }
0x3b: {  	_ = 	snop  }
0x3c: {  	p2 =	seq.s32 s10, $0x1;
	s10 =	sld [smem:$0x3FB3]  }
0x3d: {  	_ =	shalt  }
0x3e: {  	_ =	shalt  }
0x3f: {  	_ =	shalt  }
0x40: {  	_ =	shalt  }
0x41: {  	_ =	shalt  }
0x42: {  	_ =	shalt  }
0x43: {  	_ =	shalt  }
0x44: {  	_ =	shalt  }
0x45: {  	_ =	shalt  }
0x46: {  	_ =	shalt  }
0x47: {  	_ =	shalt  }
0x48: {  	_ =	shalt  }
0x49: {  	_ =	shalt  }
0x4a: {  	_ =	shalt  }
0x4b: {  	_ =	shalt  }
0x4c: {  	_ =	shalt  }
0x4d: {  	_ =	shalt  }
0x4e: {  	_ =	shalt  }
0x4f: {  	_ =	shalt  }
0x50: {  	_ =	shalt  }
0x51: {  	_ =	shalt  }
0x52: {  	_ =	shalt  }
0x53: {  	_ =	shalt  }
0x54: {  	_ =	shalt  }
0x55: {  	_ =	shalt  }
0x56: {  	_ =	shalt  }
0x57: {  	_ =	shalt  }
0x58: {  	_ =	shalt  }
0x59: {  	_ =	shalt  }
0x5a: {  	_ =	shalt  }
0x5b: {  	_ =	shalt  }
0x5c: {  	_ =	shalt  }
0x5d: {  	_ =	shalt  }
0x5e: {  	_ =	shalt  }
0x5f: {  	_ =	shalt  }
0x60: {  	_ =	shalt  }
0x61: {  	_ =	shalt  }
0x62: {  	_ =	shalt  }
0x63: {  	_ =	shalt  }
0x64: {  	_ =	shalt  }
0x65: {  	_ =	shalt  }
0x66: {  	_ =	shalt  }
0x67: {  	_ =	shalt  }
0x68: {  	_ =	shalt  }
0x69: {  	_ =	shalt  }
0x6a: {  	_ =	shalt  }
0x6b: {  	_ =	shalt  }
0x6c: {  	_ =	shalt  }
0x6d: {  	_ =	shalt  }
0x6e: {  	_ =	shalt  }
0x6f: {  	_ =	shalt  }
0x70: {  	_ =	shalt  }
0x71: {  	_ =	shalt  }
0x72: {  	_ =	shalt  }
0x73: {  	_ =	shalt  }
0x74: {  	_ =	shalt  }
0x75: {  	_ =	shalt  }
0x76: {  	_ =	shalt  }
0x77: {  	_ =	shalt  }
0x78: {  	_ =	shalt  }
0x79: {  	_ =	shalt  }
0x7a: {  	_ =	shalt  }
0x7b: {  	_ =	shalt  }
0x7c: {  	_ =	shalt  }
0x7d: {  	_ =	shalt  }
0x7e: {  	_ =	shalt  }
0x7f: {  	_ =	shalt  }
0x80: {  	_ =	shalt  }
0x81: {  	_ =	shalt  }
0x82: {  	_ =	shalt  }
0x83: {  	_ =	shalt  }
0x84: {  	_ =	shalt  }
0x85: {  	_ =	shalt  }
0x86: {  	_ =	shalt  }
0x87: {  	_ =	shalt  }
.Lfunc_end0:
.L_simem_size_0:
called_computation.2_lowered:
.L_overlay_start_0:
0x88: {  	s2 =	sld [smem:$0x3FD9]  }
0x89: {  	s3 =	sld [smem:$0x3FFE];
	_ =	sdelay $0x1  }
0x8a: {  	s1 =	srdreg.scid  }
0x8b: {  	s0 =	sand.u32 $0x1, s1  }
0x8c: {  	s16 =	sshll.u32 s0, $0xA;
	s2 =	sadd.s32 s3, s2  }
0x8d: {  	s2 =	sadd.s32 s2, s16  }
0x8e: {  	[smem:$0x3FBF] =	sst s2  }
0x8f: {  	_ = 	snop  }
0x90: {  	(tm) =	ssettm $0x1  }
0x91: {  	s17 =	sld [smem:$0x3FFB];
	_ =	sdelay $0x3  }
0x92: {  	_ =	strace s17  }
0x93: {  	s2 =	sld [smem:$0x3FFC];
	_ =	sdelay $0x3  }
0x94: {  	_ =	strace s2  }
0x95: {  	s2 =	sld [smem:$0x3FFD];
	_ =	sdelay $0x3  }
0x96: {  	_ =	strace s2  }
0x97: {  	_ =	strace $0x8FFFFFFF  }
0x98: {  	s18 =	sld [smem:$0x3FDB];
	_ =	sdelay $0x1  }
0x99: {  	s19 =	simm.s32 $_scs_section_size  }
0x9a: {  	s4 =	simm.s32 $_size__tile_overlayer_lowered;
	s5 =	simm.s32 $_tile_overlayer_lowered  }
0x9b: {  	s22 =	simm.s32 $0x1BFF;
	s21 =	sshll.u32 s5, $0x1;
	s2 =	sadd.s32 s19, s18  }
0x9c: {  	s6 =	simm.s32 $0x0;
	s20 =	sshll.u32 s4, $0x1;
	s4 =	sadd.s32 s21, s2  }
0x9d: {  	[timem:s6], [sflag:s22] =	dma.local [hbm:s4], s20  }
0x9e: {  	_ =	swait.ge [sflag:s22], s20  }
0x9f: {  	s3 =	ssub.s32 $0x0, s20;
	[sflag:s22] =	ssyncset.done $0x0  }
0xa0: {  	[sflag:s22] =	ssyncadd.s32 s3;
	_ =	sdelay $0x1  }
0xa1: {  	s23 =	simm.s32 $0x1B8B  }
0xa2: {  	_ =	swait.ge [sflag:s23], $0x1  }
0xa3: {  	[sflag:s23] =	ssyncset.done $0x0  }
0xa4: {  	s25 =	simm.s32 $0x1B8E;
	s24 =	sld [smem:$0x3FFE];
	[sflag:s23] =	ssyncadd.s32 $0xFFFFFFFF  }
0xa5: {  	s26 =	simm.s32 $execute0_lowered;
	[smem:$0x3FD2] =	sst s25  }
0xa6: {  	s4 =	sshll.u32 s26, $0x1;
	_ =	strace $0x8000004C;
	[dreg:$0x1] =	wrdreg $0xFFFFFFFF  }
0xa7: {  	s28 =	simm.s32 $_size_execute0_lowered;
	s2 =	sadd.s32 s2, s4;
	[dreg:$0x0] =	wrdreg $0x0  }
0xa8: {  	s4 =	sshll.u32 s28, $0x1;
	[dreg:$0x2] =	wrdreg s2  }
0xa9: {  	[dreg:$0x3] =	wrdreg s4  }
0xaa: {  	[dreg:$0x4] =	wrdreg $0xC0  }
0xab: {  	_ =	task [dreg:s6], $0x5FFFF  }
0xac: {  	[dreg:$0x1] =	wrdreg $0xFFFFFFFF  }
0xad: {  	[dreg:$0x0] =	wrdreg $0x60  }
0xae: {  	[dreg:$0x2] =	wrdreg s24  }
0xaf: {  	[dreg:$0x3] =	wrdreg $0x6E000  }
0xb0: {  	[dreg:$0x4] =	wrdreg $0x9  }
0xb1: {  	_ =	task.clear_ibuf [dreg:s6], $0x5FFFF;
	_ =	strace $0x9000004C  }
0xb2: {  	s29 =	simm.s32 $0x9;
	_ =	strace $0x8000004E  }
0xb3: {  	_ =	swait.ge [sflag:s29], $0x1  }
0xb4: {  	[sflag:s29] =	ssyncadd.s32 $0xFFFFFFFF  }
0xb5: {  	_ =	strace $0x9000004E  }
0xb6: {  	_ =	sfence  }
0xb7: {  	s30 =	sld [smem:$0x0];
	_ =	sdelay $0x2  }
0xb8: {  	s31 =	sshll.u32 s1, $0xD;
	s1 =	sshrl.u32 s1, $0x2  }
0xb9: {  	s3 =	sand.u32 $0x4000, s31;
	s1 =	sadd.s32 s1, s30  }
0xba: {  	s0 =	sor.u32 s3, s0;
	s1 =	sshll.u32 s1, $0x11  }
0xbb: {  	s0 =	sor.u32 s1, s0  }
0xbc: {  	s0 =	sadd.s32 $0x8F2B, s0  }
0xbd: {  	[sflag:s0] =	ssyncadd.remote.s32 $0x1  }
0xbe: {  	_ =	sfence.sel $0xFFFF  }
0xbf: {  	[dreg:$0x0] =	wrdreg $0xFFFFFFFF;
	(pc) =	sbr.abs _section_cstart, $3  }
0xc0: {  	[dreg:$0x1] =	wrdreg $0xFFFFFFFF  }
0xc1: {  	_ =	task.clear_ibuf [dreg:s6], $0x2FFFF;
	_ =	strace $0x9FFFFFFF  }
0xc2: {  	(tm) =	ssettm $0x7FFFFFFF  }
0xc3: {  	_ =	shalt  }
tec
execute0_lowered:
.L_overlay_start_1:
0x0: {  	(tag) =	ssettag $0x1  }
0x1: {  	s0 =	rddreg [dreg:$0x0]  }
0x2: {  	s2 =	rddreg [dreg:$0x1]  }
0x3: {  	s3 =	simm.s32 $0x0;
	s12 =	stileid.u32;
	s1 =	srdreg.scid  }
0x4: {  	s31 =	simm.s32 $0x1A;
	s30 =	simm.s32 $0x12;
	[smem:$0x7FF] =	sst s3  }
0x5: {  	s6 =	sand.u32 $0x1, s1;
	s20 =	sshll.u32 s12, $0x1;
	s15 =	smul.u32 $0x2700, s12  }
0x6: {  	s13 =	sadd.s32 $0x2E00, s0;
	s14 =	sadd.s32 $0xCC00, s0;
	s24 =	smul.u32 $0x4E20, s12  }
0x7: {  	_ =	strace $0x8000004D;
	s4 =	smul.u32 $0x27100, s6;
	s1 =	sor.u32 s6, s20  }
0x8: {  	s21 =	ssub.s32 $0x2, s6;
	s6 =	smul.u32 $0x2710, s6;
	[dreg:$0x15] =	wrdreg s13  }
0x9: {  	[dreg:$0x16] =	wrdreg s14;
	s7 =	smul.u32 $0x2710, s1;
	s8 =	sshrl.u32 s21, $0x1  }
0xa: {  	[dreg:$0x17] =	wrdreg s15;
	s1 =	sadd.s32 s4, s0;
	s4 =	ssub.s32 s21, s8  }
0xb: {  	s6 =	sadd.s32 s6, s24;
	s5 =	sshrl.u32 s7, $0x3;
	s9 =	sadd.s32 $0x28, s7  }
0xc: {  	s10 =	sadd.s32 $0x78, s7;
	s22 =	sadd.s32 s13, s5;
	s23 =	sshrl.u32 s9, $0x3  }
0xd: {  	s20 =	sadd.s32 $0x2A8, s6;
	[dreg:$0x18] =	wrdreg s22;
	s9 =	sadd.s32 s13, s23  }
0xe: {  	s25 =	sadd.s32 $0xA, s5;
	s8 =	sadd.s32 s14, s23;
	[dreg:$0x19] =	wrdreg s9  }
0xf: {  	s26 =	sshrl.u32 s10, $0x3;
	s11 =	sadd.s32 s13, s25;
	[dreg:$0x1a] =	wrdreg s8  }
0x10: {  	s28 =	sadd.s32 $0x14, s5;
	s10 =	sadd.s32 s13, s26;
	[dreg:$0x1b] =	wrdreg s11  }
0x11: {  	s21 =	sshrl.u32 s20, $0x3;
	s17 =	sadd.s32 s14, s28;
	[dreg:$0x1d] =	wrdreg s10  }
0x12: {  	s29 =	sadd.s32 $0x8C200, s0;
	s22 =	sadd.s32 s21, s14;
	[smem:$0x7EC] =	sst s17  }
0x13: {  	s16 =	sadd.s32 $0x2D0, s6;
	s24 =	sadd.s32 s21, s13;
	[dreg:$0x5] =	wrdreg s22  }
0x14: {  	s18 =	sadd.s32 $0xC8, s7;
	s9 =	sadd.s32 s14, s25;
	[dreg:$0x6] =	wrdreg s24  }
0x15: {  	s23 =	sadd.s32 $0x280, s6;
	s11 =	sadd.s32 s13, s28;
	[dreg:$0x1c] =	wrdreg s9  }
0x16: {  	s8 =	sshrl.u32 s16, $0x3;
	s9 =	sadd.s32 s14, s26;
	[dreg:$0x1f] =	wrdreg s11  }
0x17: {  	s25 =	sshrl.u32 s23, $0x3;
	s19 =	sadd.s32 s8, s14;
	[dreg:$0x1e] =	wrdreg s9  }
0x18: {  	s28 =	sadd.s32 $0x258, s6;
	s8 =	sadd.s32 s8, s13;
	[dreg:$0x3] =	wrdreg s19  }
0x19: {  	s23 =	sadd.s32 $0x208, s6;
	s26 =	sadd.s32 s25, s14;
	[dreg:$0x4] =	wrdreg s8  }
0x1a: {  	s16 =	sadd.s32 s25, s13;
	s17 =	sshrl.u32 s28, $0x3;
	[dreg:$0x7] =	wrdreg s26  }
0x1b: {  	s9 =	sshrl.u32 s18, $0x3;
	[dreg:$0x8] =	wrdreg s16;
	s18 =	sadd.s32 s17, s14  }
0x1c: {  	s25 =	sshrl.u32 s23, $0x3;
	s20 =	sadd.s32 s17, s13;
	[dreg:$0x9] =	wrdreg s18  }
0x1d: {  	s28 =	sadd.s32 $0x1E0, s6;
	s26 =	sadd.s32 s25, s14;
	[dreg:$0xa] =	wrdreg s20  }
0x1e: {  	s10 =	sadd.s32 s25, s13;
	s11 =	sshrl.u32 s28, $0x3;
	[dreg:$0xd] =	wrdreg s26  }
0x1f: {  	p0 =	sne.s32 s12, $0xF;
	[dreg:$0xe] =	wrdreg s10;
	s16 =	sadd.s32 s11, s14  }
0x20: {  	s28 =	sadd.s32 $0x1E, s5;
	s18 =	sadd.s32 s11, s13;
	[dreg:$0xf] =	wrdreg s16  }
0x21: {  	s7 =	sadd.s32 $0x118, s7;
	s10 =	sadd.s32 s13, s28;
	[dreg:$0x10] =	wrdreg s18  }
0x22: {  	s19 =	sadd.s32 $0x230, s6;
	s11 =	sadd.s32 s14, s28;
	[smem:$0x7EF] =	sst s10  }
0x23: {  	s21 =	sshrl.u32 s19, $0x3;
	s28 =	sadd.s32 $0x138000, s2;
	[smem:$0x7F0] =	sst s11  }
0x24: {  	s17 =	sadd.s32 $0x1B8, s6;
	s22 =	sadd.s32 s21, s14;
	[smem:$0x7FC] =	sst s28  }
0x25: {  	s19 =	sshrl.u32 s17, $0x3;
	s24 =	sadd.s32 s21, s13;
	[dreg:$0xb] =	wrdreg s22  }
0x26: {  	s7 =	sshrl.u32 s7, $0x3;
	s20 =	sadd.s32 s19, s14;
	[dreg:$0xc] =	wrdreg s24  }
0x27: {  	s8 =	simm.s32 $0x19;
	s16 =	sadd.s32 s14, s5;
	[dreg:$0x11] =	wrdreg s20  }
0x28: {  	s17 =	smul.u32 $0x4E000, s12;
	s18 =	sadd.s32 s13, s7;
	[smem:$0x7F1] =	sst s16  }
0x29: {  	s21 =	sadd.s32 $0x168, s6;
	s7 =	sadd.s32 s14, s7;
	[smem:$0x7F2] =	sst s18  }
0x2a: {  	s5 =	sadd.s32 $0x28, s5;
	s24 =	sadd.s32 s13, s9;
	[smem:$0x7F3] =	sst s7  }
0x2b: {  	s10 =	simm.s32 $0x0;
	s22 =	sadd.s32 s19, s13;
	[smem:$0x7ED] =	sst s24  }
0x2c: {  	s23 =	sshrl.u32 s21, $0x3;
	s9 =	sadd.s32 s14, s9;
	[dreg:$0x12] =	wrdreg s22  }
0x2d: {  	s19 =	sadd.s32 s13, s5;
	s5 =	sadd.s32 s14, s5;
	[smem:$0x7EE] =	sst s9  }
0x2e: {  	s20 =	sshrl.u32 s17, $0x2;
	s21 =	sadd.s32 s15, s0;
	[smem:$0x7F4] =	sst s19  }
0x2f: {  	s0 =	sadd.s32 $0x3DA00, s0;
	s25 =	sadd.s32 s23, s14;
	[smem:$0x7F5] =	sst s5  }
0x30: {  	s26 =	sadd.s32 s23, s13;
	s5 =	sadd.s32 s20, s2;
	[smem:$0x7F8] =	sst s0  }
0x31: {  	s22 =	sadd.s32 $0x16A00, s21;
	s23 =	sshll.u32 s12, $0x6;
	[dreg:$0x13] =	wrdreg s25  }
0x32: {  	s24 =	sadd.s32 $0xB3400, s1;
	s21 =	simm.s32 $0x6D80;
	[dreg:$0x14] =	wrdreg s26  }
0x33: {  	s14 =	simm.s32 $0x15;
	s13 =	simm.s32 $0x17;
	[smem:$0x7F6] =	sst s5  }
0x34: {  	s12 =	simm.s32 $0x10;
	s0 =	simm.s32 $0x14;
	[smem:$0x7F7] =	sst s22  }
0x35: {  	s7 =	sor.u32 $0x1C1F, s23;
	[smem:$0x7F9] =	sst s24;
	s25 =	smax.u32 s4, $0x1  }
0x36: {  	s26 =	sadd.s32 $0x190, s6;
	s23 =	simm.s32 $0x28;
	[smem:$0x7FA] =	sst s25  }
0x37: {  	s24 =	simm.s32 $0x5000;
	s6 =	simm.s32 $0x1C;
	[smem:$0x7FB] =	sst s26  }
0x38: {  	s4 =	simm.s32 $0x1E;
	s5 =	simm.s32 $0xA;
	[smem:$0x7FD] =	sst s7  }
.LBB2_1:
0x39: {  	[smem:$0x7E9] =	sst s10  }
0x3a: {  	s1 =	rddreg [dreg:$0x18]  }
0x3b: {  	s10 =	simm.s32 $0x6400;
	s11 =	sld [smem:$0x7F1]  }
0x3c: {  	[tilespmem:s10], [sflag:$0x1] =	stream.linear.gather [hbm4b:s1+s3], $0x28, $0x38;
	[tilespmem:$0x1A680] =	vst v63  }
0x3d: {  	s15 =	simm.s32 $0x6900;
	s16 =	rddreg [dreg:$0x19]  }
0x3e: {  	[tilespmem:s15], [sflag:$0xB] =	stream.linear.gather [hbm4b:s11+s3], $0x28, $0x38;
	[tilespmem:$0x1A680] =	vst v63  }
0x3f: {  	s17 =	rddreg [dreg:$0x1a];
	s11 =	simm.s32 $0x6480  }
0x40: {  	[tilespmem:s11], [sflag:$0x2] =	stream.linear.gather [hbm4b:s16+s3], $0x28, $0x38;
	[tilespmem:$0x1A680] =	vst v63  }
0x41: {  	s18 =	simm.s32 $0x6980;
	s19 =	rddreg [dreg:$0x1b]  }
0x42: {  	[tilespmem:s18], [sflag:$0xC] =	stream.linear.gather [hbm4b:s17+s3], $0x28, $0x38;
	[tilespmem:$0x1A680] =	vst v63  }
0x43: {  	s20 =	rddreg [dreg:$0x1c];
	s16 =	simm.s32 $0x6500  }
0x44: {  	[tilespmem:s16], [sflag:$0x3] =	stream.linear.gather [hbm4b:s19+s3], $0x28, $0x38;
	[tilespmem:$0x1A680] =	vst v63  }
0x45: {  	s22 =	rddreg [dreg:$0x1d];
	s19 =	simm.s32 $0x6A00  }
0x46: {  	[tilespmem:s19], [sflag:$0xD] =	stream.linear.gather [hbm4b:s20+s3], $0x28, $0x38;
	[tilespmem:$0x1A680] =	vst v63  }
0x47: {  	s25 =	rddreg [dreg:$0x1e];
	s17 =	simm.s32 $0x6580  }
0x48: {  	[tilespmem:s17], [sflag:$0x4] =	stream.linear.gather [hbm4b:s22+s3], $0x28, $0x38;
	[tilespmem:$0x1A680] =	vst v63  }
0x49: {  	s26 =	rddreg [dreg:$0x1f];
	s20 =	simm.s32 $0x6A80  }
0x4a: {  	[tilespmem:s20], [sflag:$0xE] =	stream.linear.gather [hbm4b:s25+s3], $0x28, $0x38;
	[tilespmem:$0x1A680] =	vst v63  }
0x4b: {  	s28 =	sld [smem:$0x7EC];
	s20 =	simm.s32 $0x6600  }
0x4c: {  	[tilespmem:s20], [sflag:$0x5] =	stream.linear.gather [hbm4b:s26+s3], $0x28, $0x38;
	[tilespmem:$0x1A680] =	vst v63  }
0x4d: {  	s22 =	simm.s32 $0x6B00  }
0x4e: {  	[tilespmem:s22], [sflag:$0xF] =	stream.linear.gather [hbm4b:s28+s3], $0x28, $0x38;
	[tilespmem:$0x1A680] =	vst v63  }
0x4f: {  	s22 =	sld [smem:$0x7ED];
	_ =	sdelay $0x1  }
0x50: {  	s25 =	simm.s32 $0x6680;
	s26 =	sld [smem:$0x7EE]  }
0x51: {  	[tilespmem:s25], [sflag:$0x6] =	stream.linear.gather [hbm4b:s22+s3], $0x28, $0x38;
	[tilespmem:$0x1A680] =	vst v63  }
0x52: {  	s28 =	simm.s32 $0x6B80  }
0x53: {  	[tilespmem:s28], [sflag:$0x10] =	stream.linear.gather [hbm4b:s26+s3], $0x28, $0x38;
	[tilespmem:$0x1A680] =	vst v63  }
0x54: {  	s26 =	sld [smem:$0x7EF];
	_ =	sdelay $0x1  }
0x55: {  	s22 =	sld [smem:$0x7F0];
	s28 =	simm.s32 $0x6700  }
0x56: {  	[tilespmem:s28], [sflag:$0x7] =	stream.linear.gather [hbm4b:s26+s3], $0x28, $0x38;
	[tilespmem:$0x1A680] =	vst v63  }
0x57: {  	s26 =	simm.s32 $0x6C00  }
0x58: {  	[tilespmem:s26], [sflag:$0x11] =	stream.linear.gather [hbm4b:s22+s3], $0x28, $0x38;
	[tilespmem:$0x1A680] =	vst v63  }
0x59: {  	s22 =	sld [smem:$0x7F2];
	_ =	sdelay $0x1  }
0x5a: {  	s1 =	sld [smem:$0x7F3];
	s26 =	simm.s32 $0x6780  }
0x5b: {  	[tilespmem:s26], [sflag:$0x8] =	stream.linear.gather [hbm4b:s22+s3], $0x28, $0x38;
	[tilespmem:$0x1A680] =	vst v63  }
0x5c: {  	s22 =	simm.s32 $0x6C80  }
0x5d: {  	[tilespmem:s22], [sflag:$0x12] =	stream.linear.gather [hbm4b:s1+s3], $0x28, $0x38;
	[tilespmem:$0x1A680] =	vst v63  }
0x5e: {  	s1 =	sld [smem:$0x7F4];
	_ =	sdelay $0x1  }
0x5f: {  	s22 =	simm.s32 $0x6800  }
0x60: {  	[tilespmem:s22], [sflag:$0x9] =	stream.linear.gather [hbm4b:s1+s3], $0x28, $0x38;
	[tilespmem:$0x1A680] =	vst v63  }
0x61: {  	s1 =	sld [smem:$0x7F5];
	_ =	sdelay $0x1  }
0x62: {  	s22 =	simm.s32 $0x6D00  }
0x63: {  	[tilespmem:s22], [sflag:$0x13] =	stream.linear.gather [hbm4b:s1+s3], $0x28, $0x38;
	[tilespmem:$0x1A680] =	vst v63  }
0x64: {  	s22 =	sld [smem:$0x7F6];
	_ =	sdelay $0x1  }
0x65: {  	s1 =	sld [smem:$0x7F7]  }
0x66: {  	s22 =	sshrl.u32 s22, $0x3  }
0x67: {  	s9 =	simm.s32 $0x1F;
	[smem:$0x7EA] =	sst s22  }
0x68: {  	[spmem:s22], [sflag:s7] =	dma.local [hbm:s1], $0x2700  }
0x69: {  	_ =	swait.ge [sflag:s9], $0x2700  }
0x6a: {  	s1 =	sld [smem:$0x7FC];
	_ =	sdelay $0x1  }
0x6b: {  	[sflag:s9] =	ssyncset.done $0x0  }
0x6c: {  	[sflag:s9] =	ssyncadd.s32 $0xFFFFD900;
	s9 =	sshrl.u32 @!p0 s1, $0x3;
	s1 =	sld [smem:$0x7F8]  }
0x6d: {  	_ = 	snop  }
0x6e: {  	[smem:$0x7EB] =	sst s9  }
0x6f: {  	[spmem:s9], [sflag:s7] =	dma.local @!p0 [hbm:s1], $0x100  }
0x70: {  	s1 =	simm.s32 @!p0 $0x1F  }
0x71: {  	_ =	swait.ge @!p0 [sflag:s1], $0x100  }
0x72: {  	[sflag:s1] =	ssyncset.done @!p0 $0x0  }
0x73: {  	[sflag:s1] =	ssyncadd.s32 @!p0 $0xFFFFFF00  }
0x74: {  	s22 =	simm.s32 $0x1;
	[bflag:$0x0] =	sbarrier.arrive $0xFFFF  }
0x75: {  	_ =	swait.ge [sflag:s22], $0x28  }
0x76: {  	[sflag:s22] =	ssyncset.done $0x0  }
0x77: {  	s7 =	simm.s32 $0x2;
	[sflag:s22] =	ssyncadd.s32 $0xFFFFFFD8  }
0x78: {  	[tilespmem:s3], [sflag:$0x15] =	stream.indirect.gather [hbm4b:s29+s23], $0x80, s10, s23, $0xb8;
	[tilespmem:$0x1A680] =	vst v63  }
0x79: {  	_ =	swait.ge [sflag:s7], $0x28  }
0x7a: {  	[sflag:s7] =	ssyncset.done $0x0  }
0x7b: {  	s9 =	simm.s32 $0x3;
	s22 =	simm.s32 $0x1400;
	[sflag:s7] =	ssyncadd.s32 $0xFFFFFFD8  }
0x7c: {  	[tilespmem:s22], [sflag:$0x16] =	stream.indirect.gather [hbm4b:s29+s23], $0x80, s11, s23, $0xb8;
	[tilespmem:$0x1A680] =	vst v63  }
0x7d: {  	_ =	swait.ge [sflag:s9], $0x28  }
0x7e: {  	[sflag:s9] =	ssyncset.done $0x0  }
0x7f: {  	s10 =	simm.s32 $0x2800;
	s11 =	simm.s32 $0x4;
	[sflag:s9] =	ssyncadd.s32 $0xFFFFFFD8  }
0x80: {  	[tilespmem:s10], [sflag:$0x17] =	stream.indirect.gather [hbm4b:s29+s23], $0x80, s16, s23, $0xb8;
	[tilespmem:$0x1A680] =	vst v63  }
0x81: {  	_ =	swait.ge [sflag:s11], $0x28  }
0x82: {  	p1 =	por $0x1, $0x1;
	[sflag:s11] =	ssyncset.done $0x0  }
0x83: {  	s1 =	simm.s32 @!p1 $0x1E;
	s10 =	simm.s32 $0x3C00;
	[sflag:s11] =	ssyncadd.s32 $0xFFFFFFD8  }
0x84: {  	[tilespmem:s10], [sflag:$0x18] =	stream.indirect.gather [hbm4b:s29+s23], $0x80, s17, s23, $0xb8;
	[tilespmem:$0x1A680] =	vst v63  }
0x85: {  	_ =	swait.ge @!p1 [sflag:s1], $0x1400  }
0x86: {  	s11 =	simm.s32 $0x6880;
	s16 =	rddreg [dreg:$0x14];
	[sflag:s1] =	ssyncset.done @!p1 $0x0  }
0x87: {  	s17 =	rddreg [dreg:$0x13];
	[sflag:s1] =	ssyncadd.s32 @!p1 $0xFFFFEC00;
	s16 =	sadd.s32 $0x0, s16  }
0x88: {  	[tilespmem:s11], [sflag:$0xA] =	stream.linear.gather [hbm4b:s16+s3], $0x28, $0x38;
	[tilespmem:$0x1A680] =	vst v63  }
0x89: {  	s17 =	sadd.s32 $0x0, s17  }
0x8a: {  	[tilespmem:s21], [sflag:$0x14] =	stream.linear.gather [hbm4b:s17+s3], $0x28, $0x38;
	[tilespmem:$0x1A680] =	vst v63  }
0x8b: {  	s21 =	simm.s32 $0x5  }
0x8c: {  	_ =	swait.ge [sflag:s21], $0x28  }
0x8d: {  	[sflag:s21] =	ssyncset.done $0x0  }
0x8e: {  	[sflag:s21] =	ssyncadd.s32 $0xFFFFFFD8  }
0x8f: {  	[tilespmem:s24], [sflag:$0x19] =	stream.indirect.gather [hbm4b:s29+s23], $0x80, s20, s23, $0xb8;
	[tilespmem:$0x1A680] =	vst v63  }
0x90: {  	_ =	swait.ge [sflag:s14], $0x1400  }
0x91: {  	[sflag:s14] =	ssyncset.done $0x0  }
0x92: {  	s7 =	simm.s32 $0xB;
	[sflag:s14] =	ssyncadd.s32 $0xFFFFEC00  }
0x93: {  	_ =	swait.ge [sflag:s7], $0x28  }
0x94: {  	[sflag:s7] =	ssyncset.done $0x0  }
0x95: {  	[sflag:s7] =	ssyncadd.s32 $0xFFFFFFD8  }
0x96: {  	[spmem:s2] =	stream.indirect.scatter.add.f32 [tilespmem:s3], [sflag:$0x1A], $0x80, s15, s23, $0xb8;
	[tilespmem:$0x1A680] =	vst v63  }
0x97: {  	_ =	swait.ge [sflag:s31], $0x1400  }
0x98: {  	s17 =	sld [smem:$0x7FB]  }
0x99: {  	p1 =	por $0x0, $0x0  }
0x9a: {  	s20 =	simm.s32 @!p1 $0x6400  }
0x9b: {  	[sflag:s31] =	ssyncset.done $0x0;
	s1 =	rddreg [dreg:$0x15];
	s7 =	sshrl.u32 @!p1 s17, $0x3  }
0x9c: {  	[sflag:s31] =	ssyncadd.s32 $0xFFFFEC00;
	s9 =	sadd.s32 @!p1 s1, s7;
	s1 =	simm.s32 @!p1 $0x0  }
0x9d: {  	[tilespmem:s20], [sflag:$0x1] =	stream.linear.gather @!p1 [hbm4b:s9+s1], $0x28, $0x38;
	[tilespmem:$0x1A680] =	vst v63  }
0x9e: {  	s9 =	rddreg [dreg:$0x16]  }
0x9f: {  	s7 =	sadd.s32 @!p1 s9, s7;
	s9 =	simm.s32 @!p1 $0x6900  }
0xa0: {  	[tilespmem:s9], [sflag:$0xB] =	stream.linear.gather @!p1 [hbm4b:s7+s1], $0x28, $0x38;
	[tilespmem:$0x1A680] =	vst v63  }
0xa1: {  	s9 =	simm.s32 $0x6  }
0xa2: {  	_ =	swait.ge [sflag:s9], $0x28  }
0xa3: {  	[sflag:s9] =	ssyncset.done $0x0  }
0xa4: {  	s15 =	simm.s32 $0x16;
	[sflag:s9] =	ssyncadd.s32 $0xFFFFFFD8  }
0xa5: {  	[tilespmem:s3], [sflag:$0x15] =	stream.indirect.gather [hbm4b:s29+s23], $0x80, s25, s23, $0xb8;
	[tilespmem:$0x1A680] =	vst v63  }
0xa6: {  	_ =	swait.ge [sflag:s15], $0x1400  }
0xa7: {  	[sflag:s15] =	ssyncset.done $0x0  }
0xa8: {  	s16 =	simm.s32 $0xC;
	[sflag:s15] =	ssyncadd.s32 $0xFFFFEC00  }
0xa9: {  	_ =	swait.ge [sflag:s16], $0x28  }
0xaa: {  	[sflag:s16] =	ssyncset.done $0x0  }
0xab: {  	[sflag:s16] =	ssyncadd.s32 $0xFFFFFFD8  }
0xac: {  	[spmem:s2] =	stream.indirect.scatter.add.f32 [tilespmem:s22], [sflag:$0x1B], $0x80, s18, s23, $0xb8;
	[tilespmem:$0x1A680] =	vst v63  }
0xad: {  	s18 =	simm.s32 $0x1B  }
0xae: {  	_ =	swait.ge [sflag:s18], $0x1400  }
0xaf: {  	s7 =	rddreg [dreg:$0x12]  }
0xb0: {  	[sflag:s18] =	ssyncset.done $0x0;
	s9 =	rddreg [dreg:$0x11]  }
0xb1: {  	[sflag:s18] =	ssyncadd.s32 $0xFFFFEC00;
	s7 =	sadd.s32 @!p1 $0x0, s7;
	s18 =	simm.s32 @!p1 $0x6480  }
0xb2: {  	[tilespmem:s18], [sflag:$0x2] =	stream.linear.gather @!p1 [hbm4b:s7+s1], $0x28, $0x38;
	[tilespmem:$0x1A680] =	vst v63  }
0xb3: {  	s21 =	simm.s32 $0x7;
	s7 =	sadd.s32 @!p1 $0x0, s9;
	s9 =	simm.s32 @!p1 $0x6980  }
0xb4: {  	[tilespmem:s9], [sflag:$0xC] =	stream.linear.gather @!p1 [hbm4b:s7+s1], $0x28, $0x38;
	[tilespmem:$0x1A680] =	vst v63  }
0xb5: {  	_ =	swait.ge [sflag:s21], $0x28  }
0xb6: {  	[sflag:s21] =	ssyncset.done $0x0  }
0xb7: {  	[sflag:s21] =	ssyncadd.s32 $0xFFFFFFD8  }
0xb8: {  	[tilespmem:s22], [sflag:$0x16] =	stream.indirect.gather [hbm4b:s29+s23], $0x80, s28, s23, $0xb8;
	[tilespmem:$0x1A680] =	vst v63  }
0xb9: {  	_ =	swait.ge [sflag:s13], $0x1400  }
0xba: {  	[sflag:s13] =	ssyncset.done $0x0  }
0xbb: {  	s25 =	simm.s32 $0xD;
	[sflag:s13] =	ssyncadd.s32 $0xFFFFEC00  }
0xbc: {  	_ =	swait.ge [sflag:s25], $0x28  }
0xbd: {  	[sflag:s25] =	ssyncset.done $0x0  }
0xbe: {  	s28 =	simm.s32 $0x2800;
	[sflag:s25] =	ssyncadd.s32 $0xFFFFFFD8  }
0xbf: {  	[spmem:s2] =	stream.indirect.scatter.add.f32 [tilespmem:s28], [sflag:$0x1C], $0x80, s19, s23, $0xb8;
	[tilespmem:$0x1A680] =	vst v63  }
0xc0: {  	_ =	swait.ge [sflag:s6], $0x1400  }
0xc1: {  	s9 =	simm.s32 @!p1 $0x6500;
	s7 =	rddreg [dreg:$0x10];
	[sflag:s6] =	ssyncset.done $0x0  }
0xc2: {  	s15 =	rddreg [dreg:$0xf];
	[sflag:s6] =	ssyncadd.s32 $0xFFFFEC00;
	s7 =	sadd.s32 @!p1 $0x0, s7  }
0xc3: {  	[tilespmem:s9], [sflag:$0x3] =	stream.linear.gather @!p1 [hbm4b:s7+s1], $0x28, $0x38;
	[tilespmem:$0x1A680] =	vst v63  }
0xc4: {  	s21 =	simm.s32 $0x8;
	s7 =	sadd.s32 @!p1 $0x0, s15;
	s15 =	simm.s32 @!p1 $0x6A00  }
0xc5: {  	[tilespmem:s15], [sflag:$0xD] =	stream.linear.gather @!p1 [hbm4b:s7+s1], $0x28, $0x38;
	[tilespmem:$0x1A680] =	vst v63  }
0xc6: {  	_ =	swait.ge [sflag:s21], $0x28  }
0xc7: {  	[sflag:s21] =	ssyncset.done $0x0  }
0xc8: {  	s22 =	simm.s32 $0x18;
	[sflag:s21] =	ssyncadd.s32 $0xFFFFFFD8  }
0xc9: {  	[tilespmem:s28], [sflag:$0x17] =	stream.indirect.gather [hbm4b:s29+s23], $0x80, s26, s23, $0xb8;
	[tilespmem:$0x1A680] =	vst v63  }
0xca: {  	_ =	swait.ge [sflag:s22], $0x1400  }
0xcb: {  	[sflag:s22] =	ssyncset.done $0x0  }
0xcc: {  	s25 =	simm.s32 $0xE;
	[sflag:s22] =	ssyncadd.s32 $0xFFFFEC00  }
0xcd: {  	_ =	swait.ge [sflag:s25], $0x28  }
0xce: {  	[sflag:s25] =	ssyncset.done $0x0  }
0xcf: {  	s26 =	simm.s32 $0x6A80;
	s28 =	simm.s32 $0x1D;
	[sflag:s25] =	ssyncadd.s32 $0xFFFFFFD8  }
0xd0: {  	[spmem:s2] =	stream.indirect.scatter.add.f32 [tilespmem:s10], [sflag:$0x1D], $0x80, s26, s23, $0xb8;
	[tilespmem:$0x1A680] =	vst v63  }
0xd1: {  	_ =	swait.ge [sflag:s28], $0x1400  }
0xd2: {  	s7 =	rddreg [dreg:$0xe]  }
0xd3: {  	[sflag:s28] =	ssyncset.done $0x0;
	s15 =	rddreg [dreg:$0xd]  }
0xd4: {  	[sflag:s28] =	ssyncadd.s32 $0xFFFFEC00;
	s16 =	sadd.s32 @!p1 $0x0, s7;
	s7 =	simm.s32 @!p1 $0x6580  }
0xd5: {  	[tilespmem:s7], [sflag:$0x4] =	stream.linear.gather @!p1 [hbm4b:s16+s1], $0x28, $0x38;
	[tilespmem:$0x1A680] =	vst v63  }
0xd6: {  	s15 =	sadd.s32 @!p1 $0x0, s15;
	s16 =	simm.s32 @!p1 $0x6A80  }
0xd7: {  	[tilespmem:s16], [sflag:$0xE] =	stream.linear.gather @!p1 [hbm4b:s15+s1], $0x28, $0x38;
	[tilespmem:$0x1A680] =	vst v63  }
0xd8: {  	s16 =	simm.s32 $0x9  }
0xd9: {  	_ =	swait.ge [sflag:s16], $0x28  }
0xda: {  	[sflag:s16] =	ssyncset.done $0x0  }
0xdb: {  	s21 =	simm.s32 $0x6800;
	[sflag:s16] =	ssyncadd.s32 $0xFFFFFFD8  }
0xdc: {  	[tilespmem:s10], [sflag:$0x18] =	stream.indirect.gather [hbm4b:s29+s23], $0x80, s21, s23, $0xb8;
	[tilespmem:$0x1A680] =	vst v63  }
0xdd: {  	_ =	swait.ge [sflag:s8], $0x1400  }
0xde: {  	[sflag:s8] =	ssyncset.done $0x0  }
0xdf: {  	s22 =	simm.s32 $0xF;
	[sflag:s8] =	ssyncadd.s32 $0xFFFFEC00  }
0xe0: {  	_ =	swait.ge [sflag:s22], $0x28  }
0xe1: {  	[sflag:s22] =	ssyncset.done $0x0  }
0xe2: {  	s25 =	simm.s32 $0x6B00;
	[sflag:s22] =	ssyncadd.s32 $0xFFFFFFD8  }
0xe3: {  	[spmem:s2] =	stream.indirect.scatter.add.f32 [tilespmem:s24], [sflag:$0x1E], $0x80, s25, s23, $0xb8;
	[tilespmem:$0x1A680] =	vst v63  }
0xe4: {  	_ =	swait.ge [sflag:s4], $0x1400  }
0xe5: {  	s22 =	simm.s32 @!p1 $0x6600;
	s15 =	rddreg [dreg:$0xc];
	[sflag:s4] =	ssyncset.done $0x0  }
0xe6: {  	s16 =	rddreg [dreg:$0xb];
	[sflag:s4] =	ssyncadd.s32 $0xFFFFEC00;
	s15 =	sadd.s32 @!p1 $0x0, s15  }
0xe7: {  	[tilespmem:s22], [sflag:$0x5] =	stream.linear.gather @!p1 [hbm4b:s15+s1], $0x28, $0x38;
	[tilespmem:$0x1A680] =	vst v63  }
0xe8: {  	s15 =	sadd.s32 @!p1 $0x0, s16;
	s16 =	simm.s32 @!p1 $0x6B00  }
0xe9: {  	[tilespmem:s16], [sflag:$0xF] =	stream.linear.gather @!p1 [hbm4b:s15+s1], $0x28, $0x38;
	[tilespmem:$0x1A680] =	vst v63  }
0xea: {  	_ =	swait.ge [sflag:s5], $0x28  }
0xeb: {  	[sflag:s5] =	ssyncset.done $0x0  }
0xec: {  	[sflag:s5] =	ssyncadd.s32 $0xFFFFFFD8  }
0xed: {  	[tilespmem:s24], [sflag:$0x19] =	stream.indirect.gather [hbm4b:s29+s23], $0x80, s11, s23, $0xb8;
	[tilespmem:$0x1A680] =	vst v63  }
0xee: {  	_ =	swait.ge [sflag:s14], $0x1400  }
0xef: {  	[sflag:s14] =	ssyncset.done $0x0  }
0xf0: {  	[sflag:s14] =	ssyncadd.s32 $0xFFFFEC00  }
0xf1: {  	_ =	swait.ge [sflag:s12], $0x28  }
0xf2: {  	[sflag:s12] =	ssyncset.done $0x0  }
0xf3: {  	s26 =	simm.s32 $0x6B80;
	[sflag:s12] =	ssyncadd.s32 $0xFFFFFFD8  }
0xf4: {  	[spmem:s2] =	stream.indirect.scatter.add.f32 [tilespmem:s3], [sflag:$0x1A], $0x80, s26, s23, $0xb8;
	[tilespmem:$0x1A680] =	vst v63  }
0xf5: {  	_ =	swait.ge [sflag:s31], $0x1400  }
0xf6: {  	[sflag:s31] =	ssyncset.done $0x0  }
0xf7: {  	s15 =	simm.s32 @p1 $0x16;
	[sflag:s31] =	ssyncadd.s32 $0xFFFFEC00  }
0xf8: {  	_ =	swait.ge @p1 [sflag:s15], $0x1400  }
0xf9: {  	[sflag:s15] =	ssyncset.done @p1 $0x0  }
0xfa: {  	[sflag:s15] =	ssyncadd.s32 @p1 $0xFFFFEC00;
	s15 =	simm.s32 @p1 $0x11  }
0xfb: {  	_ =	swait.ge @p1 [sflag:s15], $0x28  }
0xfc: {  	s25 =	simm.s32 @p1 $0x1B;
	s22 =	simm.s32 @p1 $0x1400;
	[sflag:s15] =	ssyncset.done @p1 $0x0  }
0xfd: {  	s16 =	simm.s32 @p1 $0x28;
	[sflag:s15] =	ssyncadd.s32 @p1 $0xFFFFFFD8;
	s15 =	simm.s32 @p1 $0x6C00  }
0xfe: {  	[spmem:s2] =	stream.indirect.scatter.add.f32 @p1 [tilespmem:s22], [sflag:$0x1B], $0x80, s15, s16, $0xb8;
	[tilespmem:$0x1A680] =	vst v63  }
0xff: {  	_ =	swait.ge @p1 [sflag:s25], $0x1400  }
0x100: {  	s15 =	rddreg [dreg:$0xa]  }
0x101: {  	[sflag:s25] =	ssyncset.done @p1 $0x0;
	s22 =	rddreg [dreg:$0x9]  }
0x102: {  	[sflag:s25] =	ssyncadd.s32 @p1 $0xFFFFEC00;
	s15 =	sadd.s32 @!p1 $0x0, s15;
	s25 =	simm.s32 @!p1 $0x6680  }
0x103: {  	[tilespmem:s25], [sflag:$0x6] =	stream.linear.gather @!p1 [hbm4b:s15+s1], $0x28, $0x38;
	[tilespmem:$0x1A680] =	vst v63  }
0x104: {  	s15 =	sadd.s32 @!p1 $0x0, s22;
	s22 =	simm.s32 @!p1 $0x6B80;
	s25 =	simm.s32 @!p1 $0x1  }
0x105: {  	[tilespmem:s22], [sflag:$0x10] =	stream.linear.gather @!p1 [hbm4b:s15+s1], $0x28, $0x38;
	[tilespmem:$0x1A680] =	vst v63  }
0x106: {  	_ =	swait.ge @!p1 [sflag:s25], $0x28  }
0x107: {  	[sflag:s25] =	ssyncset.done @!p1 $0x0  }
0x108: {  	s15 =	simm.s32 @!p1 $0x28;
	s22 =	simm.s32 @!p1 $0x16;
	[sflag:s25] =	ssyncadd.s32 @!p1 $0xFFFFFFD8  }
0x109: {  	[tilespmem:s1], [sflag:$0x15] =	stream.indirect.gather @!p1 [hbm4b:s29+s15], $0x80, s20, s15, $0xb8;
	[tilespmem:$0x1A680] =	vst v63  }
0x10a: {  	_ =	swait.ge @!p1 [sflag:s22], $0x1400  }
0x10b: {  	[sflag:s22] =	ssyncset.done @!p1 $0x0  }
0x10c: {  	s11 =	simm.s32 @!p1 $0x11;
	[sflag:s22] =	ssyncadd.s32 @!p1 $0xFFFFEC00  }
0x10d: {  	_ =	swait.ge @!p1 [sflag:s11], $0x28  }
0x10e: {  	s25 =	simm.s32 @!p1 $0x1400;
	[sflag:s11] =	ssyncset.done @!p1 $0x0  }
0x10f: {  	s22 =	simm.s32 @!p1 $0x1B;
	[sflag:s11] =	ssyncadd.s32 @!p1 $0xFFFFFFD8;
	s11 =	simm.s32 @!p1 $0x6C00  }
0x110: {  	[spmem:s2] =	stream.indirect.scatter.add.f32 @!p1 [tilespmem:s25], [sflag:$0x1B], $0x80, s11, s15, $0xb8;
	[tilespmem:$0x1A680] =	vst v63  }
0x111: {  	_ =	swait.ge @!p1 [sflag:s22], $0x1400  }
0x112: {  	s26 =	rddreg [dreg:$0x8]  }
0x113: {  	[sflag:s22] =	ssyncset.done @!p1 $0x0;
	s28 =	rddreg [dreg:$0x7]  }
0x114: {  	[sflag:s22] =	ssyncadd.s32 @!p1 $0xFFFFEC00;
	s22 =	sadd.s32 @!p1 $0x0, s26;
	s26 =	simm.s32 @!p1 $0x6700  }
0x115: {  	[tilespmem:s26], [sflag:$0x7] =	stream.linear.gather @!p1 [hbm4b:s22+s1], $0x28, $0x38;
	[tilespmem:$0x1A680] =	vst v63  }
0x116: {  	s22 =	sadd.s32 @!p1 $0x0, s28  }
0x117: {  	[tilespmem:s11], [sflag:$0x11] =	stream.linear.gather @!p1 [hbm4b:s22+s1], $0x28, $0x38;
	[tilespmem:$0x1A680] =	vst v63  }
0x118: {  	s11 =	simm.s32 @!p1 $0x2  }
0x119: {  	_ =	swait.ge @!p1 [sflag:s11], $0x28  }
0x11a: {  	[sflag:s11] =	ssyncset.done @!p1 $0x0  }
0x11b: {  	[sflag:s11] =	ssyncadd.s32 @!p1 $0xFFFFFFD8  }
0x11c: {  	[tilespmem:s25], [sflag:$0x16] =	stream.indirect.gather @!p1 [hbm4b:s29+s15], $0x80, s18, s15, $0xb8;
	[tilespmem:$0x1A680] =	vst v63  }
0x11d: {  	_ =	swait.ge [sflag:s13], $0x1400  }
0x11e: {  	[sflag:s13] =	ssyncset.done $0x0  }
0x11f: {  	[sflag:s13] =	ssyncadd.s32 $0xFFFFEC00  }
0x120: {  	_ =	swait.ge [sflag:s30], $0x28  }
0x121: {  	[sflag:s30] =	ssyncset.done $0x0  }
0x122: {  	s19 =	simm.s32 $0x2800;
	s28 =	simm.s32 $0x6C80;
	[sflag:s30] =	ssyncadd.s32 $0xFFFFFFD8  }
0x123: {  	[spmem:s2] =	stream.indirect.scatter.add.f32 [tilespmem:s19], [sflag:$0x1C], $0x80, s28, s23, $0xb8;
	[tilespmem:$0x1A680] =	vst v63  }
0x124: {  	_ =	swait.ge [sflag:s6], $0x1400  }
0x125: {  	[sflag:s6] =	ssyncset.done $0x0  }
0x126: {  	s10 =	simm.s32 @p1 $0x18;
	[sflag:s6] =	ssyncadd.s32 $0xFFFFEC00  }
0x127: {  	_ =	swait.ge @p1 [sflag:s10], $0x1400  }
0x128: {  	[sflag:s10] =	ssyncset.done @p1 $0x0  }
0x129: {  	[sflag:s10] =	ssyncadd.s32 @p1 $0xFFFFEC00;
	s10 =	simm.s32 @p1 $0x13  }
0x12a: {  	_ =	swait.ge @p1 [sflag:s10], $0x28  }
0x12b: {  	s22 =	simm.s32 @p1 $0x3C00;
	[sflag:s10] =	ssyncset.done @p1 $0x0  }
0x12c: {  	s11 =	simm.s32 @p1 $0x1D;
	[sflag:s10] =	ssyncadd.s32 @p1 $0xFFFFFFD8;
	s10 =	simm.s32 @p1 $0x6D00  }
0x12d: {  	[spmem:s2] =	stream.indirect.scatter.add.f32 @p1 [tilespmem:s22], [sflag:$0x1D], $0x80, s10, s16, $0xb8;
	[tilespmem:$0x1A680] =	vst v63  }
0x12e: {  	_ =	swait.ge @p1 [sflag:s11], $0x1400  }
0x12f: {  	s10 =	rddreg [dreg:$0x6]  }
0x130: {  	[sflag:s11] =	ssyncset.done @p1 $0x0;
	s16 =	rddreg [dreg:$0x5]  }
0x131: {  	[sflag:s11] =	ssyncadd.s32 @p1 $0xFFFFEC00;
	s10 =	sadd.s32 @!p1 $0x0, s10;
	s11 =	simm.s32 @!p1 $0x6780  }
0x132: {  	[tilespmem:s11], [sflag:$0x8] =	stream.linear.gather @!p1 [hbm4b:s10+s1], $0x28, $0x38;
	[tilespmem:$0x1A680] =	vst v63  }
0x133: {  	s10 =	sadd.s32 @!p1 $0x0, s16;
	s11 =	simm.s32 @!p1 $0x6C80;
	s16 =	simm.s32 @!p1 $0x3  }
0x134: {  	[tilespmem:s11], [sflag:$0x12] =	stream.linear.gather @!p1 [hbm4b:s10+s1], $0x28, $0x38;
	[tilespmem:$0x1A680] =	vst v63  }
0x135: {  	_ =	swait.ge @!p1 [sflag:s16], $0x28  }
0x136: {  	[sflag:s16] =	ssyncset.done @!p1 $0x0  }
0x137: {  	s10 =	simm.s32 @!p1 $0x2800;
	s11 =	simm.s32 @!p1 $0x18;
	[sflag:s16] =	ssyncadd.s32 @!p1 $0xFFFFFFD8  }
0x138: {  	[tilespmem:s10], [sflag:$0x17] =	stream.indirect.gather @!p1 [hbm4b:s29+s15], $0x80, s9, s15, $0xb8;
	[tilespmem:$0x1A680] =	vst v63  }
0x139: {  	_ =	swait.ge @!p1 [sflag:s11], $0x1400  }
0x13a: {  	[sflag:s11] =	ssyncset.done @!p1 $0x0  }
0x13b: {  	s9 =	simm.s32 @!p1 $0x13;
	[sflag:s11] =	ssyncadd.s32 @!p1 $0xFFFFEC00  }
0x13c: {  	_ =	swait.ge @!p1 [sflag:s9], $0x28  }
0x13d: {  	s10 =	simm.s32 @!p1 $0x1D;
	[sflag:s9] =	ssyncset.done @!p1 $0x0  }
0x13e: {  	s11 =	simm.s32 @!p1 $0x3C00;
	[sflag:s9] =	ssyncadd.s32 @!p1 $0xFFFFFFD8;
	s9 =	simm.s32 @!p1 $0x6D00  }
0x13f: {  	[spmem:s2] =	stream.indirect.scatter.add.f32 @!p1 [tilespmem:s11], [sflag:$0x1D], $0x80, s9, s15, $0xb8;
	[tilespmem:$0x1A680] =	vst v63  }
0x140: {  	_ =	swait.ge @!p1 [sflag:s10], $0x1400  }
0x141: {  	s16 =	rddreg [dreg:$0x4]  }
0x142: {  	[sflag:s10] =	ssyncset.done @!p1 $0x0;
	s22 =	rddreg [dreg:$0x3]  }
0x143: {  	[sflag:s10] =	ssyncadd.s32 @!p1 $0xFFFFEC00;
	s10 =	sadd.s32 @!p1 $0x0, s16;
	s16 =	simm.s32 @!p1 $0x6800  }
0x144: {  	[tilespmem:s16], [sflag:$0x9] =	stream.linear.gather @!p1 [hbm4b:s10+s1], $0x28, $0x38;
	[tilespmem:$0x1A680] =	vst v63  }
0x145: {  	s10 =	sadd.s32 @!p1 $0x0, s22  }
0x146: {  	[tilespmem:s9], [sflag:$0x13] =	stream.linear.gather @!p1 [hbm4b:s10+s1], $0x28, $0x38;
	[tilespmem:$0x1A680] =	vst v63  }
0x147: {  	s1 =	simm.s32 @!p1 $0x4  }
0x148: {  	_ =	swait.ge @!p1 [sflag:s1], $0x28  }
0x149: {  	[sflag:s1] =	ssyncset.done @!p1 $0x0  }
0x14a: {  	[sflag:s1] =	ssyncadd.s32 @!p1 $0xFFFFFFD8  }
0x14b: {  	[tilespmem:s11], [sflag:$0x18] =	stream.indirect.gather @!p1 [hbm4b:s29+s15], $0x80, s7, s15, $0xb8;
	[tilespmem:$0x1A680] =	vst v63  }
0x14c: {  	_ =	swait.ge [sflag:s8], $0x1400  }
0x14d: {  	[sflag:s8] =	ssyncset.done $0x0  }
0x14e: {  	[sflag:s8] =	ssyncadd.s32 $0xFFFFEC00  }
0x14f: {  	p2 =	por $0x0, $0x0;
	s25 =	sadd.s32 $0x190, s17;
	_ =	swait.ge [sflag:s0], $0x28  }
0x150: {  	s10 =	simm.s32 $0x64;
	s7 =	simm.s32 $0x32;
	[sflag:s0] =	ssyncset.done $0x0  }
.LBB2_2:
0x151: {  	s1 =	simm.s32 @!p2 $0x1E;
	[sflag:s0] =	ssyncadd.s32 $0xFFFFFFD8;
	s11 =	simm.s32 $0x6D80  }
0x152: {  	[spmem:s2] =	stream.indirect.scatter.add.f32 [tilespmem:s24], [sflag:$0x1E], $0x80, s11, s23, $0xb8;
	[tilespmem:$0x1A680] =	vst v63  }
0x153: {  	_ =	swait.ge @!p2 [sflag:s1], $0x1400  }
0x154: {  	s18 =	simm.s32 $0x6880;
	[sflag:s1] =	ssyncset.done @!p2 $0x0;
	s9 =	rddreg [dreg:$0x14]  }
0x155: {  	s21 =	rddreg [dreg:$0x13];
	[sflag:s1] =	ssyncadd.s32 @!p2 $0xFFFFEC00;
	s9 =	sadd.s32 s7, s9  }
0x156: {  	[tilespmem:s18], [sflag:$0xA] =	stream.linear.gather [hbm4b:s9+s3], $0x28, $0x38;
	[tilespmem:$0x1A680] =	vst v63  }
0x157: {  	s22 =	simm.s32 $0x5;
	s1 =	sadd.s32 s7, s21  }
0x158: {  	[tilespmem:s11], [sflag:$0x14] =	stream.linear.gather [hbm4b:s1+s3], $0x28, $0x38;
	[tilespmem:$0x1A680] =	vst v63  }
0x159: {  	_ =	swait.ge [sflag:s22], $0x28  }
0x15a: {  	[sflag:s22] =	ssyncset.done $0x0  }
0x15b: {  	s28 =	simm.s32 $0x6600;
	[sflag:s22] =	ssyncadd.s32 $0xFFFFFFD8  }
0x15c: {  	[tilespmem:s24], [sflag:$0x19] =	stream.indirect.gather [hbm4b:s29+s23], $0x80, s28, s23, $0xb8;
	[tilespmem:$0x1A680] =	vst v63  }
0x15d: {  	_ =	swait.ge [sflag:s14], $0x1400  }
0x15e: {  	[sflag:s14] =	ssyncset.done $0x0  }
0x15f: {  	s9 =	simm.s32 $0xB;
	[sflag:s14] =	ssyncadd.s32 $0xFFFFEC00  }
0x160: {  	_ =	swait.ge [sflag:s9], $0x28  }
0x161: {  	[sflag:s9] =	ssyncset.done $0x0  }
0x162: {  	p2 =	seq.s32 s7, $0x4B0;
	s11 =	simm.s32 $0x6900;
	[sflag:s9] =	ssyncadd.s32 $0xFFFFFFD8  }
0x163: {  	[spmem:s2] =	stream.indirect.scatter.add.f32 [tilespmem:s3], [sflag:$0x1A], $0x80, s11, s23, $0xb8;
	[tilespmem:$0x1A680] =	vst v63  }
0x164: {  	s9 =	simm.s32 @!p2 $0x6400;
	_ =	swait.ge [sflag:s31], $0x1400  }
0x165: {  	s11 =	sshrl.u32 @!p2 s25, $0x3;
	[sflag:s31] =	ssyncset.done $0x0;
	s1 =	rddreg [dreg:$0x15]  }
0x166: {  	[sflag:s31] =	ssyncadd.s32 $0xFFFFEC00;
	s15 =	sadd.s32 @!p2 s1, s11;
	s1 =	simm.s32 @!p2 $0x0  }
0x167: {  	[tilespmem:s9], [sflag:$0x1] =	stream.linear.gather @!p2 [hbm4b:s15+s1], $0x28, $0x38;
	[tilespmem:$0x1A680] =	vst v63  }
0x168: {  	s15 =	rddreg [dreg:$0x16]  }
0x169: {  	s11 =	sadd.s32 @!p2 s15, s11;
	s15 =	simm.s32 @!p2 $0x6900  }
0x16a: {  	[tilespmem:s15], [sflag:$0xB] =	stream.linear.gather @!p2 [hbm4b:s11+s1], $0x28, $0x38;
	[tilespmem:$0x1A680] =	vst v63  }
0x16b: {  	s15 =	simm.s32 $0x6  }
0x16c: {  	_ =	swait.ge [sflag:s15], $0x28  }
0x16d: {  	[sflag:s15] =	ssyncset.done $0x0  }
0x16e: {  	s16 =	simm.s32 $0x6680;
	s17 =	simm.s32 $0x16;
	[sflag:s15] =	ssyncadd.s32 $0xFFFFFFD8  }
0x16f: {  	[tilespmem:s3], [sflag:$0x15] =	stream.indirect.gather [hbm4b:s29+s23], $0x80, s16, s23, $0xb8;
	[tilespmem:$0x1A680] =	vst v63  }
0x170: {  	_ =	swait.ge [sflag:s17], $0x1400  }
0x171: {  	[sflag:s17] =	ssyncset.done $0x0  }
0x172: {  	s19 =	simm.s32 $0xC;
	[sflag:s17] =	ssyncadd.s32 $0xFFFFEC00  }
0x173: {  	_ =	swait.ge [sflag:s19], $0x28  }
0x174: {  	s20 =	simm.s32 $0x6980;
	[sflag:s19] =	ssyncset.done $0x0  }
0x175: {  	s16 =	simm.s32 $0x1B;
	s17 =	simm.s32 $0x1400;
	[sflag:s19] =	ssyncadd.s32 $0xFFFFFFD8  }
0x176: {  	[spmem:s2] =	stream.indirect.scatter.add.f32 [tilespmem:s17], [sflag:$0x1B], $0x80, s20, s23, $0xb8;
	[tilespmem:$0x1A680] =	vst v63  }
0x177: {  	_ =	swait.ge [sflag:s16], $0x1400  }
0x178: {  	s11 =	rddreg [dreg:$0x12]  }
0x179: {  	[sflag:s16] =	ssyncset.done $0x0;
	s15 =	rddreg [dreg:$0x11]  }
0x17a: {  	[sflag:s16] =	ssyncadd.s32 $0xFFFFEC00;
	s16 =	sadd.s32 @!p2 s7, s11;
	s11 =	simm.s32 @!p2 $0x6480  }
0x17b: {  	[tilespmem:s11], [sflag:$0x2] =	stream.linear.gather @!p2 [hbm4b:s16+s1], $0x28, $0x38;
	[tilespmem:$0x1A680] =	vst v63  }
0x17c: {  	s21 =	simm.s32 $0x7;
	s15 =	sadd.s32 @!p2 s7, s15;
	s16 =	simm.s32 @!p2 $0x6980  }
0x17d: {  	[tilespmem:s16], [sflag:$0xC] =	stream.linear.gather @!p2 [hbm4b:s15+s1], $0x28, $0x38;
	[tilespmem:$0x1A680] =	vst v63  }
0x17e: {  	_ =	swait.ge [sflag:s21], $0x28  }
0x17f: {  	[sflag:s21] =	ssyncset.done $0x0  }
0x180: {  	s22 =	simm.s32 $0x6700;
	[sflag:s21] =	ssyncadd.s32 $0xFFFFFFD8  }
0x181: {  	[tilespmem:s17], [sflag:$0x16] =	stream.indirect.gather [hbm4b:s29+s23], $0x80, s22, s23, $0xb8;
	[tilespmem:$0x1A680] =	vst v63  }
0x182: {  	_ =	swait.ge [sflag:s13], $0x1400  }
0x183: {  	[sflag:s13] =	ssyncset.done $0x0  }
0x184: {  	s28 =	simm.s32 $0xD;
	[sflag:s13] =	ssyncadd.s32 $0xFFFFEC00  }
0x185: {  	_ =	swait.ge [sflag:s28], $0x28  }
0x186: {  	[sflag:s28] =	ssyncset.done $0x0  }
0x187: {  	s16 =	simm.s32 $0x6A00;
	s21 =	simm.s32 $0x2800;
	[sflag:s28] =	ssyncadd.s32 $0xFFFFFFD8  }
0x188: {  	[spmem:s2] =	stream.indirect.scatter.add.f32 [tilespmem:s21], [sflag:$0x1C], $0x80, s16, s23, $0xb8;
	[tilespmem:$0x1A680] =	vst v63  }
0x189: {  	_ =	swait.ge [sflag:s6], $0x1400  }
0x18a: {  	s28 =	simm.s32 @!p2 $0x6500;
	s15 =	rddreg [dreg:$0x10];
	[sflag:s6] =	ssyncset.done $0x0  }
0x18b: {  	s16 =	rddreg [dreg:$0xf];
	[sflag:s6] =	ssyncadd.s32 $0xFFFFEC00;
	s15 =	sadd.s32 @!p2 s7, s15  }
0x18c: {  	[tilespmem:s28], [sflag:$0x3] =	stream.linear.gather @!p2 [hbm4b:s15+s1], $0x28, $0x38;
	[tilespmem:$0x1A680] =	vst v63  }
0x18d: {  	s17 =	simm.s32 $0x8;
	s15 =	sadd.s32 @!p2 s7, s16;
	s16 =	simm.s32 @!p2 $0x6A00  }
0x18e: {  	[tilespmem:s16], [sflag:$0xD] =	stream.linear.gather @!p2 [hbm4b:s15+s1], $0x28, $0x38;
	[tilespmem:$0x1A680] =	vst v63  }
0x18f: {  	_ =	swait.ge [sflag:s17], $0x28  }
0x190: {  	[sflag:s17] =	ssyncset.done $0x0  }
0x191: {  	s19 =	simm.s32 $0x6780;
	s20 =	simm.s32 $0x18;
	[sflag:s17] =	ssyncadd.s32 $0xFFFFFFD8  }
0x192: {  	[tilespmem:s21], [sflag:$0x17] =	stream.indirect.gather [hbm4b:s29+s23], $0x80, s19, s23, $0xb8;
	[tilespmem:$0x1A680] =	vst v63  }
0x193: {  	_ =	swait.ge [sflag:s20], $0x1400  }
0x194: {  	[sflag:s20] =	ssyncset.done $0x0  }
0x195: {  	s22 =	simm.s32 $0xE;
	[sflag:s20] =	ssyncadd.s32 $0xFFFFEC00  }
0x196: {  	_ =	swait.ge [sflag:s22], $0x28  }
0x197: {  	s16 =	simm.s32 $0x6A80;
	[sflag:s22] =	ssyncset.done $0x0  }
0x198: {  	s17 =	simm.s32 $0x3C00;
	s19 =	simm.s32 $0x1D;
	[sflag:s22] =	ssyncadd.s32 $0xFFFFFFD8  }
0x199: {  	[spmem:s2] =	stream.indirect.scatter.add.f32 [tilespmem:s17], [sflag:$0x1D], $0x80, s16, s23, $0xb8;
	[tilespmem:$0x1A680] =	vst v63  }
0x19a: {  	_ =	swait.ge [sflag:s19], $0x1400  }
0x19b: {  	s22 =	simm.s32 @!p2 $0x6580;
	s15 =	rddreg [dreg:$0xe];
	[sflag:s19] =	ssyncset.done $0x0  }
0x19c: {  	s16 =	rddreg [dreg:$0xd];
	[sflag:s19] =	ssyncadd.s32 $0xFFFFEC00;
	s15 =	sadd.s32 @!p2 s7, s15  }
0x19d: {  	[tilespmem:s22], [sflag:$0x4] =	stream.linear.gather @!p2 [hbm4b:s15+s1], $0x28, $0x38;
	[tilespmem:$0x1A680] =	vst v63  }
0x19e: {  	s19 =	simm.s32 $0x9;
	s15 =	sadd.s32 @!p2 s7, s16;
	s16 =	simm.s32 @!p2 $0x6A80  }
0x19f: {  	[tilespmem:s16], [sflag:$0xE] =	stream.linear.gather @!p2 [hbm4b:s15+s1], $0x28, $0x38;
	[tilespmem:$0x1A680] =	vst v63  }
0x1a0: {  	_ =	swait.ge [sflag:s19], $0x28  }
0x1a1: {  	[sflag:s19] =	ssyncset.done $0x0  }
0x1a2: {  	s20 =	simm.s32 $0x6800;
	[sflag:s19] =	ssyncadd.s32 $0xFFFFFFD8  }
0x1a3: {  	[tilespmem:s17], [sflag:$0x18] =	stream.indirect.gather [hbm4b:s29+s23], $0x80, s20, s23, $0xb8;
	[tilespmem:$0x1A680] =	vst v63  }
0x1a4: {  	_ =	swait.ge [sflag:s8], $0x1400  }
0x1a5: {  	[sflag:s8] =	ssyncset.done $0x0  }
0x1a6: {  	s16 =	simm.s32 $0xF;
	[sflag:s8] =	ssyncadd.s32 $0xFFFFEC00  }
0x1a7: {  	_ =	swait.ge [sflag:s16], $0x28  }
0x1a8: {  	[sflag:s16] =	ssyncset.done $0x0  }
0x1a9: {  	s17 =	simm.s32 $0x6B00;
	[sflag:s16] =	ssyncadd.s32 $0xFFFFFFD8  }
0x1aa: {  	[spmem:s2] =	stream.indirect.scatter.add.f32 [tilespmem:s24], [sflag:$0x1E], $0x80, s17, s23, $0xb8;
	[tilespmem:$0x1A680] =	vst v63  }
0x1ab: {  	_ =	swait.ge [sflag:s4], $0x1400  }
0x1ac: {  	s17 =	simm.s32 @!p2 $0x6600;
	s15 =	rddreg [dreg:$0xc];
	[sflag:s4] =	ssyncset.done $0x0  }
0x1ad: {  	s16 =	rddreg [dreg:$0xb];
	[sflag:s4] =	ssyncadd.s32 $0xFFFFEC00;
	s15 =	sadd.s32 @!p2 s7, s15  }
0x1ae: {  	[tilespmem:s17], [sflag:$0x5] =	stream.linear.gather @!p2 [hbm4b:s15+s1], $0x28, $0x38;
	[tilespmem:$0x1A680] =	vst v63  }
0x1af: {  	s15 =	sadd.s32 @!p2 s7, s16;
	s16 =	simm.s32 @!p2 $0x6B00  }
0x1b0: {  	[tilespmem:s16], [sflag:$0xF] =	stream.linear.gather @!p2 [hbm4b:s15+s1], $0x28, $0x38;
	[tilespmem:$0x1A680] =	vst v63  }
0x1b1: {  	_ =	swait.ge [sflag:s5], $0x28  }
0x1b2: {  	[sflag:s5] =	ssyncset.done $0x0  }
0x1b3: {  	[sflag:s5] =	ssyncadd.s32 $0xFFFFFFD8  }
0x1b4: {  	[tilespmem:s24], [sflag:$0x19] =	stream.indirect.gather [hbm4b:s29+s23], $0x80, s18, s23, $0xb8;
	[tilespmem:$0x1A680] =	vst v63  }
0x1b5: {  	_ =	swait.ge [sflag:s14], $0x1400  }
0x1b6: {  	[sflag:s14] =	ssyncset.done $0x0  }
0x1b7: {  	[sflag:s14] =	ssyncadd.s32 $0xFFFFEC00  }
0x1b8: {  	_ =	swait.ge [sflag:s12], $0x28  }
0x1b9: {  	[sflag:s12] =	ssyncset.done $0x0  }
0x1ba: {  	s19 =	simm.s32 $0x6B80;
	[sflag:s12] =	ssyncadd.s32 $0xFFFFFFD8  }
0x1bb: {  	[spmem:s2] =	stream.indirect.scatter.add.f32 [tilespmem:s3], [sflag:$0x1A], $0x80, s19, s23, $0xb8;
	[tilespmem:$0x1A680] =	vst v63  }
0x1bc: {  	_ =	swait.ge [sflag:s31], $0x1400  }
0x1bd: {  	[sflag:s31] =	ssyncset.done $0x0  }
0x1be: {  	s15 =	simm.s32 @p2 $0x16;
	[sflag:s31] =	ssyncadd.s32 $0xFFFFEC00  }
0x1bf: {  	_ =	swait.ge @p2 [sflag:s15], $0x1400  }
0x1c0: {  	[sflag:s15] =	ssyncset.done @p2 $0x0  }
0x1c1: {  	[sflag:s15] =	ssyncadd.s32 @p2 $0xFFFFEC00;
	s15 =	simm.s32 @p2 $0x11  }
0x1c2: {  	_ =	swait.ge @p2 [sflag:s15], $0x28  }
0x1c3: {  	s17 =	simm.s32 @p2 $0x1400;
	s16 =	simm.s32 @p2 $0x28;
	[sflag:s15] =	ssyncset.done @p2 $0x0  }
0x1c4: {  	s18 =	simm.s32 @p2 $0x1B;
	[sflag:s15] =	ssyncadd.s32 @p2 $0xFFFFFFD8;
	s15 =	simm.s32 @p2 $0x6C00  }
0x1c5: {  	[spmem:s2] =	stream.indirect.scatter.add.f32 @p2 [tilespmem:s17], [sflag:$0x1B], $0x80, s15, s16, $0xb8;
	[tilespmem:$0x1A680] =	vst v63  }
0x1c6: {  	_ =	swait.ge @p2 [sflag:s18], $0x1400  }
0x1c7: {  	s15 =	rddreg [dreg:$0xa]  }
0x1c8: {  	[sflag:s18] =	ssyncset.done @p2 $0x0;
	s17 =	rddreg [dreg:$0x9]  }
0x1c9: {  	[sflag:s18] =	ssyncadd.s32 @p2 $0xFFFFEC00;
	s15 =	sadd.s32 @!p2 s7, s15;
	s18 =	simm.s32 @!p2 $0x6680  }
0x1ca: {  	[tilespmem:s18], [sflag:$0x6] =	stream.linear.gather @!p2 [hbm4b:s15+s1], $0x28, $0x38;
	[tilespmem:$0x1A680] =	vst v63  }
0x1cb: {  	s15 =	sadd.s32 @!p2 s7, s17;
	s17 =	simm.s32 @!p2 $0x6B80;
	s18 =	simm.s32 @!p2 $0x1  }
0x1cc: {  	[tilespmem:s17], [sflag:$0x10] =	stream.linear.gather @!p2 [hbm4b:s15+s1], $0x28, $0x38;
	[tilespmem:$0x1A680] =	vst v63  }
0x1cd: {  	_ =	swait.ge @!p2 [sflag:s18], $0x28  }
0x1ce: {  	[sflag:s18] =	ssyncset.done @!p2 $0x0  }
0x1cf: {  	s15 =	simm.s32 @!p2 $0x28;
	s17 =	simm.s32 @!p2 $0x16;
	[sflag:s18] =	ssyncadd.s32 @!p2 $0xFFFFFFD8  }
0x1d0: {  	[tilespmem:s1], [sflag:$0x15] =	stream.indirect.gather @!p2 [hbm4b:s29+s15], $0x80, s9, s15, $0xb8;
	[tilespmem:$0x1A680] =	vst v63  }
0x1d1: {  	_ =	swait.ge @!p2 [sflag:s17], $0x1400  }
0x1d2: {  	[sflag:s17] =	ssyncset.done @!p2 $0x0  }
0x1d3: {  	s9 =	simm.s32 @!p2 $0x11;
	[sflag:s17] =	ssyncadd.s32 @!p2 $0xFFFFEC00  }
0x1d4: {  	_ =	swait.ge @!p2 [sflag:s9], $0x28  }
0x1d5: {  	s18 =	simm.s32 @!p2 $0x1400;
	[sflag:s9] =	ssyncset.done @!p2 $0x0  }
0x1d6: {  	s17 =	simm.s32 @!p2 $0x1B;
	[sflag:s9] =	ssyncadd.s32 @!p2 $0xFFFFFFD8;
	s9 =	simm.s32 @!p2 $0x6C00  }
0x1d7: {  	[spmem:s2] =	stream.indirect.scatter.add.f32 @!p2 [tilespmem:s18], [sflag:$0x1B], $0x80, s9, s15, $0xb8;
	[tilespmem:$0x1A680] =	vst v63  }
0x1d8: {  	_ =	swait.ge @!p2 [sflag:s17], $0x1400  }
0x1d9: {  	s19 =	rddreg [dreg:$0x8]  }
0x1da: {  	[sflag:s17] =	ssyncset.done @!p2 $0x0;
	s20 =	rddreg [dreg:$0x7]  }
0x1db: {  	[sflag:s17] =	ssyncadd.s32 @!p2 $0xFFFFEC00;
	s17 =	sadd.s32 @!p2 s7, s19;
	s19 =	simm.s32 @!p2 $0x6700  }
0x1dc: {  	[tilespmem:s19], [sflag:$0x7] =	stream.linear.gather @!p2 [hbm4b:s17+s1], $0x28, $0x38;
	[tilespmem:$0x1A680] =	vst v63  }
0x1dd: {  	s17 =	sadd.s32 @!p2 s7, s20;
	s19 =	simm.s32 @!p2 $0x2  }
0x1de: {  	[tilespmem:s9], [sflag:$0x11] =	stream.linear.gather @!p2 [hbm4b:s17+s1], $0x28, $0x38;
	[tilespmem:$0x1A680] =	vst v63  }
0x1df: {  	_ =	swait.ge @!p2 [sflag:s19], $0x28  }
0x1e0: {  	[sflag:s19] =	ssyncset.done @!p2 $0x0  }
0x1e1: {  	[sflag:s19] =	ssyncadd.s32 @!p2 $0xFFFFFFD8  }
0x1e2: {  	[tilespmem:s18], [sflag:$0x16] =	stream.indirect.gather @!p2 [hbm4b:s29+s15], $0x80, s11, s15, $0xb8;
	[tilespmem:$0x1A680] =	vst v63  }
0x1e3: {  	_ =	swait.ge [sflag:s13], $0x1400  }
0x1e4: {  	[sflag:s13] =	ssyncset.done $0x0  }
0x1e5: {  	[sflag:s13] =	ssyncadd.s32 $0xFFFFEC00  }
0x1e6: {  	_ =	swait.ge [sflag:s30], $0x28  }
0x1e7: {  	[sflag:s30] =	ssyncset.done $0x0  }
0x1e8: {  	s20 =	simm.s32 $0x6C80;
	[sflag:s30] =	ssyncadd.s32 $0xFFFFFFD8  }
0x1e9: {  	[spmem:s2] =	stream.indirect.scatter.add.f32 [tilespmem:s21], [sflag:$0x1C], $0x80, s20, s23, $0xb8;
	[tilespmem:$0x1A680] =	vst v63  }
0x1ea: {  	_ =	swait.ge [sflag:s6], $0x1400  }
0x1eb: {  	[sflag:s6] =	ssyncset.done $0x0  }
0x1ec: {  	s9 =	simm.s32 @p2 $0x18;
	[sflag:s6] =	ssyncadd.s32 $0xFFFFEC00  }
0x1ed: {  	_ =	swait.ge @p2 [sflag:s9], $0x1400  }
0x1ee: {  	[sflag:s9] =	ssyncset.done @p2 $0x0  }
0x1ef: {  	[sflag:s9] =	ssyncadd.s32 @p2 $0xFFFFEC00;
	s9 =	simm.s32 @p2 $0x13  }
0x1f0: {  	_ =	swait.ge @p2 [sflag:s9], $0x28  }
0x1f1: {  	s17 =	simm.s32 @p2 $0x3C00;
	[sflag:s9] =	ssyncset.done @p2 $0x0  }
0x1f2: {  	s11 =	simm.s32 @p2 $0x1D;
	[sflag:s9] =	ssyncadd.s32 @p2 $0xFFFFFFD8;
	s9 =	simm.s32 @p2 $0x6D00  }
0x1f3: {  	[spmem:s2] =	stream.indirect.scatter.add.f32 @p2 [tilespmem:s17], [sflag:$0x1D], $0x80, s9, s16, $0xb8;
	[tilespmem:$0x1A680] =	vst v63  }
0x1f4: {  	_ =	swait.ge @p2 [sflag:s11], $0x1400  }
0x1f5: {  	s9 =	rddreg [dreg:$0x6]  }
0x1f6: {  	[sflag:s11] =	ssyncset.done @p2 $0x0;
	s16 =	rddreg [dreg:$0x5]  }
0x1f7: {  	[sflag:s11] =	ssyncadd.s32 @p2 $0xFFFFEC00;
	s9 =	sadd.s32 @!p2 s7, s9;
	s11 =	simm.s32 @!p2 $0x6780  }
0x1f8: {  	[tilespmem:s11], [sflag:$0x8] =	stream.linear.gather @!p2 [hbm4b:s9+s1], $0x28, $0x38;
	[tilespmem:$0x1A680] =	vst v63  }
0x1f9: {  	s9 =	sadd.s32 @!p2 s7, s16;
	s11 =	simm.s32 @!p2 $0x6C80;
	s16 =	simm.s32 @!p2 $0x3  }
0x1fa: {  	[tilespmem:s11], [sflag:$0x12] =	stream.linear.gather @!p2 [hbm4b:s9+s1], $0x28, $0x38;
	[tilespmem:$0x1A680] =	vst v63  }
0x1fb: {  	_ =	swait.ge @!p2 [sflag:s16], $0x28  }
0x1fc: {  	[sflag:s16] =	ssyncset.done @!p2 $0x0  }
0x1fd: {  	s9 =	simm.s32 @!p2 $0x2800;
	s11 =	simm.s32 @!p2 $0x18;
	[sflag:s16] =	ssyncadd.s32 @!p2 $0xFFFFFFD8  }
0x1fe: {  	[tilespmem:s9], [sflag:$0x17] =	stream.indirect.gather @!p2 [hbm4b:s29+s15], $0x80, s28, s15, $0xb8;
	[tilespmem:$0x1A680] =	vst v63  }
0x1ff: {  	_ =	swait.ge @!p2 [sflag:s11], $0x1400  }
0x200: {  	[sflag:s11] =	ssyncset.done @!p2 $0x0  }
0x201: {  	s9 =	simm.s32 @!p2 $0x13;
	[sflag:s11] =	ssyncadd.s32 @!p2 $0xFFFFEC00  }
0x202: {  	_ =	swait.ge @!p2 [sflag:s9], $0x28  }
0x203: {  	s16 =	simm.s32 @!p2 $0x3C00;
	[sflag:s9] =	ssyncset.done @!p2 $0x0  }
0x204: {  	s11 =	simm.s32 @!p2 $0x1D;
	[sflag:s9] =	ssyncadd.s32 @!p2 $0xFFFFFFD8;
	s9 =	simm.s32 @!p2 $0x6D00  }
0x205: {  	[spmem:s2] =	stream.indirect.scatter.add.f32 @!p2 [tilespmem:s16], [sflag:$0x1D], $0x80, s9, s15, $0xb8;
	[tilespmem:$0x1A680] =	vst v63  }
0x206: {  	_ =	swait.ge @!p2 [sflag:s11], $0x1400  }
0x207: {  	s17 =	rddreg [dreg:$0x4]  }
0x208: {  	[sflag:s11] =	ssyncset.done @!p2 $0x0;
	s18 =	rddreg [dreg:$0x3]  }
0x209: {  	[sflag:s11] =	ssyncadd.s32 @!p2 $0xFFFFEC00;
	s11 =	sadd.s32 @!p2 s7, s17;
	s17 =	simm.s32 @!p2 $0x6800  }
0x20a: {  	[tilespmem:s17], [sflag:$0x9] =	stream.linear.gather @!p2 [hbm4b:s11+s1], $0x28, $0x38;
	[tilespmem:$0x1A680] =	vst v63  }
0x20b: {  	s11 =	sadd.s32 @!p2 s7, s18;
	s17 =	simm.s32 @!p2 $0x4  }
0x20c: {  	[tilespmem:s9], [sflag:$0x13] =	stream.linear.gather @!p2 [hbm4b:s11+s1], $0x28, $0x38;
	[tilespmem:$0x1A680] =	vst v63  }
0x20d: {  	_ =	swait.ge @!p2 [sflag:s17], $0x28  }
0x20e: {  	s26 =	smov.u32 s10;
	s10 =	sadd.s32 $0x32, s10;
	[sflag:s17] =	ssyncset.done @!p2 $0x0  }
0x20f: {  	p1 =	sne.s32 s10, $0x4E2;
	[sflag:s17] =	ssyncadd.s32 @!p2 $0xFFFFFFD8  }
0x210: {  	[tilespmem:s16], [sflag:$0x18] =	stream.indirect.gather @!p2 [hbm4b:s29+s15], $0x80, s22, s15, $0xb8;
	[tilespmem:$0x1A680] =	vst v63  }
.Ltmp0:
0x211: {  	_ =	swait.ge [sflag:s8], $0x1400;
	(pc) =	sbr.rel @p1 .LBB2_2-.Ltmp0, $4  }
0x212: {  	[sflag:s8] =	ssyncset.done $0x0  }
0x213: {  	[sflag:s8] =	ssyncadd.s32 $0xFFFFEC00  }
0x214: {  	s7 =	smov.u32 s26;
	_ =	swait.ge [sflag:s0], $0x28  }
0x215: {  	s25 =	sadd.s32 $0x190, s25;
	p2 =	seq.s32 s7, $0x0;
	[sflag:s0] =	ssyncset.done $0x0  }
0x216: {  	s1 =	simm.s32 @!p2 $0x1E;
	[sflag:s0] =	ssyncadd.s32 $0xFFFFFFD8;
	s26 =	simm.s32 $0x6D80  }
0x217: {  	[spmem:s2] =	stream.indirect.scatter.add.f32 [tilespmem:s24], [sflag:$0x1E], $0x80, s26, s23, $0xb8;
	[tilespmem:$0x1A680] =	vst v63  }
0x218: {  	_ =	swait.ge @!p2 [sflag:s1], $0x1400  }
0x219: {  	s19 =	simm.s32 $0x6880;
	s9 =	rddreg [dreg:$0x14];
	[sflag:s1] =	ssyncset.done @!p2 $0x0  }
0x21a: {  	s10 =	rddreg [dreg:$0x13];
	[sflag:s1] =	ssyncadd.s32 @!p2 $0xFFFFEC00;
	s18 =	sadd.s32 s7, s9  }
0x21b: {  	[tilespmem:s19], [sflag:$0xA] =	stream.linear.gather [hbm4b:s18+s3], $0x28, $0x38;
	[tilespmem:$0x1A680] =	vst v63  }
0x21c: {  	s21 =	simm.s32 $0x5;
	s20 =	sadd.s32 s7, s10  }
0x21d: {  	[tilespmem:s26], [sflag:$0x14] =	stream.linear.gather [hbm4b:s20+s3], $0x28, $0x38;
	[tilespmem:$0x1A680] =	vst v63  }
0x21e: {  	_ =	swait.ge [sflag:s21], $0x28  }
0x21f: {  	[sflag:s21] =	ssyncset.done $0x0  }
0x220: {  	s22 =	simm.s32 $0x6600;
	[sflag:s21] =	ssyncadd.s32 $0xFFFFFFD8  }
0x221: {  	[tilespmem:s24], [sflag:$0x19] =	stream.indirect.gather [hbm4b:s29+s23], $0x80, s22, s23, $0xb8;
	[tilespmem:$0x1A680] =	vst v63  }
0x222: {  	_ =	swait.ge [sflag:s14], $0x1400  }
0x223: {  	[sflag:s14] =	ssyncset.done $0x0  }
0x224: {  	s28 =	simm.s32 $0xB;
	[sflag:s14] =	ssyncadd.s32 $0xFFFFEC00  }
0x225: {  	_ =	swait.ge [sflag:s28], $0x28  }
0x226: {  	[sflag:s28] =	ssyncset.done $0x0  }
0x227: {  	p1 =	seq.s32 s7, $0x4B0;
	s9 =	simm.s32 $0x6900;
	[sflag:s28] =	ssyncadd.s32 $0xFFFFFFD8  }
0x228: {  	[spmem:s2] =	stream.indirect.scatter.add.f32 [tilespmem:s3], [sflag:$0x1A], $0x80, s9, s23, $0xb8;
	[tilespmem:$0x1A680] =	vst v63  }
0x229: {  	s15 =	simm.s32 @!p1 $0x6400;
	_ =	swait.ge [sflag:s31], $0x1400  }
0x22a: {  	s9 =	sshrl.u32 @!p1 s25, $0x3;
	[sflag:s31] =	ssyncset.done $0x0;
	s1 =	rddreg [dreg:$0x15]  }
0x22b: {  	[sflag:s31] =	ssyncadd.s32 $0xFFFFEC00;
	s10 =	sadd.s32 @!p1 s1, s9;
	s1 =	simm.s32 @!p1 $0x0  }
0x22c: {  	[tilespmem:s15], [sflag:$0x1] =	stream.linear.gather @!p1 [hbm4b:s10+s1], $0x28, $0x38;
	[tilespmem:$0x1A680] =	vst v63  }
0x22d: {  	s10 =	rddreg [dreg:$0x16]  }
0x22e: {  	s9 =	sadd.s32 @!p1 s10, s9;
	s10 =	simm.s32 @!p1 $0x6900  }
0x22f: {  	[tilespmem:s10], [sflag:$0xB] =	stream.linear.gather @!p1 [hbm4b:s9+s1], $0x28, $0x38;
	[tilespmem:$0x1A680] =	vst v63  }
0x230: {  	s10 =	simm.s32 $0x6  }
0x231: {  	_ =	swait.ge [sflag:s10], $0x28  }
0x232: {  	[sflag:s10] =	ssyncset.done $0x0  }
0x233: {  	s11 =	simm.s32 $0x6680;
	s16 =	simm.s32 $0x16;
	[sflag:s10] =	ssyncadd.s32 $0xFFFFFFD8  }
0x234: {  	[tilespmem:s3], [sflag:$0x15] =	stream.indirect.gather [hbm4b:s29+s23], $0x80, s11, s23, $0xb8;
	[tilespmem:$0x1A680] =	vst v63  }
0x235: {  	_ =	swait.ge [sflag:s16], $0x1400  }
0x236: {  	[sflag:s16] =	ssyncset.done $0x0  }
0x237: {  	s17 =	simm.s32 $0xC;
	[sflag:s16] =	ssyncadd.s32 $0xFFFFEC00  }
0x238: {  	_ =	swait.ge [sflag:s17], $0x28  }
0x239: {  	s18 =	simm.s32 $0x6980;
	[sflag:s17] =	ssyncset.done $0x0  }
0x23a: {  	s11 =	simm.s32 $0x1B;
	s16 =	simm.s32 $0x1400;
	[sflag:s17] =	ssyncadd.s32 $0xFFFFFFD8  }
0x23b: {  	[spmem:s2] =	stream.indirect.scatter.add.f32 [tilespmem:s16], [sflag:$0x1B], $0x80, s18, s23, $0xb8;
	[tilespmem:$0x1A680] =	vst v63  }
0x23c: {  	_ =	swait.ge [sflag:s11], $0x1400  }
0x23d: {  	s9 =	rddreg [dreg:$0x12]  }
0x23e: {  	[sflag:s11] =	ssyncset.done $0x0;
	s10 =	rddreg [dreg:$0x11]  }
0x23f: {  	[sflag:s11] =	ssyncadd.s32 $0xFFFFEC00;
	s9 =	sadd.s32 @!p1 s7, s9;
	s11 =	simm.s32 @!p1 $0x6480  }
0x240: {  	[tilespmem:s11], [sflag:$0x2] =	stream.linear.gather @!p1 [hbm4b:s9+s1], $0x28, $0x38;
	[tilespmem:$0x1A680] =	vst v63  }
0x241: {  	s20 =	simm.s32 $0x7;
	s9 =	sadd.s32 @!p1 s7, s10;
	s10 =	simm.s32 @!p1 $0x6980  }
0x242: {  	[tilespmem:s10], [sflag:$0xC] =	stream.linear.gather @!p1 [hbm4b:s9+s1], $0x28, $0x38;
	[tilespmem:$0x1A680] =	vst v63  }
0x243: {  	_ =	swait.ge [sflag:s20], $0x28  }
0x244: {  	[sflag:s20] =	ssyncset.done $0x0  }
0x245: {  	s21 =	simm.s32 $0x6700;
	[sflag:s20] =	ssyncadd.s32 $0xFFFFFFD8  }
0x246: {  	[tilespmem:s16], [sflag:$0x16] =	stream.indirect.gather [hbm4b:s29+s23], $0x80, s21, s23, $0xb8;
	[tilespmem:$0x1A680] =	vst v63  }
0x247: {  	_ =	swait.ge [sflag:s13], $0x1400  }
0x248: {  	[sflag:s13] =	ssyncset.done $0x0  }
0x249: {  	s22 =	simm.s32 $0xD;
	[sflag:s13] =	ssyncadd.s32 $0xFFFFEC00  }
0x24a: {  	_ =	swait.ge [sflag:s22], $0x28  }
0x24b: {  	[sflag:s22] =	ssyncset.done $0x0  }
0x24c: {  	s25 =	simm.s32 $0x6A00;
	s21 =	simm.s32 $0x2800;
	[sflag:s22] =	ssyncadd.s32 $0xFFFFFFD8  }
0x24d: {  	[spmem:s2] =	stream.indirect.scatter.add.f32 [tilespmem:s21], [sflag:$0x1C], $0x80, s25, s23, $0xb8;
	[tilespmem:$0x1A680] =	vst v63  }
0x24e: {  	_ =	swait.ge [sflag:s6], $0x1400  }
0x24f: {  	s10 =	simm.s32 @!p1 $0x6500;
	s9 =	rddreg [dreg:$0x10];
	[sflag:s6] =	ssyncset.done $0x0  }
0x250: {  	s16 =	rddreg [dreg:$0xf];
	[sflag:s6] =	ssyncadd.s32 $0xFFFFEC00;
	s9 =	sadd.s32 @!p1 s7, s9  }
0x251: {  	[tilespmem:s10], [sflag:$0x3] =	stream.linear.gather @!p1 [hbm4b:s9+s1], $0x28, $0x38;
	[tilespmem:$0x1A680] =	vst v63  }
0x252: {  	s28 =	simm.s32 $0x8;
	s9 =	sadd.s32 @!p1 s7, s16;
	s16 =	simm.s32 @!p1 $0x6A00  }
0x253: {  	[tilespmem:s16], [sflag:$0xD] =	stream.linear.gather @!p1 [hbm4b:s9+s1], $0x28, $0x38;
	[tilespmem:$0x1A680] =	vst v63  }
0x254: {  	_ =	swait.ge [sflag:s28], $0x28  }
0x255: {  	[sflag:s28] =	ssyncset.done $0x0  }
0x256: {  	s17 =	simm.s32 $0x18;
	s16 =	simm.s32 $0x6780;
	[sflag:s28] =	ssyncadd.s32 $0xFFFFFFD8  }
0x257: {  	[tilespmem:s21], [sflag:$0x17] =	stream.indirect.gather [hbm4b:s29+s23], $0x80, s16, s23, $0xb8;
	[tilespmem:$0x1A680] =	vst v63  }
0x258: {  	_ =	swait.ge [sflag:s17], $0x1400  }
0x259: {  	[sflag:s17] =	ssyncset.done $0x0  }
0x25a: {  	s18 =	simm.s32 $0xE;
	[sflag:s17] =	ssyncadd.s32 $0xFFFFEC00  }
0x25b: {  	_ =	swait.ge [sflag:s18], $0x28  }
0x25c: {  	s20 =	simm.s32 $0x6A80;
	[sflag:s18] =	ssyncset.done $0x0  }
0x25d: {  	s17 =	simm.s32 $0x1D;
	[sflag:s18] =	ssyncadd.s32 $0xFFFFFFD8;
	s18 =	simm.s32 $0x3C00  }
0x25e: {  	[spmem:s2] =	stream.indirect.scatter.add.f32 [tilespmem:s18], [sflag:$0x1D], $0x80, s20, s23, $0xb8;
	[tilespmem:$0x1A680] =	vst v63  }
0x25f: {  	_ =	swait.ge [sflag:s17], $0x1400  }
0x260: {  	s9 =	rddreg [dreg:$0xe]  }
0x261: {  	[sflag:s17] =	ssyncset.done $0x0;
	s16 =	rddreg [dreg:$0xd]  }
0x262: {  	[sflag:s17] =	ssyncadd.s32 $0xFFFFEC00;
	s17 =	sadd.s32 @!p1 s7, s9;
	s9 =	simm.s32 @!p1 $0x6580  }
0x263: {  	[tilespmem:s9], [sflag:$0x4] =	stream.linear.gather @!p1 [hbm4b:s17+s1], $0x28, $0x38;
	[tilespmem:$0x1A680] =	vst v63  }
0x264: {  	s22 =	simm.s32 $0x9;
	s16 =	sadd.s32 @!p1 s7, s16;
	s17 =	simm.s32 @!p1 $0x6A80  }
0x265: {  	[tilespmem:s17], [sflag:$0xE] =	stream.linear.gather @!p1 [hbm4b:s16+s1], $0x28, $0x38;
	[tilespmem:$0x1A680] =	vst v63  }
0x266: {  	_ =	swait.ge [sflag:s22], $0x28  }
0x267: {  	[sflag:s22] =	ssyncset.done $0x0  }
0x268: {  	s25 =	simm.s32 $0x6800;
	[sflag:s22] =	ssyncadd.s32 $0xFFFFFFD8  }
0x269: {  	[tilespmem:s18], [sflag:$0x18] =	stream.indirect.gather [hbm4b:s29+s23], $0x80, s25, s23, $0xb8;
	[tilespmem:$0x1A680] =	vst v63  }
0x26a: {  	_ =	swait.ge [sflag:s8], $0x1400  }
0x26b: {  	[sflag:s8] =	ssyncset.done $0x0  }
0x26c: {  	s28 =	simm.s32 $0xF;
	[sflag:s8] =	ssyncadd.s32 $0xFFFFEC00  }
0x26d: {  	_ =	swait.ge [sflag:s28], $0x28  }
0x26e: {  	[sflag:s28] =	ssyncset.done $0x0  }
0x26f: {  	s17 =	simm.s32 $0x6B00;
	[sflag:s28] =	ssyncadd.s32 $0xFFFFFFD8  }
0x270: {  	[spmem:s2] =	stream.indirect.scatter.add.f32 [tilespmem:s24], [sflag:$0x1E], $0x80, s17, s23, $0xb8;
	[tilespmem:$0x1A680] =	vst v63  }
0x271: {  	_ =	swait.ge [sflag:s4], $0x1400  }
0x272: {  	s18 =	simm.s32 @!p1 $0x6600;
	s16 =	rddreg [dreg:$0xc];
	[sflag:s4] =	ssyncset.done $0x0  }
0x273: {  	s17 =	rddreg [dreg:$0xb];
	[sflag:s4] =	ssyncadd.s32 $0xFFFFEC00;
	s16 =	sadd.s32 @!p1 s7, s16  }
0x274: {  	[tilespmem:s18], [sflag:$0x5] =	stream.linear.gather @!p1 [hbm4b:s16+s1], $0x28, $0x38;
	[tilespmem:$0x1A680] =	vst v63  }
0x275: {  	s16 =	sadd.s32 @!p1 s7, s17;
	s17 =	simm.s32 @!p1 $0x6B00  }
0x276: {  	[tilespmem:s17], [sflag:$0xF] =	stream.linear.gather @!p1 [hbm4b:s16+s1], $0x28, $0x38;
	[tilespmem:$0x1A680] =	vst v63  }
0x277: {  	_ =	swait.ge [sflag:s5], $0x28  }
0x278: {  	[sflag:s5] =	ssyncset.done $0x0  }
0x279: {  	[sflag:s5] =	ssyncadd.s32 $0xFFFFFFD8  }
0x27a: {  	[tilespmem:s24], [sflag:$0x19] =	stream.indirect.gather [hbm4b:s29+s23], $0x80, s19, s23, $0xb8;
	[tilespmem:$0x1A680] =	vst v63  }
0x27b: {  	_ =	swait.ge [sflag:s14], $0x1400  }
0x27c: {  	[sflag:s14] =	ssyncset.done $0x0  }
0x27d: {  	[sflag:s14] =	ssyncadd.s32 $0xFFFFEC00  }
0x27e: {  	_ =	swait.ge [sflag:s12], $0x28  }
0x27f: {  	[sflag:s12] =	ssyncset.done $0x0  }
0x280: {  	s18 =	simm.s32 $0x6B80;
	[sflag:s12] =	ssyncadd.s32 $0xFFFFFFD8  }
0x281: {  	[spmem:s2] =	stream.indirect.scatter.add.f32 [tilespmem:s3], [sflag:$0x1A], $0x80, s18, s23, $0xb8;
	[tilespmem:$0x1A680] =	vst v63  }
0x282: {  	_ =	swait.ge [sflag:s31], $0x1400  }
0x283: {  	[sflag:s31] =	ssyncset.done $0x0  }
0x284: {  	s16 =	simm.s32 @p1 $0x16;
	[sflag:s31] =	ssyncadd.s32 $0xFFFFEC00  }
0x285: {  	_ =	swait.ge @p1 [sflag:s16], $0x1400  }
0x286: {  	[sflag:s16] =	ssyncset.done @p1 $0x0  }
0x287: {  	[sflag:s16] =	ssyncadd.s32 @p1 $0xFFFFEC00;
	s16 =	simm.s32 @p1 $0x11  }
0x288: {  	_ =	swait.ge @p1 [sflag:s16], $0x28  }
0x289: {  	s22 =	simm.s32 @p1 $0x28;
	s17 =	simm.s32 @p1 $0x1400;
	[sflag:s16] =	ssyncset.done @p1 $0x0  }
0x28a: {  	s18 =	simm.s32 @p1 $0x1B;
	[sflag:s16] =	ssyncadd.s32 @p1 $0xFFFFFFD8;
	s16 =	simm.s32 @p1 $0x6C00  }
0x28b: {  	[spmem:s2] =	stream.indirect.scatter.add.f32 @p1 [tilespmem:s17], [sflag:$0x1B], $0x80, s16, s22, $0xb8;
	[tilespmem:$0x1A680] =	vst v63  }
0x28c: {  	_ =	swait.ge @p1 [sflag:s18], $0x1400  }
0x28d: {  	s16 =	rddreg [dreg:$0xa]  }
0x28e: {  	[sflag:s18] =	ssyncset.done @p1 $0x0;
	s17 =	rddreg [dreg:$0x9]  }
0x28f: {  	[sflag:s18] =	ssyncadd.s32 @p1 $0xFFFFEC00;
	s16 =	sadd.s32 @!p1 s7, s16;
	s18 =	simm.s32 @!p1 $0x6680  }
0x290: {  	[tilespmem:s18], [sflag:$0x6] =	stream.linear.gather @!p1 [hbm4b:s16+s1], $0x28, $0x38;
	[tilespmem:$0x1A680] =	vst v63  }
0x291: {  	s16 =	sadd.s32 @!p1 s7, s17;
	s17 =	simm.s32 @!p1 $0x6B80;
	s18 =	simm.s32 @!p1 $0x1  }
0x292: {  	[tilespmem:s17], [sflag:$0x10] =	stream.linear.gather @!p1 [hbm4b:s16+s1], $0x28, $0x38;
	[tilespmem:$0x1A680] =	vst v63  }
0x293: {  	_ =	swait.ge @!p1 [sflag:s18], $0x28  }
0x294: {  	[sflag:s18] =	ssyncset.done @!p1 $0x0  }
0x295: {  	s16 =	simm.s32 @!p1 $0x28;
	s17 =	simm.s32 @!p1 $0x16;
	[sflag:s18] =	ssyncadd.s32 @!p1 $0xFFFFFFD8  }
0x296: {  	[tilespmem:s1], [sflag:$0x15] =	stream.indirect.gather @!p1 [hbm4b:s29+s16], $0x80, s15, s16, $0xb8;
	[tilespmem:$0x1A680] =	vst v63  }
0x297: {  	_ =	swait.ge @!p1 [sflag:s17], $0x1400  }
0x298: {  	[sflag:s17] =	ssyncset.done @!p1 $0x0  }
0x299: {  	s15 =	simm.s32 @!p1 $0x11;
	[sflag:s17] =	ssyncadd.s32 @!p1 $0xFFFFEC00  }
0x29a: {  	_ =	swait.ge @!p1 [sflag:s15], $0x28  }
0x29b: {  	s18 =	simm.s32 @!p1 $0x1400;
	[sflag:s15] =	ssyncset.done @!p1 $0x0  }
0x29c: {  	s17 =	simm.s32 @!p1 $0x1B;
	[sflag:s15] =	ssyncadd.s32 @!p1 $0xFFFFFFD8;
	s15 =	simm.s32 @!p1 $0x6C00  }
0x29d: {  	[spmem:s2] =	stream.indirect.scatter.add.f32 @!p1 [tilespmem:s18], [sflag:$0x1B], $0x80, s15, s16, $0xb8;
	[tilespmem:$0x1A680] =	vst v63  }
0x29e: {  	_ =	swait.ge @!p1 [sflag:s17], $0x1400  }
0x29f: {  	s19 =	rddreg [dreg:$0x8]  }
0x2a0: {  	[sflag:s17] =	ssyncset.done @!p1 $0x0;
	s20 =	rddreg [dreg:$0x7]  }
0x2a1: {  	[sflag:s17] =	ssyncadd.s32 @!p1 $0xFFFFEC00;
	s17 =	sadd.s32 @!p1 s7, s19;
	s19 =	simm.s32 @!p1 $0x6700  }
0x2a2: {  	[tilespmem:s19], [sflag:$0x7] =	stream.linear.gather @!p1 [hbm4b:s17+s1], $0x28, $0x38;
	[tilespmem:$0x1A680] =	vst v63  }
0x2a3: {  	s17 =	sadd.s32 @!p1 s7, s20  }
0x2a4: {  	[tilespmem:s15], [sflag:$0x11] =	stream.linear.gather @!p1 [hbm4b:s17+s1], $0x28, $0x38;
	[tilespmem:$0x1A680] =	vst v63  }
0x2a5: {  	s15 =	simm.s32 @!p1 $0x2  }
0x2a6: {  	_ =	swait.ge @!p1 [sflag:s15], $0x28  }
0x2a7: {  	[sflag:s15] =	ssyncset.done @!p1 $0x0  }
0x2a8: {  	[sflag:s15] =	ssyncadd.s32 @!p1 $0xFFFFFFD8  }
0x2a9: {  	[tilespmem:s18], [sflag:$0x16] =	stream.indirect.gather @!p1 [hbm4b:s29+s16], $0x80, s11, s16, $0xb8;
	[tilespmem:$0x1A680] =	vst v63  }
0x2aa: {  	_ =	swait.ge [sflag:s13], $0x1400  }
0x2ab: {  	[sflag:s13] =	ssyncset.done $0x0  }
0x2ac: {  	[sflag:s13] =	ssyncadd.s32 $0xFFFFEC00  }
0x2ad: {  	_ =	swait.ge [sflag:s30], $0x28  }
0x2ae: {  	[sflag:s30] =	ssyncset.done $0x0  }
0x2af: {  	s19 =	simm.s32 $0x6C80;
	[sflag:s30] =	ssyncadd.s32 $0xFFFFFFD8  }
0x2b0: {  	[spmem:s2] =	stream.indirect.scatter.add.f32 [tilespmem:s21], [sflag:$0x1C], $0x80, s19, s23, $0xb8;
	[tilespmem:$0x1A680] =	vst v63  }
0x2b1: {  	_ =	swait.ge [sflag:s6], $0x1400  }
0x2b2: {  	[sflag:s6] =	ssyncset.done $0x0  }
0x2b3: {  	s11 =	simm.s32 @p1 $0x18;
	[sflag:s6] =	ssyncadd.s32 $0xFFFFEC00  }
0x2b4: {  	_ =	swait.ge @p1 [sflag:s11], $0x1400  }
0x2b5: {  	[sflag:s11] =	ssyncset.done @p1 $0x0  }
0x2b6: {  	[sflag:s11] =	ssyncadd.s32 @p1 $0xFFFFEC00;
	s11 =	simm.s32 @p1 $0x13  }
0x2b7: {  	_ =	swait.ge @p1 [sflag:s11], $0x28  }
0x2b8: {  	s17 =	simm.s32 @p1 $0x3C00;
	[sflag:s11] =	ssyncset.done @p1 $0x0  }
0x2b9: {  	s15 =	simm.s32 @p1 $0x1D;
	[sflag:s11] =	ssyncadd.s32 @p1 $0xFFFFFFD8;
	s11 =	simm.s32 @p1 $0x6D00  }
0x2ba: {  	[spmem:s2] =	stream.indirect.scatter.add.f32 @p1 [tilespmem:s17], [sflag:$0x1D], $0x80, s11, s22, $0xb8;
	[tilespmem:$0x1A680] =	vst v63  }
0x2bb: {  	_ =	swait.ge @p1 [sflag:s15], $0x1400  }
0x2bc: {  	s11 =	rddreg [dreg:$0x6]  }
0x2bd: {  	[sflag:s15] =	ssyncset.done @p1 $0x0;
	s17 =	rddreg [dreg:$0x5]  }
0x2be: {  	[sflag:s15] =	ssyncadd.s32 @p1 $0xFFFFEC00;
	s11 =	sadd.s32 @!p1 s7, s11;
	s15 =	simm.s32 @!p1 $0x6780  }
0x2bf: {  	[tilespmem:s15], [sflag:$0x8] =	stream.linear.gather @!p1 [hbm4b:s11+s1], $0x28, $0x38;
	[tilespmem:$0x1A680] =	vst v63  }
0x2c0: {  	s11 =	sadd.s32 @!p1 s7, s17;
	s15 =	simm.s32 @!p1 $0x6C80;
	s17 =	simm.s32 @!p1 $0x3  }
0x2c1: {  	[tilespmem:s15], [sflag:$0x12] =	stream.linear.gather @!p1 [hbm4b:s11+s1], $0x28, $0x38;
	[tilespmem:$0x1A680] =	vst v63  }
0x2c2: {  	_ =	swait.ge @!p1 [sflag:s17], $0x28  }
0x2c3: {  	[sflag:s17] =	ssyncset.done @!p1 $0x0  }
0x2c4: {  	s11 =	simm.s32 @!p1 $0x2800;
	s15 =	simm.s32 @!p1 $0x18;
	[sflag:s17] =	ssyncadd.s32 @!p1 $0xFFFFFFD8  }
0x2c5: {  	[tilespmem:s11], [sflag:$0x17] =	stream.indirect.gather @!p1 [hbm4b:s29+s16], $0x80, s10, s16, $0xb8;
	[tilespmem:$0x1A680] =	vst v63  }
0x2c6: {  	_ =	swait.ge @!p1 [sflag:s15], $0x1400  }
0x2c7: {  	[sflag:s15] =	ssyncset.done @!p1 $0x0  }
0x2c8: {  	s10 =	simm.s32 @!p1 $0x13;
	[sflag:s15] =	ssyncadd.s32 @!p1 $0xFFFFEC00  }
0x2c9: {  	_ =	swait.ge @!p1 [sflag:s10], $0x28  }
0x2ca: {  	s11 =	simm.s32 @!p1 $0x1D;
	[sflag:s10] =	ssyncset.done @!p1 $0x0  }
0x2cb: {  	s15 =	simm.s32 @!p1 $0x3C00;
	[sflag:s10] =	ssyncadd.s32 @!p1 $0xFFFFFFD8;
	s10 =	simm.s32 @!p1 $0x6D00  }
0x2cc: {  	[spmem:s2] =	stream.indirect.scatter.add.f32 @!p1 [tilespmem:s15], [sflag:$0x1D], $0x80, s10, s16, $0xb8;
	[tilespmem:$0x1A680] =	vst v63  }
0x2cd: {  	_ =	swait.ge @!p1 [sflag:s11], $0x1400  }
0x2ce: {  	s17 =	rddreg [dreg:$0x4]  }
0x2cf: {  	[sflag:s11] =	ssyncset.done @!p1 $0x0;
	s18 =	rddreg [dreg:$0x3]  }
0x2d0: {  	[sflag:s11] =	ssyncadd.s32 @!p1 $0xFFFFEC00;
	s11 =	sadd.s32 @!p1 s7, s17;
	s17 =	simm.s32 @!p1 $0x6800  }
0x2d1: {  	[tilespmem:s17], [sflag:$0x9] =	stream.linear.gather @!p1 [hbm4b:s11+s1], $0x28, $0x38;
	[tilespmem:$0x1A680] =	vst v63  }
0x2d2: {  	s7 =	sadd.s32 @!p1 s7, s18  }
0x2d3: {  	[tilespmem:s10], [sflag:$0x13] =	stream.linear.gather @!p1 [hbm4b:s7+s1], $0x28, $0x38;
	[tilespmem:$0x1A680] =	vst v63  }
0x2d4: {  	s1 =	simm.s32 @!p1 $0x4  }
0x2d5: {  	_ =	swait.ge @!p1 [sflag:s1], $0x28  }
0x2d6: {  	[sflag:s1] =	ssyncset.done @!p1 $0x0  }
0x2d7: {  	[sflag:s1] =	ssyncadd.s32 @!p1 $0xFFFFFFD8  }
0x2d8: {  	[tilespmem:s15], [sflag:$0x18] =	stream.indirect.gather @!p1 [hbm4b:s29+s16], $0x80, s9, s16, $0xb8;
	[tilespmem:$0x1A680] =	vst v63  }
0x2d9: {  	_ =	swait.ge [sflag:s8], $0x1400  }
0x2da: {  	[sflag:s8] =	ssyncset.done $0x0  }
0x2db: {  	[sflag:s8] =	ssyncadd.s32 $0xFFFFEC00  }
0x2dc: {  	_ =	swait.ge [sflag:s0], $0x28  }
0x2dd: {  	[sflag:s0] =	ssyncset.done $0x0  }
0x2de: {  	[sflag:s0] =	ssyncadd.s32 $0xFFFFFFD8  }
0x2df: {  	[spmem:s2] =	stream.indirect.scatter.add.f32 [tilespmem:s24], [sflag:$0x1E], $0x80, s26, s23, $0xb8;
	[tilespmem:$0x1A680] =	vst v63  }
0x2e0: {  	_ =	swait.ge [sflag:s4], $0x1400  }
0x2e1: {  	[sflag:s4] =	ssyncset.done $0x0  }
0x2e2: {  	[sflag:s4] =	ssyncadd.s32 $0xFFFFEC00  }
0x2e3: {  	[bflag:$0x0] =	sbarrier.arrive $0xFFFF  }
0x2e4: {  	s9 =	sld [smem:$0x7F9]  }
0x2e5: {  	s7 =	sld [smem:$0x7FD]  }
0x2e6: {  	s22 =	sld [smem:$0x7EA]  }
0x2e7: {  	s20 =	rddreg [dreg:$0x17]  }
0x2e8: {  	s25 =	simm.s32 $0x1F;
	s1 =	sadd.s32 s20, s9  }
0x2e9: {  	[hbm:s1], [sflag:s7] =	dma.local [spmem:s22], $0x2700  }
0x2ea: {  	_ =	swait.ge [sflag:s25], $0x2700  }
0x2eb: {  	s1 =	sadd.s32 @!p0 $0x27000, s9;
	s9 =	sld [smem:$0x7EB]  }
0x2ec: {  	[sflag:s25] =	ssyncset.done $0x0  }
0x2ed: {  	[sflag:s25] =	ssyncadd.s32 $0xFFFFD900  }
0x2ee: {  	[hbm:s1], [sflag:s7] =	dma.local @!p0 [spmem:s9], $0x100  }
0x2ef: {  	s1 =	simm.s32 @!p0 $0x1F  }
0x2f0: {  	_ =	swait.ge @!p0 [sflag:s1], $0x100  }
0x2f1: {  	s26 =	sld [smem:$0x7E9]  }
0x2f2: {  	s28 =	sld [smem:$0x7FA];
	_ =	sdelay $0x1  }
0x2f3: {  	s10 =	sadd.s32 $0x1, s26  }
0x2f4: {  	p1 =	sne.s32 s10, s28  }
.Ltmp1:
0x2f5: {  	_ = 	snop;
	(pc) =	sbr.rel @p1 .LBB2_1-.Ltmp1, $3  }
0x2f6: {  	_ =	sdelay $0x1  }
0x2f7: {  	[sflag:s1] =	ssyncset.done @!p0 $0x0  }
0x2f8: {  	s21 =	simm.s32 $0x6D80;
	[sflag:s1] =	ssyncadd.s32 @!p0 $0xFFFFFF00  }
0x2f9: {  	_ =	sfence.sel $0x180000  }
0x2fa: {  	[bflag:$0x0] =	sbarrier.arrive $0xFFFF  }
0x2fb: {  	_ =	strace $0x9000004D  }
0x2fc: {  	s0 =	stileid.u32;
	[bflag:$0x2] =	sbarrier.arrive $0xFFFF  }
0x2fd: {  	p0 =	sne.s32 s0, $0x0;
	s0 =	rddreg [dreg:$0x2]  }
0x2fe: {  	s0 =	sadd.s32 @!p0 $0x100000, s0  }
0x2ff: {  	[sflag:s0] =	ssyncadd.tile.s32 @!p0 $0x1;
	_ =	shalt  }
.Lfunc_end2:
_tile_overlayer_lowered:
.L_overlay_start_2:
0x300: {  	(tag) =	ssettag $0x2  }
0x301: {  	s0 =	rddreg [dreg:$0x0];
	s2 =	stileid.u32  }
0x302: {  	s1 =	rddreg [dreg:$0x1];
	p0 =	sne.s32 s2, $0x0  }
0x303: {  	s3 =	rddreg [dreg:$0x2];
	[bflag:$0x3] =	sbarrier.arrive $0xFFFF;
	s2 =	simm.s32 @!p0 $0x1C1F  }
0x304: {  	[timem:s3], [sflag:s2] =	dma.local @!p0 [hbm:s0], s1  }
0x305: {  	s0 =	simm.s32 @!p0 $0x1F  }
0x306: {  	_ =	swait.ge @!p0 [sflag:s0], s1  }
0x307: {  	s1 =	ssub.s32 @!p0 $0x0, s1;
	[sflag:s0] =	ssyncset.done @!p0 $0x0  }
0x308: {  	[sflag:s0] =	ssyncadd.s32 @!p0 s1  }
0x309: {  	[bflag:$0x3] =	sbarrier.arrive $0xFFFF  }
0x30a: {  	_ =	shalt  }

// kernel: kernel.8.cloned.1.call-start
scs
__scs_entry_jumppad:
0x0: {  	(pc) =	sbr.rel $0x88, $3  }
0x1: {  	(tag) =	ssettag $0x0;
	lr =	simm.s32 $0x1  }
0x2: {  	[smem:$0x3F98] =	sst lr;
	_ =	strace $0xD0000000  }
0x3: {  	_ = 	snop  }
0x4: {  	_ = 	snop  }
0x5: {  	_ = 	snop  }
0x6: {  	_ = 	snop  }
0x7: {  	_ = 	snop  }
__scs_overlays_trampoline_lowered:
0x8: {  	[smem:$0x3FA7] =	sst s0  }
0x9: {  	[smem:$0x3FA8] =	sst s1  }
0xa: {  	[smem:$0x3FA9] =	sst s2  }
0xb: {  	[smem:$0x3FAA] =	sst s3  }
0xc: {  	[smem:$0x3FAB] =	sst s4  }
0xd: {  	[smem:$0x3FAC] =	sst s5  }
0xe: {  	[smem:$0x3FAD] =	sst s6  }
0xf: {  	[smem:$0x3FAE] =	sst s7  }
0x10: {  	[smem:$0x3FAF] =	sst s8  }
0x11: {  	[smem:$0x3FB0] =	sst s9;
	s0 =	simm.s32 @!p0 $0x0  }
0x12: {  	s1 =	sld [smem:$0x3F96];
	s0 =	simm.s32 @p0 $0x1  }
0x13: {  	[smem:$0x3FB1] =	sst s0;
	s0 =	simm.s32 @!p1 $0x0  }
0x14: {  	s2 =	sld [smem:$0x3F95];
	s0 =	simm.s32 @p1 $0x1  }
0x15: {  	[smem:$0x3FB2] =	sst s0;
	s0 =	simm.s32 @!p2 $0x0  }
0x16: {  	s3 =	sld [smem:$0x3FDB];
	s0 =	simm.s32 @p2 $0x1  }
0x17: {  	s4 =	simm.s32 $0x1BF5;
	[smem:$0x3FB4] =	sst s0  }
0x18: {  	s0 =	sld [smem:$0x3F97];
	_ =	swait.ge [sflag:s4], $0x0  }
0x19: {  	s7 =	sld [smem:$0x3F98]  }
0x1a: {  	s8 =	sadd.s32 $0xFFFFE003, lr  }
0x1b: {  	s9 =	sadd.s32 $0xFFFFFEF7, lr;
	s5 =	simm.s32 $0xFFFFFFFF;
	p2 =	slt.u32 s8, $0xFFFFF086  }
0x1c: {  	p1 =	slt.u32 s9, $0xF7A;
	s5 =	simm.s32 @!p2 $0x0  }
0x1d: {  	s5 =	simm.s32 @p1 $0x1;
	p0 =	seq.s32 s7, s2  }
0x1e: {  	s7 =	smul.u32 @!p0 $0xF7A, s2;
	p2 =	seq.s32 @!p0 s5, $0x0  }
0x1f: {  	s9 =	smul.u32 $0xF7A, s1;
	s8 =	simm.s32 @!p0 $0x1BF5;
	p2 =	por !p2, p0  }
0x20: {  	[sflag:s8] =	ssyncset.s32 @!p0 $0xFFFFF086;
	s6 =	sadd.s32 @!p0 s3, s7;
	s7 =	simm.s32 @!p0 $0x108  }
0x21: {  	s3 =	sadd.s32 s3, s9;
	s6 =	sadd.s32 @!p0 $0x88, s6;
	s7 =	simm.s32 @p2 $0x1082  }
0x22: {  	[simem:s7], [sflag:s8] =	dma.local @!p0 [hbm:s6], $0xF7A  }
0x23: {  	s9 =	sor.u32 $0xD0000000, s2;
	s6 =	simm.s32 $0x108;
	_ =	swait.ge @!p0 [sflag:s8], $0x0  }
0x24: {  	s3 =	sadd.s32 $0x88, s3;
	s6 =	simm.s32 @!p1 $0x1082;
	[sflag:s4] =	ssyncset.s32 $0xFFFFF086  }
0x25: {  	[simem:s6], [sflag:s4] =	dma.local [hbm:s3], $0xF7A  }
0x26: {  	[smem:$0x3F98] =	sst s1;
	(tag) =	ssettag s2;
	_ =	strace s9  }
0x27: {  	s1 =	sld [smem:$0x3FA8]  }
0x28: {  	s2 =	sld [smem:$0x3FA9]  }
0x29: {  	s4 =	sld [smem:$0x3FAB]  }
0x2a: {  	p0 =	seq.s32 s5, $0x0;
	s5 =	sld [smem:$0x3FAC]  }
0x2b: {  	s6 =	sld [smem:$0x3FAD]  }
0x2c: {  	s7 =	sld [smem:$0x3FAE]  }
0x2d: {  	s3 =	simm.s32 $0x108;
	s8 =	sld [smem:$0x3FAF]  }
0x2e: {  	s3 =	simm.s32 @!p0 $0x1082;
	s9 =	sld [smem:$0x3FB0]  }
0x2f: {  	lr =	sadd.s32 s0, s3;
	s0 =	sld [smem:$0x3FA7]  }
0x30: {  	s3 =	sld [smem:$0x3FAA]  }
0x31: {  	[smem:$0x3FB3] =	sst s10  }
0x32: {  	s10 =	sld [smem:$0x3FB1];
	_ =	sdelay $0x3  }
0x33: {  	p0 =	seq.s32 s10, $0x1;
	s10 =	sld [smem:$0x3FB3];
	_ =	sdelay $0x3  }
0x34: {  	[smem:$0x3FB3] =	sst s10  }
0x35: {  	s10 =	sld [smem:$0x3FB2];
	_ =	sdelay $0x3  }
0x36: {  	p1 =	seq.s32 s10, $0x1;
	s10 =	sld [smem:$0x3FB3];
	_ =	sdelay $0x3  }
0x37: {  	[smem:$0x3FB3] =	sst s10  }
0x38: {  	s10 =	sld [smem:$0x3FB4]  }
0x39: {  	_ = 	snop;
	(pc) =	sbr.ind lr, $3  }
0x3a: {  	_ = 	snop  }
0x3b: {  	_ = 	snop  }
0x3c: {  	p2 =	seq.s32 s10, $0x1;
	s10 =	sld [smem:$0x3FB3]  }
0x3d: {  	_ =	shalt  }
0x3e: {  	_ =	shalt  }
0x3f: {  	_ =	shalt  }
0x40: {  	_ =	shalt  }
0x41: {  	_ =	shalt  }
0x42: {  	_ =	shalt  }
0x43: {  	_ =	shalt  }
0x44: {  	_ =	shalt  }
0x45: {  	_ =	shalt  }
0x46: {  	_ =	shalt  }
0x47: {  	_ =	shalt  }
0x48: {  	_ =	shalt  }
0x49: {  	_ =	shalt  }
0x4a: {  	_ =	shalt  }
0x4b: {  	_ =	shalt  }
0x4c: {  	_ =	shalt  }
0x4d: {  	_ =	shalt  }
0x4e: {  	_ =	shalt  }
0x4f: {  	_ =	shalt  }
0x50: {  	_ =	shalt  }
0x51: {  	_ =	shalt  }
0x52: {  	_ =	shalt  }
0x53: {  	_ =	shalt  }
0x54: {  	_ =	shalt  }
0x55: {  	_ =	shalt  }
0x56: {  	_ =	shalt  }
0x57: {  	_ =	shalt  }
0x58: {  	_ =	shalt  }
0x59: {  	_ =	shalt  }
0x5a: {  	_ =	shalt  }
0x5b: {  	_ =	shalt  }
0x5c: {  	_ =	shalt  }
0x5d: {  	_ =	shalt  }
0x5e: {  	_ =	shalt  }
0x5f: {  	_ =	shalt  }
0x60: {  	_ =	shalt  }
0x61: {  	_ =	shalt  }
0x62: {  	_ =	shalt  }
0x63: {  	_ =	shalt  }
0x64: {  	_ =	shalt  }
0x65: {  	_ =	shalt  }
0x66: {  	_ =	shalt  }
0x67: {  	_ =	shalt  }
0x68: {  	_ =	shalt  }
0x69: {  	_ =	shalt  }
0x6a: {  	_ =	shalt  }
0x6b: {  	_ =	shalt  }
0x6c: {  	_ =	shalt  }
0x6d: {  	_ =	shalt  }
0x6e: {  	_ =	shalt  }
0x6f: {  	_ =	shalt  }
0x70: {  	_ =	shalt  }
0x71: {  	_ =	shalt  }
0x72: {  	_ =	shalt  }
0x73: {  	_ =	shalt  }
0x74: {  	_ =	shalt  }
0x75: {  	_ =	shalt  }
0x76: {  	_ =	shalt  }
0x77: {  	_ =	shalt  }
0x78: {  	_ =	shalt  }
0x79: {  	_ =	shalt  }
0x7a: {  	_ =	shalt  }
0x7b: {  	_ =	shalt  }
0x7c: {  	_ =	shalt  }
0x7d: {  	_ =	shalt  }
0x7e: {  	_ =	shalt  }
0x7f: {  	_ =	shalt  }
0x80: {  	_ =	shalt  }
0x81: {  	_ =	shalt  }
0x82: {  	_ =	shalt  }
0x83: {  	_ =	shalt  }
0x84: {  	_ =	shalt  }
0x85: {  	_ =	shalt  }
0x86: {  	_ =	shalt  }
0x87: {  	_ =	shalt  }
.Lfunc_end0:
.L_simem_size_0:
called_computation_lowered:
.L_overlay_start_0:
0x88: {  	s2 =	sld [smem:$0x3FD9]  }
0x89: {  	s3 =	sld [smem:$0x3FFE];
	_ =	sdelay $0x1  }
0x8a: {  	s1 =	srdreg.scid  }
0x8b: {  	s0 =	sand.u32 $0x1, s1  }
0x8c: {  	s16 =	sshll.u32 s0, $0xA;
	s2 =	sadd.s32 s3, s2  }
0x8d: {  	s2 =	sadd.s32 s2, s16  }
0x8e: {  	[smem:$0x3FBF] =	sst s2  }
0x8f: {  	_ = 	snop  }
0x90: {  	(tm) =	ssettm $0x1  }
0x91: {  	s17 =	sld [smem:$0x3FFB];
	_ =	sdelay $0x3  }
0x92: {  	_ =	strace s17  }
0x93: {  	s2 =	sld [smem:$0x3FFC];
	_ =	sdelay $0x3  }
0x94: {  	_ =	strace s2  }
0x95: {  	s2 =	sld [smem:$0x3FFD];
	_ =	sdelay $0x3  }
0x96: {  	_ =	strace s2  }
0x97: {  	_ =	strace $0x8FFFFFFF  }
0x98: {  	s18 =	sld [smem:$0x3FDB];
	_ =	sdelay $0x1  }
0x99: {  	s19 =	simm.s32 $_scs_section_size  }
0x9a: {  	s4 =	simm.s32 $_size__tile_overlayer_lowered;
	s5 =	simm.s32 $_tile_overlayer_lowered  }
0x9b: {  	s22 =	simm.s32 $0x1BFF;
	s21 =	sshll.u32 s5, $0x1;
	s2 =	sadd.s32 s19, s18  }
0x9c: {  	s6 =	simm.s32 $0x0;
	s20 =	sshll.u32 s4, $0x1;
	s4 =	sadd.s32 s21, s2  }
0x9d: {  	[timem:s6], [sflag:s22] =	dma.local [hbm:s4], s20  }
0x9e: {  	_ =	swait.ge [sflag:s22], s20  }
0x9f: {  	s3 =	ssub.s32 $0x0, s20;
	[sflag:s22] =	ssyncset.done $0x0  }
0xa0: {  	[sflag:s22] =	ssyncadd.s32 s3;
	_ =	sdelay $0x1  }
0xa1: {  	s23 =	simm.s32 $0x1B8B  }
0xa2: {  	_ =	swait.ge [sflag:s23], $0x1  }
0xa3: {  	[sflag:s23] =	ssyncset.done $0x0  }
0xa4: {  	s25 =	simm.s32 $0x1B8E;
	s24 =	sld [smem:$0x3FFE];
	[sflag:s23] =	ssyncadd.s32 $0xFFFFFFFF  }
0xa5: {  	s26 =	simm.s32 $execute0_lowered;
	[smem:$0x3FD2] =	sst s25  }
0xa6: {  	s4 =	sshll.u32 s26, $0x1;
	_ =	strace $0x80000046;
	[dreg:$0x1] =	wrdreg $0xFFFFFFFF  }
0xa7: {  	s28 =	simm.s32 $_size_execute0_lowered;
	s2 =	sadd.s32 s2, s4;
	[dreg:$0x0] =	wrdreg $0x0  }
0xa8: {  	s4 =	sshll.u32 s28, $0x1;
	[dreg:$0x2] =	wrdreg s2  }
0xa9: {  	[dreg:$0x3] =	wrdreg s4  }
0xaa: {  	[dreg:$0x4] =	wrdreg $0xC0  }
0xab: {  	_ =	task [dreg:s6], $0x5FFFF  }
0xac: {  	[dreg:$0x1] =	wrdreg $0xFFFFFFFF  }
0xad: {  	[dreg:$0x0] =	wrdreg $0x60  }
0xae: {  	[dreg:$0x2] =	wrdreg s24  }
0xaf: {  	[dreg:$0x3] =	wrdreg $0x16800  }
0xb0: {  	[dreg:$0x4] =	wrdreg $0x9  }
0xb1: {  	_ =	task.clear_ibuf [dreg:s6], $0x5FFFF;
	_ =	strace $0x90000046  }
0xb2: {  	s29 =	simm.s32 $0x9;
	_ =	strace $0x80000048  }
0xb3: {  	_ =	swait.ge [sflag:s29], $0x1  }
0xb4: {  	[sflag:s29] =	ssyncadd.s32 $0xFFFFFFFF  }
0xb5: {  	_ =	strace $0x90000048  }
0xb6: {  	_ =	sfence  }
0xb7: {  	s30 =	sld [smem:$0x0];
	_ =	sdelay $0x2  }
0xb8: {  	s31 =	sshll.u32 s1, $0xD;
	s1 =	sshrl.u32 s1, $0x2  }
0xb9: {  	s3 =	sand.u32 $0x4000, s31;
	s1 =	sadd.s32 s1, s30  }
0xba: {  	s0 =	sor.u32 s3, s0;
	s1 =	sshll.u32 s1, $0x11  }
0xbb: {  	s0 =	sor.u32 s1, s0  }
0xbc: {  	s0 =	sadd.s32 $0x8F2B, s0  }
0xbd: {  	[sflag:s0] =	ssyncadd.remote.s32 $0x1  }
0xbe: {  	_ =	sfence.sel $0xFFFF  }
0xbf: {  	[dreg:$0x0] =	wrdreg $0xFFFFFFFF;
	(pc) =	sbr.abs _section_cstart, $3  }
0xc0: {  	[dreg:$0x1] =	wrdreg $0xFFFFFFFF  }
0xc1: {  	_ =	task.clear_ibuf [dreg:s6], $0x2FFFF;
	_ =	strace $0x9FFFFFFF  }
0xc2: {  	(tm) =	ssettm $0x7FFFFFFF  }
0xc3: {  	_ =	shalt  }
tec
execute0_lowered:
.L_overlay_start_1:
0x0: {  	(tag) =	ssettag $0x1  }
0x1: {  	s0 =	rddreg [dreg:$0x0]  }
0x2: {  	s2 =	rddreg [dreg:$0x1];
	s3 =	simm.s32 $0x0  }
0x3: {  	s12 =	stileid.u32;
	s1 =	srdreg.scid;
	s29 =	simm.s32 $0x200  }
0x4: {  	s30 =	simm.s32 $0x1;
	s31 =	simm.s32 $0x28;
	[smem:$0x7FF] =	sst s3  }
0x5: {  	s8 =	smul.u32 $0x2700, s12;
	s1 =	sand.u32 $0x1, s1;
	s4 =	sshll.u32 s12, $0x1  }
0x6: {  	s5 =	sadd.s32 $0xCC00, s0;
	s9 =	sadd.s32 $0x3DC00, s0;
	s11 =	smul.u32 $0x4E000, s12  }
0x7: {  	s18 =	sadd.s32 $0x138000, s2;
	p0 =	sne.s32 s12, $0xF;
	_ =	strace $0x80000047  }
0x8: {  	s6 =	smul.u32 $0x27100, s1;
	s4 =	sor.u32 s1, s4;
	[dreg:$0x4] =	wrdreg s9  }
0x9: {  	s7 =	ssub.s32 $0x2, s1;
	s1 =	smul.u32 $0x2710, s1;
	[dreg:$0xc] =	wrdreg s18  }
0xa: {  	s4 =	smul.u32 $0x2710, s4;
	[dreg:$0x3] =	wrdreg s8;
	s8 =	sadd.s32 s8, s0  }
0xb: {  	s13 =	sshrl.u32 s7, $0x1;
	s16 =	sshrl.u32 s11, $0x2;
	s6 =	sadd.s32 s6, s0  }
0xc: {  	s9 =	ssub.s32 s7, s13;
	s13 =	smul.u32 $0x4E20, s12;
	s17 =	sadd.s32 $0x16A00, s8  }
0xd: {  	s0 =	sadd.s32 $0x3DA00, s0;
	s14 =	sshrl.u32 s4, $0x3;
	[dreg:$0xb] =	wrdreg s17  }
0xe: {  	s10 =	sadd.s32 $0x28, s4;
	s4 =	sadd.s32 $0x78, s4;
	[dreg:$0xd] =	wrdreg s0  }
0xf: {  	s21 =	smax.u32 s9, $0x1;
	s7 =	sadd.s32 s5, s14;
	s10 =	sshrl.u32 s10, $0x3  }
0x10: {  	s4 =	sshrl.u32 s4, $0x3;
	s1 =	sadd.s32 s1, s13;
	[dreg:$0xe] =	wrdreg s21  }
0x11: {  	s10 =	sadd.s32 s5, s10;
	s15 =	sadd.s32 $0xA, s7;
	[dreg:$0x5] =	wrdreg s7  }
0x12: {  	s4 =	sadd.s32 s5, s4;
	s7 =	sadd.s32 $0x14, s7;
	[dreg:$0x6] =	wrdreg s10  }
0x13: {  	s19 =	sadd.s32 $0x168, s1;
	s22 =	sadd.s32 $0x140, s1;
	[dreg:$0x7] =	wrdreg s15  }
0x14: {  	s23 =	sadd.s32 $0x118, s1;
	s24 =	sadd.s32 $0xF0, s1;
	[dreg:$0x8] =	wrdreg s4  }
0x15: {  	s28 =	sadd.s32 $0xC8, s1;
	s1 =	simm.s32 $0x5;
	[dreg:$0x9] =	wrdreg s7  }
0x16: {  	s4 =	sadd.s32 s16, s2;
	s16 =	sadd.s32 $0x3E000, s6;
	s20 =	sshrl.u32 s19, $0x3  }
.Ltmp0:
0x17: {  	s0 =	sshrl.u32 s22, $0x3;
	s25 =	sshrl.u32 s23, $0x3;
	(pc) =	sbr.rel .LBB2_1-.Ltmp0, $4  }
0x18: {  	s26 =	sshrl.u32 s24, $0x3;
	[dreg:$0xf] =	wrdreg s28;
	s23 =	simm.s32 $0x280  }
0x19: {  	s24 =	simm.s32 $0x6;
	[dreg:$0xa] =	wrdreg s4;
	s18 =	sadd.s32 s20, s5  }
0x1a: {  	s19 =	sadd.s32 s0, s5;
	s20 =	sadd.s32 s25, s5;
	s21 =	sadd.s32 s26, s5  }
0x1b: {  	s26 =	simm.s32 $0x100;
	s0 =	simm.s32 $0x3;
	s25 =	simm.s32 $0x0  }
.LBB2_4:
0x1c: {  	[bflag:$0x0] =	sbarrier.arrive $0xFFFF  }
0x1d: {  	s7 =	rddreg [dreg:$0x3]  }
0x1e: {  	s7 =	sadd.s32 s7, s16  }
0x1f: {  	[hbm:s7], [sflag:s28] =	dma.local [spmem:s4], $0x2700  }
0x20: {  	_ =	swait.ge [sflag:s24], $0x2700  }
0x21: {  	[sflag:s24] =	ssyncset.done $0x0  }
0x22: {  	s4 =	sadd.s32 @!p0 $0x27000, s16;
	[sflag:s24] =	ssyncadd.s32 $0xFFFFD900  }
0x23: {  	[hbm:s4], [sflag:s28] =	dma.local @!p0 [spmem:s6], $0x100  }
0x24: {  	s4 =	simm.s32 @!p0 $0x6  }
0x25: {  	_ =	swait.ge @!p0 [sflag:s4], $0x100  }
0x26: {  	s25 =	sadd.s32 $0x1, s25;
	s28 =	rddreg [dreg:$0xe]  }
0x27: {  	p1 =	sne.s32 s25, s28  }
.Ltmp1:
0x28: {  	_ = 	snop;
	(pc) =	sbr.rel @!p1 .LBB2_5-.Ltmp1, $3  }
0x29: {  	_ =	sdelay $0x1  }
0x2a: {  	[sflag:s4] =	ssyncset.done @!p0 $0x0  }
0x2b: {  	[sflag:s4] =	ssyncadd.s32 @!p0 $0xFFFFFF00  }
.LBB2_1:
0x2c: {  	s4 =	rddreg [dreg:$0x4]  }
0x2d: {  	[tilespmem:s23], [sflag:$0x6] =	stream.linear.gather [hbm4b:s4+s3], $0x1400, $0x38;
	[tilespmem:$0x14F00] =	vst v63  }
0x2e: {  	_ =	swait.ge [sflag:s24], $0x1400  }
0x2f: {  	s9 =	rddreg [dreg:$0x5]  }
0x30: {  	[sflag:s24] =	ssyncset.done $0x0;
	s10 =	rddreg [dreg:$0x6]  }
0x31: {  	s11 =	rddreg [dreg:$0x7];
	[sflag:s24] =	ssyncadd.s32 $0xFFFFEC00  }
0x32: {  	[tilespmem:s3], [sflag:$0x1] =	stream.linear.gather [hbm4b:s9+s3], $0x28, $0x38;
	[tilespmem:$0x14F00] =	vst v63  }
0x33: {  	s6 =	simm.s32 $0x80;
	s12 =	rddreg [dreg:$0x8]  }
0x34: {  	[tilespmem:s6], [sflag:$0x2] =	stream.linear.gather [hbm4b:s10+s3], $0x28, $0x38;
	[tilespmem:$0x14F00] =	vst v63  }
0x35: {  	s15 =	stileid.u32;
	s14 =	rddreg [dreg:$0x9]  }
0x36: {  	[tilespmem:s26], [sflag:$0x3] =	stream.linear.gather [hbm4b:s11+s3], $0x28, $0x38;
	[tilespmem:$0x14F00] =	vst v63  }
0x37: {  	s13 =	simm.s32 $0x180;
	s4 =	sshll.u32 s15, $0x6;
	s17 =	rddreg [dreg:$0xa]  }
0x38: {  	[tilespmem:s13], [sflag:$0x4] =	stream.linear.gather [hbm4b:s12+s3], $0x28, $0x38;
	[tilespmem:$0x14F00] =	vst v63  }
0x39: {  	s28 =	sor.u32 $0x1C06, s4;
	s22 =	rddreg [dreg:$0xb];
	s4 =	sshrl.u32 s17, $0x3  }
0x3a: {  	[tilespmem:s29], [sflag:$0x5] =	stream.linear.gather [hbm4b:s14+s3], $0x28, $0x38;
	[tilespmem:$0x14F00] =	vst v63  }
0x3b: {  	[spmem:s4], [sflag:s28] =	dma.local [hbm:s22], $0x2700  }
0x3c: {  	_ =	swait.ge [sflag:s24], $0x2700  }
0x3d: {  	s9 =	simm.s32 @!p0 $0x6;
	[sflag:s24] =	ssyncset.done $0x0;
	s6 =	rddreg [dreg:$0xc]  }
0x3e: {  	s7 =	rddreg [dreg:$0xd];
	[sflag:s24] =	ssyncadd.s32 $0xFFFFD900;
	s6 =	sshrl.u32 @!p0 s6, $0x3  }
0x3f: {  	[spmem:s6], [sflag:s28] =	dma.local @!p0 [hbm:s7], $0x100  }
0x40: {  	_ =	swait.ge @!p0 [sflag:s9], $0x100  }
0x41: {  	[sflag:s9] =	ssyncset.done @!p0 $0x0  }
0x42: {  	[sflag:s9] =	ssyncadd.s32 @!p0 $0xFFFFFF00  }
0x43: {  	[bflag:$0x0] =	sbarrier.arrive $0xFFFF  }
0x44: {  	s9 =	simm.s32 $0x0;
	s22 =	rddreg [dreg:$0xf]  }
.LBB2_2:
0x45: {  	_ =	swait.ge [sflag:s30], $0x28  }
0x46: {  	[sflag:s30] =	ssyncset.done $0x0  }
0x47: {  	[sflag:s30] =	ssyncadd.s32 $0xFFFFFFD8  }
0x48: {  	[spmem:s2] =	stream.indirect.scatter.add.f32 [tilespmem:s23], [sflag:$0x6], $0x80, s3, s31, $0xb8;
	[tilespmem:$0x14F00] =	vst v63  }
0x49: {  	_ =	swait.ge [sflag:s24], $0x1400  }
0x4a: {  	p1 =	seq.s32 s9, $0x4C9;
	[sflag:s24] =	ssyncset.done $0x0  }
0x4b: {  	s10 =	simm.s32 @p1 $0x2;
	[sflag:s24] =	ssyncadd.s32 $0xFFFFEC00  }
0x4c: {  	_ =	swait.ge @p1 [sflag:s10], $0x28  }
0x4d: {  	s7 =	simm.s32 @p1 $0x80;
	[sflag:s10] =	ssyncset.done @p1 $0x0  }
0x4e: {  	s11 =	simm.s32 @p1 $0x280;
	[sflag:s10] =	ssyncadd.s32 @p1 $0xFFFFFFD8;
	s10 =	simm.s32 @p1 $0x28  }
0x4f: {  	[spmem:s2] =	stream.indirect.scatter.add.f32 @p1 [tilespmem:s11], [sflag:$0x6], $0x80, s7, s10, $0xb8;
	[tilespmem:$0x14F00] =	vst v63  }
0x50: {  	s7 =	simm.s32 @p1 $0x6  }
0x51: {  	_ =	swait.ge @p1 [sflag:s7], $0x1400  }
0x52: {  	s12 =	sshrl.u32 @!p1 s22, $0x3;
	[sflag:s7] =	ssyncset.done @p1 $0x0  }
0x53: {  	s13 =	simm.s32 @!p1 $0x0;
	s12 =	sadd.s32 @!p1 s5, s12;
	[sflag:s7] =	ssyncadd.s32 @p1 $0xFFFFEC00  }
0x54: {  	[tilespmem:s13], [sflag:$0x1] =	stream.linear.gather @!p1 [hbm4b:s12+s13], $0x28, $0x38;
	[tilespmem:$0x14F00] =	vst v63  }
0x55: {  	s12 =	simm.s32 @!p1 $0x2  }
0x56: {  	_ =	swait.ge @!p1 [sflag:s12], $0x28  }
0x57: {  	s14 =	simm.s32 @!p1 $0x80;
	s15 =	simm.s32 @!p1 $0x280;
	[sflag:s12] =	ssyncset.done @!p1 $0x0  }
0x58: {  	s17 =	simm.s32 @!p1 $0x6;
	[sflag:s12] =	ssyncadd.s32 @!p1 $0xFFFFFFD8;
	s12 =	simm.s32 @!p1 $0x28  }
0x59: {  	[spmem:s2] =	stream.indirect.scatter.add.f32 @!p1 [tilespmem:s15], [sflag:$0x6], $0x80, s14, s12, $0xb8;
	[tilespmem:$0x14F00] =	vst v63  }
0x5a: {  	_ =	swait.ge @!p1 [sflag:s17], $0x1400  }
0x5b: {  	[sflag:s17] =	ssyncset.done @!p1 $0x0  }
0x5c: {  	s8 =	sadd.s32 @!p1 s9, s21;
	[sflag:s17] =	ssyncadd.s32 @!p1 $0xFFFFEC00  }
0x5d: {  	[tilespmem:s14], [sflag:$0x2] =	stream.linear.gather @!p1 [hbm4b:s8+s13], $0x28, $0x38;
	[tilespmem:$0x14F00] =	vst v63  }
0x5e: {  	_ =	swait.ge [sflag:s0], $0x28  }
0x5f: {  	[sflag:s0] =	ssyncset.done $0x0  }
0x60: {  	[sflag:s0] =	ssyncadd.s32 $0xFFFFFFD8  }
0x61: {  	[spmem:s2] =	stream.indirect.scatter.add.f32 [tilespmem:s23], [sflag:$0x6], $0x80, s26, s31, $0xb8;
	[tilespmem:$0x14F00] =	vst v63  }
0x62: {  	_ =	swait.ge [sflag:s24], $0x1400  }
0x63: {  	[sflag:s24] =	ssyncset.done $0x0  }
0x64: {  	s8 =	simm.s32 @p1 $0x4;
	[sflag:s24] =	ssyncadd.s32 $0xFFFFEC00  }
0x65: {  	_ =	swait.ge @p1 [sflag:s8], $0x28  }
0x66: {  	[sflag:s8] =	ssyncset.done @p1 $0x0  }
0x67: {  	[sflag:s8] =	ssyncadd.s32 @p1 $0xFFFFFFD8;
	s8 =	simm.s32 @p1 $0x180  }
0x68: {  	[spmem:s2] =	stream.indirect.scatter.add.f32 @p1 [tilespmem:s11], [sflag:$0x6], $0x80, s8, s10, $0xb8;
	[tilespmem:$0x14F00] =	vst v63  }
0x69: {  	_ =	swait.ge @p1 [sflag:s7], $0x1400  }
0x6a: {  	[sflag:s7] =	ssyncset.done @p1 $0x0  }
0x6b: {  	s8 =	simm.s32 @!p1 $0x100;
	[sflag:s7] =	ssyncadd.s32 @p1 $0xFFFFEC00;
	s7 =	sadd.s32 @!p1 s9, s20  }
0x6c: {  	[tilespmem:s8], [sflag:$0x3] =	stream.linear.gather @!p1 [hbm4b:s7+s13], $0x28, $0x38;
	[tilespmem:$0x14F00] =	vst v63  }
0x6d: {  	s7 =	simm.s32 @!p1 $0x4  }
0x6e: {  	_ =	swait.ge @!p1 [sflag:s7], $0x28  }
0x6f: {  	[sflag:s7] =	ssyncset.done @!p1 $0x0  }
0x70: {  	[sflag:s7] =	ssyncadd.s32 @!p1 $0xFFFFFFD8;
	s7 =	simm.s32 @!p1 $0x180  }
0x71: {  	[spmem:s2] =	stream.indirect.scatter.add.f32 @!p1 [tilespmem:s15], [sflag:$0x6], $0x80, s7, s12, $0xb8;
	[tilespmem:$0x14F00] =	vst v63  }
0x72: {  	_ =	swait.ge @!p1 [sflag:s17], $0x1400  }
0x73: {  	[sflag:s17] =	ssyncset.done @!p1 $0x0  }
0x74: {  	s8 =	sadd.s32 @!p1 s9, s19;
	[sflag:s17] =	ssyncadd.s32 @!p1 $0xFFFFEC00  }
0x75: {  	[tilespmem:s7], [sflag:$0x4] =	stream.linear.gather @!p1 [hbm4b:s8+s13], $0x28, $0x38;
	[tilespmem:$0x14F00] =	vst v63  }
0x76: {  	_ =	swait.ge [sflag:s1], $0x28  }
0x77: {  	[sflag:s1] =	ssyncset.done $0x0  }
.Ltmp2:
0x78: {  	[sflag:s1] =	ssyncadd.s32 $0xFFFFFFD8;
	(pc) =	sbr.rel @p1 .LBB2_4-.Ltmp2, $4  }
0x79: {  	[spmem:s2] =	stream.indirect.scatter.add.f32 [tilespmem:s23], [sflag:$0x6], $0x80, s29, s31, $0xb8;
	[tilespmem:$0x14F00] =	vst v63  }
0x7a: {  	_ =	swait.ge [sflag:s24], $0x1400  }
0x7b: {  	[sflag:s24] =	ssyncset.done $0x0  }
0x7c: {  	[sflag:s24] =	ssyncadd.s32 $0xFFFFEC00  }
.Ltmp3:
0x7d: {  	(pc) =	sbr.rel .LBB2_2-.Ltmp3, $3  }
0x7e: {  	_ =	sdelay $0x1  }
0x7f: {  	s7 =	sadd.s32 s9, s18;
	s9 =	sadd.s32 $0x19, s9;
	s22 =	sadd.s32 $0xC8, s22  }
0x80: {  	[tilespmem:s29], [sflag:$0x5] =	stream.linear.gather [hbm4b:s7+s3], $0x28, $0x38;
	[tilespmem:$0x14F00] =	vst v63  }
.LBB2_5:
0x81: {  	_ =	sfence.sel $0x180000  }
0x82: {  	[bflag:$0x0] =	sbarrier.arrive $0xFFFF  }
0x83: {  	_ =	strace $0x90000047  }
0x84: {  	s0 =	stileid.u32;
	[bflag:$0x2] =	sbarrier.arrive $0xFFFF  }
0x85: {  	p0 =	sne.s32 s0, $0x0;
	s0 =	rddreg [dreg:$0x2]  }
0x86: {  	s0 =	sadd.s32 @!p0 $0x100000, s0  }
0x87: {  	[sflag:s0] =	ssyncadd.tile.s32 @!p0 $0x1;
	_ =	shalt  }
.Lfunc_end2:
_tile_overlayer_lowered:
.L_overlay_start_2:
0x88: {  	(tag) =	ssettag $0x2  }
0x89: {  	s0 =	rddreg [dreg:$0x0];
	s2 =	stileid.u32  }
0x8a: {  	s1 =	rddreg [dreg:$0x1];
	p0 =	sne.s32 s2, $0x0  }
0x8b: {  	s3 =	rddreg [dreg:$0x2];
	[bflag:$0x3] =	sbarrier.arrive $0xFFFF;
	s2 =	simm.s32 @!p0 $0x1C06  }
0x8c: {  	[timem:s3], [sflag:s2] =	dma.local @!p0 [hbm:s0], s1  }
0x8d: {  	s0 =	simm.s32 @!p0 $0x6  }
0x8e: {  	_ =	swait.ge @!p0 [sflag:s0], s1  }
0x8f: {  	s1 =	ssub.s32 @!p0 $0x0, s1;
	[sflag:s0] =	ssyncset.done @!p0 $0x0  }
0x90: {  	[sflag:s0] =	ssyncadd.s32 @!p0 s1  }
0x91: {  	[bflag:$0x3] =	sbarrier.arrive $0xFFFF  }
0x92: {  	_ =	shalt  }

</sc_bundles>
